<compile_context>
chip_gen: v7x
topology: tpu7x:2x2x1
jax: 0.10.2.dev20260603
libtpu: 0.0.44.dev20260713+nightly
codegen_flags: <defaults>
</compile_context>

<pallas_src>
import functools

import jax
import jax.numpy as jnp
from jax import lax
from jax.experimental import pallas as pl
from jax.experimental.pallas import tpu as pltpu
from jax.experimental.pallas import tpu_sc as plsc

_ALPHA = 0.2
_NEG = -9e15


def _sc_nbr_call(flat, adjp, nump):
    F = flat.shape[0]
    N, SP = adjp.shape
    info = plsc.get_sparse_core_info()
    NC, NS = info.num_cores, info.num_subcores
    NW = NC * NS
    FW = F // NW
    mesh = plsc.VectorSubcoreMesh(core_axis_name="c", subcore_axis_name="s")

    @functools.partial(
        pl.kernel,
        out_type=(
            jax.ShapeDtypeStruct((F, SP), jnp.int32),
            jax.ShapeDtypeStruct((F, SP), jnp.float32),
        ),
        mesh=mesh,
        compiler_params=pltpu.CompilerParams(use_tc_tiling_on_sc=False),
        scratch_types=[
            pltpu.VMEM((FW,), jnp.int32),
            pltpu.VMEM((FW, SP), jnp.int32),
            pltpu.VMEM((FW, SP), jnp.float32),
            pltpu.SemaphoreType.DMA,
            pltpu.SemaphoreType.DMA,
        ],
    )
    def sc_a(flat_hbm, adjp_hbm, nump_hbm, ids_out, w_out,
             ids_v, nbr_v, wv_v, sema, semb):
        wid = lax.axis_index("s") * NC + lax.axis_index("c")
        base = wid * FW
        pltpu.sync_copy(flat_hbm.at[pl.ds(base, FW)], ids_v)
        cpn = pltpu.async_copy(adjp_hbm.at[ids_v], nbr_v, sema)
        cpw = pltpu.async_copy(nump_hbm.at[ids_v], wv_v, semb)
        cpn.wait()
        pltpu.sync_copy(nbr_v, ids_out.at[pl.ds(base, FW)])
        cpw.wait()
        pltpu.sync_copy(wv_v, w_out.at[pl.ds(base, FW)])

    return sc_a(flat, adjp, nump)


def _sc_emb_call(ids_all, embedding):
    T = ids_all.shape[0]
    D = embedding.shape[1]
    info = plsc.get_sparse_core_info()
    NC, NS = info.num_cores, info.num_subcores
    NW = NC * NS
    TW = T // NW
    NCH = 30
    CH = TW // NCH
    mesh = plsc.VectorSubcoreMesh(core_axis_name="c", subcore_axis_name="s")

    @functools.partial(
        pl.kernel,
        out_type=jax.ShapeDtypeStruct((T, D), jnp.float32),
        mesh=mesh,
        compiler_params=pltpu.CompilerParams(use_tc_tiling_on_sc=False),
        scratch_types=[
            pltpu.VMEM((TW,), jnp.int32),
            pltpu.VMEM((4, CH, D), jnp.float32),
            pltpu.SemaphoreType.DMA,
            pltpu.SemaphoreType.DMA,
            pltpu.SemaphoreType.DMA,
            pltpu.SemaphoreType.DMA,
            pltpu.SemaphoreType.DMA,
            pltpu.SemaphoreType.DMA,
            pltpu.SemaphoreType.DMA,
            pltpu.SemaphoreType.DMA,
        ],
    )
    def sc_b(ids_hbm, emb_hbm, rows_out,
             idx_v, bufs, sg0, sg1, sg2, sg3, sw0, sw1, sw2, sw3):
        wid = lax.axis_index("s") * NC + lax.axis_index("c")
        base = wid * TW
        gsems = [sg0, sg1, sg2, sg3]
        wsems = [sw0, sw1, sw2, sw3]
        pltpu.sync_copy(ids_hbm.at[pl.ds(base, TW)], idx_v)
        gcps = [None] * NCH
        wcps = [None] * NCH
        for c in range(NCH + 1):
            if c < NCH:
                s = c % 4
                if c >= 4:
                    wcps[c - 4].wait()
                gcps[c] = pltpu.async_copy(
                    emb_hbm.at[idx_v.at[pl.ds(c * CH, CH)]], bufs.at[s],
                    gsems[s])
            if c >= 1:
                pc = c - 1
                gcps[pc].wait()
                wcps[pc] = pltpu.async_copy(
                    bufs.at[pc % 4], rows_out.at[pl.ds(base + pc * CH, CH)],
                    wsems[pc % 4])
        for c in range(max(0, NCH - 4), NCH):
            wcps[c].wait()

    return sc_b(ids_all, embedding)


_NEG2 = -1.8e16


def _tc_call(hf, mf, msn, itf, wq, h1f, AT, gw1, w2r, gw3, Ex, B, L, SP, nS):
    D = hf.shape[1]
    BB = 16
    M = BB * L
    G = B // BB

    def body(h_ref, mf_ref, msn_ref, it_ref, wq_ref, h1_ref,
             A_ref, w1_ref, w2_ref, w3_ref, Ex_ref, hid_ref, gl_ref):
        h = h_ref[...]
        mfb = mf_ref[...].reshape(M, M)
        att = jnp.where(mfb >= 1, _NEG, _NEG2)
        for k in range(4):
            q = h * A_ref[k, :][None, :]
            e = lax.dot_general(q, h, (((1,), (1,)), ((), ())),
                                preferred_element_type=jnp.float32)
            e = jnp.maximum(e, _ALPHA * e)
            att = jnp.where(mfb == (k + 2), e, att)
        att = att - jnp.max(att, axis=-1, keepdims=True)
        p = jnp.exp(att)
        att = p / jnp.sum(p, axis=-1, keepdims=True)
        hid_ref[...] = lax.dot_general(att, h, (((1,), (0,)), ((), ())),
                                       preferred_element_type=jnp.float32)

        sess = lax.dot_general(msn_ref[...].reshape(BB, M), it_ref[...],
                               (((1,), (0,)), ((), ())),
                               preferred_element_type=jnp.float32)
        srow = lax.dot_general(Ex_ref[...], sess, (((1,), (0,)), ((), ())),
                               preferred_element_type=jnp.float32)

        h1 = h1_ref[...]
        t = lax.dot_general(h1 * srow, w1_ref[...][:D, :],
                            (((1,), (0,)), ((), ())),
                            preferred_element_type=jnp.float32)
        t3 = t.reshape(M, SP, D)
        t3 = t3 + wq_ref[...][..., None] * w1_ref[...][D, :][None, None, :]
        t3 = jnp.maximum(t3, _ALPHA * t3)
        s = jnp.sum(t3 * w2_ref[...][0, :][None, None, :], axis=-1)
        lane = lax.broadcasted_iota(jnp.int32, (M, SP), 1)
        s = jnp.where(lane < nS, s, _NEG2)
        s = s - jnp.max(s, axis=-1, keepdims=True)
        es = jnp.exp(s)
        a = es / jnp.sum(es, axis=-1, keepdims=True)
        nv = jnp.sum(a[..., None] * h1.reshape(M, SP, D), axis=1)
        cat = jnp.concatenate([h, nv], axis=-1)
        out = lax.dot_general(cat, w3_ref[...], (((1,), (0,)), ((), ())),
                              preferred_element_type=jnp.float32)
        gl_ref[...] = jnp.maximum(out, 0.0)

    bspec = lambda shp: pl.BlockSpec(shp, lambda i: (i,) + (0,) * (len(shp) - 1))
    full = lambda arr: pl.BlockSpec(arr.shape, lambda i: (0,) * arr.ndim)
    return pl.pallas_call(
        body,
        grid=(G,),
        in_specs=[
            bspec((M, D)),
            bspec((1, M, M)),
            bspec((1, BB, M)),
            bspec((M, D)),
            bspec((M, SP)),
            bspec((M * SP, D)),
            full(AT), full(gw1), full(w2r), full(gw3), full(Ex),
        ],
        out_specs=[bspec((M, D)), bspec((M, D))],
        out_shape=[
            jax.ShapeDtypeStruct((B * L, D), jnp.float32),
            jax.ShapeDtypeStruct((B * L, D), jnp.float32),
        ],
    )(hf, mf, msn, itf, wq, h1f, AT, gw1, w2r, gw3, Ex)


def kernel(inputs, adj, mask_item, item, adj_all, num, embedding,
           a0, a1, a2, a3, gw1, gw2, gw3):
    B, L = inputs.shape
    N, S = adj_all.shape
    D = embedding.shape[1]
    SP = 16
    flat = inputs.reshape(-1).astype(jnp.int32)
    itf = item.reshape(-1).astype(jnp.int32)
    adjp = jnp.concatenate(
        [adj_all.astype(jnp.int32), jnp.zeros((N, SP - S), jnp.int32)], axis=1)
    nump = jnp.concatenate([num, jnp.zeros((N, SP - S), num.dtype)], axis=1)
    ids16, w_rows = _sc_nbr_call(flat, adjp, nump)
    ids_flat = ids16.reshape(-1)
    F = flat.shape[0]
    R = ids_flat.shape[0]
    rows = _sc_emb_call(jnp.concatenate([ids_flat, flat, itf]), embedding)
    h1 = rows[:R]
    h_rows = rows[R:R + F]
    it_rows = rows[R + F:]
    BB = 16
    G = B // BB
    M = BB * L
    adj5 = adj.astype(jnp.int32).reshape(G, BB, 1, L, L) + 1
    eye = jnp.eye(BB, dtype=jnp.bool_)[None, :, :, None, None]
    mf = jnp.where(eye, adj5, 0)
    mf = mf.transpose(0, 1, 3, 2, 4).reshape(G, M, M)
    m3 = mask_item.reshape(G, BB, L)
    mn = m3 / jnp.sum(m3, axis=2, keepdims=True)
    eye2 = jnp.eye(BB, dtype=jnp.bool_)[None, :, :, None]
    msn = jnp.where(eye2, mn[:, :, None, :], 0.0).reshape(G, BB, M)
    rr = jnp.arange(M * SP, dtype=jnp.int32) // (L * SP)
    Ex = (rr[:, None] == jnp.arange(BB, dtype=jnp.int32)[None, :]).astype(
        jnp.float32)
    AT = jnp.concatenate([a0, a1, a2, a3], axis=1).T
    hid, glob = _tc_call(
        h_rows, mf, msn, it_rows, w_rows, h1,
        AT, gw1, gw2.T, gw3, Ex, B, L, SP, S)
    return hid.reshape(B, L, D), glob.reshape(B, L, D)

# --- scband reference (transcript-rebuilt; emitter-appended) ---
"""Pipeline reference for scband-combine-graph-61478161875464 (READ-ONLY COPY).

The authoritative reference and input builder live on the scoring server;
editing this copy changes nothing except your own understanding.
"""

import jax, jax.numpy as jnp
import numpy as np

NUM_NODE = 100000
DIM = 64
BATCH = 1024
SEQ = 20
SAMPLE = 12
ALPHA = 0.2


def setup_inputs(seed: int = 0) -> dict:
    key = jax.random.key(seed)
    ks = jax.random.split(key, 16)
    stdv = 1.0 / np.sqrt(DIM)
    u = lambda k, shape: jax.random.uniform(k, shape, jnp.float32, -stdv, stdv)
    return {
        "inputs": jax.random.randint(ks[0], (BATCH, SEQ), 0, NUM_NODE),
        "adj": jax.random.randint(ks[1], (BATCH, SEQ, SEQ), 0, 5),
        "mask_item": jnp.ones((BATCH, SEQ), jnp.float32),
        "item": jax.random.randint(ks[2], (BATCH, SEQ), 0, NUM_NODE),
        "adj_all": jax.random.randint(ks[3], (NUM_NODE, SAMPLE), 0, NUM_NODE),
        "num": jax.random.uniform(ks[4], (NUM_NODE, SAMPLE), jnp.float32),
        "embedding": u(ks[5], (NUM_NODE, DIM)),
        "a0": u(ks[6], (DIM, 1)),
        "a1": u(ks[7], (DIM, 1)),
        "a2": u(ks[8], (DIM, 1)),
        "a3": u(ks[9], (DIM, 1)),
        "gw1": u(ks[10], (DIM + 1, DIM)),
        "gw2": u(ks[11], (DIM, 1)),
        "gw3": u(ks[12], (2 * DIM, DIM)),
    }


def _local_agg(h, adj, a0, a1, a2, a3):
    # LocalAggregator (GCE-GNN style): pairwise feature products, 4 edge-type attentions
    a_input = h[:, :, None, :] * h[:, None, :, :]  # [B, N, N, D], a_input[b,i,j] = h[b,i]*h[b,j]
    def e(a):
        return jax.nn.leaky_relu(jnp.squeeze(a_input @ a, -1), ALPHA)  # [B, N, N]
    e0, e1, e2, e3 = e(a0), e(a1), e(a2), e(a3)
    att = jnp.full_like(e0, -9e15)
    att = jnp.where(adj == 1, e0, att)
    att = jnp.where(adj == 2, e1, att)
    att = jnp.where(adj == 3, e2, att)
    att = jnp.where(adj == 4, e3, att)
    att = jax.nn.softmax(att, axis=-1)
    return att @ h


def _global_agg(self_v, neigh_v, neigh_w, extra_v, w1, w2, w3):
    # GlobalContextExtractor single-hop aggregator (GCE-GNN GlobalAggregator style)
    a = jnp.concatenate([extra_v[:, :, None, :] * neigh_v, neigh_w[..., None]], axis=-1)  # [B,L,S,D+1]
    a = jax.nn.leaky_relu(a @ w1, 0.2)  # [B,L,S,D]
    a = jnp.squeeze(a @ w2, -1)  # [B,L,S]
    a = jax.nn.softmax(a, axis=-1)[..., None]
    nv = jnp.sum(a * neigh_v, axis=-2)  # [B,L,D]
    out = jnp.concatenate([self_v, nv], axis=-1) @ w3
    return jax.nn.relu(out)


def reference(inputs, adj, mask_item, item, adj_all, num, embedding, a0, a1, a2, a3, gw1, gw2, gw3):
    B, L = inputs.shape
    D = embedding.shape[1]
    S = adj_all.shape[1]
    h = jnp.take(embedding, inputs, axis=0)  # [B, L, D]
    hidden = _local_agg(h, adj, a0, a1, a2, a3)
    # hop-1 neighbor sampling: gather neighbor ids and weights per session item
    flat = inputs.reshape(-1)
    neigh_idx = jnp.take(adj_all, flat, axis=0).reshape(B, L * S)
    neigh_w = jnp.take(num, flat, axis=0).reshape(B, L * S)
    h0 = h  # neighbor_hiddens[0] == item_hidden
    h1 = jnp.take(embedding, neigh_idx, axis=0)  # [B, L*S, D]
    # session summary vector
    item_emb = jnp.take(embedding, item, axis=0) * mask_item[..., None]
    sum_item = jnp.sum(item_emb, axis=1) / jnp.sum(mask_item, axis=-1)[..., None]
    sess = jnp.broadcast_to(sum_item[:, None, :], (B, L, D))
    global_hidden = _global_agg(h0, h1.reshape(B, L, S, D), neigh_w.reshape(B, L, S), sess, gw1, gw2, gw3)
    return hidden, global_hidden

if __name__ == "__main__":
    import jax
    _d = setup_inputs()
    print(jax.jit(kernel)(*tuple(_d.values())))

</pallas_src>

<mosaic_0001>
#map = affine_map<(d0, d1) -> (0)>
#map1 = affine_map<(d0, d1) -> (0, 0)>
module attributes {stable_mosaic.version = 14 : i64} {
  func.func @sc_a(%arg0: i32, %arg1: i32, %arg2: memref<20480xi32, #tpu.memory_space<hbm>>, %arg3: memref<100000x16xi32, #tpu.memory_space<hbm>>, %arg4: memref<100000x16xf32, #tpu.memory_space<hbm>>, %arg5: memref<20480x16xi32, #tpu.memory_space<hbm>>, %arg6: memref<20480x16xf32, #tpu.memory_space<hbm>>, %arg7: memref<640xi32, #tpu.memory_space<vmem>>, %arg8: memref<640x16xi32, #tpu.memory_space<vmem>>, %arg9: memref<640x16xf32, #tpu.memory_space<vmem>>, %arg10: memref<!tpu.dma_semaphore, #tpu.memory_space<semaphore_mem>>, %arg11: memref<!tpu.dma_semaphore, #tpu.memory_space<semaphore_mem>>) attributes {dimension_semantics = [#tpu.dimension_semantics<core_parallel>, #tpu.dimension_semantics<subcore_parallel>], iteration_bounds = array<i64: 2, 16>, scalar_prefetch = 0 : i64, scratch_operands = 5 : i64, tpu.core_type = #tpu.core_type<sc_vector_subcore>, window_params = [{transform_indices = #map}, {transform_indices = #map1}, {transform_indices = #map1}, {transform_indices = #map1}, {transform_indices = #map1}]} {
    %mul3A = arith.constant 2 : i32
    %mul3A_0 = arith.muli %arg1, %mul3A : i32
    %add3A = arith.addi %mul3A_0, %arg0 : i32
    %mul3A_1 = arith.constant 640 : i32
    %mul3A_2 = arith.muli %add3A, %mul3A_1 : i32
    "tpu.region"() ({
      %run_scoped3A = tpu.sem_alloc : memref<!tpu.dma_semaphore, #tpu.memory_space<semaphore_mem>>
      %dma_start3A_13 = tpu.memref_slice %arg2[%mul3A_2] : memref<20480xi32, #tpu.memory_space<hbm>> -> memref<640xi32, #tpu.memory_space<hbm>>
      %dma_start3A_14 = tpu.memref_slice %arg2[%mul3A_2] : memref<20480xi32, #tpu.memory_space<hbm>> -> memref<640xi32, #tpu.memory_space<hbm>>
      tpu.enqueue_dma source(%dma_start3A_14 : memref<640xi32, #tpu.memory_space<hbm>>) target(%arg7 : memref<640xi32, #tpu.memory_space<vmem>>) target_semaphore(%run_scoped3A : memref<!tpu.dma_semaphore, #tpu.memory_space<semaphore_mem>>)
      %dma_wait3A_15 = tpu.memref_slice %arg2[%mul3A_2] : memref<20480xi32, #tpu.memory_space<hbm>> -> memref<640xi32, #tpu.memory_space<hbm>>
      %dma_wait3A_16 = tpu.memref_slice %arg2[%mul3A_2] : memref<20480xi32, #tpu.memory_space<hbm>> -> memref<640xi32, #tpu.memory_space<hbm>>
      tpu.wait_dma2 semaphore(%run_scoped3A : memref<!tpu.dma_semaphore, #tpu.memory_space<semaphore_mem>>) src(%dma_wait3A_16 : memref<640xi32, #tpu.memory_space<hbm>>) dst(%arg7 : memref<640xi32, #tpu.memory_space<vmem>>)
      tpu.yield
    }) : () -> ()
    %dma_start3A = arith.constant 0 : i32
    %dma_start3A_3 = arith.constant 0 : i32
    %dma_start3A_4 = tpu.memref_slice %arg3[%dma_start3A, %dma_start3A_3] : memref<100000x16xi32, #tpu.memory_space<hbm>> -> memref<100000x16xi32, #tpu.memory_space<hbm>>
    tpu.enqueue_indirect_dma source(%dma_start3A_4 : memref<100000x16xi32, #tpu.memory_space<hbm>>) target(%arg8 : memref<640x16xi32, #tpu.memory_space<vmem>>) offsets(%arg7 : memref<640xi32, #tpu.memory_space<vmem>>) semaphore(%arg10 : memref<!tpu.dma_semaphore, #tpu.memory_space<semaphore_mem>>)
    %dma_start3A_5 = arith.constant 0 : i32
    %dma_start3A_6 = arith.constant 0 : i32
    %dma_start3A_7 = tpu.memref_slice %arg4[%dma_start3A_5, %dma_start3A_6] : memref<100000x16xf32, #tpu.memory_space<hbm>> -> memref<100000x16xf32, #tpu.memory_space<hbm>>
    tpu.enqueue_indirect_dma source(%dma_start3A_7 : memref<100000x16xf32, #tpu.memory_space<hbm>>) target(%arg9 : memref<640x16xf32, #tpu.memory_space<vmem>>) offsets(%arg7 : memref<640xi32, #tpu.memory_space<vmem>>) semaphore(%arg11 : memref<!tpu.dma_semaphore, #tpu.memory_space<semaphore_mem>>)
    %dma_wait3A = arith.constant 0 : i32
    %dma_wait3A_8 = arith.constant 0 : i32
    %dma_wait3A_9 = tpu.memref_slice %arg3[%dma_wait3A, %dma_wait3A_8] : memref<100000x16xi32, #tpu.memory_space<hbm>> -> memref<100000x16xi32, #tpu.memory_space<hbm>>
    tpu.wait_indirect_dma semaphore(%arg10 : memref<!tpu.dma_semaphore, #tpu.memory_space<semaphore_mem>>) src(%dma_wait3A_9 : memref<100000x16xi32, #tpu.memory_space<hbm>>) dst(%arg8 : memref<640x16xi32, #tpu.memory_space<vmem>>)
    "tpu.region"() ({
      %run_scoped3A = tpu.sem_alloc : memref<!tpu.dma_semaphore, #tpu.memory_space<semaphore_mem>>
      %dma_start3A_13 = arith.constant 0 : i32
      %dma_start3A_14 = tpu.memref_slice %arg5[%mul3A_2, %dma_start3A_13] : memref<20480x16xi32, #tpu.memory_space<hbm>> -> memref<640x16xi32, #tpu.memory_space<hbm>>
      %dma_start3A_15 = arith.constant 0 : i32
      %dma_start3A_16 = tpu.memref_slice %arg5[%mul3A_2, %dma_start3A_15] : memref<20480x16xi32, #tpu.memory_space<hbm>> -> memref<640x16xi32, #tpu.memory_space<hbm>>
      tpu.enqueue_dma source(%arg8 : memref<640x16xi32, #tpu.memory_space<vmem>>) target(%dma_start3A_16 : memref<640x16xi32, #tpu.memory_space<hbm>>) target_semaphore(%run_scoped3A : memref<!tpu.dma_semaphore, #tpu.memory_space<semaphore_mem>>)
      %dma_wait3A_17 = arith.constant 0 : i32
      %dma_wait3A_18 = tpu.memref_slice %arg5[%mul3A_2, %dma_wait3A_17] : memref<20480x16xi32, #tpu.memory_space<hbm>> -> memref<640x16xi32, #tpu.memory_space<hbm>>
      %dma_wait3A_19 = arith.constant 0 : i32
      %dma_wait3A_20 = tpu.memref_slice %arg5[%mul3A_2, %dma_wait3A_19] : memref<20480x16xi32, #tpu.memory_space<hbm>> -> memref<640x16xi32, #tpu.memory_space<hbm>>
      tpu.wait_dma2 semaphore(%run_scoped3A : memref<!tpu.dma_semaphore, #tpu.memory_space<semaphore_mem>>) src(%arg8 : memref<640x16xi32, #tpu.memory_space<vmem>>) dst(%dma_wait3A_20 : memref<640x16xi32, #tpu.memory_space<hbm>>)
      tpu.yield
    }) : () -> ()
    %dma_wait3A_10 = arith.constant 0 : i32
    %dma_wait3A_11 = arith.constant 0 : i32
    %dma_wait3A_12 = tpu.memref_slice %arg4[%dma_wait3A_10, %dma_wait3A_11] : memref<100000x16xf32, #tpu.memory_space<hbm>> -> memref<100000x16xf32, #tpu.memory_space<hbm>>
    tpu.wait_indirect_dma semaphore(%arg11 : memref<!tpu.dma_semaphore, #tpu.memory_space<semaphore_mem>>) src(%dma_wait3A_12 : memref<100000x16xf32, #tpu.memory_space<hbm>>) dst(%arg9 : memref<640x16xf32, #tpu.memory_space<vmem>>)
    "tpu.region"() ({
      %run_scoped3A = tpu.sem_alloc : memref<!tpu.dma_semaphore, #tpu.memory_space<semaphore_mem>>
      %dma_start3A_13 = arith.constant 0 : i32
      %dma_start3A_14 = tpu.memref_slice %arg6[%mul3A_2, %dma_start3A_13] : memref<20480x16xf32, #tpu.memory_space<hbm>> -> memref<640x16xf32, #tpu.memory_space<hbm>>
      %dma_start3A_15 = arith.constant 0 : i32
      %dma_start3A_16 = tpu.memref_slice %arg6[%mul3A_2, %dma_start3A_15] : memref<20480x16xf32, #tpu.memory_space<hbm>> -> memref<640x16xf32, #tpu.memory_space<hbm>>
      tpu.enqueue_dma source(%arg9 : memref<640x16xf32, #tpu.memory_space<vmem>>) target(%dma_start3A_16 : memref<640x16xf32, #tpu.memory_space<hbm>>) target_semaphore(%run_scoped3A : memref<!tpu.dma_semaphore, #tpu.memory_space<semaphore_mem>>)
      %dma_wait3A_17 = arith.constant 0 : i32
      %dma_wait3A_18 = tpu.memref_slice %arg6[%mul3A_2, %dma_wait3A_17] : memref<20480x16xf32, #tpu.memory_space<hbm>> -> memref<640x16xf32, #tpu.memory_space<hbm>>
      %dma_wait3A_19 = arith.constant 0 : i32
      %dma_wait3A_20 = tpu.memref_slice %arg6[%mul3A_2, %dma_wait3A_19] : memref<20480x16xf32, #tpu.memory_space<hbm>> -> memref<640x16xf32, #tpu.memory_space<hbm>>
      tpu.wait_dma2 semaphore(%run_scoped3A : memref<!tpu.dma_semaphore, #tpu.memory_space<semaphore_mem>>) src(%arg9 : memref<640x16xf32, #tpu.memory_space<vmem>>) dst(%dma_wait3A_20 : memref<640x16xf32, #tpu.memory_space<hbm>>)
      tpu.yield
    }) : () -> ()
    return
  }
}

#map = affine_map<(d0, d1) -> (0)>
#map1 = affine_map<(d0, d1) -> (0, 0)>
module attributes {stable_mosaic.version = 14 : i64} {
  func.func @sc_b(%arg0: i32, %arg1: i32, %arg2: memref<368640xi32, #tpu.memory_space<hbm>>, %arg3: memref<100000x64xf32, #tpu.memory_space<hbm>>, %arg4: memref<368640x64xf32, #tpu.memory_space<hbm>>, %arg5: memref<11520xi32, #tpu.memory_space<vmem>>, %arg6: memref<4x384x64xf32, #tpu.memory_space<vmem>>, %arg7: memref<!tpu.dma_semaphore, #tpu.memory_space<semaphore_mem>>, %arg8: memref<!tpu.dma_semaphore, #tpu.memory_space<semaphore_mem>>, %arg9: memref<!tpu.dma_semaphore, #tpu.memory_space<semaphore_mem>>, %arg10: memref<!tpu.dma_semaphore, #tpu.memory_space<semaphore_mem>>, %arg11: memref<!tpu.dma_semaphore, #tpu.memory_space<semaphore_mem>>, %arg12: memref<!tpu.dma_semaphore, #tpu.memory_space<semaphore_mem>>, %arg13: memref<!tpu.dma_semaphore, #tpu.memory_space<semaphore_mem>>, %arg14: memref<!tpu.dma_semaphore, #tpu.memory_space<semaphore_mem>>) attributes {dimension_semantics = [#tpu.dimension_semantics<core_parallel>, #tpu.dimension_semantics<subcore_parallel>], iteration_bounds = array<i64: 2, 16>, scalar_prefetch = 0 : i64, scratch_operands = 10 : i64, tpu.core_type = #tpu.core_type<sc_vector_subcore>, window_params = [{transform_indices = #map}, {transform_indices = #map1}, {transform_indices = #map1}]} {
    %mul3A = arith.constant 2 : i32
    %mul3A_0 = arith.muli %arg1, %mul3A : i32
    %add3A = arith.addi %mul3A_0, %arg0 : i32
    %mul3A_1 = arith.constant 11520 : i32
    %mul3A_2 = arith.muli %add3A, %mul3A_1 : i32
    "tpu.region"() ({
      %run_scoped3A = tpu.sem_alloc : memref<!tpu.dma_semaphore, #tpu.memory_space<semaphore_mem>>
      %dma_start3A_1441 = tpu.memref_slice %arg2[%mul3A_2] : memref<368640xi32, #tpu.memory_space<hbm>> -> memref<11520xi32, #tpu.memory_space<hbm>>
      %dma_start3A_1442 = tpu.memref_slice %arg2[%mul3A_2] : memref<368640xi32, #tpu.memory_space<hbm>> -> memref<11520xi32, #tpu.memory_space<hbm>>
      tpu.enqueue_dma source(%dma_start3A_1442 : memref<11520xi32, #tpu.memory_space<hbm>>) target(%arg5 : memref<11520xi32, #tpu.memory_space<vmem>>) target_semaphore(%run_scoped3A : memref<!tpu.dma_semaphore, #tpu.memory_space<semaphore_mem>>)
      %dma_wait3A_1443 = tpu.memref_slice %arg2[%mul3A_2] : memref<368640xi32, #tpu.memory_space<hbm>> -> memref<11520xi32, #tpu.memory_space<hbm>>
      %dma_wait3A_1444 = tpu.memref_slice %arg2[%mul3A_2] : memref<368640xi32, #tpu.memory_space<hbm>> -> memref<11520xi32, #tpu.memory_space<hbm>>
      tpu.wait_dma2 semaphore(%run_scoped3A : memref<!tpu.dma_semaphore, #tpu.memory_space<semaphore_mem>>) src(%dma_wait3A_1444 : memref<11520xi32, #tpu.memory_space<hbm>>) dst(%arg5 : memref<11520xi32, #tpu.memory_space<vmem>>)
      tpu.yield
    }) : () -> ()
    %dma_start3A = arith.constant 0 : i32
    %dma_start3A_3 = arith.constant 0 : i32
    %dma_start3A_4 = arith.constant 0 : i32
    %dma_start3A_5 = tpu.memref_slice %arg6[%dma_start3A, %dma_start3A_3, %dma_start3A_4] : memref<4x384x64xf32, #tpu.memory_space<vmem>> -> memref<1x384x64xf32, #tpu.memory_space<vmem>>
    %dma_start3A_6 = tpu.memref_squeeze %dma_start3A_5 : memref<1x384x64xf32, #tpu.memory_space<vmem>> -> memref<384x64xf32, #tpu.memory_space<vmem>>
    %dma_start3A_7 = arith.constant 0 : i32
    %dma_start3A_8 = tpu.memref_slice %arg5[%dma_start3A_7] : memref<11520xi32, #tpu.memory_space<vmem>> -> memref<384xi32, #tpu.memory_space<vmem>>
    %dma_start3A_9 = arith.constant 0 : i32
    %dma_start3A_10 = arith.constant 0 : i32
    %dma_start3A_11 = tpu.memref_slice %arg3[%dma_start3A_9, %dma_start3A_10] : memref<100000x64xf32, #tpu.memory_space<hbm>> -> memref<100000x64xf32, #tpu.memory_space<hbm>>
    tpu.enqueue_indirect_dma source(%dma_start3A_11 : memref<100000x64xf32, #tpu.memory_space<hbm>>) target(%dma_start3A_6 : memref<384x64xf32, #tpu.memory_space<vmem>>) offsets(%dma_start3A_8 : memref<384xi32, #tpu.memory_space<vmem>>) semaphore(%arg7 : memref<!tpu.dma_semaphore, #tpu.memory_space<semaphore_mem>>)
    %dma_start3A_12 = arith.constant 1 : i32
    %dma_start3A_13 = arith.constant 0 : i32
    %dma_start3A_14 = arith.constant 0 : i32
    %dma_start3A_15 = tpu.memref_slice %arg6[%dma_start3A_12, %dma_start3A_13, %dma_start3A_14] : memref<4x384x64xf32, #tpu.memory_space<vmem>> -> memref<1x384x64xf32, #tpu.memory_space<vmem>>
    %dma_start3A_16 = tpu.memref_squeeze %dma_start3A_15 : memref<1x384x64xf32, #tpu.memory_space<vmem>> -> memref<384x64xf32, #tpu.memory_space<vmem>>
    %dma_start3A_17 = arith.constant 384 : i32
    %dma_start3A_18 = tpu.memref_slice %arg5[%dma_start3A_17] : memref<11520xi32, #tpu.memory_space<vmem>> -> memref<384xi32, #tpu.memory_space<vmem>>
    %dma_start3A_19 = arith.constant 0 : i32
    %dma_start3A_20 = arith.constant 0 : i32
    %dma_start3A_21 = tpu.memref_slice %arg3[%dma_start3A_19, %dma_start3A_20] : memref<100000x64xf32, #tpu.memory_space<hbm>> -> memref<100000x64xf32, #tpu.memory_space<hbm>>
    tpu.enqueue_indirect_dma source(%dma_start3A_21 : memref<100000x64xf32, #tpu.memory_space<hbm>>) target(%dma_start3A_16 : memref<384x64xf32, #tpu.memory_space<vmem>>) offsets(%dma_start3A_18 : memref<384xi32, #tpu.memory_space<vmem>>) semaphore(%arg8 : memref<!tpu.dma_semaphore, #tpu.memory_space<semaphore_mem>>)
    %dma_wait3A = arith.constant 0 : i32
    %dma_wait3A_22 = arith.constant 0 : i32
    %dma_wait3A_23 = arith.constant 0 : i32
    %dma_wait3A_24 = tpu.memref_slice %arg6[%dma_wait3A, %dma_wait3A_22, %dma_wait3A_23] : memref<4x384x64xf32, #tpu.memory_space<vmem>> -> memref<1x384x64xf32, #tpu.memory_space<vmem>>
    %dma_wait3A_25 = tpu.memref_squeeze %dma_wait3A_24 : memref<1x384x64xf32, #tpu.memory_space<vmem>> -> memref<384x64xf32, #tpu.memory_space<vmem>>
    %dma_wait3A_26 = arith.constant 0 : i32
    %dma_wait3A_27 = tpu.memref_slice %arg5[%dma_wait3A_26] : memref<11520xi32, #tpu.memory_space<vmem>> -> memref<384xi32, #tpu.memory_space<vmem>>
    %dma_wait3A_28 = arith.constant 0 : i32
    %dma_wait3A_29 = arith.constant 0 : i32
    %dma_wait3A_30 = tpu.memref_slice %arg3[%dma_wait3A_28, %dma_wait3A_29] : memref<100000x64xf32, #tpu.memory_space<hbm>> -> memref<100000x64xf32, #tpu.memory_space<hbm>>
    tpu.wait_indirect_dma semaphore(%arg7 : memref<!tpu.dma_semaphore, #tpu.memory_space<semaphore_mem>>) src(%dma_wait3A_30 : memref<100000x64xf32, #tpu.memory_space<hbm>>) dst(%dma_wait3A_25 : memref<384x64xf32, #tpu.memory_space<vmem>>)
    %add3A_31 = arith.constant 0 : i32
    %add3A_32 = arith.addi %mul3A_2, %add3A_31 : i32
    %dma_start3A_33 = arith.constant 0 : i32
    %dma_start3A_34 = arith.constant 0 : i32
    %dma_start3A_35 = arith.constant 0 : i32
    %dma_start3A_36 = tpu.memref_slice %arg6[%dma_start3A_33, %dma_start3A_34, %dma_start3A_35] : memref<4x384x64xf32, #tpu.memory_space<vmem>> -> memref<1x384x64xf32, #tpu.memory_space<vmem>>
    %dma_start3A_37 = tpu.memref_squeeze %dma_start3A_36 : memref<1x384x64xf32, #tpu.memory_space<vmem>> -> memref<384x64xf32, #tpu.memory_space<vmem>>
    %dma_start3A_38 = arith.constant 0 : i32
    %dma_start3A_39 = tpu.memref_slice %arg4[%add3A_32, %dma_start3A_38] : memref<368640x64xf32, #tpu.memory_space<hbm>> -> memref<384x64xf32, #tpu.memory_space<hbm>>
    %dma_start3A_40 = arith.constant 0 : i32
    %dma_start3A_41 = tpu.memref_slice %arg4[%add3A_32, %dma_start3A_40] : memref<368640x64xf32, #tpu.memory_space<hbm>> -> memref<384x64xf32, #tpu.memory_space<hbm>>
    %dma_start3A_42 = arith.constant 0 : i32
    %dma_start3A_43 = arith.constant 0 : i32
    %dma_start3A_44 = tpu.memref_slice %arg6[%dma_start3A_33, %dma_start3A_42, %dma_start3A_43] : memref<4x384x64xf32, #tpu.memory_space<vmem>> -> memref<1x384x64xf32, #tpu.memory_space<vmem>>
    %dma_start3A_45 = tpu.memref_squeeze %dma_start3A_44 : memref<1x384x64xf32, #tpu.memory_space<vmem>> -> memref<384x64xf32, #tpu.memory_space<vmem>>
    tpu.enqueue_dma source(%dma_start3A_45 : memref<384x64xf32, #tpu.memory_space<vmem>>) target(%dma_start3A_41 : memref<384x64xf32, #tpu.memory_space<hbm>>) target_semaphore(%arg11 : memref<!tpu.dma_semaphore, #tpu.memory_space<semaphore_mem>>)
    %dma_start3A_46 = arith.constant 2 : i32
    %dma_start3A_47 = arith.constant 0 : i32
    %dma_start3A_48 = arith.constant 0 : i32
    %dma_start3A_49 = tpu.memref_slice %arg6[%dma_start3A_46, %dma_start3A_47, %dma_start3A_48] : memref<4x384x64xf32, #tpu.memory_space<vmem>> -> memref<1x384x64xf32, #tpu.memory_space<vmem>>
    %dma_start3A_50 = tpu.memref_squeeze %dma_start3A_49 : memref<1x384x64xf32, #tpu.memory_space<vmem>> -> memref<384x64xf32, #tpu.memory_space<vmem>>
    %dma_start3A_51 = arith.constant 768 : i32
    %dma_start3A_52 = tpu.memref_slice %arg5[%dma_start3A_51] : memref<11520xi32, #tpu.memory_space<vmem>> -> memref<384xi32, #tpu.memory_space<vmem>>
    %dma_start3A_53 = arith.constant 0 : i32
    %dma_start3A_54 = arith.constant 0 : i32
    %dma_start3A_55 = tpu.memref_slice %arg3[%dma_start3A_53, %dma_start3A_54] : memref<100000x64xf32, #tpu.memory_space<hbm>> -> memref<100000x64xf32, #tpu.memory_space<hbm>>
    tpu.enqueue_indirect_dma source(%dma_start3A_55 : memref<100000x64xf32, #tpu.memory_space<hbm>>) target(%dma_start3A_50 : memref<384x64xf32, #tpu.memory_space<vmem>>) offsets(%dma_start3A_52 : memref<384xi32, #tpu.memory_space<vmem>>) semaphore(%arg9 : memref<!tpu.dma_semaphore, #tpu.memory_space<semaphore_mem>>)
    %dma_wait3A_56 = arith.constant 1 : i32
    %dma_wait3A_57 = arith.constant 0 : i32
    %dma_wait3A_58 = arith.constant 0 : i32
    %dma_wait3A_59 = tpu.memref_slice %arg6[%dma_wait3A_56, %dma_wait3A_57, %dma_wait3A_58] : memref<4x384x64xf32, #tpu.memory_space<vmem>> -> memref<1x384x64xf32, #tpu.memory_space<vmem>>
    %dma_wait3A_60 = tpu.memref_squeeze %dma_wait3A_59 : memref<1x384x64xf32, #tpu.memory_space<vmem>> -> memref<384x64xf32, #tpu.memory_space<vmem>>
    %dma_wait3A_61 = arith.constant 384 : i32
    %dma_wait3A_62 = tpu.memref_slice %arg5[%dma_wait3A_61] : memref<11520xi32, #tpu.memory_space<vmem>> -> memref<384xi32, #tpu.memory_space<vmem>>
    %dma_wait3A_63 = arith.constant 0 : i32
    %dma_wait3A_64 = arith.constant 0 : i32
    %dma_wait3A_65 = tpu.memref_slice %arg3[%dma_wait3A_63, %dma_wait3A_64] : memref<100000x64xf32, #tpu.memory_space<hbm>> -> memref<100000x64xf32, #tpu.memory_space<hbm>>
    tpu.wait_indirect_dma semaphore(%arg8 : memref<!tpu.dma_semaphore, #tpu.memory_space<semaphore_mem>>) src(%dma_wait3A_65 : memref<100000x64xf32, #tpu.memory_space<hbm>>) dst(%dma_wait3A_60 : memref<384x64xf32, #tpu.memory_space<vmem>>)
    %add3A_66 = arith.constant 384 : i32
    %add3A_67 = arith.addi %mul3A_2, %add3A_66 : i32
    %dma_start3A_68 = arith.constant 1 : i32
    %dma_start3A_69 = arith.constant 0 : i32
    %dma_start3A_70 = arith.constant 0 : i32
    %dma_start3A_71 = tpu.memref_slice %arg6[%dma_start3A_68, %dma_start3A_69, %dma_start3A_70] : memref<4x384x64xf32, #tpu.memory_space<vmem>> -> memref<1x384x64xf32, #tpu.memory_space<vmem>>
    %dma_start3A_72 = tpu.memref_squeeze %dma_start3A_71 : memref<1x384x64xf32, #tpu.memory_space<vmem>> -> memref<384x64xf32, #tpu.memory_space<vmem>>
    %dma_start3A_73 = arith.constant 0 : i32
    %dma_start3A_74 = tpu.memref_slice %arg4[%add3A_67, %dma_start3A_73] : memref<368640x64xf32, #tpu.memory_space<hbm>> -> memref<384x64xf32, #tpu.memory_space<hbm>>
    %dma_start3A_75 = arith.constant 0 : i32
    %dma_start3A_76 = tpu.memref_slice %arg4[%add3A_67, %dma_start3A_75] : memref<368640x64xf32, #tpu.memory_space<hbm>> -> memref<384x64xf32, #tpu.memory_space<hbm>>
    %dma_start3A_77 = arith.constant 0 : i32
    %dma_start3A_78 = arith.constant 0 : i32
    %dma_start3A_79 = tpu.memref_slice %arg6[%dma_start3A_68, %dma_start3A_77, %dma_start3A_78] : memref<4x384x64xf32, #tpu.memory_space<vmem>> -> memref<1x384x64xf32, #tpu.memory_space<vmem>>
    %dma_start3A_80 = tpu.memref_squeeze %dma_start3A_79 : memref<1x384x64xf32, #tpu.memory_space<vmem>> -> memref<384x64xf32, #tpu.memory_space<vmem>>
    tpu.enqueue_dma source(%dma_start3A_80 : memref<384x64xf32, #tpu.memory_space<vmem>>) target(%dma_start3A_76 : memref<384x64xf32, #tpu.memory_space<hbm>>) target_semaphore(%arg12 : memref<!tpu.dma_semaphore, #tpu.memory_space<semaphore_mem>>)
    %dma_start3A_81 = arith.constant 3 : i32
    %dma_start3A_82 = arith.constant 0 : i32
    %dma_start3A_83 = arith.constant 0 : i32
    %dma_start3A_84 = tpu.memref_slice %arg6[%dma_start3A_81, %dma_start3A_82, %dma_start3A_83] : memref<4x384x64xf32, #tpu.memory_space<vmem>> -> memref<1x384x64xf32, #tpu.memory_space<vmem>>
    %dma_start3A_85 = tpu.memref_squeeze %dma_start3A_84 : memref<1x384x64xf32, #tpu.memory_space<vmem>> -> memref<384x64xf32, #tpu.memory_space<vmem>>
    %dma_start3A_86 = arith.constant 1152 : i32
    %dma_start3A_87 = tpu.memref_slice %arg5[%dma_start3A_86] : memref<11520xi32, #tpu.memory_space<vmem>> -> memref<384xi32, #tpu.memory_space<vmem>>
    %dma_start3A_88 = arith.constant 0 : i32
    %dma_start3A_89 = arith.constant 0 : i32
    %dma_start3A_90 = tpu.memref_slice %arg3[%dma_start3A_88, %dma_start3A_89] : memref<100000x64xf32, #tpu.memory_space<hbm>> -> memref<100000x64xf32, #tpu.memory_space<hbm>>
    tpu.enqueue_indirect_dma source(%dma_start3A_90 : memref<100000x64xf32, #tpu.memory_space<hbm>>) target(%dma_start3A_85 : memref<384x64xf32, #tpu.memory_space<vmem>>) offsets(%dma_start3A_87 : memref<384xi32, #tpu.memory_space<vmem>>) semaphore(%arg10 : memref<!tpu.dma_semaphore, #tpu.memory_space<semaphore_mem>>)
    %dma_wait3A_91 = arith.constant 2 : i32
    %dma_wait3A_92 = arith.constant 0 : i32
    %dma_wait3A_93 = arith.constant 0 : i32
    %dma_wait3A_94 = tpu.memref_slice %arg6[%dma_wait3A_91, %dma_wait3A_92, %dma_wait3A_93] : memref<4x384x64xf32, #tpu.memory_space<vmem>> -> memref<1x384x64xf32, #tpu.memory_space<vmem>>
    %dma_wait3A_95 = tpu.memref_squeeze %dma_wait3A_94 : memref<1x384x64xf32, #tpu.memory_space<vmem>> -> memref<384x64xf32, #tpu.memory_space<vmem>>
    %dma_wait3A_96 = arith.constant 768 : i32
    %dma_wait3A_97 = tpu.memref_slice %arg5[%dma_wait3A_96] : memref<11520xi32, #tpu.memory_space<vmem>> -> memref<384xi32, #tpu.memory_space<vmem>>
    %dma_wait3A_98 = arith.constant 0 : i32
    %dma_wait3A_99 = arith.constant 0 : i32
    %dma_wait3A_100 = tpu.memref_slice %arg3[%dma_wait3A_98, %dma_wait3A_99] : memref<100000x64xf32, #tpu.memory_space<hbm>> -> memref<100000x64xf32, #tpu.memory_space<hbm>>
    tpu.wait_indirect_dma semaphore(%arg9 : memref<!tpu.dma_semaphore, #tpu.memory_space<semaphore_mem>>) src(%dma_wait3A_100 : memref<100000x64xf32, #tpu.memory_space<hbm>>) dst(%dma_wait3A_95 : memref<384x64xf32, #tpu.memory_space<vmem>>)
    %add3A_101 = arith.constant 768 : i32
    %add3A_102 = arith.addi %mul3A_2, %add3A_101 : i32
    %dma_start3A_103 = arith.constant 2 : i32
    %dma_start3A_104 = arith.constant 0 : i32
    %dma_start3A_105 = arith.constant 0 : i32
    %dma_start3A_106 = tpu.memref_slice %arg6[%dma_start3A_103, %dma_start3A_104, %dma_start3A_105] : memref<4x384x64xf32, #tpu.memory_space<vmem>> -> memref<1x384x64xf32, #tpu.memory_space<vmem>>
    %dma_start3A_107 = tpu.memref_squeeze %dma_start3A_106 : memref<1x384x64xf32, #tpu.memory_space<vmem>> -> memref<384x64xf32, #tpu.memory_space<vmem>>
    %dma_start3A_108 = arith.constant 0 : i32
    %dma_start3A_109 = tpu.memref_slice %arg4[%add3A_102, %dma_start3A_108] : memref<368640x64xf32, #tpu.memory_space<hbm>> -> memref<384x64xf32, #tpu.memory_space<hbm>>
    %dma_start3A_110 = arith.constant 0 : i32
    %dma_start3A_111 = tpu.memref_slice %arg4[%add3A_102, %dma_start3A_110] : memref<368640x64xf32, #tpu.memory_space<hbm>> -> memref<384x64xf32, #tpu.memory_space<hbm>>
    %dma_start3A_112 = arith.constant 0 : i32
    %dma_start3A_113 = arith.constant 0 : i32
    %dma_start3A_114 = tpu.memref_slice %arg6[%dma_start3A_103, %dma_start3A_112, %dma_start3A_113] : memref<4x384x64xf32, #tpu.memory_space<vmem>> -> memref<1x384x64xf32, #tpu.memory_space<vmem>>
    %dma_start3A_115 = tpu.memref_squeeze %dma_start3A_114 : memref<1x384x64xf32, #tpu.memory_space<vmem>> -> memref<384x64xf32, #tpu.memory_space<vmem>>
    tpu.enqueue_dma source(%dma_start3A_115 : memref<384x64xf32, #tpu.memory_space<vmem>>) target(%dma_start3A_111 : memref<384x64xf32, #tpu.memory_space<hbm>>) target_semaphore(%arg13 : memref<!tpu.dma_semaphore, #tpu.memory_space<semaphore_mem>>)
    %dma_wait3A_116 = arith.constant 0 : i32
    %dma_wait3A_117 = arith.constant 0 : i32
    %dma_wait3A_118 = arith.constant 0 : i32
    %dma_wait3A_119 = tpu.memref_slice %arg6[%dma_wait3A_116, %dma_wait3A_117, %dma_wait3A_118] : memref<4x384x64xf32, #tpu.memory_space<vmem>> -> memref<1x384x64xf32, #tpu.memory_space<vmem>>
    %dma_wait3A_120 = tpu.memref_squeeze %dma_wait3A_119 : memref<1x384x64xf32, #tpu.memory_space<vmem>> -> memref<384x64xf32, #tpu.memory_space<vmem>>
    %dma_wait3A_121 = arith.constant 0 : i32
    %dma_wait3A_122 = tpu.memref_slice %arg4[%add3A_32, %dma_wait3A_121] : memref<368640x64xf32, #tpu.memory_space<hbm>> -> memref<384x64xf32, #tpu.memory_space<hbm>>
    %dma_wait3A_123 = arith.constant 0 : i32
    %dma_wait3A_124 = tpu.memref_slice %arg4[%add3A_32, %dma_wait3A_123] : memref<368640x64xf32, #tpu.memory_space<hbm>> -> memref<384x64xf32, #tpu.memory_space<hbm>>
    %dma_wait3A_125 = arith.constant 0 : i32
    %dma_wait3A_126 = arith.constant 0 : i32
    %dma_wait3A_127 = tpu.memref_slice %arg6[%dma_wait3A_116, %dma_wait3A_125, %dma_wait3A_126] : memref<4x384x64xf32, #tpu.memory_space<vmem>> -> memref<1x384x64xf32, #tpu.memory_space<vmem>>
    %dma_wait3A_128 = tpu.memref_squeeze %dma_wait3A_127 : memref<1x384x64xf32, #tpu.memory_space<vmem>> -> memref<384x64xf32, #tpu.memory_space<vmem>>
    tpu.wait_dma2 semaphore(%arg11 : memref<!tpu.dma_semaphore, #tpu.memory_space<semaphore_mem>>) src(%dma_wait3A_128 : memref<384x64xf32, #tpu.memory_space<vmem>>) dst(%dma_wait3A_124 : memref<384x64xf32, #tpu.memory_space<hbm>>)
    %dma_start3A_129 = arith.constant 0 : i32
    %dma_start3A_130 = arith.constant 0 : i32
    %dma_start3A_131 = arith.constant 0 : i32
    %dma_start3A_132 = tpu.memref_slice %arg6[%dma_start3A_129, %dma_start3A_130, %dma_start3A_131] : memref<4x384x64xf32, #tpu.memory_space<vmem>> -> memref<1x384x64xf32, #tpu.memory_space<vmem>>
    %dma_start3A_133 = tpu.memref_squeeze %dma_start3A_132 : memref<1x384x64xf32, #tpu.memory_space<vmem>> -> memref<384x64xf32, #tpu.memory_space<vmem>>
    %dma_start3A_134 = arith.constant 1536 : i32
    %dma_start3A_135 = tpu.memref_slice %arg5[%dma_start3A_134] : memref<11520xi32, #tpu.memory_space<vmem>> -> memref<384xi32, #tpu.memory_space<vmem>>
    %dma_start3A_136 = arith.constant 0 : i32
    %dma_start3A_137 = arith.constant 0 : i32
    %dma_start3A_138 = tpu.memref_slice %arg3[%dma_start3A_136, %dma_start3A_137] : memref<100000x64xf32, #tpu.memory_space<hbm>> -> memref<100000x64xf32, #tpu.memory_space<hbm>>
    tpu.enqueue_indirect_dma source(%dma_start3A_138 : memref<100000x64xf32, #tpu.memory_space<hbm>>) target(%dma_start3A_133 : memref<384x64xf32, #tpu.memory_space<vmem>>) offsets(%dma_start3A_135 : memref<384xi32, #tpu.memory_space<vmem>>) semaphore(%arg7 : memref<!tpu.dma_semaphore, #tpu.memory_space<semaphore_mem>>)
    %dma_wait3A_139 = arith.constant 3 : i32
    %dma_wait3A_140 = arith.constant 0 : i32
    %dma_wait3A_141 = arith.constant 0 : i32
    %dma_wait3A_142 = tpu.memref_slice %arg6[%dma_wait3A_139, %dma_wait3A_140, %dma_wait3A_141] : memref<4x384x64xf32, #tpu.memory_space<vmem>> -> memref<1x384x64xf32, #tpu.memory_space<vmem>>
    %dma_wait3A_143 = tpu.memref_squeeze %dma_wait3A_142 : memref<1x384x64xf32, #tpu.memory_space<vmem>> -> memref<384x64xf32, #tpu.memory_space<vmem>>
    %dma_wait3A_144 = arith.constant 1152 : i32
    %dma_wait3A_145 = tpu.memref_slice %arg5[%dma_wait3A_144] : memref<11520xi32, #tpu.memory_space<vmem>> -> memref<384xi32, #tpu.memory_space<vmem>>
    %dma_wait3A_146 = arith.constant 0 : i32
    %dma_wait3A_147 = arith.constant 0 : i32
    %dma_wait3A_148 = tpu.memref_slice %arg3[%dma_wait3A_146, %dma_wait3A_147] : memref<100000x64xf32, #tpu.memory_space<hbm>> -> memref<100000x64xf32, #tpu.memory_space<hbm>>
    tpu.wait_indirect_dma semaphore(%arg10 : memref<!tpu.dma_semaphore, #tpu.memory_space<semaphore_mem>>) src(%dma_wait3A_148 : memref<100000x64xf32, #tpu.memory_space<hbm>>) dst(%dma_wait3A_143 : memref<384x64xf32, #tpu.memory_space<vmem>>)
    %add3A_149 = arith.constant 1152 : i32
    %add3A_150 = arith.addi %mul3A_2, %add3A_149 : i32
    %dma_start3A_151 = arith.constant 3 : i32
    %dma_start3A_152 = arith.constant 0 : i32
    %dma_start3A_153 = arith.constant 0 : i32
    %dma_start3A_154 = tpu.memref_slice %arg6[%dma_start3A_151, %dma_start3A_152, %dma_start3A_153] : memref<4x384x64xf32, #tpu.memory_space<vmem>> -> memref<1x384x64xf32, #tpu.memory_space<vmem>>
    %dma_start3A_155 = tpu.memref_squeeze %dma_start3A_154 : memref<1x384x64xf32, #tpu.memory_space<vmem>> -> memref<384x64xf32, #tpu.memory_space<vmem>>
    %dma_start3A_156 = arith.constant 0 : i32
    %dma_start3A_157 = tpu.memref_slice %arg4[%add3A_150, %dma_start3A_156] : memref<368640x64xf32, #tpu.memory_space<hbm>> -> memref<384x64xf32, #tpu.memory_space<hbm>>
    %dma_start3A_158 = arith.constant 0 : i32
    %dma_start3A_159 = tpu.memref_slice %arg4[%add3A_150, %dma_start3A_158] : memref<368640x64xf32, #tpu.memory_space<hbm>> -> memref<384x64xf32, #tpu.memory_space<hbm>>
    %dma_start3A_160 = arith.constant 0 : i32
    %dma_start3A_161 = arith.constant 0 : i32
    %dma_start3A_162 = tpu.memref_slice %arg6[%dma_start3A_151, %dma_start3A_160, %dma_start3A_161] : memref<4x384x64xf32, #tpu.memory_space<vmem>> -> memref<1x384x64xf32, #tpu.memory_space<vmem>>
    %dma_start3A_163 = tpu.memref_squeeze %dma_start3A_162 : memref<1x384x64xf32, #tpu.memory_space<vmem>> -> memref<384x64xf32, #tpu.memory_space<vmem>>
    tpu.enqueue_dma source(%dma_start3A_163 : memref<384x64xf32, #tpu.memory_space<vmem>>) target(%dma_start3A_159 : memref<384x64xf32, #tpu.memory_space<hbm>>) target_semaphore(%arg14 : memref<!tpu.dma_semaphore, #tpu.memory_space<semaphore_mem>>)
    %dma_wait3A_164 = arith.constant 1 : i32
    %dma_wait3A_165 = arith.constant 0 : i32
    %dma_wait3A_166 = arith.constant 0 : i32
    %dma_wait3A_167 = tpu.memref_slice %arg6[%dma_wait3A_164, %dma_wait3A_165, %dma_wait3A_166] : memref<4x384x64xf32, #tpu.memory_space<vmem>> -> memref<1x384x64xf32, #tpu.memory_space<vmem>>
    %dma_wait3A_168 = tpu.memref_squeeze %dma_wait3A_167 : memref<1x384x64xf32, #tpu.memory_space<vmem>> -> memref<384x64xf32, #tpu.memory_space<vmem>>
    %dma_wait3A_169 = arith.constant 0 : i32
    %dma_wait3A_170 = tpu.memref_slice %arg4[%add3A_67, %dma_wait3A_169] : memref<368640x64xf32, #tpu.memory_space<hbm>> -> memref<384x64xf32, #tpu.memory_space<hbm>>
    %dma_wait3A_171 = arith.constant 0 : i32
    %dma_wait3A_172 = tpu.memref_slice %arg4[%add3A_67, %dma_wait3A_171] : memref<368640x64xf32, #tpu.memory_space<hbm>> -> memref<384x64xf32, #tpu.memory_space<hbm>>
    %dma_wait3A_173 = arith.constant 0 : i32
    %dma_wait3A_174 = arith.constant 0 : i32
    %dma_wait3A_175 = tpu.memref_slice %arg6[%dma_wait3A_164, %dma_wait3A_173, %dma_wait3A_174] : memref<4x384x64xf32, #tpu.memory_space<vmem>> -> memref<1x384x64xf32, #tpu.memory_space<vmem>>
    %dma_wait3A_176 = tpu.memref_squeeze %dma_wait3A_175 : memref<1x384x64xf32, #tpu.memory_space<vmem>> -> memref<384x64xf32, #tpu.memory_space<vmem>>
    tpu.wait_dma2 semaphore(%arg12 : memref<!tpu.dma_semaphore, #tpu.memory_space<semaphore_mem>>) src(%dma_wait3A_176 : memref<384x64xf32, #tpu.memory_space<vmem>>) dst(%dma_wait3A_172 : memref<384x64xf32, #tpu.memory_space<hbm>>)
    %dma_start3A_177 = arith.constant 1 : i32
    %dma_start3A_178 = arith.constant 0 : i32
    %dma_start3A_179 = arith.constant 0 : i32
    %dma_start3A_180 = tpu.memref_slice %arg6[%dma_start3A_177, %dma_start3A_178, %dma_start3A_179] : memref<4x384x64xf32, #tpu.memory_space<vmem>> -> memref<1x384x64xf32, #tpu.memory_space<vmem>>
    %dma_start3A_181 = tpu.memref_squeeze %dma_start3A_180 : memref<1x384x64xf32, #tpu.memory_space<vmem>> -> memref<384x64xf32, #tpu.memory_space<vmem>>
    %dma_start3A_182 = arith.constant 1920 : i32
    %dma_start3A_183 = tpu.memref_slice %arg5[%dma_start3A_182] : memref<11520xi32, #tpu.memory_space<vmem>> -> memref<384xi32, #tpu.memory_space<vmem>>
    %dma_start3A_184 = arith.constant 0 : i32
    %dma_start3A_185 = arith.constant 0 : i32
    %dma_start3A_186 = tpu.memref_slice %arg3[%dma_start3A_184, %dma_start3A_185] : memref<100000x64xf32, #tpu.memory_space<hbm>> -> memref<100000x64xf32, #tpu.memory_space<hbm>>
    tpu.enqueue_indirect_dma source(%dma_start3A_186 : memref<100000x64xf32, #tpu.memory_space<hbm>>) target(%dma_start3A_181 : memref<384x64xf32, #tpu.memory_space<vmem>>) offsets(%dma_start3A_183 : memref<384xi32, #tpu.memory_space<vmem>>) semaphore(%arg8 : memref<!tpu.dma_semaphore, #tpu.memory_space<semaphore_mem>>)
    %dma_wait3A_187 = arith.constant 0 : i32
    %dma_wait3A_188 = arith.constant 0 : i32
    %dma_wait3A_189 = arith.constant 0 : i32
    %dma_wait3A_190 = tpu.memref_slice %arg6[%dma_wait3A_187, %dma_wait3A_188, %dma_wait3A_189] : memref<4x384x64xf32, #tpu.memory_space<vmem>> -> memref<1x384x64xf32, #tpu.memory_space<vmem>>
    %dma_wait3A_191 = tpu.memref_squeeze %dma_wait3A_190 : memref<1x384x64xf32, #tpu.memory_space<vmem>> -> memref<384x64xf32, #tpu.memory_space<vmem>>
    %dma_wait3A_192 = arith.constant 1536 : i32
    %dma_wait3A_193 = tpu.memref_slice %arg5[%dma_wait3A_192] : memref<11520xi32, #tpu.memory_space<vmem>> -> memref<384xi32, #tpu.memory_space<vmem>>
    %dma_wait3A_194 = arith.constant 0 : i32
    %dma_wait3A_195 = arith.constant 0 : i32
    %dma_wait3A_196 = tpu.memref_slice %arg3[%dma_wait3A_194, %dma_wait3A_195] : memref<100000x64xf32, #tpu.memory_space<hbm>> -> memref<100000x64xf32, #tpu.memory_space<hbm>>
    tpu.wait_indirect_dma semaphore(%arg7 : memref<!tpu.dma_semaphore, #tpu.memory_space<semaphore_mem>>) src(%dma_wait3A_196 : memref<100000x64xf32, #tpu.memory_space<hbm>>) dst(%dma_wait3A_191 : memref<384x64xf32, #tpu.memory_space<vmem>>)
    %add3A_197 = arith.constant 1536 : i32
    %add3A_198 = arith.addi %mul3A_2, %add3A_197 : i32
    %dma_start3A_199 = arith.constant 0 : i32
    %dma_start3A_200 = arith.constant 0 : i32
    %dma_start3A_201 = arith.constant 0 : i32
    %dma_start3A_202 = tpu.memref_slice %arg6[%dma_start3A_199, %dma_start3A_200, %dma_start3A_201] : memref<4x384x64xf32, #tpu.memory_space<vmem>> -> memref<1x384x64xf32, #tpu.memory_space<vmem>>
    %dma_start3A_203 = tpu.memref_squeeze %dma_start3A_202 : memref<1x384x64xf32, #tpu.memory_space<vmem>> -> memref<384x64xf32, #tpu.memory_space<vmem>>
    %dma_start3A_204 = arith.constant 0 : i32
    %dma_start3A_205 = tpu.memref_slice %arg4[%add3A_198, %dma_start3A_204] : memref<368640x64xf32, #tpu.memory_space<hbm>> -> memref<384x64xf32, #tpu.memory_space<hbm>>
    %dma_start3A_206 = arith.constant 0 : i32
    %dma_start3A_207 = tpu.memref_slice %arg4[%add3A_198, %dma_start3A_206] : memref<368640x64xf32, #tpu.memory_space<hbm>> -> memref<384x64xf32, #tpu.memory_space<hbm>>
    %dma_start3A_208 = arith.constant 0 : i32
    %dma_start3A_209 = arith.constant 0 : i32
    %dma_start3A_210 = tpu.memref_slice %arg6[%dma_start3A_199, %dma_start3A_208, %dma_start3A_209] : memref<4x384x64xf32, #tpu.memory_space<vmem>> -> memref<1x384x64xf32, #tpu.memory_space<vmem>>
    %dma_start3A_211 = tpu.memref_squeeze %dma_start3A_210 : memref<1x384x64xf32, #tpu.memory_space<vmem>> -> memref<384x64xf32, #tpu.memory_space<vmem>>
    tpu.enqueue_dma source(%dma_start3A_211 : memref<384x64xf32, #tpu.memory_space<vmem>>) target(%dma_start3A_207 : memref<384x64xf32, #tpu.memory_space<hbm>>) target_semaphore(%arg11 : memref<!tpu.dma_semaphore, #tpu.memory_space<semaphore_mem>>)
    %dma_wait3A_212 = arith.constant 2 : i32
    %dma_wait3A_213 = arith.constant 0 : i32
    %dma_wait3A_214 = arith.constant 0 : i32
    %dma_wait3A_215 = tpu.memref_slice %arg6[%dma_wait3A_212, %dma_wait3A_213, %dma_wait3A_214] : memref<4x384x64xf32, #tpu.memory_space<vmem>> -> memref<1x384x64xf32, #tpu.memory_space<vmem>>
    %dma_wait3A_216 = tpu.memref_squeeze %dma_wait3A_215 : memref<1x384x64xf32, #tpu.memory_space<vmem>> -> memref<384x64xf32, #tpu.memory_space<vmem>>
    %dma_wait3A_217 = arith.constant 0 : i32
    %dma_wait3A_218 = tpu.memref_slice %arg4[%add3A_102, %dma_wait3A_217] : memref<368640x64xf32, #tpu.memory_space<hbm>> -> memref<384x64xf32, #tpu.memory_space<hbm>>
    %dma_wait3A_219 = arith.constant 0 : i32
    %dma_wait3A_220 = tpu.memref_slice %arg4[%add3A_102, %dma_wait3A_219] : memref<368640x64xf32, #tpu.memory_space<hbm>> -> memref<384x64xf32, #tpu.memory_space<hbm>>
    %dma_wait3A_221 = arith.constant 0 : i32
    %dma_wait3A_222 = arith.constant 0 : i32
    %dma_wait3A_223 = tpu.memref_slice %arg6[%dma_wait3A_212, %dma_wait3A_221, %dma_wait3A_222] : memref<4x384x64xf32, #tpu.memory_space<vmem>> -> memref<1x384x64xf32, #tpu.memory_space<vmem>>
    %dma_wait3A_224 = tpu.memref_squeeze %dma_wait3A_223 : memref<1x384x64xf32, #tpu.memory_space<vmem>> -> memref<384x64xf32, #tpu.memory_space<vmem>>
    tpu.wait_dma2 semaphore(%arg13 : memref<!tpu.dma_semaphore, #tpu.memory_space<semaphore_mem>>) src(%dma_wait3A_224 : memref<384x64xf32, #tpu.memory_space<vmem>>) dst(%dma_wait3A_220 : memref<384x64xf32, #tpu.memory_space<hbm>>)
    %dma_start3A_225 = arith.constant 2 : i32
    %dma_start3A_226 = arith.constant 0 : i32
    %dma_start3A_227 = arith.constant 0 : i32
    %dma_start3A_228 = tpu.memref_slice %arg6[%dma_start3A_225, %dma_start3A_226, %dma_start3A_227] : memref<4x384x64xf32, #tpu.memory_space<vmem>> -> memref<1x384x64xf32, #tpu.memory_space<vmem>>
    %dma_start3A_229 = tpu.memref_squeeze %dma_start3A_228 : memref<1x384x64xf32, #tpu.memory_space<vmem>> -> memref<384x64xf32, #tpu.memory_space<vmem>>
    %dma_start3A_230 = arith.constant 2304 : i32
    %dma_start3A_231 = tpu.memref_slice %arg5[%dma_start3A_230] : memref<11520xi32, #tpu.memory_space<vmem>> -> memref<384xi32, #tpu.memory_space<vmem>>
    %dma_start3A_232 = arith.constant 0 : i32
    %dma_start3A_233 = arith.constant 0 : i32
    %dma_start3A_234 = tpu.memref_slice %arg3[%dma_start3A_232, %dma_start3A_233] : memref<100000x64xf32, #tpu.memory_space<hbm>> -> memref<100000x64xf32, #tpu.memory_space<hbm>>
    tpu.enqueue_indirect_dma source(%dma_start3A_234 : memref<100000x64xf32, #tpu.memory_space<hbm>>) target(%dma_start3A_229 : memref<384x64xf32, #tpu.memory_space<vmem>>) offsets(%dma_start3A_231 : memref<384xi32, #tpu.memory_space<vmem>>) semaphore(%arg9 : memref<!tpu.dma_semaphore, #tpu.memory_space<semaphore_mem>>)
    %dma_wait3A_235 = arith.constant 1 : i32
    %dma_wait3A_236 = arith.constant 0 : i32
    %dma_wait3A_237 = arith.constant 0 : i32
    %dma_wait3A_238 = tpu.memref_slice %arg6[%dma_wait3A_235, %dma_wait3A_236, %dma_wait3A_237] : memref<4x384x64xf32, #tpu.memory_space<vmem>> -> memref<1x384x64xf32, #tpu.memory_space<vmem>>
    %dma_wait3A_239 = tpu.memref_squeeze %dma_wait3A_238 : memref<1x384x64xf32, #tpu.memory_space<vmem>> -> memref<384x64xf32, #tpu.memory_space<vmem>>
    %dma_wait3A_240 = arith.constant 1920 : i32
    %dma_wait3A_241 = tpu.memref_slice %arg5[%dma_wait3A_240] : memref<11520xi32, #tpu.memory_space<vmem>> -> memref<384xi32, #tpu.memory_space<vmem>>
    %dma_wait3A_242 = arith.constant 0 : i32
    %dma_wait3A_243 = arith.constant 0 : i32
    %dma_wait3A_244 = tpu.memref_slice %arg3[%dma_wait3A_242, %dma_wait3A_243] : memref<100000x64xf32, #tpu.memory_space<hbm>> -> memref<100000x64xf32, #tpu.memory_space<hbm>>
    tpu.wait_indirect_dma semaphore(%arg8 : memref<!tpu.dma_semaphore, #tpu.memory_space<semaphore_mem>>) src(%dma_wait3A_244 : memref<100000x64xf32, #tpu.memory_space<hbm>>) dst(%dma_wait3A_239 : memref<384x64xf32, #tpu.memory_space<vmem>>)
    %add3A_245 = arith.constant 1920 : i32
    %add3A_246 = arith.addi %mul3A_2, %add3A_245 : i32
    %dma_start3A_247 = arith.constant 1 : i32
    %dma_start3A_248 = arith.constant 0 : i32
    %dma_start3A_249 = arith.constant 0 : i32
    %dma_start3A_250 = tpu.memref_slice %arg6[%dma_start3A_247, %dma_start3A_248, %dma_start3A_249] : memref<4x384x64xf32, #tpu.memory_space<vmem>> -> memref<1x384x64xf32, #tpu.memory_space<vmem>>
    %dma_start3A_251 = tpu.memref_squeeze %dma_start3A_250 : memref<1x384x64xf32, #tpu.memory_space<vmem>> -> memref<384x64xf32, #tpu.memory_space<vmem>>
    %dma_start3A_252 = arith.constant 0 : i32
    %dma_start3A_253 = tpu.memref_slice %arg4[%add3A_246, %dma_start3A_252] : memref<368640x64xf32, #tpu.memory_space<hbm>> -> memref<384x64xf32, #tpu.memory_space<hbm>>
    %dma_start3A_254 = arith.constant 0 : i32
    %dma_start3A_255 = tpu.memref_slice %arg4[%add3A_246, %dma_start3A_254] : memref<368640x64xf32, #tpu.memory_space<hbm>> -> memref<384x64xf32, #tpu.memory_space<hbm>>
    %dma_start3A_256 = arith.constant 0 : i32
    %dma_start3A_257 = arith.constant 0 : i32
    %dma_start3A_258 = tpu.memref_slice %arg6[%dma_start3A_247, %dma_start3A_256, %dma_start3A_257] : memref<4x384x64xf32, #tpu.memory_space<vmem>> -> memref<1x384x64xf32, #tpu.memory_space<vmem>>
    %dma_start3A_259 = tpu.memref_squeeze %dma_start3A_258 : memref<1x384x64xf32, #tpu.memory_space<vmem>> -> memref<384x64xf32, #tpu.memory_space<vmem>>
    tpu.enqueue_dma source(%dma_start3A_259 : memref<384x64xf32, #tpu.memory_space<vmem>>) target(%dma_start3A_255 : memref<384x64xf32, #tpu.memory_space<hbm>>) target_semaphore(%arg12 : memref<!tpu.dma_semaphore, #tpu.memory_space<semaphore_mem>>)
    %dma_wait3A_260 = arith.constant 3 : i32
    %dma_wait3A_261 = arith.constant 0 : i32
    %dma_wait3A_262 = arith.constant 0 : i32
    %dma_wait3A_263 = tpu.memref_slice %arg6[%dma_wait3A_260, %dma_wait3A_261, %dma_wait3A_262] : memref<4x384x64xf32, #tpu.memory_space<vmem>> -> memref<1x384x64xf32, #tpu.memory_space<vmem>>
    %dma_wait3A_264 = tpu.memref_squeeze %dma_wait3A_263 : memref<1x384x64xf32, #tpu.memory_space<vmem>> -> memref<384x64xf32, #tpu.memory_space<vmem>>
    %dma_wait3A_265 = arith.constant 0 : i32
    %dma_wait3A_266 = tpu.memref_slice %arg4[%add3A_150, %dma_wait3A_265] : memref<368640x64xf32, #tpu.memory_space<hbm>> -> memref<384x64xf32, #tpu.memory_space<hbm>>
    %dma_wait3A_267 = arith.constant 0 : i32
    %dma_wait3A_268 = tpu.memref_slice %arg4[%add3A_150, %dma_wait3A_267] : memref<368640x64xf32, #tpu.memory_space<hbm>> -> memref<384x64xf32, #tpu.memory_space<hbm>>
    %dma_wait3A_269 = arith.constant 0 : i32
    %dma_wait3A_270 = arith.constant 0 : i32
    %dma_wait3A_271 = tpu.memref_slice %arg6[%dma_wait3A_260, %dma_wait3A_269, %dma_wait3A_270] : memref<4x384x64xf32, #tpu.memory_space<vmem>> -> memref<1x384x64xf32, #tpu.memory_space<vmem>>
    %dma_wait3A_272 = tpu.memref_squeeze %dma_wait3A_271 : memref<1x384x64xf32, #tpu.memory_space<vmem>> -> memref<384x64xf32, #tpu.memory_space<vmem>>
    tpu.wait_dma2 semaphore(%arg14 : memref<!tpu.dma_semaphore, #tpu.memory_space<semaphore_mem>>) src(%dma_wait3A_272 : memref<384x64xf32, #tpu.memory_space<vmem>>) dst(%dma_wait3A_268 : memref<384x64xf32, #tpu.memory_space<hbm>>)
    %dma_start3A_273 = arith.constant 3 : i32
    %dma_start3A_274 = arith.constant 0 : i32
    %dma_start3A_275 = arith.constant 0 : i32
    %dma_start3A_276 = tpu.memref_slice %arg6[%dma_start3A_273, %dma_start3A_274, %dma_start3A_275] : memref<4x384x64xf32, #tpu.memory_space<vmem>> -> memref<1x384x64xf32, #tpu.memory_space<vmem>>
    %dma_start3A_277 = tpu.memref_squeeze %dma_start3A_276 : memref<1x384x64xf32, #tpu.memory_space<vmem>> -> memref<384x64xf32, #tpu.memory_space<vmem>>
    %dma_start3A_278 = arith.constant 2688 : i32
    %dma_start3A_279 = tpu.memref_slice %arg5[%dma_start3A_278] : memref<11520xi32, #tpu.memory_space<vmem>> -> memref<384xi32, #tpu.memory_space<vmem>>
    %dma_start3A_280 = arith.constant 0 : i32
    %dma_start3A_281 = arith.constant 0 : i32
    %dma_start3A_282 = tpu.memref_slice %arg3[%dma_start3A_280, %dma_start3A_281] : memref<100000x64xf32, #tpu.memory_space<hbm>> -> memref<100000x64xf32, #tpu.memory_space<hbm>>
    tpu.enqueue_indirect_dma source(%dma_start3A_282 : memref<100000x64xf32, #tpu.memory_space<hbm>>) target(%dma_start3A_277 : memref<384x64xf32, #tpu.memory_space<vmem>>) offsets(%dma_start3A_279 : memref<384xi32, #tpu.memory_space<vmem>>) semaphore(%arg10 : memref<!tpu.dma_semaphore, #tpu.memory_space<semaphore_mem>>)
    %dma_wait3A_283 = arith.constant 2 : i32
    %dma_wait3A_284 = arith.constant 0 : i32
    %dma_wait3A_285 = arith.constant 0 : i32
    %dma_wait3A_286 = tpu.memref_slice %arg6[%dma_wait3A_283, %dma_wait3A_284, %dma_wait3A_285] : memref<4x384x64xf32, #tpu.memory_space<vmem>> -> memref<1x384x64xf32, #tpu.memory_space<vmem>>
    %dma_wait3A_287 = tpu.memref_squeeze %dma_wait3A_286 : memref<1x384x64xf32, #tpu.memory_space<vmem>> -> memref<384x64xf32, #tpu.memory_space<vmem>>
    %dma_wait3A_288 = arith.constant 2304 : i32
    %dma_wait3A_289 = tpu.memref_slice %arg5[%dma_wait3A_288] : memref<11520xi32, #tpu.memory_space<vmem>> -> memref<384xi32, #tpu.memory_space<vmem>>
    %dma_wait3A_290 = arith.constant 0 : i32
    %dma_wait3A_291 = arith.constant 0 : i32
    %dma_wait3A_292 = tpu.memref_slice %arg3[%dma_wait3A_290, %dma_wait3A_291] : memref<100000x64xf32, #tpu.memory_space<hbm>> -> memref<100000x64xf32, #tpu.memory_space<hbm>>
    tpu.wait_indirect_dma semaphore(%arg9 : memref<!tpu.dma_semaphore, #tpu.memory_space<semaphore_mem>>) src(%dma_wait3A_292 : memref<100000x64xf32, #tpu.memory_space<hbm>>) dst(%dma_wait3A_287 : memref<384x64xf32, #tpu.memory_space<vmem>>)
    %add3A_293 = arith.constant 2304 : i32
    %add3A_294 = arith.addi %mul3A_2, %add3A_293 : i32
    %dma_start3A_295 = arith.constant 2 : i32
    %dma_start3A_296 = arith.constant 0 : i32
    %dma_start3A_297 = arith.constant 0 : i32
    %dma_start3A_298 = tpu.memref_slice %arg6[%dma_start3A_295, %dma_start3A_296, %dma_start3A_297] : memref<4x384x64xf32, #tpu.memory_space<vmem>> -> memref<1x384x64xf32, #tpu.memory_space<vmem>>
    %dma_start3A_299 = tpu.memref_squeeze %dma_start3A_298 : memref<1x384x64xf32, #tpu.memory_space<vmem>> -> memref<384x64xf32, #tpu.memory_space<vmem>>
    %dma_start3A_300 = arith.constant 0 : i32
    %dma_start3A_301 = tpu.memref_slice %arg4[%add3A_294, %dma_start3A_300] : memref<368640x64xf32, #tpu.memory_space<hbm>> -> memref<384x64xf32, #tpu.memory_space<hbm>>
    %dma_start3A_302 = arith.constant 0 : i32
    %dma_start3A_303 = tpu.memref_slice %arg4[%add3A_294, %dma_start3A_302] : memref<368640x64xf32, #tpu.memory_space<hbm>> -> memref<384x64xf32, #tpu.memory_space<hbm>>
    %dma_start3A_304 = arith.constant 0 : i32
    %dma_start3A_305 = arith.constant 0 : i32
    %dma_start3A_306 = tpu.memref_slice %arg6[%dma_start3A_295, %dma_start3A_304, %dma_start3A_305] : memref<4x384x64xf32, #tpu.memory_space<vmem>> -> memref<1x384x64xf32, #tpu.memory_space<vmem>>
    %dma_start3A_307 = tpu.memref_squeeze %dma_start3A_306 : memref<1x384x64xf32, #tpu.memory_space<vmem>> -> memref<384x64xf32, #tpu.memory_space<vmem>>
    tpu.enqueue_dma source(%dma_start3A_307 : memref<384x64xf32, #tpu.memory_space<vmem>>) target(%dma_start3A_303 : memref<384x64xf32, #tpu.memory_space<hbm>>) target_semaphore(%arg13 : memref<!tpu.dma_semaphore, #tpu.memory_space<semaphore_mem>>)
    %dma_wait3A_308 = arith.constant 0 : i32
    %dma_wait3A_309 = arith.constant 0 : i32
    %dma_wait3A_310 = arith.constant 0 : i32
    %dma_wait3A_311 = tpu.memref_slice %arg6[%dma_wait3A_308, %dma_wait3A_309, %dma_wait3A_310] : memref<4x384x64xf32, #tpu.memory_space<vmem>> -> memref<1x384x64xf32, #tpu.memory_space<vmem>>
    %dma_wait3A_312 = tpu.memref_squeeze %dma_wait3A_311 : memref<1x384x64xf32, #tpu.memory_space<vmem>> -> memref<384x64xf32, #tpu.memory_space<vmem>>
    %dma_wait3A_313 = arith.constant 0 : i32
    %dma_wait3A_314 = tpu.memref_slice %arg4[%add3A_198, %dma_wait3A_313] : memref<368640x64xf32, #tpu.memory_space<hbm>> -> memref<384x64xf32, #tpu.memory_space<hbm>>
    %dma_wait3A_315 = arith.constant 0 : i32
    %dma_wait3A_316 = tpu.memref_slice %arg4[%add3A_198, %dma_wait3A_315] : memref<368640x64xf32, #tpu.memory_space<hbm>> -> memref<384x64xf32, #tpu.memory_space<hbm>>
    %dma_wait3A_317 = arith.constant 0 : i32
    %dma_wait3A_318 = arith.constant 0 : i32
    %dma_wait3A_319 = tpu.memref_slice %arg6[%dma_wait3A_308, %dma_wait3A_317, %dma_wait3A_318] : memref<4x384x64xf32, #tpu.memory_space<vmem>> -> memref<1x384x64xf32, #tpu.memory_space<vmem>>
    %dma_wait3A_320 = tpu.memref_squeeze %dma_wait3A_319 : memref<1x384x64xf32, #tpu.memory_space<vmem>> -> memref<384x64xf32, #tpu.memory_space<vmem>>
    tpu.wait_dma2 semaphore(%arg11 : memref<!tpu.dma_semaphore, #tpu.memory_space<semaphore_mem>>) src(%dma_wait3A_320 : memref<384x64xf32, #tpu.memory_space<vmem>>) dst(%dma_wait3A_316 : memref<384x64xf32, #tpu.memory_space<hbm>>)
    %dma_start3A_321 = arith.constant 0 : i32
    %dma_start3A_322 = arith.constant 0 : i32
    %dma_start3A_323 = arith.constant 0 : i32
    %dma_start3A_324 = tpu.memref_slice %arg6[%dma_start3A_321, %dma_start3A_322, %dma_start3A_323] : memref<4x384x64xf32, #tpu.memory_space<vmem>> -> memref<1x384x64xf32, #tpu.memory_space<vmem>>
    %dma_start3A_325 = tpu.memref_squeeze %dma_start3A_324 : memref<1x384x64xf32, #tpu.memory_space<vmem>> -> memref<384x64xf32, #tpu.memory_space<vmem>>
    %dma_start3A_326 = arith.constant 3072 : i32
    %dma_start3A_327 = tpu.memref_slice %arg5[%dma_start3A_326] : memref<11520xi32, #tpu.memory_space<vmem>> -> memref<384xi32, #tpu.memory_space<vmem>>
    %dma_start3A_328 = arith.constant 0 : i32
    %dma_start3A_329 = arith.constant 0 : i32
    %dma_start3A_330 = tpu.memref_slice %arg3[%dma_start3A_328, %dma_start3A_329] : memref<100000x64xf32, #tpu.memory_space<hbm>> -> memref<100000x64xf32, #tpu.memory_space<hbm>>
    tpu.enqueue_indirect_dma source(%dma_start3A_330 : memref<100000x64xf32, #tpu.memory_space<hbm>>) target(%dma_start3A_325 : memref<384x64xf32, #tpu.memory_space<vmem>>) offsets(%dma_start3A_327 : memref<384xi32, #tpu.memory_space<vmem>>) semaphore(%arg7 : memref<!tpu.dma_semaphore, #tpu.memory_space<semaphore_mem>>)
    %dma_wait3A_331 = arith.constant 3 : i32
    %dma_wait3A_332 = arith.constant 0 : i32
    %dma_wait3A_333 = arith.constant 0 : i32
    %dma_wait3A_334 = tpu.memref_slice %arg6[%dma_wait3A_331, %dma_wait3A_332, %dma_wait3A_333] : memref<4x384x64xf32, #tpu.memory_space<vmem>> -> memref<1x384x64xf32, #tpu.memory_space<vmem>>
    %dma_wait3A_335 = tpu.memref_squeeze %dma_wait3A_334 : memref<1x384x64xf32, #tpu.memory_space<vmem>> -> memref<384x64xf32, #tpu.memory_space<vmem>>
    %dma_wait3A_336 = arith.constant 2688 : i32
    %dma_wait3A_337 = tpu.memref_slice %arg5[%dma_wait3A_336] : memref<11520xi32, #tpu.memory_space<vmem>> -> memref<384xi32, #tpu.memory_space<vmem>>
    %dma_wait3A_338 = arith.constant 0 : i32
    %dma_wait3A_339 = arith.constant 0 : i32
    %dma_wait3A_340 = tpu.memref_slice %arg3[%dma_wait3A_338, %dma_wait3A_339] : memref<100000x64xf32, #tpu.memory_space<hbm>> -> memref<100000x64xf32, #tpu.memory_space<hbm>>
    tpu.wait_indirect_dma semaphore(%arg10 : memref<!tpu.dma_semaphore, #tpu.memory_space<semaphore_mem>>) src(%dma_wait3A_340 : memref<100000x64xf32, #tpu.memory_space<hbm>>) dst(%dma_wait3A_335 : memref<384x64xf32, #tpu.memory_space<vmem>>)
    %add3A_341 = arith.constant 2688 : i32
    %add3A_342 = arith.addi %mul3A_2, %add3A_341 : i32
    %dma_start3A_343 = arith.constant 3 : i32
    %dma_start3A_344 = arith.constant 0 : i32
    %dma_start3A_345 = arith.constant 0 : i32
    %dma_start3A_346 = tpu.memref_slice %arg6[%dma_start3A_343, %dma_start3A_344, %dma_start3A_345] : memref<4x384x64xf32, #tpu.memory_space<vmem>> -> memref<1x384x64xf32, #tpu.memory_space<vmem>>
    %dma_start3A_347 = tpu.memref_squeeze %dma_start3A_346 : memref<1x384x64xf32, #tpu.memory_space<vmem>> -> memref<384x64xf32, #tpu.memory_space<vmem>>
    %dma_start3A_348 = arith.constant 0 : i32
    %dma_start3A_349 = tpu.memref_slice %arg4[%add3A_342, %dma_start3A_348] : memref<368640x64xf32, #tpu.memory_space<hbm>> -> memref<384x64xf32, #tpu.memory_space<hbm>>
    %dma_start3A_350 = arith.constant 0 : i32
    %dma_start3A_351 = tpu.memref_slice %arg4[%add3A_342, %dma_start3A_350] : memref<368640x64xf32, #tpu.memory_space<hbm>> -> memref<384x64xf32, #tpu.memory_space<hbm>>
    %dma_start3A_352 = arith.constant 0 : i32
    %dma_start3A_353 = arith.constant 0 : i32
    %dma_start3A_354 = tpu.memref_slice %arg6[%dma_start3A_343, %dma_start3A_352, %dma_start3A_353] : memref<4x384x64xf32, #tpu.memory_space<vmem>> -> memref<1x384x64xf32, #tpu.memory_space<vmem>>
    %dma_start3A_355 = tpu.memref_squeeze %dma_start3A_354 : memref<1x384x64xf32, #tpu.memory_space<vmem>> -> memref<384x64xf32, #tpu.memory_space<vmem>>
    tpu.enqueue_dma source(%dma_start3A_355 : memref<384x64xf32, #tpu.memory_space<vmem>>) target(%dma_start3A_351 : memref<384x64xf32, #tpu.memory_space<hbm>>) target_semaphore(%arg14 : memref<!tpu.dma_semaphore, #tpu.memory_space<semaphore_mem>>)
    %dma_wait3A_356 = arith.constant 1 : i32
    %dma_wait3A_357 = arith.constant 0 : i32
    %dma_wait3A_358 = arith.constant 0 : i32
    %dma_wait3A_359 = tpu.memref_slice %arg6[%dma_wait3A_356, %dma_wait3A_357, %dma_wait3A_358] : memref<4x384x64xf32, #tpu.memory_space<vmem>> -> memref<1x384x64xf32, #tpu.memory_space<vmem>>
    %dma_wait3A_360 = tpu.memref_squeeze %dma_wait3A_359 : memref<1x384x64xf32, #tpu.memory_space<vmem>> -> memref<384x64xf32, #tpu.memory_space<vmem>>
    %dma_wait3A_361 = arith.constant 0 : i32
    %dma_wait3A_362 = tpu.memref_slice %arg4[%add3A_246, %dma_wait3A_361] : memref<368640x64xf32, #tpu.memory_space<hbm>> -> memref<384x64xf32, #tpu.memory_space<hbm>>
    %dma_wait3A_363 = arith.constant 0 : i32
    %dma_wait3A_364 = tpu.memref_slice %arg4[%add3A_246, %dma_wait3A_363] : memref<368640x64xf32, #tpu.memory_space<hbm>> -> memref<384x64xf32, #tpu.memory_space<hbm>>
    %dma_wait3A_365 = arith.constant 0 : i32
    %dma_wait3A_366 = arith.constant 0 : i32
    %dma_wait3A_367 = tpu.memref_slice %arg6[%dma_wait3A_356, %dma_wait3A_365, %dma_wait3A_366] : memref<4x384x64xf32, #tpu.memory_space<vmem>> -> memref<1x384x64xf32, #tpu.memory_space<vmem>>
    %dma_wait3A_368 = tpu.memref_squeeze %dma_wait3A_367 : memref<1x384x64xf32, #tpu.memory_space<vmem>> -> memref<384x64xf32, #tpu.memory_space<vmem>>
    tpu.wait_dma2 semaphore(%arg12 : memref<!tpu.dma_semaphore, #tpu.memory_space<semaphore_mem>>) src(%dma_wait3A_368 : memref<384x64xf32, #tpu.memory_space<vmem>>) dst(%dma_wait3A_364 : memref<384x64xf32, #tpu.memory_space<hbm>>)
    %dma_start3A_369 = arith.constant 1 : i32
    %dma_start3A_370 = arith.constant 0 : i32
    %dma_start3A_371 = arith.constant 0 : i32
    %dma_start3A_372 = tpu.memref_slice %arg6[%dma_start3A_369, %dma_start3A_370, %dma_start3A_371] : memref<4x384x64xf32, #tpu.memory_space<vmem>> -> memref<1x384x64xf32, #tpu.memory_space<vmem>>
    %dma_start3A_373 = tpu.memref_squeeze %dma_start3A_372 : memref<1x384x64xf32, #tpu.memory_space<vmem>> -> memref<384x64xf32, #tpu.memory_space<vmem>>
    %dma_start3A_374 = arith.constant 3456 : i32
    %dma_start3A_375 = tpu.memref_slice %arg5[%dma_start3A_374] : memref<11520xi32, #tpu.memory_space<vmem>> -> memref<384xi32, #tpu.memory_space<vmem>>
    %dma_start3A_376 = arith.constant 0 : i32
    %dma_start3A_377 = arith.constant 0 : i32
    %dma_start3A_378 = tpu.memref_slice %arg3[%dma_start3A_376, %dma_start3A_377] : memref<100000x64xf32, #tpu.memory_space<hbm>> -> memref<100000x64xf32, #tpu.memory_space<hbm>>
    tpu.enqueue_indirect_dma source(%dma_start3A_378 : memref<100000x64xf32, #tpu.memory_space<hbm>>) target(%dma_start3A_373 : memref<384x64xf32, #tpu.memory_space<vmem>>) offsets(%dma_start3A_375 : memref<384xi32, #tpu.memory_space<vmem>>) semaphore(%arg8 : memref<!tpu.dma_semaphore, #tpu.memory_space<semaphore_mem>>)
    %dma_wait3A_379 = arith.constant 0 : i32
    %dma_wait3A_380 = arith.constant 0 : i32
    %dma_wait3A_381 = arith.constant 0 : i32
    %dma_wait3A_382 = tpu.memref_slice %arg6[%dma_wait3A_379, %dma_wait3A_380, %dma_wait3A_381] : memref<4x384x64xf32, #tpu.memory_space<vmem>> -> memref<1x384x64xf32, #tpu.memory_space<vmem>>
    %dma_wait3A_383 = tpu.memref_squeeze %dma_wait3A_382 : memref<1x384x64xf32, #tpu.memory_space<vmem>> -> memref<384x64xf32, #tpu.memory_space<vmem>>
    %dma_wait3A_384 = arith.constant 3072 : i32
    %dma_wait3A_385 = tpu.memref_slice %arg5[%dma_wait3A_384] : memref<11520xi32, #tpu.memory_space<vmem>> -> memref<384xi32, #tpu.memory_space<vmem>>
    %dma_wait3A_386 = arith.constant 0 : i32
    %dma_wait3A_387 = arith.constant 0 : i32
    %dma_wait3A_388 = tpu.memref_slice %arg3[%dma_wait3A_386, %dma_wait3A_387] : memref<100000x64xf32, #tpu.memory_space<hbm>> -> memref<100000x64xf32, #tpu.memory_space<hbm>>
    tpu.wait_indirect_dma semaphore(%arg7 : memref<!tpu.dma_semaphore, #tpu.memory_space<semaphore_mem>>) src(%dma_wait3A_388 : memref<100000x64xf32, #tpu.memory_space<hbm>>) dst(%dma_wait3A_383 : memref<384x64xf32, #tpu.memory_space<vmem>>)
    %add3A_389 = arith.constant 3072 : i32
    %add3A_390 = arith.addi %mul3A_2, %add3A_389 : i32
    %dma_start3A_391 = arith.constant 0 : i32
    %dma_start3A_392 = arith.constant 0 : i32
    %dma_start3A_393 = arith.constant 0 : i32
    %dma_start3A_394 = tpu.memref_slice %arg6[%dma_start3A_391, %dma_start3A_392, %dma_start3A_393] : memref<4x384x64xf32, #tpu.memory_space<vmem>> -> memref<1x384x64xf32, #tpu.memory_space<vmem>>
    %dma_start3A_395 = tpu.memref_squeeze %dma_start3A_394 : memref<1x384x64xf32, #tpu.memory_space<vmem>> -> memref<384x64xf32, #tpu.memory_space<vmem>>
    %dma_start3A_396 = arith.constant 0 : i32
    %dma_start3A_397 = tpu.memref_slice %arg4[%add3A_390, %dma_start3A_396] : memref<368640x64xf32, #tpu.memory_space<hbm>> -> memref<384x64xf32, #tpu.memory_space<hbm>>
    %dma_start3A_398 = arith.constant 0 : i32
    %dma_start3A_399 = tpu.memref_slice %arg4[%add3A_390, %dma_start3A_398] : memref<368640x64xf32, #tpu.memory_space<hbm>> -> memref<384x64xf32, #tpu.memory_space<hbm>>
    %dma_start3A_400 = arith.constant 0 : i32
    %dma_start3A_401 = arith.constant 0 : i32
    %dma_start3A_402 = tpu.memref_slice %arg6[%dma_start3A_391, %dma_start3A_400, %dma_start3A_401] : memref<4x384x64xf32, #tpu.memory_space<vmem>> -> memref<1x384x64xf32, #tpu.memory_space<vmem>>
    %dma_start3A_403 = tpu.memref_squeeze %dma_start3A_402 : memref<1x384x64xf32, #tpu.memory_space<vmem>> -> memref<384x64xf32, #tpu.memory_space<vmem>>
    tpu.enqueue_dma source(%dma_start3A_403 : memref<384x64xf32, #tpu.memory_space<vmem>>) target(%dma_start3A_399 : memref<384x64xf32, #tpu.memory_space<hbm>>) target_semaphore(%arg11 : memref<!tpu.dma_semaphore, #tpu.memory_space<semaphore_mem>>)
    %dma_wait3A_404 = arith.constant 2 : i32
    %dma_wait3A_405 = arith.constant 0 : i32
    %dma_wait3A_406 = arith.constant 0 : i32
    %dma_wait3A_407 = tpu.memref_slice %arg6[%dma_wait3A_404, %dma_wait3A_405, %dma_wait3A_406] : memref<4x384x64xf32, #tpu.memory_space<vmem>> -> memref<1x384x64xf32, #tpu.memory_space<vmem>>
    %dma_wait3A_408 = tpu.memref_squeeze %dma_wait3A_407 : memref<1x384x64xf32, #tpu.memory_space<vmem>> -> memref<384x64xf32, #tpu.memory_space<vmem>>
    %dma_wait3A_409 = arith.constant 0 : i32
    %dma_wait3A_410 = tpu.memref_slice %arg4[%add3A_294, %dma_wait3A_409] : memref<368640x64xf32, #tpu.memory_space<hbm>> -> memref<384x64xf32, #tpu.memory_space<hbm>>
    %dma_wait3A_411 = arith.constant 0 : i32
    %dma_wait3A_412 = tpu.memref_slice %arg4[%add3A_294, %dma_wait3A_411] : memref<368640x64xf32, #tpu.memory_space<hbm>> -> memref<384x64xf32, #tpu.memory_space<hbm>>
    %dma_wait3A_413 = arith.constant 0 : i32
    %dma_wait3A_414 = arith.constant 0 : i32
    %dma_wait3A_415 = tpu.memref_slice %arg6[%dma_wait3A_404, %dma_wait3A_413, %dma_wait3A_414] : memref<4x384x64xf32, #tpu.memory_space<vmem>> -> memref<1x384x64xf32, #tpu.memory_space<vmem>>
    %dma_wait3A_416 = tpu.memref_squeeze %dma_wait3A_415 : memref<1x384x64xf32, #tpu.memory_space<vmem>> -> memref<384x64xf32, #tpu.memory_space<vmem>>
    tpu.wait_dma2 semaphore(%arg13 : memref<!tpu.dma_semaphore, #tpu.memory_space<semaphore_mem>>) src(%dma_wait3A_416 : memref<384x64xf32, #tpu.memory_space<vmem>>) dst(%dma_wait3A_412 : memref<384x64xf32, #tpu.memory_space<hbm>>)
    %dma_start3A_417 = arith.constant 2 : i32
    %dma_start3A_418 = arith.constant 0 : i32
    %dma_start3A_419 = arith.constant 0 : i32
    %dma_start3A_420 = tpu.memref_slice %arg6[%dma_start3A_417, %dma_start3A_418, %dma_start3A_419] : memref<4x384x64xf32, #tpu.memory_space<vmem>> -> memref<1x384x64xf32, #tpu.memory_space<vmem>>
    %dma_start3A_421 = tpu.memref_squeeze %dma_start3A_420 : memref<1x384x64xf32, #tpu.memory_space<vmem>> -> memref<384x64xf32, #tpu.memory_space<vmem>>
    %dma_start3A_422 = arith.constant 3840 : i32
    %dma_start3A_423 = tpu.memref_slice %arg5[%dma_start3A_422] : memref<11520xi32, #tpu.memory_space<vmem>> -> memref<384xi32, #tpu.memory_space<vmem>>
    %dma_start3A_424 = arith.constant 0 : i32
    %dma_start3A_425 = arith.constant 0 : i32
    %dma_start3A_426 = tpu.memref_slice %arg3[%dma_start3A_424, %dma_start3A_425] : memref<100000x64xf32, #tpu.memory_space<hbm>> -> memref<100000x64xf32, #tpu.memory_space<hbm>>
    tpu.enqueue_indirect_dma source(%dma_start3A_426 : memref<100000x64xf32, #tpu.memory_space<hbm>>) target(%dma_start3A_421 : memref<384x64xf32, #tpu.memory_space<vmem>>) offsets(%dma_start3A_423 : memref<384xi32, #tpu.memory_space<vmem>>) semaphore(%arg9 : memref<!tpu.dma_semaphore, #tpu.memory_space<semaphore_mem>>)
    %dma_wait3A_427 = arith.constant 1 : i32
    %dma_wait3A_428 = arith.constant 0 : i32
    %dma_wait3A_429 = arith.constant 0 : i32
    %dma_wait3A_430 = tpu.memref_slice %arg6[%dma_wait3A_427, %dma_wait3A_428, %dma_wait3A_429] : memref<4x384x64xf32, #tpu.memory_space<vmem>> -> memref<1x384x64xf32, #tpu.memory_space<vmem>>
    %dma_wait3A_431 = tpu.memref_squeeze %dma_wait3A_430 : memref<1x384x64xf32, #tpu.memory_space<vmem>> -> memref<384x64xf32, #tpu.memory_space<vmem>>
    %dma_wait3A_432 = arith.constant 3456 : i32
    %dma_wait3A_433 = tpu.memref_slice %arg5[%dma_wait3A_432] : memref<11520xi32, #tpu.memory_space<vmem>> -> memref<384xi32, #tpu.memory_space<vmem>>
    %dma_wait3A_434 = arith.constant 0 : i32
    %dma_wait3A_435 = arith.constant 0 : i32
    %dma_wait3A_436 = tpu.memref_slice %arg3[%dma_wait3A_434, %dma_wait3A_435] : memref<100000x64xf32, #tpu.memory_space<hbm>> -> memref<100000x64xf32, #tpu.memory_space<hbm>>
    tpu.wait_indirect_dma semaphore(%arg8 : memref<!tpu.dma_semaphore, #tpu.memory_space<semaphore_mem>>) src(%dma_wait3A_436 : memref<100000x64xf32, #tpu.memory_space<hbm>>) dst(%dma_wait3A_431 : memref<384x64xf32, #tpu.memory_space<vmem>>)
    %add3A_437 = arith.constant 3456 : i32
    %add3A_438 = arith.addi %mul3A_2, %add3A_437 : i32
    %dma_start3A_439 = arith.constant 1 : i32
    %dma_start3A_440 = arith.constant 0 : i32
    %dma_start3A_441 = arith.constant 0 : i32
    %dma_start3A_442 = tpu.memref_slice %arg6[%dma_start3A_439, %dma_start3A_440, %dma_start3A_441] : memref<4x384x64xf32, #tpu.memory_space<vmem>> -> memref<1x384x64xf32, #tpu.memory_space<vmem>>
    %dma_start3A_443 = tpu.memref_squeeze %dma_start3A_442 : memref<1x384x64xf32, #tpu.memory_space<vmem>> -> memref<384x64xf32, #tpu.memory_space<vmem>>
    %dma_start3A_444 = arith.constant 0 : i32
    %dma_start3A_445 = tpu.memref_slice %arg4[%add3A_438, %dma_start3A_444] : memref<368640x64xf32, #tpu.memory_space<hbm>> -> memref<384x64xf32, #tpu.memory_space<hbm>>
    %dma_start3A_446 = arith.constant 0 : i32
    %dma_start3A_447 = tpu.memref_slice %arg4[%add3A_438, %dma_start3A_446] : memref<368640x64xf32, #tpu.memory_space<hbm>> -> memref<384x64xf32, #tpu.memory_space<hbm>>
    %dma_start3A_448 = arith.constant 0 : i32
    %dma_start3A_449 = arith.constant 0 : i32
    %dma_start3A_450 = tpu.memref_slice %arg6[%dma_start3A_439, %dma_start3A_448, %dma_start3A_449] : memref<4x384x64xf32, #tpu.memory_space<vmem>> -> memref<1x384x64xf32, #tpu.memory_space<vmem>>
    %dma_start3A_451 = tpu.memref_squeeze %dma_start3A_450 : memref<1x384x64xf32, #tpu.memory_space<vmem>> -> memref<384x64xf32, #tpu.memory_space<vmem>>
    tpu.enqueue_dma source(%dma_start3A_451 : memref<384x64xf32, #tpu.memory_space<vmem>>) target(%dma_start3A_447 : memref<384x64xf32, #tpu.memory_space<hbm>>) target_semaphore(%arg12 : memref<!tpu.dma_semaphore, #tpu.memory_space<semaphore_mem>>)
    %dma_wait3A_452 = arith.constant 3 : i32
    %dma_wait3A_453 = arith.constant 0 : i32
    %dma_wait3A_454 = arith.constant 0 : i32
    %dma_wait3A_455 = tpu.memref_slice %arg6[%dma_wait3A_452, %dma_wait3A_453, %dma_wait3A_454] : memref<4x384x64xf32, #tpu.memory_space<vmem>> -> memref<1x384x64xf32, #tpu.memory_space<vmem>>
    %dma_wait3A_456 = tpu.memref_squeeze %dma_wait3A_455 : memref<1x384x64xf32, #tpu.memory_space<vmem>> -> memref<384x64xf32, #tpu.memory_space<vmem>>
    %dma_wait3A_457 = arith.constant 0 : i32
    %dma_wait3A_458 = tpu.memref_slice %arg4[%add3A_342, %dma_wait3A_457] : memref<368640x64xf32, #tpu.memory_space<hbm>> -> memref<384x64xf32, #tpu.memory_space<hbm>>
    %dma_wait3A_459 = arith.constant 0 : i32
    %dma_wait3A_460 = tpu.memref_slice %arg4[%add3A_342, %dma_wait3A_459] : memref<368640x64xf32, #tpu.memory_space<hbm>> -> memref<384x64xf32, #tpu.memory_space<hbm>>
    %dma_wait3A_461 = arith.constant 0 : i32
    %dma_wait3A_462 = arith.constant 0 : i32
    %dma_wait3A_463 = tpu.memref_slice %arg6[%dma_wait3A_452, %dma_wait3A_461, %dma_wait3A_462] : memref<4x384x64xf32, #tpu.memory_space<vmem>> -> memref<1x384x64xf32, #tpu.memory_space<vmem>>
    %dma_wait3A_464 = tpu.memref_squeeze %dma_wait3A_463 : memref<1x384x64xf32, #tpu.memory_space<vmem>> -> memref<384x64xf32, #tpu.memory_space<vmem>>
    tpu.wait_dma2 semaphore(%arg14 : memref<!tpu.dma_semaphore, #tpu.memory_space<semaphore_mem>>) src(%dma_wait3A_464 : memref<384x64xf32, #tpu.memory_space<vmem>>) dst(%dma_wait3A_460 : memref<384x64xf32, #tpu.memory_space<hbm>>)
    %dma_start3A_465 = arith.constant 3 : i32
    %dma_start3A_466 = arith.constant 0 : i32
    %dma_start3A_467 = arith.constant 0 : i32
    %dma_start3A_468 = tpu.memref_slice %arg6[%dma_start3A_465, %dma_start3A_466, %dma_start3A_467] : memref<4x384x64xf32, #tpu.memory_space<vmem>> -> memref<1x384x64xf32, #tpu.memory_space<vmem>>
    %dma_start3A_469 = tpu.memref_squeeze %dma_start3A_468 : memref<1x384x64xf32, #tpu.memory_space<vmem>> -> memref<384x64xf32, #tpu.memory_space<vmem>>
    %dma_start3A_470 = arith.constant 4224 : i32
    %dma_start3A_471 = tpu.memref_slice %arg5[%dma_start3A_470] : memref<11520xi32, #tpu.memory_space<vmem>> -> memref<384xi32, #tpu.memory_space<vmem>>
    %dma_start3A_472 = arith.constant 0 : i32
    %dma_start3A_473 = arith.constant 0 : i32
    %dma_start3A_474 = tpu.memref_slice %arg3[%dma_start3A_472, %dma_start3A_473] : memref<100000x64xf32, #tpu.memory_space<hbm>> -> memref<100000x64xf32, #tpu.memory_space<hbm>>
    tpu.enqueue_indirect_dma source(%dma_start3A_474 : memref<100000x64xf32, #tpu.memory_space<hbm>>) target(%dma_start3A_469 : memref<384x64xf32, #tpu.memory_space<vmem>>) offsets(%dma_start3A_471 : memref<384xi32, #tpu.memory_space<vmem>>) semaphore(%arg10 : memref<!tpu.dma_semaphore, #tpu.memory_space<semaphore_mem>>)
    %dma_wait3A_475 = arith.constant 2 : i32
    %dma_wait3A_476 = arith.constant 0 : i32
    %dma_wait3A_477 = arith.constant 0 : i32
    %dma_wait3A_478 = tpu.memref_slice %arg6[%dma_wait3A_475, %dma_wait3A_476, %dma_wait3A_477] : memref<4x384x64xf32, #tpu.memory_space<vmem>> -> memref<1x384x64xf32, #tpu.memory_space<vmem>>
    %dma_wait3A_479 = tpu.memref_squeeze %dma_wait3A_478 : memref<1x384x64xf32, #tpu.memory_space<vmem>> -> memref<384x64xf32, #tpu.memory_space<vmem>>
    %dma_wait3A_480 = arith.constant 3840 : i32
    %dma_wait3A_481 = tpu.memref_slice %arg5[%dma_wait3A_480] : memref<11520xi32, #tpu.memory_space<vmem>> -> memref<384xi32, #tpu.memory_space<vmem>>
    %dma_wait3A_482 = arith.constant 0 : i32
    %dma_wait3A_483 = arith.constant 0 : i32
    %dma_wait3A_484 = tpu.memref_slice %arg3[%dma_wait3A_482, %dma_wait3A_483] : memref<100000x64xf32, #tpu.memory_space<hbm>> -> memref<100000x64xf32, #tpu.memory_space<hbm>>
    tpu.wait_indirect_dma semaphore(%arg9 : memref<!tpu.dma_semaphore, #tpu.memory_space<semaphore_mem>>) src(%dma_wait3A_484 : memref<100000x64xf32, #tpu.memory_space<hbm>>) dst(%dma_wait3A_479 : memref<384x64xf32, #tpu.memory_space<vmem>>)
    %add3A_485 = arith.constant 3840 : i32
    %add3A_486 = arith.addi %mul3A_2, %add3A_485 : i32
    %dma_start3A_487 = arith.constant 2 : i32
    %dma_start3A_488 = arith.constant 0 : i32
    %dma_start3A_489 = arith.constant 0 : i32
    %dma_start3A_490 = tpu.memref_slice %arg6[%dma_start3A_487, %dma_start3A_488, %dma_start3A_489] : memref<4x384x64xf32, #tpu.memory_space<vmem>> -> memref<1x384x64xf32, #tpu.memory_space<vmem>>
    %dma_start3A_491 = tpu.memref_squeeze %dma_start3A_490 : memref<1x384x64xf32, #tpu.memory_space<vmem>> -> memref<384x64xf32, #tpu.memory_space<vmem>>
    %dma_start3A_492 = arith.constant 0 : i32
    %dma_start3A_493 = tpu.memref_slice %arg4[%add3A_486, %dma_start3A_492] : memref<368640x64xf32, #tpu.memory_space<hbm>> -> memref<384x64xf32, #tpu.memory_space<hbm>>
    %dma_start3A_494 = arith.constant 0 : i32
    %dma_start3A_495 = tpu.memref_slice %arg4[%add3A_486, %dma_start3A_494] : memref<368640x64xf32, #tpu.memory_space<hbm>> -> memref<384x64xf32, #tpu.memory_space<hbm>>
    %dma_start3A_496 = arith.constant 0 : i32
    %dma_start3A_497 = arith.constant 0 : i32
    %dma_start3A_498 = tpu.memref_slice %arg6[%dma_start3A_487, %dma_start3A_496, %dma_start3A_497] : memref<4x384x64xf32, #tpu.memory_space<vmem>> -> memref<1x384x64xf32, #tpu.memory_space<vmem>>
    %dma_start3A_499 = tpu.memref_squeeze %dma_start3A_498 : memref<1x384x64xf32, #tpu.memory_space<vmem>> -> memref<384x64xf32, #tpu.memory_space<vmem>>
    tpu.enqueue_dma source(%dma_start3A_499 : memref<384x64xf32, #tpu.memory_space<vmem>>) target(%dma_start3A_495 : memref<384x64xf32, #tpu.memory_space<hbm>>) target_semaphore(%arg13 : memref<!tpu.dma_semaphore, #tpu.memory_space<semaphore_mem>>)
    %dma_wait3A_500 = arith.constant 0 : i32
    %dma_wait3A_501 = arith.constant 0 : i32
    %dma_wait3A_502 = arith.constant 0 : i32
    %dma_wait3A_503 = tpu.memref_slice %arg6[%dma_wait3A_500, %dma_wait3A_501, %dma_wait3A_502] : memref<4x384x64xf32, #tpu.memory_space<vmem>> -> memref<1x384x64xf32, #tpu.memory_space<vmem>>
    %dma_wait3A_504 = tpu.memref_squeeze %dma_wait3A_503 : memref<1x384x64xf32, #tpu.memory_space<vmem>> -> memref<384x64xf32, #tpu.memory_space<vmem>>
    %dma_wait3A_505 = arith.constant 0 : i32
    %dma_wait3A_506 = tpu.memref_slice %arg4[%add3A_390, %dma_wait3A_505] : memref<368640x64xf32, #tpu.memory_space<hbm>> -> memref<384x64xf32, #tpu.memory_space<hbm>>
    %dma_wait3A_507 = arith.constant 0 : i32
    %dma_wait3A_508 = tpu.memref_slice %arg4[%add3A_390, %dma_wait3A_507] : memref<368640x64xf32, #tpu.memory_space<hbm>> -> memref<384x64xf32, #tpu.memory_space<hbm>>
    %dma_wait3A_509 = arith.constant 0 : i32
    %dma_wait3A_510 = arith.constant 0 : i32
    %dma_wait3A_511 = tpu.memref_slice %arg6[%dma_wait3A_500, %dma_wait3A_509, %dma_wait3A_510] : memref<4x384x64xf32, #tpu.memory_space<vmem>> -> memref<1x384x64xf32, #tpu.memory_space<vmem>>
    %dma_wait3A_512 = tpu.memref_squeeze %dma_wait3A_511 : memref<1x384x64xf32, #tpu.memory_space<vmem>> -> memref<384x64xf32, #tpu.memory_space<vmem>>
    tpu.wait_dma2 semaphore(%arg11 : memref<!tpu.dma_semaphore, #tpu.memory_space<semaphore_mem>>) src(%dma_wait3A_512 : memref<384x64xf32, #tpu.memory_space<vmem>>) dst(%dma_wait3A_508 : memref<384x64xf32, #tpu.memory_space<hbm>>)
    %dma_start3A_513 = arith.constant 0 : i32
    %dma_start3A_514 = arith.constant 0 : i32
    %dma_start3A_515 = arith.constant 0 : i32
    %dma_start3A_516 = tpu.memref_slice %arg6[%dma_start3A_513, %dma_start3A_514, %dma_start3A_515] : memref<4x384x64xf32, #tpu.memory_space<vmem>> -> memref<1x384x64xf32, #tpu.memory_space<vmem>>
    %dma_start3A_517 = tpu.memref_squeeze %dma_start3A_516 : memref<1x384x64xf32, #tpu.memory_space<vmem>> -> memref<384x64xf32, #tpu.memory_space<vmem>>
    %dma_start3A_518 = arith.constant 4608 : i32
    %dma_start3A_519 = tpu.memref_slice %arg5[%dma_start3A_518] : memref<11520xi32, #tpu.memory_space<vmem>> -> memref<384xi32, #tpu.memory_space<vmem>>
    %dma_start3A_520 = arith.constant 0 : i32
    %dma_start3A_521 = arith.constant 0 : i32
    %dma_start3A_522 = tpu.memref_slice %arg3[%dma_start3A_520, %dma_start3A_521] : memref<100000x64xf32, #tpu.memory_space<hbm>> -> memref<100000x64xf32, #tpu.memory_space<hbm>>
    tpu.enqueue_indirect_dma source(%dma_start3A_522 : memref<100000x64xf32, #tpu.memory_space<hbm>>) target(%dma_start3A_517 : memref<384x64xf32, #tpu.memory_space<vmem>>) offsets(%dma_start3A_519 : memref<384xi32, #tpu.memory_space<vmem>>) semaphore(%arg7 : memref<!tpu.dma_semaphore, #tpu.memory_space<semaphore_mem>>)
    %dma_wait3A_523 = arith.constant 3 : i32
    %dma_wait3A_524 = arith.constant 0 : i32
    %dma_wait3A_525 = arith.constant 0 : i32
    %dma_wait3A_526 = tpu.memref_slice %arg6[%dma_wait3A_523, %dma_wait3A_524, %dma_wait3A_525] : memref<4x384x64xf32, #tpu.memory_space<vmem>> -> memref<1x384x64xf32, #tpu.memory_space<vmem>>
    %dma_wait3A_527 = tpu.memref_squeeze %dma_wait3A_526 : memref<1x384x64xf32, #tpu.memory_space<vmem>> -> memref<384x64xf32, #tpu.memory_space<vmem>>
    %dma_wait3A_528 = arith.constant 4224 : i32
    %dma_wait3A_529 = tpu.memref_slice %arg5[%dma_wait3A_528] : memref<11520xi32, #tpu.memory_space<vmem>> -> memref<384xi32, #tpu.memory_space<vmem>>
    %dma_wait3A_530 = arith.constant 0 : i32
    %dma_wait3A_531 = arith.constant 0 : i32
    %dma_wait3A_532 = tpu.memref_slice %arg3[%dma_wait3A_530, %dma_wait3A_531] : memref<100000x64xf32, #tpu.memory_space<hbm>> -> memref<100000x64xf32, #tpu.memory_space<hbm>>
    tpu.wait_indirect_dma semaphore(%arg10 : memref<!tpu.dma_semaphore, #tpu.memory_space<semaphore_mem>>) src(%dma_wait3A_532 : memref<100000x64xf32, #tpu.memory_space<hbm>>) dst(%dma_wait3A_527 : memref<384x64xf32, #tpu.memory_space<vmem>>)
    %add3A_533 = arith.constant 4224 : i32
    %add3A_534 = arith.addi %mul3A_2, %add3A_533 : i32
    %dma_start3A_535 = arith.constant 3 : i32
    %dma_start3A_536 = arith.constant 0 : i32
    %dma_start3A_537 = arith.constant 0 : i32
    %dma_start3A_538 = tpu.memref_slice %arg6[%dma_start3A_535, %dma_start3A_536, %dma_start3A_537] : memref<4x384x64xf32, #tpu.memory_space<vmem>> -> memref<1x384x64xf32, #tpu.memory_space<vmem>>
    %dma_start3A_539 = tpu.memref_squeeze %dma_start3A_538 : memref<1x384x64xf32, #tpu.memory_space<vmem>> -> memref<384x64xf32, #tpu.memory_space<vmem>>
    %dma_start3A_540 = arith.constant 0 : i32
    %dma_start3A_541 = tpu.memref_slice %arg4[%add3A_534, %dma_start3A_540] : memref<368640x64xf32, #tpu.memory_space<hbm>> -> memref<384x64xf32, #tpu.memory_space<hbm>>
    %dma_start3A_542 = arith.constant 0 : i32
    %dma_start3A_543 = tpu.memref_slice %arg4[%add3A_534, %dma_start3A_542] : memref<368640x64xf32, #tpu.memory_space<hbm>> -> memref<384x64xf32, #tpu.memory_space<hbm>>
    %dma_start3A_544 = arith.constant 0 : i32
    %dma_start3A_545 = arith.constant 0 : i32
    %dma_start3A_546 = tpu.memref_slice %arg6[%dma_start3A_535, %dma_start3A_544, %dma_start3A_545] : memref<4x384x64xf32, #tpu.memory_space<vmem>> -> memref<1x384x64xf32, #tpu.memory_space<vmem>>
    %dma_start3A_547 = tpu.memref_squeeze %dma_start3A_546 : memref<1x384x64xf32, #tpu.memory_space<vmem>> -> memref<384x64xf32, #tpu.memory_space<vmem>>
    tpu.enqueue_dma source(%dma_start3A_547 : memref<384x64xf32, #tpu.memory_space<vmem>>) target(%dma_start3A_543 : memref<384x64xf32, #tpu.memory_space<hbm>>) target_semaphore(%arg14 : memref<!tpu.dma_semaphore, #tpu.memory_space<semaphore_mem>>)
    %dma_wait3A_548 = arith.constant 1 : i32
    %dma_wait3A_549 = arith.constant 0 : i32
    %dma_wait3A_550 = arith.constant 0 : i32
    %dma_wait3A_551 = tpu.memref_slice %arg6[%dma_wait3A_548, %dma_wait3A_549, %dma_wait3A_550] : memref<4x384x64xf32, #tpu.memory_space<vmem>> -> memref<1x384x64xf32, #tpu.memory_space<vmem>>
    %dma_wait3A_552 = tpu.memref_squeeze %dma_wait3A_551 : memref<1x384x64xf32, #tpu.memory_space<vmem>> -> memref<384x64xf32, #tpu.memory_space<vmem>>
    %dma_wait3A_553 = arith.constant 0 : i32
    %dma_wait3A_554 = tpu.memref_slice %arg4[%add3A_438, %dma_wait3A_553] : memref<368640x64xf32, #tpu.memory_space<hbm>> -> memref<384x64xf32, #tpu.memory_space<hbm>>
    %dma_wait3A_555 = arith.constant 0 : i32
    %dma_wait3A_556 = tpu.memref_slice %arg4[%add3A_438, %dma_wait3A_555] : memref<368640x64xf32, #tpu.memory_space<hbm>> -> memref<384x64xf32, #tpu.memory_space<hbm>>
    %dma_wait3A_557 = arith.constant 0 : i32
    %dma_wait3A_558 = arith.constant 0 : i32
    %dma_wait3A_559 = tpu.memref_slice %arg6[%dma_wait3A_548, %dma_wait3A_557, %dma_wait3A_558] : memref<4x384x64xf32, #tpu.memory_space<vmem>> -> memref<1x384x64xf32, #tpu.memory_space<vmem>>
    %dma_wait3A_560 = tpu.memref_squeeze %dma_wait3A_559 : memref<1x384x64xf32, #tpu.memory_space<vmem>> -> memref<384x64xf32, #tpu.memory_space<vmem>>
    tpu.wait_dma2 semaphore(%arg12 : memref<!tpu.dma_semaphore, #tpu.memory_space<semaphore_mem>>) src(%dma_wait3A_560 : memref<384x64xf32, #tpu.memory_space<vmem>>) dst(%dma_wait3A_556 : memref<384x64xf32, #tpu.memory_space<hbm>>)
    %dma_start3A_561 = arith.constant 1 : i32
    %dma_start3A_562 = arith.constant 0 : i32
    %dma_start3A_563 = arith.constant 0 : i32
    %dma_start3A_564 = tpu.memref_slice %arg6[%dma_start3A_561, %dma_start3A_562, %dma_start3A_563] : memref<4x384x64xf32, #tpu.memory_space<vmem>> -> memref<1x384x64xf32, #tpu.memory_space<vmem>>
    %dma_start3A_565 = tpu.memref_squeeze %dma_start3A_564 : memref<1x384x64xf32, #tpu.memory_space<vmem>> -> memref<384x64xf32, #tpu.memory_space<vmem>>
    %dma_start3A_566 = arith.constant 4992 : i32
    %dma_start3A_567 = tpu.memref_slice %arg5[%dma_start3A_566] : memref<11520xi32, #tpu.memory_space<vmem>> -> memref<384xi32, #tpu.memory_space<vmem>>
    %dma_start3A_568 = arith.constant 0 : i32
    %dma_start3A_569 = arith.constant 0 : i32
    %dma_start3A_570 = tpu.memref_slice %arg3[%dma_start3A_568, %dma_start3A_569] : memref<100000x64xf32, #tpu.memory_space<hbm>> -> memref<100000x64xf32, #tpu.memory_space<hbm>>
    tpu.enqueue_indirect_dma source(%dma_start3A_570 : memref<100000x64xf32, #tpu.memory_space<hbm>>) target(%dma_start3A_565 : memref<384x64xf32, #tpu.memory_space<vmem>>) offsets(%dma_start3A_567 : memref<384xi32, #tpu.memory_space<vmem>>) semaphore(%arg8 : memref<!tpu.dma_semaphore, #tpu.memory_space<semaphore_mem>>)
    %dma_wait3A_571 = arith.constant 0 : i32
    %dma_wait3A_572 = arith.constant 0 : i32
    %dma_wait3A_573 = arith.constant 0 : i32
    %dma_wait3A_574 = tpu.memref_slice %arg6[%dma_wait3A_571, %dma_wait3A_572, %dma_wait3A_573] : memref<4x384x64xf32, #tpu.memory_space<vmem>> -> memref<1x384x64xf32, #tpu.memory_space<vmem>>
    %dma_wait3A_575 = tpu.memref_squeeze %dma_wait3A_574 : memref<1x384x64xf32, #tpu.memory_space<vmem>> -> memref<384x64xf32, #tpu.memory_space<vmem>>
    %dma_wait3A_576 = arith.constant 4608 : i32
    %dma_wait3A_577 = tpu.memref_slice %arg5[%dma_wait3A_576] : memref<11520xi32, #tpu.memory_space<vmem>> -> memref<384xi32, #tpu.memory_space<vmem>>
    %dma_wait3A_578 = arith.constant 0 : i32
    %dma_wait3A_579 = arith.constant 0 : i32
    %dma_wait3A_580 = tpu.memref_slice %arg3[%dma_wait3A_578, %dma_wait3A_579] : memref<100000x64xf32, #tpu.memory_space<hbm>> -> memref<100000x64xf32, #tpu.memory_space<hbm>>
    tpu.wait_indirect_dma semaphore(%arg7 : memref<!tpu.dma_semaphore, #tpu.memory_space<semaphore_mem>>) src(%dma_wait3A_580 : memref<100000x64xf32, #tpu.memory_space<hbm>>) dst(%dma_wait3A_575 : memref<384x64xf32, #tpu.memory_space<vmem>>)
    %add3A_581 = arith.constant 4608 : i32
    %add3A_582 = arith.addi %mul3A_2, %add3A_581 : i32
    %dma_start3A_583 = arith.constant 0 : i32
    %dma_start3A_584 = arith.constant 0 : i32
    %dma_start3A_585 = arith.constant 0 : i32
    %dma_start3A_586 = tpu.memref_slice %arg6[%dma_start3A_583, %dma_start3A_584, %dma_start3A_585] : memref<4x384x64xf32, #tpu.memory_space<vmem>> -> memref<1x384x64xf32, #tpu.memory_space<vmem>>
    %dma_start3A_587 = tpu.memref_squeeze %dma_start3A_586 : memref<1x384x64xf32, #tpu.memory_space<vmem>> -> memref<384x64xf32, #tpu.memory_space<vmem>>
    %dma_start3A_588 = arith.constant 0 : i32
    %dma_start3A_589 = tpu.memref_slice %arg4[%add3A_582, %dma_start3A_588] : memref<368640x64xf32, #tpu.memory_space<hbm>> -> memref<384x64xf32, #tpu.memory_space<hbm>>
    %dma_start3A_590 = arith.constant 0 : i32
    %dma_start3A_591 = tpu.memref_slice %arg4[%add3A_582, %dma_start3A_590] : memref<368640x64xf32, #tpu.memory_space<hbm>> -> memref<384x64xf32, #tpu.memory_space<hbm>>
    %dma_start3A_592 = arith.constant 0 : i32
    %dma_start3A_593 = arith.constant 0 : i32
    %dma_start3A_594 = tpu.memref_slice %arg6[%dma_start3A_583, %dma_start3A_592, %dma_start3A_593] : memref<4x384x64xf32, #tpu.memory_space<vmem>> -> memref<1x384x64xf32, #tpu.memory_space<vmem>>
    %dma_start3A_595 = tpu.memref_squeeze %dma_start3A_594 : memref<1x384x64xf32, #tpu.memory_space<vmem>> -> memref<384x64xf32, #tpu.memory_space<vmem>>
    tpu.enqueue_dma source(%dma_start3A_595 : memref<384x64xf32, #tpu.memory_space<vmem>>) target(%dma_start3A_591 : memref<384x64xf32, #tpu.memory_space<hbm>>) target_semaphore(%arg11 : memref<!tpu.dma_semaphore, #tpu.memory_space<semaphore_mem>>)
    %dma_wait3A_596 = arith.constant 2 : i32
    %dma_wait3A_597 = arith.constant 0 : i32
    %dma_wait3A_598 = arith.constant 0 : i32
    %dma_wait3A_599 = tpu.memref_slice %arg6[%dma_wait3A_596, %dma_wait3A_597, %dma_wait3A_598] : memref<4x384x64xf32, #tpu.memory_space<vmem>> -> memref<1x384x64xf32, #tpu.memory_space<vmem>>
    %dma_wait3A_600 = tpu.memref_squeeze %dma_wait3A_599 : memref<1x384x64xf32, #tpu.memory_space<vmem>> -> memref<384x64xf32, #tpu.memory_space<vmem>>
    %dma_wait3A_601 = arith.constant 0 : i32
    %dma_wait3A_602 = tpu.memref_slice %arg4[%add3A_486, %dma_wait3A_601] : memref<368640x64xf32, #tpu.memory_space<hbm>> -> memref<384x64xf32, #tpu.memory_space<hbm>>
    %dma_wait3A_603 = arith.constant 0 : i32
    %dma_wait3A_604 = tpu.memref_slice %arg4[%add3A_486, %dma_wait3A_603] : memref<368640x64xf32, #tpu.memory_space<hbm>> -> memref<384x64xf32, #tpu.memory_space<hbm>>
    %dma_wait3A_605 = arith.constant 0 : i32
    %dma_wait3A_606 = arith.constant 0 : i32
    %dma_wait3A_607 = tpu.memref_slice %arg6[%dma_wait3A_596, %dma_wait3A_605, %dma_wait3A_606] : memref<4x384x64xf32, #tpu.memory_space<vmem>> -> memref<1x384x64xf32, #tpu.memory_space<vmem>>
    %dma_wait3A_608 = tpu.memref_squeeze %dma_wait3A_607 : memref<1x384x64xf32, #tpu.memory_space<vmem>> -> memref<384x64xf32, #tpu.memory_space<vmem>>
    tpu.wait_dma2 semaphore(%arg13 : memref<!tpu.dma_semaphore, #tpu.memory_space<semaphore_mem>>) src(%dma_wait3A_608 : memref<384x64xf32, #tpu.memory_space<vmem>>) dst(%dma_wait3A_604 : memref<384x64xf32, #tpu.memory_space<hbm>>)
    %dma_start3A_609 = arith.constant 2 : i32
    %dma_start3A_610 = arith.constant 0 : i32
    %dma_start3A_611 = arith.constant 0 : i32
    %dma_start3A_612 = tpu.memref_slice %arg6[%dma_start3A_609, %dma_start3A_610, %dma_start3A_611] : memref<4x384x64xf32, #tpu.memory_space<vmem>> -> memref<1x384x64xf32, #tpu.memory_space<vmem>>
    %dma_start3A_613 = tpu.memref_squeeze %dma_start3A_612 : memref<1x384x64xf32, #tpu.memory_space<vmem>> -> memref<384x64xf32, #tpu.memory_space<vmem>>
    %dma_start3A_614 = arith.constant 5376 : i32
    %dma_start3A_615 = tpu.memref_slice %arg5[%dma_start3A_614] : memref<11520xi32, #tpu.memory_space<vmem>> -> memref<384xi32, #tpu.memory_space<vmem>>
    %dma_start3A_616 = arith.constant 0 : i32
    %dma_start3A_617 = arith.constant 0 : i32
    %dma_start3A_618 = tpu.memref_slice %arg3[%dma_start3A_616, %dma_start3A_617] : memref<100000x64xf32, #tpu.memory_space<hbm>> -> memref<100000x64xf32, #tpu.memory_space<hbm>>
    tpu.enqueue_indirect_dma source(%dma_start3A_618 : memref<100000x64xf32, #tpu.memory_space<hbm>>) target(%dma_start3A_613 : memref<384x64xf32, #tpu.memory_space<vmem>>) offsets(%dma_start3A_615 : memref<384xi32, #tpu.memory_space<vmem>>) semaphore(%arg9 : memref<!tpu.dma_semaphore, #tpu.memory_space<semaphore_mem>>)
    %dma_wait3A_619 = arith.constant 1 : i32
    %dma_wait3A_620 = arith.constant 0 : i32
    %dma_wait3A_621 = arith.constant 0 : i32
    %dma_wait3A_622 = tpu.memref_slice %arg6[%dma_wait3A_619, %dma_wait3A_620, %dma_wait3A_621] : memref<4x384x64xf32, #tpu.memory_space<vmem>> -> memref<1x384x64xf32, #tpu.memory_space<vmem>>
    %dma_wait3A_623 = tpu.memref_squeeze %dma_wait3A_622 : memref<1x384x64xf32, #tpu.memory_space<vmem>> -> memref<384x64xf32, #tpu.memory_space<vmem>>
    %dma_wait3A_624 = arith.constant 4992 : i32
    %dma_wait3A_625 = tpu.memref_slice %arg5[%dma_wait3A_624] : memref<11520xi32, #tpu.memory_space<vmem>> -> memref<384xi32, #tpu.memory_space<vmem>>
    %dma_wait3A_626 = arith.constant 0 : i32
    %dma_wait3A_627 = arith.constant 0 : i32
    %dma_wait3A_628 = tpu.memref_slice %arg3[%dma_wait3A_626, %dma_wait3A_627] : memref<100000x64xf32, #tpu.memory_space<hbm>> -> memref<100000x64xf32, #tpu.memory_space<hbm>>
    tpu.wait_indirect_dma semaphore(%arg8 : memref<!tpu.dma_semaphore, #tpu.memory_space<semaphore_mem>>) src(%dma_wait3A_628 : memref<100000x64xf32, #tpu.memory_space<hbm>>) dst(%dma_wait3A_623 : memref<384x64xf32, #tpu.memory_space<vmem>>)
    %add3A_629 = arith.constant 4992 : i32
    %add3A_630 = arith.addi %mul3A_2, %add3A_629 : i32
    %dma_start3A_631 = arith.constant 1 : i32
    %dma_start3A_632 = arith.constant 0 : i32
    %dma_start3A_633 = arith.constant 0 : i32
    %dma_start3A_634 = tpu.memref_slice %arg6[%dma_start3A_631, %dma_start3A_632, %dma_start3A_633] : memref<4x384x64xf32, #tpu.memory_space<vmem>> -> memref<1x384x64xf32, #tpu.memory_space<vmem>>
    %dma_start3A_635 = tpu.memref_squeeze %dma_start3A_634 : memref<1x384x64xf32, #tpu.memory_space<vmem>> -> memref<384x64xf32, #tpu.memory_space<vmem>>
    %dma_start3A_636 = arith.constant 0 : i32
    %dma_start3A_637 = tpu.memref_slice %arg4[%add3A_630, %dma_start3A_636] : memref<368640x64xf32, #tpu.memory_space<hbm>> -> memref<384x64xf32, #tpu.memory_space<hbm>>
    %dma_start3A_638 = arith.constant 0 : i32
    %dma_start3A_639 = tpu.memref_slice %arg4[%add3A_630, %dma_start3A_638] : memref<368640x64xf32, #tpu.memory_space<hbm>> -> memref<384x64xf32, #tpu.memory_space<hbm>>
    %dma_start3A_640 = arith.constant 0 : i32
    %dma_start3A_641 = arith.constant 0 : i32
    %dma_start3A_642 = tpu.memref_slice %arg6[%dma_start3A_631, %dma_start3A_640, %dma_start3A_641] : memref<4x384x64xf32, #tpu.memory_space<vmem>> -> memref<1x384x64xf32, #tpu.memory_space<vmem>>
    %dma_start3A_643 = tpu.memref_squeeze %dma_start3A_642 : memref<1x384x64xf32, #tpu.memory_space<vmem>> -> memref<384x64xf32, #tpu.memory_space<vmem>>
    tpu.enqueue_dma source(%dma_start3A_643 : memref<384x64xf32, #tpu.memory_space<vmem>>) target(%dma_start3A_639 : memref<384x64xf32, #tpu.memory_space<hbm>>) target_semaphore(%arg12 : memref<!tpu.dma_semaphore, #tpu.memory_space<semaphore_mem>>)
    %dma_wait3A_644 = arith.constant 3 : i32
    %dma_wait3A_645 = arith.constant 0 : i32
    %dma_wait3A_646 = arith.constant 0 : i32
    %dma_wait3A_647 = tpu.memref_slice %arg6[%dma_wait3A_644, %dma_wait3A_645, %dma_wait3A_646] : memref<4x384x64xf32, #tpu.memory_space<vmem>> -> memref<1x384x64xf32, #tpu.memory_space<vmem>>
    %dma_wait3A_648 = tpu.memref_squeeze %dma_wait3A_647 : memref<1x384x64xf32, #tpu.memory_space<vmem>> -> memref<384x64xf32, #tpu.memory_space<vmem>>
    %dma_wait3A_649 = arith.constant 0 : i32
    %dma_wait3A_650 = tpu.memref_slice %arg4[%add3A_534, %dma_wait3A_649] : memref<368640x64xf32, #tpu.memory_space<hbm>> -> memref<384x64xf32, #tpu.memory_space<hbm>>
    %dma_wait3A_651 = arith.constant 0 : i32
    %dma_wait3A_652 = tpu.memref_slice %arg4[%add3A_534, %dma_wait3A_651] : memref<368640x64xf32, #tpu.memory_space<hbm>> -> memref<384x64xf32, #tpu.memory_space<hbm>>
    %dma_wait3A_653 = arith.constant 0 : i32
    %dma_wait3A_654 = arith.constant 0 : i32
    %dma_wait3A_655 = tpu.memref_slice %arg6[%dma_wait3A_644, %dma_wait3A_653, %dma_wait3A_654] : memref<4x384x64xf32, #tpu.memory_space<vmem>> -> memref<1x384x64xf32, #tpu.memory_space<vmem>>
    %dma_wait3A_656 = tpu.memref_squeeze %dma_wait3A_655 : memref<1x384x64xf32, #tpu.memory_space<vmem>> -> memref<384x64xf32, #tpu.memory_space<vmem>>
    tpu.wait_dma2 semaphore(%arg14 : memref<!tpu.dma_semaphore, #tpu.memory_space<semaphore_mem>>) src(%dma_wait3A_656 : memref<384x64xf32, #tpu.memory_space<vmem>>) dst(%dma_wait3A_652 : memref<384x64xf32, #tpu.memory_space<hbm>>)
    %dma_start3A_657 = arith.constant 3 : i32
    %dma_start3A_658 = arith.constant 0 : i32
    %dma_start3A_659 = arith.constant 0 : i32
    %dma_start3A_660 = tpu.memref_slice %arg6[%dma_start3A_657, %dma_start3A_658, %dma_start3A_659] : memref<4x384x64xf32, #tpu.memory_space<vmem>> -> memref<1x384x64xf32, #tpu.memory_space<vmem>>
    %dma_start3A_661 = tpu.memref_squeeze %dma_start3A_660 : memref<1x384x64xf32, #tpu.memory_space<vmem>> -> memref<384x64xf32, #tpu.memory_space<vmem>>
    %dma_start3A_662 = arith.constant 5760 : i32
    %dma_start3A_663 = tpu.memref_slice %arg5[%dma_start3A_662] : memref<11520xi32, #tpu.memory_space<vmem>> -> memref<384xi32, #tpu.memory_space<vmem>>
    %dma_start3A_664 = arith.constant 0 : i32
    %dma_start3A_665 = arith.constant 0 : i32
    %dma_start3A_666 = tpu.memref_slice %arg3[%dma_start3A_664, %dma_start3A_665] : memref<100000x64xf32, #tpu.memory_space<hbm>> -> memref<100000x64xf32, #tpu.memory_space<hbm>>
    tpu.enqueue_indirect_dma source(%dma_start3A_666 : memref<100000x64xf32, #tpu.memory_space<hbm>>) target(%dma_start3A_661 : memref<384x64xf32, #tpu.memory_space<vmem>>) offsets(%dma_start3A_663 : memref<384xi32, #tpu.memory_space<vmem>>) semaphore(%arg10 : memref<!tpu.dma_semaphore, #tpu.memory_space<semaphore_mem>>)
    %dma_wait3A_667 = arith.constant 2 : i32
    %dma_wait3A_668 = arith.constant 0 : i32
    %dma_wait3A_669 = arith.constant 0 : i32
    %dma_wait3A_670 = tpu.memref_slice %arg6[%dma_wait3A_667, %dma_wait3A_668, %dma_wait3A_669] : memref<4x384x64xf32, #tpu.memory_space<vmem>> -> memref<1x384x64xf32, #tpu.memory_space<vmem>>
    %dma_wait3A_671 = tpu.memref_squeeze %dma_wait3A_670 : memref<1x384x64xf32, #tpu.memory_space<vmem>> -> memref<384x64xf32, #tpu.memory_space<vmem>>
    %dma_wait3A_672 = arith.constant 5376 : i32
    %dma_wait3A_673 = tpu.memref_slice %arg5[%dma_wait3A_672] : memref<11520xi32, #tpu.memory_space<vmem>> -> memref<384xi32, #tpu.memory_space<vmem>>
    %dma_wait3A_674 = arith.constant 0 : i32
    %dma_wait3A_675 = arith.constant 0 : i32
    %dma_wait3A_676 = tpu.memref_slice %arg3[%dma_wait3A_674, %dma_wait3A_675] : memref<100000x64xf32, #tpu.memory_space<hbm>> -> memref<100000x64xf32, #tpu.memory_space<hbm>>
    tpu.wait_indirect_dma semaphore(%arg9 : memref<!tpu.dma_semaphore, #tpu.memory_space<semaphore_mem>>) src(%dma_wait3A_676 : memref<100000x64xf32, #tpu.memory_space<hbm>>) dst(%dma_wait3A_671 : memref<384x64xf32, #tpu.memory_space<vmem>>)
    %add3A_677 = arith.constant 5376 : i32
    %add3A_678 = arith.addi %mul3A_2, %add3A_677 : i32
    %dma_start3A_679 = arith.constant 2 : i32
    %dma_start3A_680 = arith.constant 0 : i32
    %dma_start3A_681 = arith.constant 0 : i32
    %dma_start3A_682 = tpu.memref_slice %arg6[%dma_start3A_679, %dma_start3A_680, %dma_start3A_681] : memref<4x384x64xf32, #tpu.memory_space<vmem>> -> memref<1x384x64xf32, #tpu.memory_space<vmem>>
    %dma_start3A_683 = tpu.memref_squeeze %dma_start3A_682 : memref<1x384x64xf32, #tpu.memory_space<vmem>> -> memref<384x64xf32, #tpu.memory_space<vmem>>
    %dma_start3A_684 = arith.constant 0 : i32
    %dma_start3A_685 = tpu.memref_slice %arg4[%add3A_678, %dma_start3A_684] : memref<368640x64xf32, #tpu.memory_space<hbm>> -> memref<384x64xf32, #tpu.memory_space<hbm>>
    %dma_start3A_686 = arith.constant 0 : i32
    %dma_start3A_687 = tpu.memref_slice %arg4[%add3A_678, %dma_start3A_686] : memref<368640x64xf32, #tpu.memory_space<hbm>> -> memref<384x64xf32, #tpu.memory_space<hbm>>
    %dma_start3A_688 = arith.constant 0 : i32
    %dma_start3A_689 = arith.constant 0 : i32
    %dma_start3A_690 = tpu.memref_slice %arg6[%dma_start3A_679, %dma_start3A_688, %dma_start3A_689] : memref<4x384x64xf32, #tpu.memory_space<vmem>> -> memref<1x384x64xf32, #tpu.memory_space<vmem>>
    %dma_start3A_691 = tpu.memref_squeeze %dma_start3A_690 : memref<1x384x64xf32, #tpu.memory_space<vmem>> -> memref<384x64xf32, #tpu.memory_space<vmem>>
    tpu.enqueue_dma source(%dma_start3A_691 : memref<384x64xf32, #tpu.memory_space<vmem>>) target(%dma_start3A_687 : memref<384x64xf32, #tpu.memory_space<hbm>>) target_semaphore(%arg13 : memref<!tpu.dma_semaphore, #tpu.memory_space<semaphore_mem>>)
    %dma_wait3A_692 = arith.constant 0 : i32
    %dma_wait3A_693 = arith.constant 0 : i32
    %dma_wait3A_694 = arith.constant 0 : i32
    %dma_wait3A_695 = tpu.memref_slice %arg6[%dma_wait3A_692, %dma_wait3A_693, %dma_wait3A_694] : memref<4x384x64xf32, #tpu.memory_space<vmem>> -> memref<1x384x64xf32, #tpu.memory_space<vmem>>
    %dma_wait3A_696 = tpu.memref_squeeze %dma_wait3A_695 : memref<1x384x64xf32, #tpu.memory_space<vmem>> -> memref<384x64xf32, #tpu.memory_space<vmem>>
    %dma_wait3A_697 = arith.constant 0 : i32
    %dma_wait3A_698 = tpu.memref_slice %arg4[%add3A_582, %dma_wait3A_697] : memref<368640x64xf32, #tpu.memory_space<hbm>> -> memref<384x64xf32, #tpu.memory_space<hbm>>
    %dma_wait3A_699 = arith.constant 0 : i32
    %dma_wait3A_700 = tpu.memref_slice %arg4[%add3A_582, %dma_wait3A_699] : memref<368640x64xf32, #tpu.memory_space<hbm>> -> memref<384x64xf32, #tpu.memory_space<hbm>>
    %dma_wait3A_701 = arith.constant 0 : i32
    %dma_wait3A_702 = arith.constant 0 : i32
    %dma_wait3A_703 = tpu.memref_slice %arg6[%dma_wait3A_692, %dma_wait3A_701, %dma_wait3A_702] : memref<4x384x64xf32, #tpu.memory_space<vmem>> -> memref<1x384x64xf32, #tpu.memory_space<vmem>>
    %dma_wait3A_704 = tpu.memref_squeeze %dma_wait3A_703 : memref<1x384x64xf32, #tpu.memory_space<vmem>> -> memref<384x64xf32, #tpu.memory_space<vmem>>
    tpu.wait_dma2 semaphore(%arg11 : memref<!tpu.dma_semaphore, #tpu.memory_space<semaphore_mem>>) src(%dma_wait3A_704 : memref<384x64xf32, #tpu.memory_space<vmem>>) dst(%dma_wait3A_700 : memref<384x64xf32, #tpu.memory_space<hbm>>)
    %dma_start3A_705 = arith.constant 0 : i32
    %dma_start3A_706 = arith.constant 0 : i32
    %dma_start3A_707 = arith.constant 0 : i32
    %dma_start3A_708 = tpu.memref_slice %arg6[%dma_start3A_705, %dma_start3A_706, %dma_start3A_707] : memref<4x384x64xf32, #tpu.memory_space<vmem>> -> memref<1x384x64xf32, #tpu.memory_space<vmem>>
    %dma_start3A_709 = tpu.memref_squeeze %dma_start3A_708 : memref<1x384x64xf32, #tpu.memory_space<vmem>> -> memref<384x64xf32, #tpu.memory_space<vmem>>
    %dma_start3A_710 = arith.constant 6144 : i32
    %dma_start3A_711 = tpu.memref_slice %arg5[%dma_start3A_710] : memref<11520xi32, #tpu.memory_space<vmem>> -> memref<384xi32, #tpu.memory_space<vmem>>
    %dma_start3A_712 = arith.constant 0 : i32
    %dma_start3A_713 = arith.constant 0 : i32
    %dma_start3A_714 = tpu.memref_slice %arg3[%dma_start3A_712, %dma_start3A_713] : memref<100000x64xf32, #tpu.memory_space<hbm>> -> memref<100000x64xf32, #tpu.memory_space<hbm>>
    tpu.enqueue_indirect_dma source(%dma_start3A_714 : memref<100000x64xf32, #tpu.memory_space<hbm>>) target(%dma_start3A_709 : memref<384x64xf32, #tpu.memory_space<vmem>>) offsets(%dma_start3A_711 : memref<384xi32, #tpu.memory_space<vmem>>) semaphore(%arg7 : memref<!tpu.dma_semaphore, #tpu.memory_space<semaphore_mem>>)
    %dma_wait3A_715 = arith.constant 3 : i32
    %dma_wait3A_716 = arith.constant 0 : i32
    %dma_wait3A_717 = arith.constant 0 : i32
    %dma_wait3A_718 = tpu.memref_slice %arg6[%dma_wait3A_715, %dma_wait3A_716, %dma_wait3A_717] : memref<4x384x64xf32, #tpu.memory_space<vmem>> -> memref<1x384x64xf32, #tpu.memory_space<vmem>>
    %dma_wait3A_719 = tpu.memref_squeeze %dma_wait3A_718 : memref<1x384x64xf32, #tpu.memory_space<vmem>> -> memref<384x64xf32, #tpu.memory_space<vmem>>
    %dma_wait3A_720 = arith.constant 5760 : i32
    %dma_wait3A_721 = tpu.memref_slice %arg5[%dma_wait3A_720] : memref<11520xi32, #tpu.memory_space<vmem>> -> memref<384xi32, #tpu.memory_space<vmem>>
    %dma_wait3A_722 = arith.constant 0 : i32
    %dma_wait3A_723 = arith.constant 0 : i32
    %dma_wait3A_724 = tpu.memref_slice %arg3[%dma_wait3A_722, %dma_wait3A_723] : memref<100000x64xf32, #tpu.memory_space<hbm>> -> memref<100000x64xf32, #tpu.memory_space<hbm>>
    tpu.wait_indirect_dma semaphore(%arg10 : memref<!tpu.dma_semaphore, #tpu.memory_space<semaphore_mem>>) src(%dma_wait3A_724 : memref<100000x64xf32, #tpu.memory_space<hbm>>) dst(%dma_wait3A_719 : memref<384x64xf32, #tpu.memory_space<vmem>>)
    %add3A_725 = arith.constant 5760 : i32
    %add3A_726 = arith.addi %mul3A_2, %add3A_725 : i32
    %dma_start3A_727 = arith.constant 3 : i32
    %dma_start3A_728 = arith.constant 0 : i32
    %dma_start3A_729 = arith.constant 0 : i32
    %dma_start3A_730 = tpu.memref_slice %arg6[%dma_start3A_727, %dma_start3A_728, %dma_start3A_729] : memref<4x384x64xf32, #tpu.memory_space<vmem>> -> memref<1x384x64xf32, #tpu.memory_space<vmem>>
    %dma_start3A_731 = tpu.memref_squeeze %dma_start3A_730 : memref<1x384x64xf32, #tpu.memory_space<vmem>> -> memref<384x64xf32, #tpu.memory_space<vmem>>
    %dma_start3A_732 = arith.constant 0 : i32
    %dma_start3A_733 = tpu.memref_slice %arg4[%add3A_726, %dma_start3A_732] : memref<368640x64xf32, #tpu.memory_space<hbm>> -> memref<384x64xf32, #tpu.memory_space<hbm>>
    %dma_start3A_734 = arith.constant 0 : i32
    %dma_start3A_735 = tpu.memref_slice %arg4[%add3A_726, %dma_start3A_734] : memref<368640x64xf32, #tpu.memory_space<hbm>> -> memref<384x64xf32, #tpu.memory_space<hbm>>
    %dma_start3A_736 = arith.constant 0 : i32
    %dma_start3A_737 = arith.constant 0 : i32
    %dma_start3A_738 = tpu.memref_slice %arg6[%dma_start3A_727, %dma_start3A_736, %dma_start3A_737] : memref<4x384x64xf32, #tpu.memory_space<vmem>> -> memref<1x384x64xf32, #tpu.memory_space<vmem>>
    %dma_start3A_739 = tpu.memref_squeeze %dma_start3A_738 : memref<1x384x64xf32, #tpu.memory_space<vmem>> -> memref<384x64xf32, #tpu.memory_space<vmem>>
    tpu.enqueue_dma source(%dma_start3A_739 : memref<384x64xf32, #tpu.memory_space<vmem>>) target(%dma_start3A_735 : memref<384x64xf32, #tpu.memory_space<hbm>>) target_semaphore(%arg14 : memref<!tpu.dma_semaphore, #tpu.memory_space<semaphore_mem>>)
    %dma_wait3A_740 = arith.constant 1 : i32
    %dma_wait3A_741 = arith.constant 0 : i32
    %dma_wait3A_742 = arith.constant 0 : i32
    %dma_wait3A_743 = tpu.memref_slice %arg6[%dma_wait3A_740, %dma_wait3A_741, %dma_wait3A_742] : memref<4x384x64xf32, #tpu.memory_space<vmem>> -> memref<1x384x64xf32, #tpu.memory_space<vmem>>
    %dma_wait3A_744 = tpu.memref_squeeze %dma_wait3A_743 : memref<1x384x64xf32, #tpu.memory_space<vmem>> -> memref<384x64xf32, #tpu.memory_space<vmem>>
    %dma_wait3A_745 = arith.constant 0 : i32
    %dma_wait3A_746 = tpu.memref_slice %arg4[%add3A_630, %dma_wait3A_745] : memref<368640x64xf32, #tpu.memory_space<hbm>> -> memref<384x64xf32, #tpu.memory_space<hbm>>
    %dma_wait3A_747 = arith.constant 0 : i32
    %dma_wait3A_748 = tpu.memref_slice %arg4[%add3A_630, %dma_wait3A_747] : memref<368640x64xf32, #tpu.memory_space<hbm>> -> memref<384x64xf32, #tpu.memory_space<hbm>>
    %dma_wait3A_749 = arith.constant 0 : i32
    %dma_wait3A_750 = arith.constant 0 : i32
    %dma_wait3A_751 = tpu.memref_slice %arg6[%dma_wait3A_740, %dma_wait3A_749, %dma_wait3A_750] : memref<4x384x64xf32, #tpu.memory_space<vmem>> -> memref<1x384x64xf32, #tpu.memory_space<vmem>>
    %dma_wait3A_752 = tpu.memref_squeeze %dma_wait3A_751 : memref<1x384x64xf32, #tpu.memory_space<vmem>> -> memref<384x64xf32, #tpu.memory_space<vmem>>
    tpu.wait_dma2 semaphore(%arg12 : memref<!tpu.dma_semaphore, #tpu.memory_space<semaphore_mem>>) src(%dma_wait3A_752 : memref<384x64xf32, #tpu.memory_space<vmem>>) dst(%dma_wait3A_748 : memref<384x64xf32, #tpu.memory_space<hbm>>)
    %dma_start3A_753 = arith.constant 1 : i32
    %dma_start3A_754 = arith.constant 0 : i32
    %dma_start3A_755 = arith.constant 0 : i32
    %dma_start3A_756 = tpu.memref_slice %arg6[%dma_start3A_753, %dma_start3A_754, %dma_start3A_755] : memref<4x384x64xf32, #tpu.memory_space<vmem>> -> memref<1x384x64xf32, #tpu.memory_space<vmem>>
    %dma_start3A_757 = tpu.memref_squeeze %dma_start3A_756 : memref<1x384x64xf32, #tpu.memory_space<vmem>> -> memref<384x64xf32, #tpu.memory_space<vmem>>
    %dma_start3A_758 = arith.constant 6528 : i32
    %dma_start3A_759 = tpu.memref_slice %arg5[%dma_start3A_758] : memref<11520xi32, #tpu.memory_space<vmem>> -> memref<384xi32, #tpu.memory_space<vmem>>
    %dma_start3A_760 = arith.constant 0 : i32
    %dma_start3A_761 = arith.constant 0 : i32
    %dma_start3A_762 = tpu.memref_slice %arg3[%dma_start3A_760, %dma_start3A_761] : memref<100000x64xf32, #tpu.memory_space<hbm>> -> memref<100000x64xf32, #tpu.memory_space<hbm>>
    tpu.enqueue_indirect_dma source(%dma_start3A_762 : memref<100000x64xf32, #tpu.memory_space<hbm>>) target(%dma_start3A_757 : memref<384x64xf32, #tpu.memory_space<vmem>>) offsets(%dma_start3A_759 : memref<384xi32, #tpu.memory_space<vmem>>) semaphore(%arg8 : memref<!tpu.dma_semaphore, #tpu.memory_space<semaphore_mem>>)
    %dma_wait3A_763 = arith.constant 0 : i32
    %dma_wait3A_764 = arith.constant 0 : i32
    %dma_wait3A_765 = arith.constant 0 : i32
    %dma_wait3A_766 = tpu.memref_slice %arg6[%dma_wait3A_763, %dma_wait3A_764, %dma_wait3A_765] : memref<4x384x64xf32, #tpu.memory_space<vmem>> -> memref<1x384x64xf32, #tpu.memory_space<vmem>>
    %dma_wait3A_767 = tpu.memref_squeeze %dma_wait3A_766 : memref<1x384x64xf32, #tpu.memory_space<vmem>> -> memref<384x64xf32, #tpu.memory_space<vmem>>
    %dma_wait3A_768 = arith.constant 6144 : i32
    %dma_wait3A_769 = tpu.memref_slice %arg5[%dma_wait3A_768] : memref<11520xi32, #tpu.memory_space<vmem>> -> memref<384xi32, #tpu.memory_space<vmem>>
    %dma_wait3A_770 = arith.constant 0 : i32
    %dma_wait3A_771 = arith.constant 0 : i32
    %dma_wait3A_772 = tpu.memref_slice %arg3[%dma_wait3A_770, %dma_wait3A_771] : memref<100000x64xf32, #tpu.memory_space<hbm>> -> memref<100000x64xf32, #tpu.memory_space<hbm>>
    tpu.wait_indirect_dma semaphore(%arg7 : memref<!tpu.dma_semaphore, #tpu.memory_space<semaphore_mem>>) src(%dma_wait3A_772 : memref<100000x64xf32, #tpu.memory_space<hbm>>) dst(%dma_wait3A_767 : memref<384x64xf32, #tpu.memory_space<vmem>>)
    %add3A_773 = arith.constant 6144 : i32
    %add3A_774 = arith.addi %mul3A_2, %add3A_773 : i32
    %dma_start3A_775 = arith.constant 0 : i32
    %dma_start3A_776 = arith.constant 0 : i32
    %dma_start3A_777 = arith.constant 0 : i32
    %dma_start3A_778 = tpu.memref_slice %arg6[%dma_start3A_775, %dma_start3A_776, %dma_start3A_777] : memref<4x384x64xf32, #tpu.memory_space<vmem>> -> memref<1x384x64xf32, #tpu.memory_space<vmem>>
    %dma_start3A_779 = tpu.memref_squeeze %dma_start3A_778 : memref<1x384x64xf32, #tpu.memory_space<vmem>> -> memref<384x64xf32, #tpu.memory_space<vmem>>
    %dma_start3A_780 = arith.constant 0 : i32
    %dma_start3A_781 = tpu.memref_slice %arg4[%add3A_774, %dma_start3A_780] : memref<368640x64xf32, #tpu.memory_space<hbm>> -> memref<384x64xf32, #tpu.memory_space<hbm>>
    %dma_start3A_782 = arith.constant 0 : i32
    %dma_start3A_783 = tpu.memref_slice %arg4[%add3A_774, %dma_start3A_782] : memref<368640x64xf32, #tpu.memory_space<hbm>> -> memref<384x64xf32, #tpu.memory_space<hbm>>
    %dma_start3A_784 = arith.constant 0 : i32
    %dma_start3A_785 = arith.constant 0 : i32
    %dma_start3A_786 = tpu.memref_slice %arg6[%dma_start3A_775, %dma_start3A_784, %dma_start3A_785] : memref<4x384x64xf32, #tpu.memory_space<vmem>> -> memref<1x384x64xf32, #tpu.memory_space<vmem>>
    %dma_start3A_787 = tpu.memref_squeeze %dma_start3A_786 : memref<1x384x64xf32, #tpu.memory_space<vmem>> -> memref<384x64xf32, #tpu.memory_space<vmem>>
    tpu.enqueue_dma source(%dma_start3A_787 : memref<384x64xf32, #tpu.memory_space<vmem>>) target(%dma_start3A_783 : memref<384x64xf32, #tpu.memory_space<hbm>>) target_semaphore(%arg11 : memref<!tpu.dma_semaphore, #tpu.memory_space<semaphore_mem>>)
    %dma_wait3A_788 = arith.constant 2 : i32
    %dma_wait3A_789 = arith.constant 0 : i32
    %dma_wait3A_790 = arith.constant 0 : i32
    %dma_wait3A_791 = tpu.memref_slice %arg6[%dma_wait3A_788, %dma_wait3A_789, %dma_wait3A_790] : memref<4x384x64xf32, #tpu.memory_space<vmem>> -> memref<1x384x64xf32, #tpu.memory_space<vmem>>
    %dma_wait3A_792 = tpu.memref_squeeze %dma_wait3A_791 : memref<1x384x64xf32, #tpu.memory_space<vmem>> -> memref<384x64xf32, #tpu.memory_space<vmem>>
    %dma_wait3A_793 = arith.constant 0 : i32
    %dma_wait3A_794 = tpu.memref_slice %arg4[%add3A_678, %dma_wait3A_793] : memref<368640x64xf32, #tpu.memory_space<hbm>> -> memref<384x64xf32, #tpu.memory_space<hbm>>
    %dma_wait3A_795 = arith.constant 0 : i32
    %dma_wait3A_796 = tpu.memref_slice %arg4[%add3A_678, %dma_wait3A_795] : memref<368640x64xf32, #tpu.memory_space<hbm>> -> memref<384x64xf32, #tpu.memory_space<hbm>>
    %dma_wait3A_797 = arith.constant 0 : i32
    %dma_wait3A_798 = arith.constant 0 : i32
    %dma_wait3A_799 = tpu.memref_slice %arg6[%dma_wait3A_788, %dma_wait3A_797, %dma_wait3A_798] : memref<4x384x64xf32, #tpu.memory_space<vmem>> -> memref<1x384x64xf32, #tpu.memory_space<vmem>>
    %dma_wait3A_800 = tpu.memref_squeeze %dma_wait3A_799 : memref<1x384x64xf32, #tpu.memory_space<vmem>> -> memref<384x64xf32, #tpu.memory_space<vmem>>
    tpu.wait_dma2 semaphore(%arg13 : memref<!tpu.dma_semaphore, #tpu.memory_space<semaphore_mem>>) src(%dma_wait3A_800 : memref<384x64xf32, #tpu.memory_space<vmem>>) dst(%dma_wait3A_796 : memref<384x64xf32, #tpu.memory_space<hbm>>)
    %dma_start3A_801 = arith.constant 2 : i32
    %dma_start3A_802 = arith.constant 0 : i32
    %dma_start3A_803 = arith.constant 0 : i32
    %dma_start3A_804 = tpu.memref_slice %arg6[%dma_start3A_801, %dma_start3A_802, %dma_start3A_803] : memref<4x384x64xf32, #tpu.memory_space<vmem>> -> memref<1x384x64xf32, #tpu.memory_space<vmem>>
    %dma_start3A_805 = tpu.memref_squeeze %dma_start3A_804 : memref<1x384x64xf32, #tpu.memory_space<vmem>> -> memref<384x64xf32, #tpu.memory_space<vmem>>
    %dma_start3A_806 = arith.constant 6912 : i32
    %dma_start3A_807 = tpu.memref_slice %arg5[%dma_start3A_806] : memref<11520xi32, #tpu.memory_space<vmem>> -> memref<384xi32, #tpu.memory_space<vmem>>
    %dma_start3A_808 = arith.constant 0 : i32
    %dma_start3A_809 = arith.constant 0 : i32
    %dma_start3A_810 = tpu.memref_slice %arg3[%dma_start3A_808, %dma_start3A_809] : memref<100000x64xf32, #tpu.memory_space<hbm>> -> memref<100000x64xf32, #tpu.memory_space<hbm>>
    tpu.enqueue_indirect_dma source(%dma_start3A_810 : memref<100000x64xf32, #tpu.memory_space<hbm>>) target(%dma_start3A_805 : memref<384x64xf32, #tpu.memory_space<vmem>>) offsets(%dma_start3A_807 : memref<384xi32, #tpu.memory_space<vmem>>) semaphore(%arg9 : memref<!tpu.dma_semaphore, #tpu.memory_space<semaphore_mem>>)
    %dma_wait3A_811 = arith.constant 1 : i32
    %dma_wait3A_812 = arith.constant 0 : i32
    %dma_wait3A_813 = arith.constant 0 : i32
    %dma_wait3A_814 = tpu.memref_slice %arg6[%dma_wait3A_811, %dma_wait3A_812, %dma_wait3A_813] : memref<4x384x64xf32, #tpu.memory_space<vmem>> -> memref<1x384x64xf32, #tpu.memory_space<vmem>>
    %dma_wait3A_815 = tpu.memref_squeeze %dma_wait3A_814 : memref<1x384x64xf32, #tpu.memory_space<vmem>> -> memref<384x64xf32, #tpu.memory_space<vmem>>
    %dma_wait3A_816 = arith.constant 6528 : i32
    %dma_wait3A_817 = tpu.memref_slice %arg5[%dma_wait3A_816] : memref<11520xi32, #tpu.memory_space<vmem>> -> memref<384xi32, #tpu.memory_space<vmem>>
    %dma_wait3A_818 = arith.constant 0 : i32
    %dma_wait3A_819 = arith.constant 0 : i32
    %dma_wait3A_820 = tpu.memref_slice %arg3[%dma_wait3A_818, %dma_wait3A_819] : memref<100000x64xf32, #tpu.memory_space<hbm>> -> memref<100000x64xf32, #tpu.memory_space<hbm>>
    tpu.wait_indirect_dma semaphore(%arg8 : memref<!tpu.dma_semaphore, #tpu.memory_space<semaphore_mem>>) src(%dma_wait3A_820 : memref<100000x64xf32, #tpu.memory_space<hbm>>) dst(%dma_wait3A_815 : memref<384x64xf32, #tpu.memory_space<vmem>>)
    %add3A_821 = arith.constant 6528 : i32
    %add3A_822 = arith.addi %mul3A_2, %add3A_821 : i32
    %dma_start3A_823 = arith.constant 1 : i32
    %dma_start3A_824 = arith.constant 0 : i32
    %dma_start3A_825 = arith.constant 0 : i32
    %dma_start3A_826 = tpu.memref_slice %arg6[%dma_start3A_823, %dma_start3A_824, %dma_start3A_825] : memref<4x384x64xf32, #tpu.memory_space<vmem>> -> memref<1x384x64xf32, #tpu.memory_space<vmem>>
    %dma_start3A_827 = tpu.memref_squeeze %dma_start3A_826 : memref<1x384x64xf32, #tpu.memory_space<vmem>> -> memref<384x64xf32, #tpu.memory_space<vmem>>
    %dma_start3A_828 = arith.constant 0 : i32
    %dma_start3A_829 = tpu.memref_slice %arg4[%add3A_822, %dma_start3A_828] : memref<368640x64xf32, #tpu.memory_space<hbm>> -> memref<384x64xf32, #tpu.memory_space<hbm>>
    %dma_start3A_830 = arith.constant 0 : i32
    %dma_start3A_831 = tpu.memref_slice %arg4[%add3A_822, %dma_start3A_830] : memref<368640x64xf32, #tpu.memory_space<hbm>> -> memref<384x64xf32, #tpu.memory_space<hbm>>
    %dma_start3A_832 = arith.constant 0 : i32
    %dma_start3A_833 = arith.constant 0 : i32
    %dma_start3A_834 = tpu.memref_slice %arg6[%dma_start3A_823, %dma_start3A_832, %dma_start3A_833] : memref<4x384x64xf32, #tpu.memory_space<vmem>> -> memref<1x384x64xf32, #tpu.memory_space<vmem>>
    %dma_start3A_835 = tpu.memref_squeeze %dma_start3A_834 : memref<1x384x64xf32, #tpu.memory_space<vmem>> -> memref<384x64xf32, #tpu.memory_space<vmem>>
    tpu.enqueue_dma source(%dma_start3A_835 : memref<384x64xf32, #tpu.memory_space<vmem>>) target(%dma_start3A_831 : memref<384x64xf32, #tpu.memory_space<hbm>>) target_semaphore(%arg12 : memref<!tpu.dma_semaphore, #tpu.memory_space<semaphore_mem>>)
    %dma_wait3A_836 = arith.constant 3 : i32
    %dma_wait3A_837 = arith.constant 0 : i32
    %dma_wait3A_838 = arith.constant 0 : i32
    %dma_wait3A_839 = tpu.memref_slice %arg6[%dma_wait3A_836, %dma_wait3A_837, %dma_wait3A_838] : memref<4x384x64xf32, #tpu.memory_space<vmem>> -> memref<1x384x64xf32, #tpu.memory_space<vmem>>
    %dma_wait3A_840 = tpu.memref_squeeze %dma_wait3A_839 : memref<1x384x64xf32, #tpu.memory_space<vmem>> -> memref<384x64xf32, #tpu.memory_space<vmem>>
    %dma_wait3A_841 = arith.constant 0 : i32
    %dma_wait3A_842 = tpu.memref_slice %arg4[%add3A_726, %dma_wait3A_841] : memref<368640x64xf32, #tpu.memory_space<hbm>> -> memref<384x64xf32, #tpu.memory_space<hbm>>
    %dma_wait3A_843 = arith.constant 0 : i32
    %dma_wait3A_844 = tpu.memref_slice %arg4[%add3A_726, %dma_wait3A_843] : memref<368640x64xf32, #tpu.memory_space<hbm>> -> memref<384x64xf32, #tpu.memory_space<hbm>>
    %dma_wait3A_845 = arith.constant 0 : i32
    %dma_wait3A_846 = arith.constant 0 : i32
    %dma_wait3A_847 = tpu.memref_slice %arg6[%dma_wait3A_836, %dma_wait3A_845, %dma_wait3A_846] : memref<4x384x64xf32, #tpu.memory_space<vmem>> -> memref<1x384x64xf32, #tpu.memory_space<vmem>>
    %dma_wait3A_848 = tpu.memref_squeeze %dma_wait3A_847 : memref<1x384x64xf32, #tpu.memory_space<vmem>> -> memref<384x64xf32, #tpu.memory_space<vmem>>
    tpu.wait_dma2 semaphore(%arg14 : memref<!tpu.dma_semaphore, #tpu.memory_space<semaphore_mem>>) src(%dma_wait3A_848 : memref<384x64xf32, #tpu.memory_space<vmem>>) dst(%dma_wait3A_844 : memref<384x64xf32, #tpu.memory_space<hbm>>)
    %dma_start3A_849 = arith.constant 3 : i32
    %dma_start3A_850 = arith.constant 0 : i32
    %dma_start3A_851 = arith.constant 0 : i32
    %dma_start3A_852 = tpu.memref_slice %arg6[%dma_start3A_849, %dma_start3A_850, %dma_start3A_851] : memref<4x384x64xf32, #tpu.memory_space<vmem>> -> memref<1x384x64xf32, #tpu.memory_space<vmem>>
    %dma_start3A_853 = tpu.memref_squeeze %dma_start3A_852 : memref<1x384x64xf32, #tpu.memory_space<vmem>> -> memref<384x64xf32, #tpu.memory_space<vmem>>
    %dma_start3A_854 = arith.constant 7296 : i32
    %dma_start3A_855 = tpu.memref_slice %arg5[%dma_start3A_854] : memref<11520xi32, #tpu.memory_space<vmem>> -> memref<384xi32, #tpu.memory_space<vmem>>
    %dma_start3A_856 = arith.constant 0 : i32
    %dma_start3A_857 = arith.constant 0 : i32
    %dma_start3A_858 = tpu.memref_slice %arg3[%dma_start3A_856, %dma_start3A_857] : memref<100000x64xf32, #tpu.memory_space<hbm>> -> memref<100000x64xf32, #tpu.memory_space<hbm>>
    tpu.enqueue_indirect_dma source(%dma_start3A_858 : memref<100000x64xf32, #tpu.memory_space<hbm>>) target(%dma_start3A_853 : memref<384x64xf32, #tpu.memory_space<vmem>>) offsets(%dma_start3A_855 : memref<384xi32, #tpu.memory_space<vmem>>) semaphore(%arg10 : memref<!tpu.dma_semaphore, #tpu.memory_space<semaphore_mem>>)
    %dma_wait3A_859 = arith.constant 2 : i32
    %dma_wait3A_860 = arith.constant 0 : i32
    %dma_wait3A_861 = arith.constant 0 : i32
    %dma_wait3A_862 = tpu.memref_slice %arg6[%dma_wait3A_859, %dma_wait3A_860, %dma_wait3A_861] : memref<4x384x64xf32, #tpu.memory_space<vmem>> -> memref<1x384x64xf32, #tpu.memory_space<vmem>>
    %dma_wait3A_863 = tpu.memref_squeeze %dma_wait3A_862 : memref<1x384x64xf32, #tpu.memory_space<vmem>> -> memref<384x64xf32, #tpu.memory_space<vmem>>
    %dma_wait3A_864 = arith.constant 6912 : i32
    %dma_wait3A_865 = tpu.memref_slice %arg5[%dma_wait3A_864] : memref<11520xi32, #tpu.memory_space<vmem>> -> memref<384xi32, #tpu.memory_space<vmem>>
    %dma_wait3A_866 = arith.constant 0 : i32
    %dma_wait3A_867 = arith.constant 0 : i32
    %dma_wait3A_868 = tpu.memref_slice %arg3[%dma_wait3A_866, %dma_wait3A_867] : memref<100000x64xf32, #tpu.memory_space<hbm>> -> memref<100000x64xf32, #tpu.memory_space<hbm>>
    tpu.wait_indirect_dma semaphore(%arg9 : memref<!tpu.dma_semaphore, #tpu.memory_space<semaphore_mem>>) src(%dma_wait3A_868 : memref<100000x64xf32, #tpu.memory_space<hbm>>) dst(%dma_wait3A_863 : memref<384x64xf32, #tpu.memory_space<vmem>>)
    %add3A_869 = arith.constant 6912 : i32
    %add3A_870 = arith.addi %mul3A_2, %add3A_869 : i32
    %dma_start3A_871 = arith.constant 2 : i32
    %dma_start3A_872 = arith.constant 0 : i32
    %dma_start3A_873 = arith.constant 0 : i32
    %dma_start3A_874 = tpu.memref_slice %arg6[%dma_start3A_871, %dma_start3A_872, %dma_start3A_873] : memref<4x384x64xf32, #tpu.memory_space<vmem>> -> memref<1x384x64xf32, #tpu.memory_space<vmem>>
    %dma_start3A_875 = tpu.memref_squeeze %dma_start3A_874 : memref<1x384x64xf32, #tpu.memory_space<vmem>> -> memref<384x64xf32, #tpu.memory_space<vmem>>
    %dma_start3A_876 = arith.constant 0 : i32
    %dma_start3A_877 = tpu.memref_slice %arg4[%add3A_870, %dma_start3A_876] : memref<368640x64xf32, #tpu.memory_space<hbm>> -> memref<384x64xf32, #tpu.memory_space<hbm>>
    %dma_start3A_878 = arith.constant 0 : i32
    %dma_start3A_879 = tpu.memref_slice %arg4[%add3A_870, %dma_start3A_878] : memref<368640x64xf32, #tpu.memory_space<hbm>> -> memref<384x64xf32, #tpu.memory_space<hbm>>
    %dma_start3A_880 = arith.constant 0 : i32
    %dma_start3A_881 = arith.constant 0 : i32
    %dma_start3A_882 = tpu.memref_slice %arg6[%dma_start3A_871, %dma_start3A_880, %dma_start3A_881] : memref<4x384x64xf32, #tpu.memory_space<vmem>> -> memref<1x384x64xf32, #tpu.memory_space<vmem>>
    %dma_start3A_883 = tpu.memref_squeeze %dma_start3A_882 : memref<1x384x64xf32, #tpu.memory_space<vmem>> -> memref<384x64xf32, #tpu.memory_space<vmem>>
    tpu.enqueue_dma source(%dma_start3A_883 : memref<384x64xf32, #tpu.memory_space<vmem>>) target(%dma_start3A_879 : memref<384x64xf32, #tpu.memory_space<hbm>>) target_semaphore(%arg13 : memref<!tpu.dma_semaphore, #tpu.memory_space<semaphore_mem>>)
    %dma_wait3A_884 = arith.constant 0 : i32
    %dma_wait3A_885 = arith.constant 0 : i32
    %dma_wait3A_886 = arith.constant 0 : i32
    %dma_wait3A_887 = tpu.memref_slice %arg6[%dma_wait3A_884, %dma_wait3A_885, %dma_wait3A_886] : memref<4x384x64xf32, #tpu.memory_space<vmem>> -> memref<1x384x64xf32, #tpu.memory_space<vmem>>
    %dma_wait3A_888 = tpu.memref_squeeze %dma_wait3A_887 : memref<1x384x64xf32, #tpu.memory_space<vmem>> -> memref<384x64xf32, #tpu.memory_space<vmem>>
    %dma_wait3A_889 = arith.constant 0 : i32
    %dma_wait3A_890 = tpu.memref_slice %arg4[%add3A_774, %dma_wait3A_889] : memref<368640x64xf32, #tpu.memory_space<hbm>> -> memref<384x64xf32, #tpu.memory_space<hbm>>
    %dma_wait3A_891 = arith.constant 0 : i32
    %dma_wait3A_892 = tpu.memref_slice %arg4[%add3A_774, %dma_wait3A_891] : memref<368640x64xf32, #tpu.memory_space<hbm>> -> memref<384x64xf32, #tpu.memory_space<hbm>>
    %dma_wait3A_893 = arith.constant 0 : i32
    %dma_wait3A_894 = arith.constant 0 : i32
    %dma_wait3A_895 = tpu.memref_slice %arg6[%dma_wait3A_884, %dma_wait3A_893, %dma_wait3A_894] : memref<4x384x64xf32, #tpu.memory_space<vmem>> -> memref<1x384x64xf32, #tpu.memory_space<vmem>>
    %dma_wait3A_896 = tpu.memref_squeeze %dma_wait3A_895 : memref<1x384x64xf32, #tpu.memory_space<vmem>> -> memref<384x64xf32, #tpu.memory_space<vmem>>
    tpu.wait_dma2 semaphore(%arg11 : memref<!tpu.dma_semaphore, #tpu.memory_space<semaphore_mem>>) src(%dma_wait3A_896 : memref<384x64xf32, #tpu.memory_space<vmem>>) dst(%dma_wait3A_892 : memref<384x64xf32, #tpu.memory_space<hbm>>)
    %dma_start3A_897 = arith.constant 0 : i32
    %dma_start3A_898 = arith.constant 0 : i32
    %dma_start3A_899 = arith.constant 0 : i32
    %dma_start3A_900 = tpu.memref_slice %arg6[%dma_start3A_897, %dma_start3A_898, %dma_start3A_899] : memref<4x384x64xf32, #tpu.memory_space<vmem>> -> memref<1x384x64xf32, #tpu.memory_space<vmem>>
    %dma_start3A_901 = tpu.memref_squeeze %dma_start3A_900 : memref<1x384x64xf32, #tpu.memory_space<vmem>> -> memref<384x64xf32, #tpu.memory_space<vmem>>
    %dma_start3A_902 = arith.constant 7680 : i32
    %dma_start3A_903 = tpu.memref_slice %arg5[%dma_start3A_902] : memref<11520xi32, #tpu.memory_space<vmem>> -> memref<384xi32, #tpu.memory_space<vmem>>
    %dma_start3A_904 = arith.constant 0 : i32
    %dma_start3A_905 = arith.constant 0 : i32
    %dma_start3A_906 = tpu.memref_slice %arg3[%dma_start3A_904, %dma_start3A_905] : memref<100000x64xf32, #tpu.memory_space<hbm>> -> memref<100000x64xf32, #tpu.memory_space<hbm>>
    tpu.enqueue_indirect_dma source(%dma_start3A_906 : memref<100000x64xf32, #tpu.memory_space<hbm>>) target(%dma_start3A_901 : memref<384x64xf32, #tpu.memory_space<vmem>>) offsets(%dma_start3A_903 : memref<384xi32, #tpu.memory_space<vmem>>) semaphore(%arg7 : memref<!tpu.dma_semaphore, #tpu.memory_space<semaphore_mem>>)
    %dma_wait3A_907 = arith.constant 3 : i32
    %dma_wait3A_908 = arith.constant 0 : i32
    %dma_wait3A_909 = arith.constant 0 : i32
    %dma_wait3A_910 = tpu.memref_slice %arg6[%dma_wait3A_907, %dma_wait3A_908, %dma_wait3A_909] : memref<4x384x64xf32, #tpu.memory_space<vmem>> -> memref<1x384x64xf32, #tpu.memory_space<vmem>>
    %dma_wait3A_911 = tpu.memref_squeeze %dma_wait3A_910 : memref<1x384x64xf32, #tpu.memory_space<vmem>> -> memref<384x64xf32, #tpu.memory_space<vmem>>
    %dma_wait3A_912 = arith.constant 7296 : i32
    %dma_wait3A_913 = tpu.memref_slice %arg5[%dma_wait3A_912] : memref<11520xi32, #tpu.memory_space<vmem>> -> memref<384xi32, #tpu.memory_space<vmem>>
    %dma_wait3A_914 = arith.constant 0 : i32
    %dma_wait3A_915 = arith.constant 0 : i32
    %dma_wait3A_916 = tpu.memref_slice %arg3[%dma_wait3A_914, %dma_wait3A_915] : memref<100000x64xf32, #tpu.memory_space<hbm>> -> memref<100000x64xf32, #tpu.memory_space<hbm>>
    tpu.wait_indirect_dma semaphore(%arg10 : memref<!tpu.dma_semaphore, #tpu.memory_space<semaphore_mem>>) src(%dma_wait3A_916 : memref<100000x64xf32, #tpu.memory_space<hbm>>) dst(%dma_wait3A_911 : memref<384x64xf32, #tpu.memory_space<vmem>>)
    %add3A_917 = arith.constant 7296 : i32
    %add3A_918 = arith.addi %mul3A_2, %add3A_917 : i32
    %dma_start3A_919 = arith.constant 3 : i32
    %dma_start3A_920 = arith.constant 0 : i32
    %dma_start3A_921 = arith.constant 0 : i32
    %dma_start3A_922 = tpu.memref_slice %arg6[%dma_start3A_919, %dma_start3A_920, %dma_start3A_921] : memref<4x384x64xf32, #tpu.memory_space<vmem>> -> memref<1x384x64xf32, #tpu.memory_space<vmem>>
    %dma_start3A_923 = tpu.memref_squeeze %dma_start3A_922 : memref<1x384x64xf32, #tpu.memory_space<vmem>> -> memref<384x64xf32, #tpu.memory_space<vmem>>
    %dma_start3A_924 = arith.constant 0 : i32
    %dma_start3A_925 = tpu.memref_slice %arg4[%add3A_918, %dma_start3A_924] : memref<368640x64xf32, #tpu.memory_space<hbm>> -> memref<384x64xf32, #tpu.memory_space<hbm>>
    %dma_start3A_926 = arith.constant 0 : i32
    %dma_start3A_927 = tpu.memref_slice %arg4[%add3A_918, %dma_start3A_926] : memref<368640x64xf32, #tpu.memory_space<hbm>> -> memref<384x64xf32, #tpu.memory_space<hbm>>
    %dma_start3A_928 = arith.constant 0 : i32
    %dma_start3A_929 = arith.constant 0 : i32
    %dma_start3A_930 = tpu.memref_slice %arg6[%dma_start3A_919, %dma_start3A_928, %dma_start3A_929] : memref<4x384x64xf32, #tpu.memory_space<vmem>> -> memref<1x384x64xf32, #tpu.memory_space<vmem>>
    %dma_start3A_931 = tpu.memref_squeeze %dma_start3A_930 : memref<1x384x64xf32, #tpu.memory_space<vmem>> -> memref<384x64xf32, #tpu.memory_space<vmem>>
    tpu.enqueue_dma source(%dma_start3A_931 : memref<384x64xf32, #tpu.memory_space<vmem>>) target(%dma_start3A_927 : memref<384x64xf32, #tpu.memory_space<hbm>>) target_semaphore(%arg14 : memref<!tpu.dma_semaphore, #tpu.memory_space<semaphore_mem>>)
    %dma_wait3A_932 = arith.constant 1 : i32
    %dma_wait3A_933 = arith.constant 0 : i32
    %dma_wait3A_934 = arith.constant 0 : i32
    %dma_wait3A_935 = tpu.memref_slice %arg6[%dma_wait3A_932, %dma_wait3A_933, %dma_wait3A_934] : memref<4x384x64xf32, #tpu.memory_space<vmem>> -> memref<1x384x64xf32, #tpu.memory_space<vmem>>
    %dma_wait3A_936 = tpu.memref_squeeze %dma_wait3A_935 : memref<1x384x64xf32, #tpu.memory_space<vmem>> -> memref<384x64xf32, #tpu.memory_space<vmem>>
    %dma_wait3A_937 = arith.constant 0 : i32
    %dma_wait3A_938 = tpu.memref_slice %arg4[%add3A_822, %dma_wait3A_937] : memref<368640x64xf32, #tpu.memory_space<hbm>> -> memref<384x64xf32, #tpu.memory_space<hbm>>
    %dma_wait3A_939 = arith.constant 0 : i32
    %dma_wait3A_940 = tpu.memref_slice %arg4[%add3A_822, %dma_wait3A_939] : memref<368640x64xf32, #tpu.memory_space<hbm>> -> memref<384x64xf32, #tpu.memory_space<hbm>>
    %dma_wait3A_941 = arith.constant 0 : i32
    %dma_wait3A_942 = arith.constant 0 : i32
    %dma_wait3A_943 = tpu.memref_slice %arg6[%dma_wait3A_932, %dma_wait3A_941, %dma_wait3A_942] : memref<4x384x64xf32, #tpu.memory_space<vmem>> -> memref<1x384x64xf32, #tpu.memory_space<vmem>>
    %dma_wait3A_944 = tpu.memref_squeeze %dma_wait3A_943 : memref<1x384x64xf32, #tpu.memory_space<vmem>> -> memref<384x64xf32, #tpu.memory_space<vmem>>
    tpu.wait_dma2 semaphore(%arg12 : memref<!tpu.dma_semaphore, #tpu.memory_space<semaphore_mem>>) src(%dma_wait3A_944 : memref<384x64xf32, #tpu.memory_space<vmem>>) dst(%dma_wait3A_940 : memref<384x64xf32, #tpu.memory_space<hbm>>)
    %dma_start3A_945 = arith.constant 1 : i32
    %dma_start3A_946 = arith.constant 0 : i32
    %dma_start3A_947 = arith.constant 0 : i32
    %dma_start3A_948 = tpu.memref_slice %arg6[%dma_start3A_945, %dma_start3A_946, %dma_start3A_947] : memref<4x384x64xf32, #tpu.memory_space<vmem>> -> memref<1x384x64xf32, #tpu.memory_space<vmem>>
    %dma_start3A_949 = tpu.memref_squeeze %dma_start3A_948 : memref<1x384x64xf32, #tpu.memory_space<vmem>> -> memref<384x64xf32, #tpu.memory_space<vmem>>
    %dma_start3A_950 = arith.constant 8064 : i32
    %dma_start3A_951 = tpu.memref_slice %arg5[%dma_start3A_950] : memref<11520xi32, #tpu.memory_space<vmem>> -> memref<384xi32, #tpu.memory_space<vmem>>
    %dma_start3A_952 = arith.constant 0 : i32
    %dma_start3A_953 = arith.constant 0 : i32
    %dma_start3A_954 = tpu.memref_slice %arg3[%dma_start3A_952, %dma_start3A_953] : memref<100000x64xf32, #tpu.memory_space<hbm>> -> memref<100000x64xf32, #tpu.memory_space<hbm>>
    tpu.enqueue_indirect_dma source(%dma_start3A_954 : memref<100000x64xf32, #tpu.memory_space<hbm>>) target(%dma_start3A_949 : memref<384x64xf32, #tpu.memory_space<vmem>>) offsets(%dma_start3A_951 : memref<384xi32, #tpu.memory_space<vmem>>) semaphore(%arg8 : memref<!tpu.dma_semaphore, #tpu.memory_space<semaphore_mem>>)
    %dma_wait3A_955 = arith.constant 0 : i32
    %dma_wait3A_956 = arith.constant 0 : i32
    %dma_wait3A_957 = arith.constant 0 : i32
    %dma_wait3A_958 = tpu.memref_slice %arg6[%dma_wait3A_955, %dma_wait3A_956, %dma_wait3A_957] : memref<4x384x64xf32, #tpu.memory_space<vmem>> -> memref<1x384x64xf32, #tpu.memory_space<vmem>>
    %dma_wait3A_959 = tpu.memref_squeeze %dma_wait3A_958 : memref<1x384x64xf32, #tpu.memory_space<vmem>> -> memref<384x64xf32, #tpu.memory_space<vmem>>
    %dma_wait3A_960 = arith.constant 7680 : i32
    %dma_wait3A_961 = tpu.memref_slice %arg5[%dma_wait3A_960] : memref<11520xi32, #tpu.memory_space<vmem>> -> memref<384xi32, #tpu.memory_space<vmem>>
    %dma_wait3A_962 = arith.constant 0 : i32
    %dma_wait3A_963 = arith.constant 0 : i32
    %dma_wait3A_964 = tpu.memref_slice %arg3[%dma_wait3A_962, %dma_wait3A_963] : memref<100000x64xf32, #tpu.memory_space<hbm>> -> memref<100000x64xf32, #tpu.memory_space<hbm>>
    tpu.wait_indirect_dma semaphore(%arg7 : memref<!tpu.dma_semaphore, #tpu.memory_space<semaphore_mem>>) src(%dma_wait3A_964 : memref<100000x64xf32, #tpu.memory_space<hbm>>) dst(%dma_wait3A_959 : memref<384x64xf32, #tpu.memory_space<vmem>>)
    %add3A_965 = arith.constant 7680 : i32
    %add3A_966 = arith.addi %mul3A_2, %add3A_965 : i32
    %dma_start3A_967 = arith.constant 0 : i32
    %dma_start3A_968 = arith.constant 0 : i32
    %dma_start3A_969 = arith.constant 0 : i32
    %dma_start3A_970 = tpu.memref_slice %arg6[%dma_start3A_967, %dma_start3A_968, %dma_start3A_969] : memref<4x384x64xf32, #tpu.memory_space<vmem>> -> memref<1x384x64xf32, #tpu.memory_space<vmem>>
    %dma_start3A_971 = tpu.memref_squeeze %dma_start3A_970 : memref<1x384x64xf32, #tpu.memory_space<vmem>> -> memref<384x64xf32, #tpu.memory_space<vmem>>
    %dma_start3A_972 = arith.constant 0 : i32
    %dma_start3A_973 = tpu.memref_slice %arg4[%add3A_966, %dma_start3A_972] : memref<368640x64xf32, #tpu.memory_space<hbm>> -> memref<384x64xf32, #tpu.memory_space<hbm>>
    %dma_start3A_974 = arith.constant 0 : i32
    %dma_start3A_975 = tpu.memref_slice %arg4[%add3A_966, %dma_start3A_974] : memref<368640x64xf32, #tpu.memory_space<hbm>> -> memref<384x64xf32, #tpu.memory_space<hbm>>
    %dma_start3A_976 = arith.constant 0 : i32
    %dma_start3A_977 = arith.constant 0 : i32
    %dma_start3A_978 = tpu.memref_slice %arg6[%dma_start3A_967, %dma_start3A_976, %dma_start3A_977] : memref<4x384x64xf32, #tpu.memory_space<vmem>> -> memref<1x384x64xf32, #tpu.memory_space<vmem>>
    %dma_start3A_979 = tpu.memref_squeeze %dma_start3A_978 : memref<1x384x64xf32, #tpu.memory_space<vmem>> -> memref<384x64xf32, #tpu.memory_space<vmem>>
    tpu.enqueue_dma source(%dma_start3A_979 : memref<384x64xf32, #tpu.memory_space<vmem>>) target(%dma_start3A_975 : memref<384x64xf32, #tpu.memory_space<hbm>>) target_semaphore(%arg11 : memref<!tpu.dma_semaphore, #tpu.memory_space<semaphore_mem>>)
    %dma_wait3A_980 = arith.constant 2 : i32
    %dma_wait3A_981 = arith.constant 0 : i32
    %dma_wait3A_982 = arith.constant 0 : i32
    %dma_wait3A_983 = tpu.memref_slice %arg6[%dma_wait3A_980, %dma_wait3A_981, %dma_wait3A_982] : memref<4x384x64xf32, #tpu.memory_space<vmem>> -> memref<1x384x64xf32, #tpu.memory_space<vmem>>
    %dma_wait3A_984 = tpu.memref_squeeze %dma_wait3A_983 : memref<1x384x64xf32, #tpu.memory_space<vmem>> -> memref<384x64xf32, #tpu.memory_space<vmem>>
    %dma_wait3A_985 = arith.constant 0 : i32
    %dma_wait3A_986 = tpu.memref_slice %arg4[%add3A_870, %dma_wait3A_985] : memref<368640x64xf32, #tpu.memory_space<hbm>> -> memref<384x64xf32, #tpu.memory_space<hbm>>
    %dma_wait3A_987 = arith.constant 0 : i32
    %dma_wait3A_988 = tpu.memref_slice %arg4[%add3A_870, %dma_wait3A_987] : memref<368640x64xf32, #tpu.memory_space<hbm>> -> memref<384x64xf32, #tpu.memory_space<hbm>>
    %dma_wait3A_989 = arith.constant 0 : i32
    %dma_wait3A_990 = arith.constant 0 : i32
    %dma_wait3A_991 = tpu.memref_slice %arg6[%dma_wait3A_980, %dma_wait3A_989, %dma_wait3A_990] : memref<4x384x64xf32, #tpu.memory_space<vmem>> -> memref<1x384x64xf32, #tpu.memory_space<vmem>>
    %dma_wait3A_992 = tpu.memref_squeeze %dma_wait3A_991 : memref<1x384x64xf32, #tpu.memory_space<vmem>> -> memref<384x64xf32, #tpu.memory_space<vmem>>
    tpu.wait_dma2 semaphore(%arg13 : memref<!tpu.dma_semaphore, #tpu.memory_space<semaphore_mem>>) src(%dma_wait3A_992 : memref<384x64xf32, #tpu.memory_space<vmem>>) dst(%dma_wait3A_988 : memref<384x64xf32, #tpu.memory_space<hbm>>)
    %dma_start3A_993 = arith.constant 2 : i32
    %dma_start3A_994 = arith.constant 0 : i32
    %dma_start3A_995 = arith.constant 0 : i32
    %dma_start3A_996 = tpu.memref_slice %arg6[%dma_start3A_993, %dma_start3A_994, %dma_start3A_995] : memref<4x384x64xf32, #tpu.memory_space<vmem>> -> memref<1x384x64xf32, #tpu.memory_space<vmem>>
    %dma_start3A_997 = tpu.memref_squeeze %dma_start3A_996 : memref<1x384x64xf32, #tpu.memory_space<vmem>> -> memref<384x64xf32, #tpu.memory_space<vmem>>
    %dma_start3A_998 = arith.constant 8448 : i32
    %dma_start3A_999 = tpu.memref_slice %arg5[%dma_start3A_998] : memref<11520xi32, #tpu.memory_space<vmem>> -> memref<384xi32, #tpu.memory_space<vmem>>
    %dma_start3A_1000 = arith.constant 0 : i32
    %dma_start3A_1001 = arith.constant 0 : i32
    %dma_start3A_1002 = tpu.memref_slice %arg3[%dma_start3A_1000, %dma_start3A_1001] : memref<100000x64xf32, #tpu.memory_space<hbm>> -> memref<100000x64xf32, #tpu.memory_space<hbm>>
    tpu.enqueue_indirect_dma source(%dma_start3A_1002 : memref<100000x64xf32, #tpu.memory_space<hbm>>) target(%dma_start3A_997 : memref<384x64xf32, #tpu.memory_space<vmem>>) offsets(%dma_start3A_999 : memref<384xi32, #tpu.memory_space<vmem>>) semaphore(%arg9 : memref<!tpu.dma_semaphore, #tpu.memory_space<semaphore_mem>>)
    %dma_wait3A_1003 = arith.constant 1 : i32
    %dma_wait3A_1004 = arith.constant 0 : i32
    %dma_wait3A_1005 = arith.constant 0 : i32
    %dma_wait3A_1006 = tpu.memref_slice %arg6[%dma_wait3A_1003, %dma_wait3A_1004, %dma_wait3A_1005] : memref<4x384x64xf32, #tpu.memory_space<vmem>> -> memref<1x384x64xf32, #tpu.memory_space<vmem>>
    %dma_wait3A_1007 = tpu.memref_squeeze %dma_wait3A_1006 : memref<1x384x64xf32, #tpu.memory_space<vmem>> -> memref<384x64xf32, #tpu.memory_space<vmem>>
    %dma_wait3A_1008 = arith.constant 8064 : i32
    %dma_wait3A_1009 = tpu.memref_slice %arg5[%dma_wait3A_1008] : memref<11520xi32, #tpu.memory_space<vmem>> -> memref<384xi32, #tpu.memory_space<vmem>>
    %dma_wait3A_1010 = arith.constant 0 : i32
    %dma_wait3A_1011 = arith.constant 0 : i32
    %dma_wait3A_1012 = tpu.memref_slice %arg3[%dma_wait3A_1010, %dma_wait3A_1011] : memref<100000x64xf32, #tpu.memory_space<hbm>> -> memref<100000x64xf32, #tpu.memory_space<hbm>>
    tpu.wait_indirect_dma semaphore(%arg8 : memref<!tpu.dma_semaphore, #tpu.memory_space<semaphore_mem>>) src(%dma_wait3A_1012 : memref<100000x64xf32, #tpu.memory_space<hbm>>) dst(%dma_wait3A_1007 : memref<384x64xf32, #tpu.memory_space<vmem>>)
    %add3A_1013 = arith.constant 8064 : i32
    %add3A_1014 = arith.addi %mul3A_2, %add3A_1013 : i32
    %dma_start3A_1015 = arith.constant 1 : i32
    %dma_start3A_1016 = arith.constant 0 : i32
    %dma_start3A_1017 = arith.constant 0 : i32
    %dma_start3A_1018 = tpu.memref_slice %arg6[%dma_start3A_1015, %dma_start3A_1016, %dma_start3A_1017] : memref<4x384x64xf32, #tpu.memory_space<vmem>> -> memref<1x384x64xf32, #tpu.memory_space<vmem>>
    %dma_start3A_1019 = tpu.memref_squeeze %dma_start3A_1018 : memref<1x384x64xf32, #tpu.memory_space<vmem>> -> memref<384x64xf32, #tpu.memory_space<vmem>>
    %dma_start3A_1020 = arith.constant 0 : i32
    %dma_start3A_1021 = tpu.memref_slice %arg4[%add3A_1014, %dma_start3A_1020] : memref<368640x64xf32, #tpu.memory_space<hbm>> -> memref<384x64xf32, #tpu.memory_space<hbm>>
    %dma_start3A_1022 = arith.constant 0 : i32
    %dma_start3A_1023 = tpu.memref_slice %arg4[%add3A_1014, %dma_start3A_1022] : memref<368640x64xf32, #tpu.memory_space<hbm>> -> memref<384x64xf32, #tpu.memory_space<hbm>>
    %dma_start3A_1024 = arith.constant 0 : i32
    %dma_start3A_1025 = arith.constant 0 : i32
    %dma_start3A_1026 = tpu.memref_slice %arg6[%dma_start3A_1015, %dma_start3A_1024, %dma_start3A_1025] : memref<4x384x64xf32, #tpu.memory_space<vmem>> -> memref<1x384x64xf32, #tpu.memory_space<vmem>>
    %dma_start3A_1027 = tpu.memref_squeeze %dma_start3A_1026 : memref<1x384x64xf32, #tpu.memory_space<vmem>> -> memref<384x64xf32, #tpu.memory_space<vmem>>
    tpu.enqueue_dma source(%dma_start3A_1027 : memref<384x64xf32, #tpu.memory_space<vmem>>) target(%dma_start3A_1023 : memref<384x64xf32, #tpu.memory_space<hbm>>) target_semaphore(%arg12 : memref<!tpu.dma_semaphore, #tpu.memory_space<semaphore_mem>>)
    %dma_wait3A_1028 = arith.constant 3 : i32
    %dma_wait3A_1029 = arith.constant 0 : i32
    %dma_wait3A_1030 = arith.constant 0 : i32
    %dma_wait3A_1031 = tpu.memref_slice %arg6[%dma_wait3A_1028, %dma_wait3A_1029, %dma_wait3A_1030] : memref<4x384x64xf32, #tpu.memory_space<vmem>> -> memref<1x384x64xf32, #tpu.memory_space<vmem>>
    %dma_wait3A_1032 = tpu.memref_squeeze %dma_wait3A_1031 : memref<1x384x64xf32, #tpu.memory_space<vmem>> -> memref<384x64xf32, #tpu.memory_space<vmem>>
    %dma_wait3A_1033 = arith.constant 0 : i32
    %dma_wait3A_1034 = tpu.memref_slice %arg4[%add3A_918, %dma_wait3A_1033] : memref<368640x64xf32, #tpu.memory_space<hbm>> -> memref<384x64xf32, #tpu.memory_space<hbm>>
    %dma_wait3A_1035 = arith.constant 0 : i32
    %dma_wait3A_1036 = tpu.memref_slice %arg4[%add3A_918, %dma_wait3A_1035] : memref<368640x64xf32, #tpu.memory_space<hbm>> -> memref<384x64xf32, #tpu.memory_space<hbm>>
    %dma_wait3A_1037 = arith.constant 0 : i32
    %dma_wait3A_1038 = arith.constant 0 : i32
    %dma_wait3A_1039 = tpu.memref_slice %arg6[%dma_wait3A_1028, %dma_wait3A_1037, %dma_wait3A_1038] : memref<4x384x64xf32, #tpu.memory_space<vmem>> -> memref<1x384x64xf32, #tpu.memory_space<vmem>>
    %dma_wait3A_1040 = tpu.memref_squeeze %dma_wait3A_1039 : memref<1x384x64xf32, #tpu.memory_space<vmem>> -> memref<384x64xf32, #tpu.memory_space<vmem>>
    tpu.wait_dma2 semaphore(%arg14 : memref<!tpu.dma_semaphore, #tpu.memory_space<semaphore_mem>>) src(%dma_wait3A_1040 : memref<384x64xf32, #tpu.memory_space<vmem>>) dst(%dma_wait3A_1036 : memref<384x64xf32, #tpu.memory_space<hbm>>)
    %dma_start3A_1041 = arith.constant 3 : i32
    %dma_start3A_1042 = arith.constant 0 : i32
    %dma_start3A_1043 = arith.constant 0 : i32
    %dma_start3A_1044 = tpu.memref_slice %arg6[%dma_start3A_1041, %dma_start3A_1042, %dma_start3A_1043] : memref<4x384x64xf32, #tpu.memory_space<vmem>> -> memref<1x384x64xf32, #tpu.memory_space<vmem>>
    %dma_start3A_1045 = tpu.memref_squeeze %dma_start3A_1044 : memref<1x384x64xf32, #tpu.memory_space<vmem>> -> memref<384x64xf32, #tpu.memory_space<vmem>>
    %dma_start3A_1046 = arith.constant 8832 : i32
    %dma_start3A_1047 = tpu.memref_slice %arg5[%dma_start3A_1046] : memref<11520xi32, #tpu.memory_space<vmem>> -> memref<384xi32, #tpu.memory_space<vmem>>
    %dma_start3A_1048 = arith.constant 0 : i32
    %dma_start3A_1049 = arith.constant 0 : i32
    %dma_start3A_1050 = tpu.memref_slice %arg3[%dma_start3A_1048, %dma_start3A_1049] : memref<100000x64xf32, #tpu.memory_space<hbm>> -> memref<100000x64xf32, #tpu.memory_space<hbm>>
    tpu.enqueue_indirect_dma source(%dma_start3A_1050 : memref<100000x64xf32, #tpu.memory_space<hbm>>) target(%dma_start3A_1045 : memref<384x64xf32, #tpu.memory_space<vmem>>) offsets(%dma_start3A_1047 : memref<384xi32, #tpu.memory_space<vmem>>) semaphore(%arg10 : memref<!tpu.dma_semaphore, #tpu.memory_space<semaphore_mem>>)
    %dma_wait3A_1051 = arith.constant 2 : i32
    %dma_wait3A_1052 = arith.constant 0 : i32
    %dma_wait3A_1053 = arith.constant 0 : i32
    %dma_wait3A_1054 = tpu.memref_slice %arg6[%dma_wait3A_1051, %dma_wait3A_1052, %dma_wait3A_1053] : memref<4x384x64xf32, #tpu.memory_space<vmem>> -> memref<1x384x64xf32, #tpu.memory_space<vmem>>
    %dma_wait3A_1055 = tpu.memref_squeeze %dma_wait3A_1054 : memref<1x384x64xf32, #tpu.memory_space<vmem>> -> memref<384x64xf32, #tpu.memory_space<vmem>>
    %dma_wait3A_1056 = arith.constant 8448 : i32
    %dma_wait3A_1057 = tpu.memref_slice %arg5[%dma_wait3A_1056] : memref<11520xi32, #tpu.memory_space<vmem>> -> memref<384xi32, #tpu.memory_space<vmem>>
    %dma_wait3A_1058 = arith.constant 0 : i32
    %dma_wait3A_1059 = arith.constant 0 : i32
    %dma_wait3A_1060 = tpu.memref_slice %arg3[%dma_wait3A_1058, %dma_wait3A_1059] : memref<100000x64xf32, #tpu.memory_space<hbm>> -> memref<100000x64xf32, #tpu.memory_space<hbm>>
    tpu.wait_indirect_dma semaphore(%arg9 : memref<!tpu.dma_semaphore, #tpu.memory_space<semaphore_mem>>) src(%dma_wait3A_1060 : memref<100000x64xf32, #tpu.memory_space<hbm>>) dst(%dma_wait3A_1055 : memref<384x64xf32, #tpu.memory_space<vmem>>)
    %add3A_1061 = arith.constant 8448 : i32
    %add3A_1062 = arith.addi %mul3A_2, %add3A_1061 : i32
    %dma_start3A_1063 = arith.constant 2 : i32
    %dma_start3A_1064 = arith.constant 0 : i32
    %dma_start3A_1065 = arith.constant 0 : i32
    %dma_start3A_1066 = tpu.memref_slice %arg6[%dma_start3A_1063, %dma_start3A_1064, %dma_start3A_1065] : memref<4x384x64xf32, #tpu.memory_space<vmem>> -> memref<1x384x64xf32, #tpu.memory_space<vmem>>
    %dma_start3A_1067 = tpu.memref_squeeze %dma_start3A_1066 : memref<1x384x64xf32, #tpu.memory_space<vmem>> -> memref<384x64xf32, #tpu.memory_space<vmem>>
    %dma_start3A_1068 = arith.constant 0 : i32
    %dma_start3A_1069 = tpu.memref_slice %arg4[%add3A_1062, %dma_start3A_1068] : memref<368640x64xf32, #tpu.memory_space<hbm>> -> memref<384x64xf32, #tpu.memory_space<hbm>>
    %dma_start3A_1070 = arith.constant 0 : i32
    %dma_start3A_1071 = tpu.memref_slice %arg4[%add3A_1062, %dma_start3A_1070] : memref<368640x64xf32, #tpu.memory_space<hbm>> -> memref<384x64xf32, #tpu.memory_space<hbm>>
    %dma_start3A_1072 = arith.constant 0 : i32
    %dma_start3A_1073 = arith.constant 0 : i32
    %dma_start3A_1074 = tpu.memref_slice %arg6[%dma_start3A_1063, %dma_start3A_1072, %dma_start3A_1073] : memref<4x384x64xf32, #tpu.memory_space<vmem>> -> memref<1x384x64xf32, #tpu.memory_space<vmem>>
    %dma_start3A_1075 = tpu.memref_squeeze %dma_start3A_1074 : memref<1x384x64xf32, #tpu.memory_space<vmem>> -> memref<384x64xf32, #tpu.memory_space<vmem>>
    tpu.enqueue_dma source(%dma_start3A_1075 : memref<384x64xf32, #tpu.memory_space<vmem>>) target(%dma_start3A_1071 : memref<384x64xf32, #tpu.memory_space<hbm>>) target_semaphore(%arg13 : memref<!tpu.dma_semaphore, #tpu.memory_space<semaphore_mem>>)
    %dma_wait3A_1076 = arith.constant 0 : i32
    %dma_wait3A_1077 = arith.constant 0 : i32
    %dma_wait3A_1078 = arith.constant 0 : i32
    %dma_wait3A_1079 = tpu.memref_slice %arg6[%dma_wait3A_1076, %dma_wait3A_1077, %dma_wait3A_1078] : memref<4x384x64xf32, #tpu.memory_space<vmem>> -> memref<1x384x64xf32, #tpu.memory_space<vmem>>
    %dma_wait3A_1080 = tpu.memref_squeeze %dma_wait3A_1079 : memref<1x384x64xf32, #tpu.memory_space<vmem>> -> memref<384x64xf32, #tpu.memory_space<vmem>>
    %dma_wait3A_1081 = arith.constant 0 : i32
    %dma_wait3A_1082 = tpu.memref_slice %arg4[%add3A_966, %dma_wait3A_1081] : memref<368640x64xf32, #tpu.memory_space<hbm>> -> memref<384x64xf32, #tpu.memory_space<hbm>>
    %dma_wait3A_1083 = arith.constant 0 : i32
    %dma_wait3A_1084 = tpu.memref_slice %arg4[%add3A_966, %dma_wait3A_1083] : memref<368640x64xf32, #tpu.memory_space<hbm>> -> memref<384x64xf32, #tpu.memory_space<hbm>>
    %dma_wait3A_1085 = arith.constant 0 : i32
    %dma_wait3A_1086 = arith.constant 0 : i32
    %dma_wait3A_1087 = tpu.memref_slice %arg6[%dma_wait3A_1076, %dma_wait3A_1085, %dma_wait3A_1086] : memref<4x384x64xf32, #tpu.memory_space<vmem>> -> memref<1x384x64xf32, #tpu.memory_space<vmem>>
    %dma_wait3A_1088 = tpu.memref_squeeze %dma_wait3A_1087 : memref<1x384x64xf32, #tpu.memory_space<vmem>> -> memref<384x64xf32, #tpu.memory_space<vmem>>
    tpu.wait_dma2 semaphore(%arg11 : memref<!tpu.dma_semaphore, #tpu.memory_space<semaphore_mem>>) src(%dma_wait3A_1088 : memref<384x64xf32, #tpu.memory_space<vmem>>) dst(%dma_wait3A_1084 : memref<384x64xf32, #tpu.memory_space<hbm>>)
    %dma_start3A_1089 = arith.constant 0 : i32
    %dma_start3A_1090 = arith.constant 0 : i32
    %dma_start3A_1091 = arith.constant 0 : i32
    %dma_start3A_1092 = tpu.memref_slice %arg6[%dma_start3A_1089, %dma_start3A_1090, %dma_start3A_1091] : memref<4x384x64xf32, #tpu.memory_space<vmem>> -> memref<1x384x64xf32, #tpu.memory_space<vmem>>
    %dma_start3A_1093 = tpu.memref_squeeze %dma_start3A_1092 : memref<1x384x64xf32, #tpu.memory_space<vmem>> -> memref<384x64xf32, #tpu.memory_space<vmem>>
    %dma_start3A_1094 = arith.constant 9216 : i32
    %dma_start3A_1095 = tpu.memref_slice %arg5[%dma_start3A_1094] : memref<11520xi32, #tpu.memory_space<vmem>> -> memref<384xi32, #tpu.memory_space<vmem>>
    %dma_start3A_1096 = arith.constant 0 : i32
    %dma_start3A_1097 = arith.constant 0 : i32
    %dma_start3A_1098 = tpu.memref_slice %arg3[%dma_start3A_1096, %dma_start3A_1097] : memref<100000x64xf32, #tpu.memory_space<hbm>> -> memref<100000x64xf32, #tpu.memory_space<hbm>>
    tpu.enqueue_indirect_dma source(%dma_start3A_1098 : memref<100000x64xf32, #tpu.memory_space<hbm>>) target(%dma_start3A_1093 : memref<384x64xf32, #tpu.memory_space<vmem>>) offsets(%dma_start3A_1095 : memref<384xi32, #tpu.memory_space<vmem>>) semaphore(%arg7 : memref<!tpu.dma_semaphore, #tpu.memory_space<semaphore_mem>>)
    %dma_wait3A_1099 = arith.constant 3 : i32
    %dma_wait3A_1100 = arith.constant 0 : i32
    %dma_wait3A_1101 = arith.constant 0 : i32
    %dma_wait3A_1102 = tpu.memref_slice %arg6[%dma_wait3A_1099, %dma_wait3A_1100, %dma_wait3A_1101] : memref<4x384x64xf32, #tpu.memory_space<vmem>> -> memref<1x384x64xf32, #tpu.memory_space<vmem>>
    %dma_wait3A_1103 = tpu.memref_squeeze %dma_wait3A_1102 : memref<1x384x64xf32, #tpu.memory_space<vmem>> -> memref<384x64xf32, #tpu.memory_space<vmem>>
    %dma_wait3A_1104 = arith.constant 8832 : i32
    %dma_wait3A_1105 = tpu.memref_slice %arg5[%dma_wait3A_1104] : memref<11520xi32, #tpu.memory_space<vmem>> -> memref<384xi32, #tpu.memory_space<vmem>>
    %dma_wait3A_1106 = arith.constant 0 : i32
    %dma_wait3A_1107 = arith.constant 0 : i32
    %dma_wait3A_1108 = tpu.memref_slice %arg3[%dma_wait3A_1106, %dma_wait3A_1107] : memref<100000x64xf32, #tpu.memory_space<hbm>> -> memref<100000x64xf32, #tpu.memory_space<hbm>>
    tpu.wait_indirect_dma semaphore(%arg10 : memref<!tpu.dma_semaphore, #tpu.memory_space<semaphore_mem>>) src(%dma_wait3A_1108 : memref<100000x64xf32, #tpu.memory_space<hbm>>) dst(%dma_wait3A_1103 : memref<384x64xf32, #tpu.memory_space<vmem>>)
    %add3A_1109 = arith.constant 8832 : i32
    %add3A_1110 = arith.addi %mul3A_2, %add3A_1109 : i32
    %dma_start3A_1111 = arith.constant 3 : i32
    %dma_start3A_1112 = arith.constant 0 : i32
    %dma_start3A_1113 = arith.constant 0 : i32
    %dma_start3A_1114 = tpu.memref_slice %arg6[%dma_start3A_1111, %dma_start3A_1112, %dma_start3A_1113] : memref<4x384x64xf32, #tpu.memory_space<vmem>> -> memref<1x384x64xf32, #tpu.memory_space<vmem>>
    %dma_start3A_1115 = tpu.memref_squeeze %dma_start3A_1114 : memref<1x384x64xf32, #tpu.memory_space<vmem>> -> memref<384x64xf32, #tpu.memory_space<vmem>>
    %dma_start3A_1116 = arith.constant 0 : i32
    %dma_start3A_1117 = tpu.memref_slice %arg4[%add3A_1110, %dma_start3A_1116] : memref<368640x64xf32, #tpu.memory_space<hbm>> -> memref<384x64xf32, #tpu.memory_space<hbm>>
    %dma_start3A_1118 = arith.constant 0 : i32
    %dma_start3A_1119 = tpu.memref_slice %arg4[%add3A_1110, %dma_start3A_1118] : memref<368640x64xf32, #tpu.memory_space<hbm>> -> memref<384x64xf32, #tpu.memory_space<hbm>>
    %dma_start3A_1120 = arith.constant 0 : i32
    %dma_start3A_1121 = arith.constant 0 : i32
    %dma_start3A_1122 = tpu.memref_slice %arg6[%dma_start3A_1111, %dma_start3A_1120, %dma_start3A_1121] : memref<4x384x64xf32, #tpu.memory_space<vmem>> -> memref<1x384x64xf32, #tpu.memory_space<vmem>>
    %dma_start3A_1123 = tpu.memref_squeeze %dma_start3A_1122 : memref<1x384x64xf32, #tpu.memory_space<vmem>> -> memref<384x64xf32, #tpu.memory_space<vmem>>
    tpu.enqueue_dma source(%dma_start3A_1123 : memref<384x64xf32, #tpu.memory_space<vmem>>) target(%dma_start3A_1119 : memref<384x64xf32, #tpu.memory_space<hbm>>) target_semaphore(%arg14 : memref<!tpu.dma_semaphore, #tpu.memory_space<semaphore_mem>>)
    %dma_wait3A_1124 = arith.constant 1 : i32
    %dma_wait3A_1125 = arith.constant 0 : i32
    %dma_wait3A_1126 = arith.constant 0 : i32
    %dma_wait3A_1127 = tpu.memref_slice %arg6[%dma_wait3A_1124, %dma_wait3A_1125, %dma_wait3A_1126] : memref<4x384x64xf32, #tpu.memory_space<vmem>> -> memref<1x384x64xf32, #tpu.memory_space<vmem>>
    %dma_wait3A_1128 = tpu.memref_squeeze %dma_wait3A_1127 : memref<1x384x64xf32, #tpu.memory_space<vmem>> -> memref<384x64xf32, #tpu.memory_space<vmem>>
    %dma_wait3A_1129 = arith.constant 0 : i32
    %dma_wait3A_1130 = tpu.memref_slice %arg4[%add3A_1014, %dma_wait3A_1129] : memref<368640x64xf32, #tpu.memory_space<hbm>> -> memref<384x64xf32, #tpu.memory_space<hbm>>
    %dma_wait3A_1131 = arith.constant 0 : i32
    %dma_wait3A_1132 = tpu.memref_slice %arg4[%add3A_1014, %dma_wait3A_1131] : memref<368640x64xf32, #tpu.memory_space<hbm>> -> memref<384x64xf32, #tpu.memory_space<hbm>>
    %dma_wait3A_1133 = arith.constant 0 : i32
    %dma_wait3A_1134 = arith.constant 0 : i32
    %dma_wait3A_1135 = tpu.memref_slice %arg6[%dma_wait3A_1124, %dma_wait3A_1133, %dma_wait3A_1134] : memref<4x384x64xf32, #tpu.memory_space<vmem>> -> memref<1x384x64xf32, #tpu.memory_space<vmem>>
    %dma_wait3A_1136 = tpu.memref_squeeze %dma_wait3A_1135 : memref<1x384x64xf32, #tpu.memory_space<vmem>> -> memref<384x64xf32, #tpu.memory_space<vmem>>
    tpu.wait_dma2 semaphore(%arg12 : memref<!tpu.dma_semaphore, #tpu.memory_space<semaphore_mem>>) src(%dma_wait3A_1136 : memref<384x64xf32, #tpu.memory_space<vmem>>) dst(%dma_wait3A_1132 : memref<384x64xf32, #tpu.memory_space<hbm>>)
    %dma_start3A_1137 = arith.constant 1 : i32
    %dma_start3A_1138 = arith.constant 0 : i32
    %dma_start3A_1139 = arith.constant 0 : i32
    %dma_start3A_1140 = tpu.memref_slice %arg6[%dma_start3A_1137, %dma_start3A_1138, %dma_start3A_1139] : memref<4x384x64xf32, #tpu.memory_space<vmem>> -> memref<1x384x64xf32, #tpu.memory_space<vmem>>
    %dma_start3A_1141 = tpu.memref_squeeze %dma_start3A_1140 : memref<1x384x64xf32, #tpu.memory_space<vmem>> -> memref<384x64xf32, #tpu.memory_space<vmem>>
    %dma_start3A_1142 = arith.constant 9600 : i32
    %dma_start3A_1143 = tpu.memref_slice %arg5[%dma_start3A_1142] : memref<11520xi32, #tpu.memory_space<vmem>> -> memref<384xi32, #tpu.memory_space<vmem>>
    %dma_start3A_1144 = arith.constant 0 : i32
    %dma_start3A_1145 = arith.constant 0 : i32
    %dma_start3A_1146 = tpu.memref_slice %arg3[%dma_start3A_1144, %dma_start3A_1145] : memref<100000x64xf32, #tpu.memory_space<hbm>> -> memref<100000x64xf32, #tpu.memory_space<hbm>>
    tpu.enqueue_indirect_dma source(%dma_start3A_1146 : memref<100000x64xf32, #tpu.memory_space<hbm>>) target(%dma_start3A_1141 : memref<384x64xf32, #tpu.memory_space<vmem>>) offsets(%dma_start3A_1143 : memref<384xi32, #tpu.memory_space<vmem>>) semaphore(%arg8 : memref<!tpu.dma_semaphore, #tpu.memory_space<semaphore_mem>>)
    %dma_wait3A_1147 = arith.constant 0 : i32
    %dma_wait3A_1148 = arith.constant 0 : i32
    %dma_wait3A_1149 = arith.constant 0 : i32
    %dma_wait3A_1150 = tpu.memref_slice %arg6[%dma_wait3A_1147, %dma_wait3A_1148, %dma_wait3A_1149] : memref<4x384x64xf32, #tpu.memory_space<vmem>> -> memref<1x384x64xf32, #tpu.memory_space<vmem>>
    %dma_wait3A_1151 = tpu.memref_squeeze %dma_wait3A_1150 : memref<1x384x64xf32, #tpu.memory_space<vmem>> -> memref<384x64xf32, #tpu.memory_space<vmem>>
    %dma_wait3A_1152 = arith.constant 9216 : i32
    %dma_wait3A_1153 = tpu.memref_slice %arg5[%dma_wait3A_1152] : memref<11520xi32, #tpu.memory_space<vmem>> -> memref<384xi32, #tpu.memory_space<vmem>>
    %dma_wait3A_1154 = arith.constant 0 : i32
    %dma_wait3A_1155 = arith.constant 0 : i32
    %dma_wait3A_1156 = tpu.memref_slice %arg3[%dma_wait3A_1154, %dma_wait3A_1155] : memref<100000x64xf32, #tpu.memory_space<hbm>> -> memref<100000x64xf32, #tpu.memory_space<hbm>>
    tpu.wait_indirect_dma semaphore(%arg7 : memref<!tpu.dma_semaphore, #tpu.memory_space<semaphore_mem>>) src(%dma_wait3A_1156 : memref<100000x64xf32, #tpu.memory_space<hbm>>) dst(%dma_wait3A_1151 : memref<384x64xf32, #tpu.memory_space<vmem>>)
    %add3A_1157 = arith.constant 9216 : i32
    %add3A_1158 = arith.addi %mul3A_2, %add3A_1157 : i32
    %dma_start3A_1159 = arith.constant 0 : i32
    %dma_start3A_1160 = arith.constant 0 : i32
    %dma_start3A_1161 = arith.constant 0 : i32
    %dma_start3A_1162 = tpu.memref_slice %arg6[%dma_start3A_1159, %dma_start3A_1160, %dma_start3A_1161] : memref<4x384x64xf32, #tpu.memory_space<vmem>> -> memref<1x384x64xf32, #tpu.memory_space<vmem>>
    %dma_start3A_1163 = tpu.memref_squeeze %dma_start3A_1162 : memref<1x384x64xf32, #tpu.memory_space<vmem>> -> memref<384x64xf32, #tpu.memory_space<vmem>>
    %dma_start3A_1164 = arith.constant 0 : i32
    %dma_start3A_1165 = tpu.memref_slice %arg4[%add3A_1158, %dma_start3A_1164] : memref<368640x64xf32, #tpu.memory_space<hbm>> -> memref<384x64xf32, #tpu.memory_space<hbm>>
    %dma_start3A_1166 = arith.constant 0 : i32
    %dma_start3A_1167 = tpu.memref_slice %arg4[%add3A_1158, %dma_start3A_1166] : memref<368640x64xf32, #tpu.memory_space<hbm>> -> memref<384x64xf32, #tpu.memory_space<hbm>>
    %dma_start3A_1168 = arith.constant 0 : i32
    %dma_start3A_1169 = arith.constant 0 : i32
    %dma_start3A_1170 = tpu.memref_slice %arg6[%dma_start3A_1159, %dma_start3A_1168, %dma_start3A_1169] : memref<4x384x64xf32, #tpu.memory_space<vmem>> -> memref<1x384x64xf32, #tpu.memory_space<vmem>>
    %dma_start3A_1171 = tpu.memref_squeeze %dma_start3A_1170 : memref<1x384x64xf32, #tpu.memory_space<vmem>> -> memref<384x64xf32, #tpu.memory_space<vmem>>
    tpu.enqueue_dma source(%dma_start3A_1171 : memref<384x64xf32, #tpu.memory_space<vmem>>) target(%dma_start3A_1167 : memref<384x64xf32, #tpu.memory_space<hbm>>) target_semaphore(%arg11 : memref<!tpu.dma_semaphore, #tpu.memory_space<semaphore_mem>>)
    %dma_wait3A_1172 = arith.constant 2 : i32
    %dma_wait3A_1173 = arith.constant 0 : i32
    %dma_wait3A_1174 = arith.constant 0 : i32
    %dma_wait3A_1175 = tpu.memref_slice %arg6[%dma_wait3A_1172, %dma_wait3A_1173, %dma_wait3A_1174] : memref<4x384x64xf32, #tpu.memory_space<vmem>> -> memref<1x384x64xf32, #tpu.memory_space<vmem>>
    %dma_wait3A_1176 = tpu.memref_squeeze %dma_wait3A_1175 : memref<1x384x64xf32, #tpu.memory_space<vmem>> -> memref<384x64xf32, #tpu.memory_space<vmem>>
    %dma_wait3A_1177 = arith.constant 0 : i32
    %dma_wait3A_1178 = tpu.memref_slice %arg4[%add3A_1062, %dma_wait3A_1177] : memref<368640x64xf32, #tpu.memory_space<hbm>> -> memref<384x64xf32, #tpu.memory_space<hbm>>
    %dma_wait3A_1179 = arith.constant 0 : i32
    %dma_wait3A_1180 = tpu.memref_slice %arg4[%add3A_1062, %dma_wait3A_1179] : memref<368640x64xf32, #tpu.memory_space<hbm>> -> memref<384x64xf32, #tpu.memory_space<hbm>>
    %dma_wait3A_1181 = arith.constant 0 : i32
    %dma_wait3A_1182 = arith.constant 0 : i32
    %dma_wait3A_1183 = tpu.memref_slice %arg6[%dma_wait3A_1172, %dma_wait3A_1181, %dma_wait3A_1182] : memref<4x384x64xf32, #tpu.memory_space<vmem>> -> memref<1x384x64xf32, #tpu.memory_space<vmem>>
    %dma_wait3A_1184 = tpu.memref_squeeze %dma_wait3A_1183 : memref<1x384x64xf32, #tpu.memory_space<vmem>> -> memref<384x64xf32, #tpu.memory_space<vmem>>
    tpu.wait_dma2 semaphore(%arg13 : memref<!tpu.dma_semaphore, #tpu.memory_space<semaphore_mem>>) src(%dma_wait3A_1184 : memref<384x64xf32, #tpu.memory_space<vmem>>) dst(%dma_wait3A_1180 : memref<384x64xf32, #tpu.memory_space<hbm>>)
    %dma_start3A_1185 = arith.constant 2 : i32
    %dma_start3A_1186 = arith.constant 0 : i32
    %dma_start3A_1187 = arith.constant 0 : i32
    %dma_start3A_1188 = tpu.memref_slice %arg6[%dma_start3A_1185, %dma_start3A_1186, %dma_start3A_1187] : memref<4x384x64xf32, #tpu.memory_space<vmem>> -> memref<1x384x64xf32, #tpu.memory_space<vmem>>
    %dma_start3A_1189 = tpu.memref_squeeze %dma_start3A_1188 : memref<1x384x64xf32, #tpu.memory_space<vmem>> -> memref<384x64xf32, #tpu.memory_space<vmem>>
    %dma_start3A_1190 = arith.constant 9984 : i32
    %dma_start3A_1191 = tpu.memref_slice %arg5[%dma_start3A_1190] : memref<11520xi32, #tpu.memory_space<vmem>> -> memref<384xi32, #tpu.memory_space<vmem>>
    %dma_start3A_1192 = arith.constant 0 : i32
    %dma_start3A_1193 = arith.constant 0 : i32
    %dma_start3A_1194 = tpu.memref_slice %arg3[%dma_start3A_1192, %dma_start3A_1193] : memref<100000x64xf32, #tpu.memory_space<hbm>> -> memref<100000x64xf32, #tpu.memory_space<hbm>>
    tpu.enqueue_indirect_dma source(%dma_start3A_1194 : memref<100000x64xf32, #tpu.memory_space<hbm>>) target(%dma_start3A_1189 : memref<384x64xf32, #tpu.memory_space<vmem>>) offsets(%dma_start3A_1191 : memref<384xi32, #tpu.memory_space<vmem>>) semaphore(%arg9 : memref<!tpu.dma_semaphore, #tpu.memory_space<semaphore_mem>>)
    %dma_wait3A_1195 = arith.constant 1 : i32
    %dma_wait3A_1196 = arith.constant 0 : i32
    %dma_wait3A_1197 = arith.constant 0 : i32
    %dma_wait3A_1198 = tpu.memref_slice %arg6[%dma_wait3A_1195, %dma_wait3A_1196, %dma_wait3A_1197] : memref<4x384x64xf32, #tpu.memory_space<vmem>> -> memref<1x384x64xf32, #tpu.memory_space<vmem>>
    %dma_wait3A_1199 = tpu.memref_squeeze %dma_wait3A_1198 : memref<1x384x64xf32, #tpu.memory_space<vmem>> -> memref<384x64xf32, #tpu.memory_space<vmem>>
    %dma_wait3A_1200 = arith.constant 9600 : i32
    %dma_wait3A_1201 = tpu.memref_slice %arg5[%dma_wait3A_1200] : memref<11520xi32, #tpu.memory_space<vmem>> -> memref<384xi32, #tpu.memory_space<vmem>>
    %dma_wait3A_1202 = arith.constant 0 : i32
    %dma_wait3A_1203 = arith.constant 0 : i32
    %dma_wait3A_1204 = tpu.memref_slice %arg3[%dma_wait3A_1202, %dma_wait3A_1203] : memref<100000x64xf32, #tpu.memory_space<hbm>> -> memref<100000x64xf32, #tpu.memory_space<hbm>>
    tpu.wait_indirect_dma semaphore(%arg8 : memref<!tpu.dma_semaphore, #tpu.memory_space<semaphore_mem>>) src(%dma_wait3A_1204 : memref<100000x64xf32, #tpu.memory_space<hbm>>) dst(%dma_wait3A_1199 : memref<384x64xf32, #tpu.memory_space<vmem>>)
    %add3A_1205 = arith.constant 9600 : i32
    %add3A_1206 = arith.addi %mul3A_2, %add3A_1205 : i32
    %dma_start3A_1207 = arith.constant 1 : i32
    %dma_start3A_1208 = arith.constant 0 : i32
    %dma_start3A_1209 = arith.constant 0 : i32
    %dma_start3A_1210 = tpu.memref_slice %arg6[%dma_start3A_1207, %dma_start3A_1208, %dma_start3A_1209] : memref<4x384x64xf32, #tpu.memory_space<vmem>> -> memref<1x384x64xf32, #tpu.memory_space<vmem>>
    %dma_start3A_1211 = tpu.memref_squeeze %dma_start3A_1210 : memref<1x384x64xf32, #tpu.memory_space<vmem>> -> memref<384x64xf32, #tpu.memory_space<vmem>>
    %dma_start3A_1212 = arith.constant 0 : i32
    %dma_start3A_1213 = tpu.memref_slice %arg4[%add3A_1206, %dma_start3A_1212] : memref<368640x64xf32, #tpu.memory_space<hbm>> -> memref<384x64xf32, #tpu.memory_space<hbm>>
    %dma_start3A_1214 = arith.constant 0 : i32
    %dma_start3A_1215 = tpu.memref_slice %arg4[%add3A_1206, %dma_start3A_1214] : memref<368640x64xf32, #tpu.memory_space<hbm>> -> memref<384x64xf32, #tpu.memory_space<hbm>>
    %dma_start3A_1216 = arith.constant 0 : i32
    %dma_start3A_1217 = arith.constant 0 : i32
    %dma_start3A_1218 = tpu.memref_slice %arg6[%dma_start3A_1207, %dma_start3A_1216, %dma_start3A_1217] : memref<4x384x64xf32, #tpu.memory_space<vmem>> -> memref<1x384x64xf32, #tpu.memory_space<vmem>>
    %dma_start3A_1219 = tpu.memref_squeeze %dma_start3A_1218 : memref<1x384x64xf32, #tpu.memory_space<vmem>> -> memref<384x64xf32, #tpu.memory_space<vmem>>
    tpu.enqueue_dma source(%dma_start3A_1219 : memref<384x64xf32, #tpu.memory_space<vmem>>) target(%dma_start3A_1215 : memref<384x64xf32, #tpu.memory_space<hbm>>) target_semaphore(%arg12 : memref<!tpu.dma_semaphore, #tpu.memory_space<semaphore_mem>>)
    %dma_wait3A_1220 = arith.constant 3 : i32
    %dma_wait3A_1221 = arith.constant 0 : i32
    %dma_wait3A_1222 = arith.constant 0 : i32
    %dma_wait3A_1223 = tpu.memref_slice %arg6[%dma_wait3A_1220, %dma_wait3A_1221, %dma_wait3A_1222] : memref<4x384x64xf32, #tpu.memory_space<vmem>> -> memref<1x384x64xf32, #tpu.memory_space<vmem>>
    %dma_wait3A_1224 = tpu.memref_squeeze %dma_wait3A_1223 : memref<1x384x64xf32, #tpu.memory_space<vmem>> -> memref<384x64xf32, #tpu.memory_space<vmem>>
    %dma_wait3A_1225 = arith.constant 0 : i32
    %dma_wait3A_1226 = tpu.memref_slice %arg4[%add3A_1110, %dma_wait3A_1225] : memref<368640x64xf32, #tpu.memory_space<hbm>> -> memref<384x64xf32, #tpu.memory_space<hbm>>
    %dma_wait3A_1227 = arith.constant 0 : i32
    %dma_wait3A_1228 = tpu.memref_slice %arg4[%add3A_1110, %dma_wait3A_1227] : memref<368640x64xf32, #tpu.memory_space<hbm>> -> memref<384x64xf32, #tpu.memory_space<hbm>>
    %dma_wait3A_1229 = arith.constant 0 : i32
    %dma_wait3A_1230 = arith.constant 0 : i32
    %dma_wait3A_1231 = tpu.memref_slice %arg6[%dma_wait3A_1220, %dma_wait3A_1229, %dma_wait3A_1230] : memref<4x384x64xf32, #tpu.memory_space<vmem>> -> memref<1x384x64xf32, #tpu.memory_space<vmem>>
    %dma_wait3A_1232 = tpu.memref_squeeze %dma_wait3A_1231 : memref<1x384x64xf32, #tpu.memory_space<vmem>> -> memref<384x64xf32, #tpu.memory_space<vmem>>
    tpu.wait_dma2 semaphore(%arg14 : memref<!tpu.dma_semaphore, #tpu.memory_space<semaphore_mem>>) src(%dma_wait3A_1232 : memref<384x64xf32, #tpu.memory_space<vmem>>) dst(%dma_wait3A_1228 : memref<384x64xf32, #tpu.memory_space<hbm>>)
    %dma_start3A_1233 = arith.constant 3 : i32
    %dma_start3A_1234 = arith.constant 0 : i32
    %dma_start3A_1235 = arith.constant 0 : i32
    %dma_start3A_1236 = tpu.memref_slice %arg6[%dma_start3A_1233, %dma_start3A_1234, %dma_start3A_1235] : memref<4x384x64xf32, #tpu.memory_space<vmem>> -> memref<1x384x64xf32, #tpu.memory_space<vmem>>
    %dma_start3A_1237 = tpu.memref_squeeze %dma_start3A_1236 : memref<1x384x64xf32, #tpu.memory_space<vmem>> -> memref<384x64xf32, #tpu.memory_space<vmem>>
    %dma_start3A_1238 = arith.constant 10368 : i32
    %dma_start3A_1239 = tpu.memref_slice %arg5[%dma_start3A_1238] : memref<11520xi32, #tpu.memory_space<vmem>> -> memref<384xi32, #tpu.memory_space<vmem>>
    %dma_start3A_1240 = arith.constant 0 : i32
    %dma_start3A_1241 = arith.constant 0 : i32
    %dma_start3A_1242 = tpu.memref_slice %arg3[%dma_start3A_1240, %dma_start3A_1241] : memref<100000x64xf32, #tpu.memory_space<hbm>> -> memref<100000x64xf32, #tpu.memory_space<hbm>>
    tpu.enqueue_indirect_dma source(%dma_start3A_1242 : memref<100000x64xf32, #tpu.memory_space<hbm>>) target(%dma_start3A_1237 : memref<384x64xf32, #tpu.memory_space<vmem>>) offsets(%dma_start3A_1239 : memref<384xi32, #tpu.memory_space<vmem>>) semaphore(%arg10 : memref<!tpu.dma_semaphore, #tpu.memory_space<semaphore_mem>>)
    %dma_wait3A_1243 = arith.constant 2 : i32
    %dma_wait3A_1244 = arith.constant 0 : i32
    %dma_wait3A_1245 = arith.constant 0 : i32
    %dma_wait3A_1246 = tpu.memref_slice %arg6[%dma_wait3A_1243, %dma_wait3A_1244, %dma_wait3A_1245] : memref<4x384x64xf32, #tpu.memory_space<vmem>> -> memref<1x384x64xf32, #tpu.memory_space<vmem>>
    %dma_wait3A_1247 = tpu.memref_squeeze %dma_wait3A_1246 : memref<1x384x64xf32, #tpu.memory_space<vmem>> -> memref<384x64xf32, #tpu.memory_space<vmem>>
    %dma_wait3A_1248 = arith.constant 9984 : i32
    %dma_wait3A_1249 = tpu.memref_slice %arg5[%dma_wait3A_1248] : memref<11520xi32, #tpu.memory_space<vmem>> -> memref<384xi32, #tpu.memory_space<vmem>>
    %dma_wait3A_1250 = arith.constant 0 : i32
    %dma_wait3A_1251 = arith.constant 0 : i32
    %dma_wait3A_1252 = tpu.memref_slice %arg3[%dma_wait3A_1250, %dma_wait3A_1251] : memref<100000x64xf32, #tpu.memory_space<hbm>> -> memref<100000x64xf32, #tpu.memory_space<hbm>>
    tpu.wait_indirect_dma semaphore(%arg9 : memref<!tpu.dma_semaphore, #tpu.memory_space<semaphore_mem>>) src(%dma_wait3A_1252 : memref<100000x64xf32, #tpu.memory_space<hbm>>) dst(%dma_wait3A_1247 : memref<384x64xf32, #tpu.memory_space<vmem>>)
    %add3A_1253 = arith.constant 9984 : i32
    %add3A_1254 = arith.addi %mul3A_2, %add3A_1253 : i32
    %dma_start3A_1255 = arith.constant 2 : i32
    %dma_start3A_1256 = arith.constant 0 : i32
    %dma_start3A_1257 = arith.constant 0 : i32
    %dma_start3A_1258 = tpu.memref_slice %arg6[%dma_start3A_1255, %dma_start3A_1256, %dma_start3A_1257] : memref<4x384x64xf32, #tpu.memory_space<vmem>> -> memref<1x384x64xf32, #tpu.memory_space<vmem>>
    %dma_start3A_1259 = tpu.memref_squeeze %dma_start3A_1258 : memref<1x384x64xf32, #tpu.memory_space<vmem>> -> memref<384x64xf32, #tpu.memory_space<vmem>>
    %dma_start3A_1260 = arith.constant 0 : i32
    %dma_start3A_1261 = tpu.memref_slice %arg4[%add3A_1254, %dma_start3A_1260] : memref<368640x64xf32, #tpu.memory_space<hbm>> -> memref<384x64xf32, #tpu.memory_space<hbm>>
    %dma_start3A_1262 = arith.constant 0 : i32
    %dma_start3A_1263 = tpu.memref_slice %arg4[%add3A_1254, %dma_start3A_1262] : memref<368640x64xf32, #tpu.memory_space<hbm>> -> memref<384x64xf32, #tpu.memory_space<hbm>>
    %dma_start3A_1264 = arith.constant 0 : i32
    %dma_start3A_1265 = arith.constant 0 : i32
    %dma_start3A_1266 = tpu.memref_slice %arg6[%dma_start3A_1255, %dma_start3A_1264, %dma_start3A_1265] : memref<4x384x64xf32, #tpu.memory_space<vmem>> -> memref<1x384x64xf32, #tpu.memory_space<vmem>>
    %dma_start3A_1267 = tpu.memref_squeeze %dma_start3A_1266 : memref<1x384x64xf32, #tpu.memory_space<vmem>> -> memref<384x64xf32, #tpu.memory_space<vmem>>
    tpu.enqueue_dma source(%dma_start3A_1267 : memref<384x64xf32, #tpu.memory_space<vmem>>) target(%dma_start3A_1263 : memref<384x64xf32, #tpu.memory_space<hbm>>) target_semaphore(%arg13 : memref<!tpu.dma_semaphore, #tpu.memory_space<semaphore_mem>>)
    %dma_wait3A_1268 = arith.constant 0 : i32
    %dma_wait3A_1269 = arith.constant 0 : i32
    %dma_wait3A_1270 = arith.constant 0 : i32
    %dma_wait3A_1271 = tpu.memref_slice %arg6[%dma_wait3A_1268, %dma_wait3A_1269, %dma_wait3A_1270] : memref<4x384x64xf32, #tpu.memory_space<vmem>> -> memref<1x384x64xf32, #tpu.memory_space<vmem>>
    %dma_wait3A_1272 = tpu.memref_squeeze %dma_wait3A_1271 : memref<1x384x64xf32, #tpu.memory_space<vmem>> -> memref<384x64xf32, #tpu.memory_space<vmem>>
    %dma_wait3A_1273 = arith.constant 0 : i32
    %dma_wait3A_1274 = tpu.memref_slice %arg4[%add3A_1158, %dma_wait3A_1273] : memref<368640x64xf32, #tpu.memory_space<hbm>> -> memref<384x64xf32, #tpu.memory_space<hbm>>
    %dma_wait3A_1275 = arith.constant 0 : i32
    %dma_wait3A_1276 = tpu.memref_slice %arg4[%add3A_1158, %dma_wait3A_1275] : memref<368640x64xf32, #tpu.memory_space<hbm>> -> memref<384x64xf32, #tpu.memory_space<hbm>>
    %dma_wait3A_1277 = arith.constant 0 : i32
    %dma_wait3A_1278 = arith.constant 0 : i32
    %dma_wait3A_1279 = tpu.memref_slice %arg6[%dma_wait3A_1268, %dma_wait3A_1277, %dma_wait3A_1278] : memref<4x384x64xf32, #tpu.memory_space<vmem>> -> memref<1x384x64xf32, #tpu.memory_space<vmem>>
    %dma_wait3A_1280 = tpu.memref_squeeze %dma_wait3A_1279 : memref<1x384x64xf32, #tpu.memory_space<vmem>> -> memref<384x64xf32, #tpu.memory_space<vmem>>
    tpu.wait_dma2 semaphore(%arg11 : memref<!tpu.dma_semaphore, #tpu.memory_space<semaphore_mem>>) src(%dma_wait3A_1280 : memref<384x64xf32, #tpu.memory_space<vmem>>) dst(%dma_wait3A_1276 : memref<384x64xf32, #tpu.memory_space<hbm>>)
    %dma_start3A_1281 = arith.constant 0 : i32
    %dma_start3A_1282 = arith.constant 0 : i32
    %dma_start3A_1283 = arith.constant 0 : i32
    %dma_start3A_1284 = tpu.memref_slice %arg6[%dma_start3A_1281, %dma_start3A_1282, %dma_start3A_1283] : memref<4x384x64xf32, #tpu.memory_space<vmem>> -> memref<1x384x64xf32, #tpu.memory_space<vmem>>
    %dma_start3A_1285 = tpu.memref_squeeze %dma_start3A_1284 : memref<1x384x64xf32, #tpu.memory_space<vmem>> -> memref<384x64xf32, #tpu.memory_space<vmem>>
    %dma_start3A_1286 = arith.constant 10752 : i32
    %dma_start3A_1287 = tpu.memref_slice %arg5[%dma_start3A_1286] : memref<11520xi32, #tpu.memory_space<vmem>> -> memref<384xi32, #tpu.memory_space<vmem>>
    %dma_start3A_1288 = arith.constant 0 : i32
    %dma_start3A_1289 = arith.constant 0 : i32
    %dma_start3A_1290 = tpu.memref_slice %arg3[%dma_start3A_1288, %dma_start3A_1289] : memref<100000x64xf32, #tpu.memory_space<hbm>> -> memref<100000x64xf32, #tpu.memory_space<hbm>>
    tpu.enqueue_indirect_dma source(%dma_start3A_1290 : memref<100000x64xf32, #tpu.memory_space<hbm>>) target(%dma_start3A_1285 : memref<384x64xf32, #tpu.memory_space<vmem>>) offsets(%dma_start3A_1287 : memref<384xi32, #tpu.memory_space<vmem>>) semaphore(%arg7 : memref<!tpu.dma_semaphore, #tpu.memory_space<semaphore_mem>>)
    %dma_wait3A_1291 = arith.constant 3 : i32
    %dma_wait3A_1292 = arith.constant 0 : i32
    %dma_wait3A_1293 = arith.constant 0 : i32
    %dma_wait3A_1294 = tpu.memref_slice %arg6[%dma_wait3A_1291, %dma_wait3A_1292, %dma_wait3A_1293] : memref<4x384x64xf32, #tpu.memory_space<vmem>> -> memref<1x384x64xf32, #tpu.memory_space<vmem>>
    %dma_wait3A_1295 = tpu.memref_squeeze %dma_wait3A_1294 : memref<1x384x64xf32, #tpu.memory_space<vmem>> -> memref<384x64xf32, #tpu.memory_space<vmem>>
    %dma_wait3A_1296 = arith.constant 10368 : i32
    %dma_wait3A_1297 = tpu.memref_slice %arg5[%dma_wait3A_1296] : memref<11520xi32, #tpu.memory_space<vmem>> -> memref<384xi32, #tpu.memory_space<vmem>>
    %dma_wait3A_1298 = arith.constant 0 : i32
    %dma_wait3A_1299 = arith.constant 0 : i32
    %dma_wait3A_1300 = tpu.memref_slice %arg3[%dma_wait3A_1298, %dma_wait3A_1299] : memref<100000x64xf32, #tpu.memory_space<hbm>> -> memref<100000x64xf32, #tpu.memory_space<hbm>>
    tpu.wait_indirect_dma semaphore(%arg10 : memref<!tpu.dma_semaphore, #tpu.memory_space<semaphore_mem>>) src(%dma_wait3A_1300 : memref<100000x64xf32, #tpu.memory_space<hbm>>) dst(%dma_wait3A_1295 : memref<384x64xf32, #tpu.memory_space<vmem>>)
    %add3A_1301 = arith.constant 10368 : i32
    %add3A_1302 = arith.addi %mul3A_2, %add3A_1301 : i32
    %dma_start3A_1303 = arith.constant 3 : i32
    %dma_start3A_1304 = arith.constant 0 : i32
    %dma_start3A_1305 = arith.constant 0 : i32
    %dma_start3A_1306 = tpu.memref_slice %arg6[%dma_start3A_1303, %dma_start3A_1304, %dma_start3A_1305] : memref<4x384x64xf32, #tpu.memory_space<vmem>> -> memref<1x384x64xf32, #tpu.memory_space<vmem>>
    %dma_start3A_1307 = tpu.memref_squeeze %dma_start3A_1306 : memref<1x384x64xf32, #tpu.memory_space<vmem>> -> memref<384x64xf32, #tpu.memory_space<vmem>>
    %dma_start3A_1308 = arith.constant 0 : i32
    %dma_start3A_1309 = tpu.memref_slice %arg4[%add3A_1302, %dma_start3A_1308] : memref<368640x64xf32, #tpu.memory_space<hbm>> -> memref<384x64xf32, #tpu.memory_space<hbm>>
    %dma_start3A_1310 = arith.constant 0 : i32
    %dma_start3A_1311 = tpu.memref_slice %arg4[%add3A_1302, %dma_start3A_1310] : memref<368640x64xf32, #tpu.memory_space<hbm>> -> memref<384x64xf32, #tpu.memory_space<hbm>>
    %dma_start3A_1312 = arith.constant 0 : i32
    %dma_start3A_1313 = arith.constant 0 : i32
    %dma_start3A_1314 = tpu.memref_slice %arg6[%dma_start3A_1303, %dma_start3A_1312, %dma_start3A_1313] : memref<4x384x64xf32, #tpu.memory_space<vmem>> -> memref<1x384x64xf32, #tpu.memory_space<vmem>>
    %dma_start3A_1315 = tpu.memref_squeeze %dma_start3A_1314 : memref<1x384x64xf32, #tpu.memory_space<vmem>> -> memref<384x64xf32, #tpu.memory_space<vmem>>
    tpu.enqueue_dma source(%dma_start3A_1315 : memref<384x64xf32, #tpu.memory_space<vmem>>) target(%dma_start3A_1311 : memref<384x64xf32, #tpu.memory_space<hbm>>) target_semaphore(%arg14 : memref<!tpu.dma_semaphore, #tpu.memory_space<semaphore_mem>>)
    %dma_wait3A_1316 = arith.constant 1 : i32
    %dma_wait3A_1317 = arith.constant 0 : i32
    %dma_wait3A_1318 = arith.constant 0 : i32
    %dma_wait3A_1319 = tpu.memref_slice %arg6[%dma_wait3A_1316, %dma_wait3A_1317, %dma_wait3A_1318] : memref<4x384x64xf32, #tpu.memory_space<vmem>> -> memref<1x384x64xf32, #tpu.memory_space<vmem>>
    %dma_wait3A_1320 = tpu.memref_squeeze %dma_wait3A_1319 : memref<1x384x64xf32, #tpu.memory_space<vmem>> -> memref<384x64xf32, #tpu.memory_space<vmem>>
    %dma_wait3A_1321 = arith.constant 0 : i32
    %dma_wait3A_1322 = tpu.memref_slice %arg4[%add3A_1206, %dma_wait3A_1321] : memref<368640x64xf32, #tpu.memory_space<hbm>> -> memref<384x64xf32, #tpu.memory_space<hbm>>
    %dma_wait3A_1323 = arith.constant 0 : i32
    %dma_wait3A_1324 = tpu.memref_slice %arg4[%add3A_1206, %dma_wait3A_1323] : memref<368640x64xf32, #tpu.memory_space<hbm>> -> memref<384x64xf32, #tpu.memory_space<hbm>>
    %dma_wait3A_1325 = arith.constant 0 : i32
    %dma_wait3A_1326 = arith.constant 0 : i32
    %dma_wait3A_1327 = tpu.memref_slice %arg6[%dma_wait3A_1316, %dma_wait3A_1325, %dma_wait3A_1326] : memref<4x384x64xf32, #tpu.memory_space<vmem>> -> memref<1x384x64xf32, #tpu.memory_space<vmem>>
    %dma_wait3A_1328 = tpu.memref_squeeze %dma_wait3A_1327 : memref<1x384x64xf32, #tpu.memory_space<vmem>> -> memref<384x64xf32, #tpu.memory_space<vmem>>
    tpu.wait_dma2 semaphore(%arg12 : memref<!tpu.dma_semaphore, #tpu.memory_space<semaphore_mem>>) src(%dma_wait3A_1328 : memref<384x64xf32, #tpu.memory_space<vmem>>) dst(%dma_wait3A_1324 : memref<384x64xf32, #tpu.memory_space<hbm>>)
    %dma_start3A_1329 = arith.constant 1 : i32
    %dma_start3A_1330 = arith.constant 0 : i32
    %dma_start3A_1331 = arith.constant 0 : i32
    %dma_start3A_1332 = tpu.memref_slice %arg6[%dma_start3A_1329, %dma_start3A_1330, %dma_start3A_1331] : memref<4x384x64xf32, #tpu.memory_space<vmem>> -> memref<1x384x64xf32, #tpu.memory_space<vmem>>
    %dma_start3A_1333 = tpu.memref_squeeze %dma_start3A_1332 : memref<1x384x64xf32, #tpu.memory_space<vmem>> -> memref<384x64xf32, #tpu.memory_space<vmem>>
    %dma_start3A_1334 = arith.constant 11136 : i32
    %dma_start3A_1335 = tpu.memref_slice %arg5[%dma_start3A_1334] : memref<11520xi32, #tpu.memory_space<vmem>> -> memref<384xi32, #tpu.memory_space<vmem>>
    %dma_start3A_1336 = arith.constant 0 : i32
    %dma_start3A_1337 = arith.constant 0 : i32
    %dma_start3A_1338 = tpu.memref_slice %arg3[%dma_start3A_1336, %dma_start3A_1337] : memref<100000x64xf32, #tpu.memory_space<hbm>> -> memref<100000x64xf32, #tpu.memory_space<hbm>>
    tpu.enqueue_indirect_dma source(%dma_start3A_1338 : memref<100000x64xf32, #tpu.memory_space<hbm>>) target(%dma_start3A_1333 : memref<384x64xf32, #tpu.memory_space<vmem>>) offsets(%dma_start3A_1335 : memref<384xi32, #tpu.memory_space<vmem>>) semaphore(%arg8 : memref<!tpu.dma_semaphore, #tpu.memory_space<semaphore_mem>>)
    %dma_wait3A_1339 = arith.constant 0 : i32
    %dma_wait3A_1340 = arith.constant 0 : i32
    %dma_wait3A_1341 = arith.constant 0 : i32
    %dma_wait3A_1342 = tpu.memref_slice %arg6[%dma_wait3A_1339, %dma_wait3A_1340, %dma_wait3A_1341] : memref<4x384x64xf32, #tpu.memory_space<vmem>> -> memref<1x384x64xf32, #tpu.memory_space<vmem>>
    %dma_wait3A_1343 = tpu.memref_squeeze %dma_wait3A_1342 : memref<1x384x64xf32, #tpu.memory_space<vmem>> -> memref<384x64xf32, #tpu.memory_space<vmem>>
    %dma_wait3A_1344 = arith.constant 10752 : i32
    %dma_wait3A_1345 = tpu.memref_slice %arg5[%dma_wait3A_1344] : memref<11520xi32, #tpu.memory_space<vmem>> -> memref<384xi32, #tpu.memory_space<vmem>>
    %dma_wait3A_1346 = arith.constant 0 : i32
    %dma_wait3A_1347 = arith.constant 0 : i32
    %dma_wait3A_1348 = tpu.memref_slice %arg3[%dma_wait3A_1346, %dma_wait3A_1347] : memref<100000x64xf32, #tpu.memory_space<hbm>> -> memref<100000x64xf32, #tpu.memory_space<hbm>>
    tpu.wait_indirect_dma semaphore(%arg7 : memref<!tpu.dma_semaphore, #tpu.memory_space<semaphore_mem>>) src(%dma_wait3A_1348 : memref<100000x64xf32, #tpu.memory_space<hbm>>) dst(%dma_wait3A_1343 : memref<384x64xf32, #tpu.memory_space<vmem>>)
    %add3A_1349 = arith.constant 10752 : i32
    %add3A_1350 = arith.addi %mul3A_2, %add3A_1349 : i32
    %dma_start3A_1351 = arith.constant 0 : i32
    %dma_start3A_1352 = arith.constant 0 : i32
    %dma_start3A_1353 = arith.constant 0 : i32
    %dma_start3A_1354 = tpu.memref_slice %arg6[%dma_start3A_1351, %dma_start3A_1352, %dma_start3A_1353] : memref<4x384x64xf32, #tpu.memory_space<vmem>> -> memref<1x384x64xf32, #tpu.memory_space<vmem>>
    %dma_start3A_1355 = tpu.memref_squeeze %dma_start3A_1354 : memref<1x384x64xf32, #tpu.memory_space<vmem>> -> memref<384x64xf32, #tpu.memory_space<vmem>>
    %dma_start3A_1356 = arith.constant 0 : i32
    %dma_start3A_1357 = tpu.memref_slice %arg4[%add3A_1350, %dma_start3A_1356] : memref<368640x64xf32, #tpu.memory_space<hbm>> -> memref<384x64xf32, #tpu.memory_space<hbm>>
    %dma_start3A_1358 = arith.constant 0 : i32
    %dma_start3A_1359 = tpu.memref_slice %arg4[%add3A_1350, %dma_start3A_1358] : memref<368640x64xf32, #tpu.memory_space<hbm>> -> memref<384x64xf32, #tpu.memory_space<hbm>>
    %dma_start3A_1360 = arith.constant 0 : i32
    %dma_start3A_1361 = arith.constant 0 : i32
    %dma_start3A_1362 = tpu.memref_slice %arg6[%dma_start3A_1351, %dma_start3A_1360, %dma_start3A_1361] : memref<4x384x64xf32, #tpu.memory_space<vmem>> -> memref<1x384x64xf32, #tpu.memory_space<vmem>>
    %dma_start3A_1363 = tpu.memref_squeeze %dma_start3A_1362 : memref<1x384x64xf32, #tpu.memory_space<vmem>> -> memref<384x64xf32, #tpu.memory_space<vmem>>
    tpu.enqueue_dma source(%dma_start3A_1363 : memref<384x64xf32, #tpu.memory_space<vmem>>) target(%dma_start3A_1359 : memref<384x64xf32, #tpu.memory_space<hbm>>) target_semaphore(%arg11 : memref<!tpu.dma_semaphore, #tpu.memory_space<semaphore_mem>>)
    %dma_wait3A_1364 = arith.constant 1 : i32
    %dma_wait3A_1365 = arith.constant 0 : i32
    %dma_wait3A_1366 = arith.constant 0 : i32
    %dma_wait3A_1367 = tpu.memref_slice %arg6[%dma_wait3A_1364, %dma_wait3A_1365, %dma_wait3A_1366] : memref<4x384x64xf32, #tpu.memory_space<vmem>> -> memref<1x384x64xf32, #tpu.memory_space<vmem>>
    %dma_wait3A_1368 = tpu.memref_squeeze %dma_wait3A_1367 : memref<1x384x64xf32, #tpu.memory_space<vmem>> -> memref<384x64xf32, #tpu.memory_space<vmem>>
    %dma_wait3A_1369 = arith.constant 11136 : i32
    %dma_wait3A_1370 = tpu.memref_slice %arg5[%dma_wait3A_1369] : memref<11520xi32, #tpu.memory_space<vmem>> -> memref<384xi32, #tpu.memory_space<vmem>>
    %dma_wait3A_1371 = arith.constant 0 : i32
    %dma_wait3A_1372 = arith.constant 0 : i32
    %dma_wait3A_1373 = tpu.memref_slice %arg3[%dma_wait3A_1371, %dma_wait3A_1372] : memref<100000x64xf32, #tpu.memory_space<hbm>> -> memref<100000x64xf32, #tpu.memory_space<hbm>>
    tpu.wait_indirect_dma semaphore(%arg8 : memref<!tpu.dma_semaphore, #tpu.memory_space<semaphore_mem>>) src(%dma_wait3A_1373 : memref<100000x64xf32, #tpu.memory_space<hbm>>) dst(%dma_wait3A_1368 : memref<384x64xf32, #tpu.memory_space<vmem>>)
    %add3A_1374 = arith.constant 11136 : i32
    %add3A_1375 = arith.addi %mul3A_2, %add3A_1374 : i32
    %dma_start3A_1376 = arith.constant 1 : i32
    %dma_start3A_1377 = arith.constant 0 : i32
    %dma_start3A_1378 = arith.constant 0 : i32
    %dma_start3A_1379 = tpu.memref_slice %arg6[%dma_start3A_1376, %dma_start3A_1377, %dma_start3A_1378] : memref<4x384x64xf32, #tpu.memory_space<vmem>> -> memref<1x384x64xf32, #tpu.memory_space<vmem>>
    %dma_start3A_1380 = tpu.memref_squeeze %dma_start3A_1379 : memref<1x384x64xf32, #tpu.memory_space<vmem>> -> memref<384x64xf32, #tpu.memory_space<vmem>>
    %dma_start3A_1381 = arith.constant 0 : i32
    %dma_start3A_1382 = tpu.memref_slice %arg4[%add3A_1375, %dma_start3A_1381] : memref<368640x64xf32, #tpu.memory_space<hbm>> -> memref<384x64xf32, #tpu.memory_space<hbm>>
    %dma_start3A_1383 = arith.constant 0 : i32
    %dma_start3A_1384 = tpu.memref_slice %arg4[%add3A_1375, %dma_start3A_1383] : memref<368640x64xf32, #tpu.memory_space<hbm>> -> memref<384x64xf32, #tpu.memory_space<hbm>>
    %dma_start3A_1385 = arith.constant 0 : i32
    %dma_start3A_1386 = arith.constant 0 : i32
    %dma_start3A_1387 = tpu.memref_slice %arg6[%dma_start3A_1376, %dma_start3A_1385, %dma_start3A_1386] : memref<4x384x64xf32, #tpu.memory_space<vmem>> -> memref<1x384x64xf32, #tpu.memory_space<vmem>>
    %dma_start3A_1388 = tpu.memref_squeeze %dma_start3A_1387 : memref<1x384x64xf32, #tpu.memory_space<vmem>> -> memref<384x64xf32, #tpu.memory_space<vmem>>
    tpu.enqueue_dma source(%dma_start3A_1388 : memref<384x64xf32, #tpu.memory_space<vmem>>) target(%dma_start3A_1384 : memref<384x64xf32, #tpu.memory_space<hbm>>) target_semaphore(%arg12 : memref<!tpu.dma_semaphore, #tpu.memory_space<semaphore_mem>>)
    %dma_wait3A_1389 = arith.constant 2 : i32
    %dma_wait3A_1390 = arith.constant 0 : i32
    %dma_wait3A_1391 = arith.constant 0 : i32
    %dma_wait3A_1392 = tpu.memref_slice %arg6[%dma_wait3A_1389, %dma_wait3A_1390, %dma_wait3A_1391] : memref<4x384x64xf32, #tpu.memory_space<vmem>> -> memref<1x384x64xf32, #tpu.memory_space<vmem>>
    %dma_wait3A_1393 = tpu.memref_squeeze %dma_wait3A_1392 : memref<1x384x64xf32, #tpu.memory_space<vmem>> -> memref<384x64xf32, #tpu.memory_space<vmem>>
    %dma_wait3A_1394 = arith.constant 0 : i32
    %dma_wait3A_1395 = tpu.memref_slice %arg4[%add3A_1254, %dma_wait3A_1394] : memref<368640x64xf32, #tpu.memory_space<hbm>> -> memref<384x64xf32, #tpu.memory_space<hbm>>
    %dma_wait3A_1396 = arith.constant 0 : i32
    %dma_wait3A_1397 = tpu.memref_slice %arg4[%add3A_1254, %dma_wait3A_1396] : memref<368640x64xf32, #tpu.memory_space<hbm>> -> memref<384x64xf32, #tpu.memory_space<hbm>>
    %dma_wait3A_1398 = arith.constant 0 : i32
    %dma_wait3A_1399 = arith.constant 0 : i32
    %dma_wait3A_1400 = tpu.memref_slice %arg6[%dma_wait3A_1389, %dma_wait3A_1398, %dma_wait3A_1399] : memref<4x384x64xf32, #tpu.memory_space<vmem>> -> memref<1x384x64xf32, #tpu.memory_space<vmem>>
    %dma_wait3A_1401 = tpu.memref_squeeze %dma_wait3A_1400 : memref<1x384x64xf32, #tpu.memory_space<vmem>> -> memref<384x64xf32, #tpu.memory_space<vmem>>
    tpu.wait_dma2 semaphore(%arg13 : memref<!tpu.dma_semaphore, #tpu.memory_space<semaphore_mem>>) src(%dma_wait3A_1401 : memref<384x64xf32, #tpu.memory_space<vmem>>) dst(%dma_wait3A_1397 : memref<384x64xf32, #tpu.memory_space<hbm>>)
    %dma_wait3A_1402 = arith.constant 3 : i32
    %dma_wait3A_1403 = arith.constant 0 : i32
    %dma_wait3A_1404 = arith.constant 0 : i32
    %dma_wait3A_1405 = tpu.memref_slice %arg6[%dma_wait3A_1402, %dma_wait3A_1403, %dma_wait3A_1404] : memref<4x384x64xf32, #tpu.memory_space<vmem>> -> memref<1x384x64xf32, #tpu.memory_space<vmem>>
    %dma_wait3A_1406 = tpu.memref_squeeze %dma_wait3A_1405 : memref<1x384x64xf32, #tpu.memory_space<vmem>> -> memref<384x64xf32, #tpu.memory_space<vmem>>
    %dma_wait3A_1407 = arith.constant 0 : i32
    %dma_wait3A_1408 = tpu.memref_slice %arg4[%add3A_1302, %dma_wait3A_1407] : memref<368640x64xf32, #tpu.memory_space<hbm>> -> memref<384x64xf32, #tpu.memory_space<hbm>>
    %dma_wait3A_1409 = arith.constant 0 : i32
    %dma_wait3A_1410 = tpu.memref_slice %arg4[%add3A_1302, %dma_wait3A_1409] : memref<368640x64xf32, #tpu.memory_space<hbm>> -> memref<384x64xf32, #tpu.memory_space<hbm>>
    %dma_wait3A_1411 = arith.constant 0 : i32
    %dma_wait3A_1412 = arith.constant 0 : i32
    %dma_wait3A_1413 = tpu.memref_slice %arg6[%dma_wait3A_1402, %dma_wait3A_1411, %dma_wait3A_1412] : memref<4x384x64xf32, #tpu.memory_space<vmem>> -> memref<1x384x64xf32, #tpu.memory_space<vmem>>
    %dma_wait3A_1414 = tpu.memref_squeeze %dma_wait3A_1413 : memref<1x384x64xf32, #tpu.memory_space<vmem>> -> memref<384x64xf32, #tpu.memory_space<vmem>>
    tpu.wait_dma2 semaphore(%arg14 : memref<!tpu.dma_semaphore, #tpu.memory_space<semaphore_mem>>) src(%dma_wait3A_1414 : memref<384x64xf32, #tpu.memory_space<vmem>>) dst(%dma_wait3A_1410 : memref<384x64xf32, #tpu.memory_space<hbm>>)
    %dma_wait3A_1415 = arith.constant 0 : i32
    %dma_wait3A_1416 = arith.constant 0 : i32
    %dma_wait3A_1417 = arith.constant 0 : i32
    %dma_wait3A_1418 = tpu.memref_slice %arg6[%dma_wait3A_1415, %dma_wait3A_1416, %dma_wait3A_1417] : memref<4x384x64xf32, #tpu.memory_space<vmem>> -> memref<1x384x64xf32, #tpu.memory_space<vmem>>
    %dma_wait3A_1419 = tpu.memref_squeeze %dma_wait3A_1418 : memref<1x384x64xf32, #tpu.memory_space<vmem>> -> memref<384x64xf32, #tpu.memory_space<vmem>>
    %dma_wait3A_1420 = arith.constant 0 : i32
    %dma_wait3A_1421 = tpu.memref_slice %arg4[%add3A_1350, %dma_wait3A_1420] : memref<368640x64xf32, #tpu.memory_space<hbm>> -> memref<384x64xf32, #tpu.memory_space<hbm>>
    %dma_wait3A_1422 = arith.constant 0 : i32
    %dma_wait3A_1423 = tpu.memref_slice %arg4[%add3A_1350, %dma_wait3A_1422] : memref<368640x64xf32, #tpu.memory_space<hbm>> -> memref<384x64xf32, #tpu.memory_space<hbm>>
    %dma_wait3A_1424 = arith.constant 0 : i32
    %dma_wait3A_1425 = arith.constant 0 : i32
    %dma_wait3A_1426 = tpu.memref_slice %arg6[%dma_wait3A_1415, %dma_wait3A_1424, %dma_wait3A_1425] : memref<4x384x64xf32, #tpu.memory_space<vmem>> -> memref<1x384x64xf32, #tpu.memory_space<vmem>>
    %dma_wait3A_1427 = tpu.memref_squeeze %dma_wait3A_1426 : memref<1x384x64xf32, #tpu.memory_space<vmem>> -> memref<384x64xf32, #tpu.memory_space<vmem>>
    tpu.wait_dma2 semaphore(%arg11 : memref<!tpu.dma_semaphore, #tpu.memory_space<semaphore_mem>>) src(%dma_wait3A_1427 : memref<384x64xf32, #tpu.memory_space<vmem>>) dst(%dma_wait3A_1423 : memref<384x64xf32, #tpu.memory_space<hbm>>)
    %dma_wait3A_1428 = arith.constant 1 : i32
    %dma_wait3A_1429 = arith.constant 0 : i32
    %dma_wait3A_1430 = arith.constant 0 : i32
    %dma_wait3A_1431 = tpu.memref_slice %arg6[%dma_wait3A_1428, %dma_wait3A_1429, %dma_wait3A_1430] : memref<4x384x64xf32, #tpu.memory_space<vmem>> -> memref<1x384x64xf32, #tpu.memory_space<vmem>>
    %dma_wait3A_1432 = tpu.memref_squeeze %dma_wait3A_1431 : memref<1x384x64xf32, #tpu.memory_space<vmem>> -> memref<384x64xf32, #tpu.memory_space<vmem>>
    %dma_wait3A_1433 = arith.constant 0 : i32
    %dma_wait3A_1434 = tpu.memref_slice %arg4[%add3A_1375, %dma_wait3A_1433] : memref<368640x64xf32, #tpu.memory_space<hbm>> -> memref<384x64xf32, #tpu.memory_space<hbm>>
    %dma_wait3A_1435 = arith.constant 0 : i32
    %dma_wait3A_1436 = tpu.memref_slice %arg4[%add3A_1375, %dma_wait3A_1435] : memref<368640x64xf32, #tpu.memory_space<hbm>> -> memref<384x64xf32, #tpu.memory_space<hbm>>
    %dma_wait3A_1437 = arith.constant 0 : i32
    %dma_wait3A_1438 = arith.constant 0 : i32
    %dma_wait3A_1439 = tpu.memref_slice %arg6[%dma_wait3A_1428, %dma_wait3A_1437, %dma_wait3A_1438] : memref<4x384x64xf32, #tpu.memory_space<vmem>> -> memref<1x384x64xf32, #tpu.memory_space<vmem>>
    %dma_wait3A_1440 = tpu.memref_squeeze %dma_wait3A_1439 : memref<1x384x64xf32, #tpu.memory_space<vmem>> -> memref<384x64xf32, #tpu.memory_space<vmem>>
    tpu.wait_dma2 semaphore(%arg12 : memref<!tpu.dma_semaphore, #tpu.memory_space<semaphore_mem>>) src(%dma_wait3A_1440 : memref<384x64xf32, #tpu.memory_space<vmem>>) dst(%dma_wait3A_1436 : memref<384x64xf32, #tpu.memory_space<hbm>>)
    return
  }
}

module attributes {stable_mosaic.version = 14 : i64} {
  func.func @body(%arg0: i32, %arg1: memref<320x64xf32, #tpu.memory_space<vmem>>, %arg2: memref<1x320x320xi32, #tpu.memory_space<vmem>>, %arg3: memref<1x16x320xf32, #tpu.memory_space<vmem>>, %arg4: memref<320x64xf32, #tpu.memory_space<vmem>>, %arg5: memref<320x16xf32, #tpu.memory_space<vmem>>, %arg6: memref<5120x64xf32, #tpu.memory_space<vmem>>, %arg7: memref<4x64xf32, #tpu.memory_space<vmem>>, %arg8: memref<65x64xf32, #tpu.memory_space<vmem>>, %arg9: memref<1x64xf32, #tpu.memory_space<vmem>>, %arg10: memref<128x64xf32, #tpu.memory_space<vmem>>, %arg11: memref<5120x16xf32, #tpu.memory_space<vmem>>, %arg12: memref<320x64xf32, #tpu.memory_space<vmem>>, %arg13: memref<320x64xf32, #tpu.memory_space<vmem>>) attributes {dimension_semantics = [#tpu.dimension_semantics<arbitrary>], iteration_bounds = array<i64: 64>, scalar_prefetch = 0 : i64, scratch_operands = 0 : i64, tpu.core_type = #tpu.core_type<tc>, window_params = [{transform_indices = @transform_0, window_bounds = array<i64: 320, 64>}, {transform_indices = @transform_1, window_bounds = array<i64: 1, 320, 320>}, {transform_indices = @transform_2, window_bounds = array<i64: 1, 16, 320>}, {transform_indices = @transform_3, window_bounds = array<i64: 320, 64>}, {transform_indices = @transform_4, window_bounds = array<i64: 320, 16>}, {transform_indices = @transform_5, window_bounds = array<i64: 5120, 64>}, {pipeline_mode = #tpu.pipeline_mode<synchronous>, transform_indices = @transform_6, window_bounds = array<i64: 4, 64>}, {pipeline_mode = #tpu.pipeline_mode<synchronous>, transform_indices = @transform_7, window_bounds = array<i64: 65, 64>}, {pipeline_mode = #tpu.pipeline_mode<synchronous>, transform_indices = @transform_8, window_bounds = array<i64: 1, 64>}, {pipeline_mode = #tpu.pipeline_mode<synchronous>, transform_indices = @transform_9, window_bounds = array<i64: 128, 64>}, {pipeline_mode = #tpu.pipeline_mode<synchronous>, transform_indices = @transform_10, window_bounds = array<i64: 5120, 16>}, {transform_indices = @transform_11, window_bounds = array<i64: 320, 64>}, {transform_indices = @transform_12, window_bounds = array<i64: 320, 64>}]} {
    %get3A = arith.constant 0 : index
    %get3A_0 = arith.constant 0 : index
    %get3A_1 = vector.load %arg1[%get3A, %get3A_0] : memref<320x64xf32, #tpu.memory_space<vmem>>, vector<320x64xf32>
    %get3A_2 = arith.constant 0 : index
    %get3A_3 = arith.constant 0 : index
    %get3A_4 = arith.constant 0 : index
    %get3A_5 = vector.load %arg2[%get3A_2, %get3A_3, %get3A_4] : memref<1x320x320xi32, #tpu.memory_space<vmem>>, vector<1x320x320xi32>
    %reshape3A = vector.shape_cast %get3A_5 : vector<1x320x320xi32> to vector<320x320xi32>
    %ge3A = arith.constant 1 : i32
    %ge3A_6 = vector.broadcast %ge3A : i32 to vector<320x320xi32>
    %ge3A_7 = arith.cmpi sge, %reshape3A, %ge3A_6 : vector<320x320xi32>
    %jit3A = arith.constant -9.000000e+15 : f32
    %jit3A_8 = arith.constant -1.800000e+16 : f32
    %broadcast_in_dim3A = vector.broadcast %jit3A : f32 to vector<320x320xf32>
    %broadcast_in_dim3A_9 = vector.broadcast %jit3A_8 : f32 to vector<320x320xf32>
    %select_n3A = arith.select %ge3A_7, %broadcast_in_dim3A, %broadcast_in_dim3A_9 : vector<320x320xi1>, vector<320x320xf32>
    %get3A_10 = arith.constant 0 : index
    %get3A_11 = arith.constant 0 : index
    %get3A_12 = vector.load %arg7[%get3A_10, %get3A_11] : memref<4x64xf32, #tpu.memory_space<vmem>>, vector<1x64xf32>
    %get3A_13 = vector.shape_cast %get3A_12 : vector<1x64xf32> to vector<64xf32>
    %broadcast_in_dim3A_14 = vector.shape_cast %get3A_13 : vector<64xf32> to vector<1x64xf32>
    %mul3A = vector.broadcast %broadcast_in_dim3A_14 : vector<1x64xf32> to vector<320x64xf32>
    %mul3A_15 = arith.mulf %get3A_1, %mul3A : vector<320x64xf32>
    %dot_general3A = arith.constant dense<0.000000e+00> : vector<320x320xf32>
    %dot_general3A_16 = tpu.matmul %mul3A_15, %get3A_1, %dot_general3A {dimension_numbers = #tpu.dot_dimension_numbers<[1], [1], [0], [0], [0, 0, 1, 0], [], []>, transpose_lhs_hint = false} : vector<320x64xf32>, vector<320x64xf32>, vector<320x320xf32> -> vector<320x320xf32>
    %mul3A_17 = arith.constant 2.000000e-01 : f32
    %mul3A_18 = vector.broadcast %mul3A_17 : f32 to vector<320x320xf32>
    %mul3A_19 = arith.mulf %mul3A_18, %dot_general3A_16 : vector<320x320xf32>
    %max3A = arith.maximumf %dot_general3A_16, %mul3A_19 : vector<320x320xf32>
    %eq3A = arith.constant 2 : i32
    %eq3A_20 = vector.broadcast %eq3A : i32 to vector<320x320xi32>
    %eq3A_21 = arith.cmpi eq, %reshape3A, %eq3A_20 : vector<320x320xi32>
    %select_n3A_22 = arith.select %eq3A_21, %max3A, %select_n3A : vector<320x320xi1>, vector<320x320xf32>
    %get3A_23 = arith.constant 1 : index
    %get3A_24 = arith.constant 0 : index
    %get3A_25 = vector.load %arg7[%get3A_23, %get3A_24] : memref<4x64xf32, #tpu.memory_space<vmem>>, vector<1x64xf32>
    %get3A_26 = vector.shape_cast %get3A_25 : vector<1x64xf32> to vector<64xf32>
    %broadcast_in_dim3A_27 = vector.shape_cast %get3A_26 : vector<64xf32> to vector<1x64xf32>
    %mul3A_28 = vector.broadcast %broadcast_in_dim3A_27 : vector<1x64xf32> to vector<320x64xf32>
    %mul3A_29 = arith.mulf %get3A_1, %mul3A_28 : vector<320x64xf32>
    %dot_general3A_30 = arith.constant dense<0.000000e+00> : vector<320x320xf32>
    %dot_general3A_31 = tpu.matmul %mul3A_29, %get3A_1, %dot_general3A_30 {dimension_numbers = #tpu.dot_dimension_numbers<[1], [1], [0], [0], [0, 0, 1, 0], [], []>, transpose_lhs_hint = false} : vector<320x64xf32>, vector<320x64xf32>, vector<320x320xf32> -> vector<320x320xf32>
    %mul3A_32 = arith.constant 2.000000e-01 : f32
    %mul3A_33 = vector.broadcast %mul3A_32 : f32 to vector<320x320xf32>
    %mul3A_34 = arith.mulf %mul3A_33, %dot_general3A_31 : vector<320x320xf32>
    %max3A_35 = arith.maximumf %dot_general3A_31, %mul3A_34 : vector<320x320xf32>
    %eq3A_36 = arith.constant 3 : i32
    %eq3A_37 = vector.broadcast %eq3A_36 : i32 to vector<320x320xi32>
    %eq3A_38 = arith.cmpi eq, %reshape3A, %eq3A_37 : vector<320x320xi32>
    %select_n3A_39 = arith.select %eq3A_38, %max3A_35, %select_n3A_22 : vector<320x320xi1>, vector<320x320xf32>
    %get3A_40 = arith.constant 2 : index
    %get3A_41 = arith.constant 0 : index
    %get3A_42 = vector.load %arg7[%get3A_40, %get3A_41] : memref<4x64xf32, #tpu.memory_space<vmem>>, vector<1x64xf32>
    %get3A_43 = vector.shape_cast %get3A_42 : vector<1x64xf32> to vector<64xf32>
    %broadcast_in_dim3A_44 = vector.shape_cast %get3A_43 : vector<64xf32> to vector<1x64xf32>
    %mul3A_45 = vector.broadcast %broadcast_in_dim3A_44 : vector<1x64xf32> to vector<320x64xf32>
    %mul3A_46 = arith.mulf %get3A_1, %mul3A_45 : vector<320x64xf32>
    %dot_general3A_47 = arith.constant dense<0.000000e+00> : vector<320x320xf32>
    %dot_general3A_48 = tpu.matmul %mul3A_46, %get3A_1, %dot_general3A_47 {dimension_numbers = #tpu.dot_dimension_numbers<[1], [1], [0], [0], [0, 0, 1, 0], [], []>, transpose_lhs_hint = false} : vector<320x64xf32>, vector<320x64xf32>, vector<320x320xf32> -> vector<320x320xf32>
    %mul3A_49 = arith.constant 2.000000e-01 : f32
    %mul3A_50 = vector.broadcast %mul3A_49 : f32 to vector<320x320xf32>
    %mul3A_51 = arith.mulf %mul3A_50, %dot_general3A_48 : vector<320x320xf32>
    %max3A_52 = arith.maximumf %dot_general3A_48, %mul3A_51 : vector<320x320xf32>
    %eq3A_53 = arith.constant 4 : i32
    %eq3A_54 = vector.broadcast %eq3A_53 : i32 to vector<320x320xi32>
    %eq3A_55 = arith.cmpi eq, %reshape3A, %eq3A_54 : vector<320x320xi32>
    %select_n3A_56 = arith.select %eq3A_55, %max3A_52, %select_n3A_39 : vector<320x320xi1>, vector<320x320xf32>
    %get3A_57 = arith.constant 3 : index
    %get3A_58 = arith.constant 0 : index
    %get3A_59 = vector.load %arg7[%get3A_57, %get3A_58] : memref<4x64xf32, #tpu.memory_space<vmem>>, vector<1x64xf32>
    %get3A_60 = vector.shape_cast %get3A_59 : vector<1x64xf32> to vector<64xf32>
    %broadcast_in_dim3A_61 = vector.shape_cast %get3A_60 : vector<64xf32> to vector<1x64xf32>
    %mul3A_62 = vector.broadcast %broadcast_in_dim3A_61 : vector<1x64xf32> to vector<320x64xf32>
    %mul3A_63 = arith.mulf %get3A_1, %mul3A_62 : vector<320x64xf32>
    %dot_general3A_64 = arith.constant dense<0.000000e+00> : vector<320x320xf32>
    %dot_general3A_65 = tpu.matmul %mul3A_63, %get3A_1, %dot_general3A_64 {dimension_numbers = #tpu.dot_dimension_numbers<[1], [1], [0], [0], [0, 0, 1, 0], [], []>, transpose_lhs_hint = false} : vector<320x64xf32>, vector<320x64xf32>, vector<320x320xf32> -> vector<320x320xf32>
    %mul3A_66 = arith.constant 2.000000e-01 : f32
    %mul3A_67 = vector.broadcast %mul3A_66 : f32 to vector<320x320xf32>
    %mul3A_68 = arith.mulf %mul3A_67, %dot_general3A_65 : vector<320x320xf32>
    %max3A_69 = arith.maximumf %dot_general3A_65, %mul3A_68 : vector<320x320xf32>
    %eq3A_70 = arith.constant 5 : i32
    %eq3A_71 = vector.broadcast %eq3A_70 : i32 to vector<320x320xi32>
    %eq3A_72 = arith.cmpi eq, %reshape3A, %eq3A_71 : vector<320x320xi32>
    %select_n3A_73 = arith.select %eq3A_72, %max3A_69, %select_n3A_56 : vector<320x320xi1>, vector<320x320xf32>
    %reduce_max3A = arith.constant dense<0xFF800000> : vector<320xf32>
    %reduce_max3A_74 = vector.multi_reduction <maximumf>, %select_n3A_73, %reduce_max3A [1] : vector<320x320xf32> to vector<320xf32>
    %broadcast_in_dim3A_75 = vector.shape_cast %reduce_max3A_74 : vector<320xf32> to vector<320x1xf32>
    %sub3A = vector.broadcast %broadcast_in_dim3A_75 : vector<320x1xf32> to vector<320x320xf32>
    %sub3A_76 = arith.subf %select_n3A_73, %sub3A : vector<320x320xf32>
    %exp3A = math.exp %sub3A_76 : vector<320x320xf32>
    %reduce_sum3A = arith.constant dense<0.000000e+00> : vector<320xf32>
    %reduce_sum3A_77 = vector.multi_reduction <add>, %exp3A, %reduce_sum3A [1] : vector<320x320xf32> to vector<320xf32>
    %broadcast_in_dim3A_78 = vector.shape_cast %reduce_sum3A_77 : vector<320xf32> to vector<320x1xf32>
    %div3A = vector.broadcast %broadcast_in_dim3A_78 : vector<320x1xf32> to vector<320x320xf32>
    %div3A_79 = arith.divf %exp3A, %div3A : vector<320x320xf32>
    %dot_general3A_80 = arith.constant dense<0.000000e+00> : vector<320x64xf32>
    %dot_general3A_81 = tpu.matmul %div3A_79, %get3A_1, %dot_general3A_80 {dimension_numbers = #tpu.dot_dimension_numbers<[1], [0], [0], [1], [0, 0, 1, 1], [], []>, transpose_lhs_hint = false} : vector<320x320xf32>, vector<320x64xf32>, vector<320x64xf32> -> vector<320x64xf32>
    %swap3A = arith.constant 0 : index
    %swap3A_82 = arith.constant 0 : index
    %swap3A_83 = vector.load %arg12[%swap3A, %swap3A_82] : memref<320x64xf32, #tpu.memory_space<vmem>>, vector<320x64xf32>
    tpu.vector_store %arg12[%swap3A, %swap3A_82], %dot_general3A_81 {strides = array<i32>} : memref<320x64xf32, #tpu.memory_space<vmem>>, vector<320x64xf32>,
    %get3A_84 = arith.constant 0 : index
    %get3A_85 = arith.constant 0 : index
    %get3A_86 = arith.constant 0 : index
    %get3A_87 = vector.load %arg3[%get3A_84, %get3A_85, %get3A_86] : memref<1x16x320xf32, #tpu.memory_space<vmem>>, vector<1x16x320xf32>
    %reshape3A_88 = vector.shape_cast %get3A_87 : vector<1x16x320xf32> to vector<16x320xf32>
    %get3A_89 = arith.constant 0 : index
    %get3A_90 = arith.constant 0 : index
    %get3A_91 = vector.load %arg4[%get3A_89, %get3A_90] : memref<320x64xf32, #tpu.memory_space<vmem>>, vector<320x64xf32>
    %dot_general3A_92 = arith.constant dense<0.000000e+00> : vector<16x64xf32>
    %dot_general3A_93 = tpu.matmul %reshape3A_88, %get3A_91, %dot_general3A_92 {dimension_numbers = #tpu.dot_dimension_numbers<[1], [0], [0], [1], [0, 0, 1, 1], [], []>, transpose_lhs_hint = false} : vector<16x320xf32>, vector<320x64xf32>, vector<16x64xf32> -> vector<16x64xf32>
    %get3A_94 = arith.constant 0 : index
    %get3A_95 = arith.constant 0 : index
    %get3A_96 = vector.load %arg11[%get3A_94, %get3A_95] : memref<5120x16xf32, #tpu.memory_space<vmem>>, vector<5120x16xf32>
    %dot_general3A_97 = arith.constant dense<0.000000e+00> : vector<5120x64xf32>
    %dot_general3A_98 = tpu.matmul %get3A_96, %dot_general3A_93, %dot_general3A_97 {dimension_numbers = #tpu.dot_dimension_numbers<[1], [0], [0], [1], [0, 0, 1, 1], [], []>, transpose_lhs_hint = false} : vector<5120x16xf32>, vector<16x64xf32>, vector<5120x64xf32> -> vector<5120x64xf32>
    %get3A_99 = arith.constant 0 : index
    %get3A_100 = arith.constant 0 : index
    %get3A_101 = vector.load %arg6[%get3A_99, %get3A_100] : memref<5120x64xf32, #tpu.memory_space<vmem>>, vector<5120x64xf32>
    %mul3A_102 = arith.mulf %get3A_101, %dot_general3A_98 : vector<5120x64xf32>
    %get3A_103 = arith.constant 0 : index
    %get3A_104 = arith.constant 0 : index
    %get3A_105 = vector.load %arg8[%get3A_103, %get3A_104] : memref<65x64xf32, #tpu.memory_space<vmem>>, vector<65x64xf32>
    %slice3A = vector.extract_strided_slice %get3A_105 {offsets = [0, 0], sizes = [64, 64], strides = [1, 1]} : vector<65x64xf32> to vector<64x64xf32>
    %dot_general3A_106 = arith.constant dense<0.000000e+00> : vector<5120x64xf32>
    %dot_general3A_107 = tpu.matmul %mul3A_102, %slice3A, %dot_general3A_106 {dimension_numbers = #tpu.dot_dimension_numbers<[1], [0], [0], [1], [0, 0, 1, 1], [], []>, transpose_lhs_hint = false} : vector<5120x64xf32>, vector<64x64xf32>, vector<5120x64xf32> -> vector<5120x64xf32>
    %reshape3A_108 = vector.shape_cast %dot_general3A_107 : vector<5120x64xf32> to vector<320x16x64xf32>
    %get3A_109 = arith.constant 0 : index
    %get3A_110 = arith.constant 0 : index
    %get3A_111 = vector.load %arg5[%get3A_109, %get3A_110] : memref<320x16xf32, #tpu.memory_space<vmem>>, vector<320x16xf32>
    %broadcast_in_dim3A_112 = vector.shape_cast %get3A_111 : vector<320x16xf32> to vector<320x16x1xf32>
    %get3A_113 = arith.constant 0 : index
    %get3A_114 = arith.constant 0 : index
    %get3A_115 = vector.load %arg8[%get3A_113, %get3A_114] : memref<65x64xf32, #tpu.memory_space<vmem>>, vector<65x64xf32>
    %slice3A_116 = vector.extract_strided_slice %get3A_115 {offsets = [64, 0], sizes = [1, 64], strides = [1, 1]} : vector<65x64xf32> to vector<1x64xf32>
    %squeeze3A = vector.shape_cast %slice3A_116 : vector<1x64xf32> to vector<64xf32>
    %broadcast_in_dim3A_117 = vector.shape_cast %squeeze3A : vector<64xf32> to vector<1x1x64xf32>
    %mul3A_118 = vector.broadcast %broadcast_in_dim3A_112 : vector<320x16x1xf32> to vector<320x16x64xf32>
    %mul3A_119 = vector.broadcast %broadcast_in_dim3A_117 : vector<1x1x64xf32> to vector<320x16x64xf32>
    %mul3A_120 = arith.mulf %mul3A_118, %mul3A_119 : vector<320x16x64xf32>
    %add3A = arith.addf %reshape3A_108, %mul3A_120 : vector<320x16x64xf32>
    %mul3A_121 = arith.constant 2.000000e-01 : f32
    %mul3A_122 = vector.broadcast %mul3A_121 : f32 to vector<320x16x64xf32>
    %mul3A_123 = arith.mulf %mul3A_122, %add3A : vector<320x16x64xf32>
    %max3A_124 = arith.maximumf %add3A, %mul3A_123 : vector<320x16x64xf32>
    %get3A_125 = arith.constant 0 : index
    %get3A_126 = arith.constant 0 : index
    %get3A_127 = vector.load %arg9[%get3A_125, %get3A_126] : memref<1x64xf32, #tpu.memory_space<vmem>>, vector<1x64xf32>
    %squeeze3A_128 = vector.shape_cast %get3A_127 : vector<1x64xf32> to vector<64xf32>
    %broadcast_in_dim3A_129 = vector.shape_cast %squeeze3A_128 : vector<64xf32> to vector<1x1x64xf32>
    %mul3A_130 = vector.broadcast %broadcast_in_dim3A_129 : vector<1x1x64xf32> to vector<320x16x64xf32>
    %mul3A_131 = arith.mulf %max3A_124, %mul3A_130 : vector<320x16x64xf32>
    %reduce_sum3A_132 = arith.constant dense<0.000000e+00> : vector<320x16xf32>
    %reduce_sum3A_133 = vector.multi_reduction <add>, %mul3A_131, %reduce_sum3A_132 [2] : vector<320x16x64xf32> to vector<320x16xf32>
    %iota3A = tpu.iota {dimensions = array<i32: 1>} : vector<320x16xi32>
    %lt3A = arith.constant 12 : i32
    %lt3A_134 = vector.broadcast %lt3A : i32 to vector<320x16xi32>
    %lt3A_135 = arith.cmpi slt, %iota3A, %lt3A_134 : vector<320x16xi32>
    %jit3A_136 = arith.constant -1.800000e+16 : f32
    %broadcast_in_dim3A_137 = vector.broadcast %jit3A_136 : f32 to vector<320x16xf32>
    %select_n3A_138 = arith.select %lt3A_135, %reduce_sum3A_133, %broadcast_in_dim3A_137 : vector<320x16xi1>, vector<320x16xf32>
    %reduce_max3A_139 = arith.constant dense<0xFF800000> : vector<320xf32>
    %reduce_max3A_140 = vector.multi_reduction <maximumf>, %select_n3A_138, %reduce_max3A_139 [1] : vector<320x16xf32> to vector<320xf32>
    %broadcast_in_dim3A_141 = vector.shape_cast %reduce_max3A_140 : vector<320xf32> to vector<320x1xf32>
    %sub3A_142 = vector.broadcast %broadcast_in_dim3A_141 : vector<320x1xf32> to vector<320x16xf32>
    %sub3A_143 = arith.subf %select_n3A_138, %sub3A_142 : vector<320x16xf32>
    %exp3A_144 = math.exp %sub3A_143 : vector<320x16xf32>
    %reduce_sum3A_145 = arith.constant dense<0.000000e+00> : vector<320xf32>
    %reduce_sum3A_146 = vector.multi_reduction <add>, %exp3A_144, %reduce_sum3A_145 [1] : vector<320x16xf32> to vector<320xf32>
    %broadcast_in_dim3A_147 = vector.shape_cast %reduce_sum3A_146 : vector<320xf32> to vector<320x1xf32>
    %div3A_148 = vector.broadcast %broadcast_in_dim3A_147 : vector<320x1xf32> to vector<320x16xf32>
    %div3A_149 = arith.divf %exp3A_144, %div3A_148 : vector<320x16xf32>
    %broadcast_in_dim3A_150 = vector.shape_cast %div3A_149 : vector<320x16xf32> to vector<320x16x1xf32>
    %reshape3A_151 = vector.shape_cast %get3A_101 : vector<5120x64xf32> to vector<320x16x64xf32>
    %mul3A_152 = vector.broadcast %broadcast_in_dim3A_150 : vector<320x16x1xf32> to vector<320x16x64xf32>
    %mul3A_153 = arith.mulf %mul3A_152, %reshape3A_151 : vector<320x16x64xf32>
    %reduce_sum3A_154 = arith.constant dense<0.000000e+00> : vector<320x64xf32>
    %reduce_sum3A_155 = vector.multi_reduction <add>, %mul3A_153, %reduce_sum3A_154 [1] : vector<320x16x64xf32> to vector<320x64xf32>
    %concatenate3A = tpu.concatenate %get3A_1, %reduce_sum3A_155 in 1 : vector<320x64xf32>, vector<320x64xf32> -> vector<320x128xf32>
    %get3A_156 = arith.constant 0 : index
    %get3A_157 = arith.constant 0 : index
    %get3A_158 = vector.load %arg10[%get3A_156, %get3A_157] : memref<128x64xf32, #tpu.memory_space<vmem>>, vector<128x64xf32>
    %dot_general3A_159 = arith.constant dense<0.000000e+00> : vector<320x64xf32>
    %dot_general3A_160 = tpu.matmul %concatenate3A, %get3A_158, %dot_general3A_159 {dimension_numbers = #tpu.dot_dimension_numbers<[1], [0], [0], [1], [0, 0, 1, 1], [], []>, transpose_lhs_hint = false} : vector<320x128xf32>, vector<128x64xf32>, vector<320x64xf32> -> vector<320x64xf32>
    %max3A_161 = arith.constant 0.000000e+00 : f32
    %max3A_162 = vector.broadcast %max3A_161 : f32 to vector<320x64xf32>
    %max3A_163 = arith.maximumf %dot_general3A_160, %max3A_162 : vector<320x64xf32>
    %swap3A_164 = arith.constant 0 : index
    %swap3A_165 = arith.constant 0 : index
    %swap3A_166 = vector.load %arg13[%swap3A_164, %swap3A_165] : memref<320x64xf32, #tpu.memory_space<vmem>>, vector<320x64xf32>
    tpu.vector_store %arg13[%swap3A_164, %swap3A_165], %max3A_163 {strides = array<i32>} : memref<320x64xf32, #tpu.memory_space<vmem>>, vector<320x64xf32>,
    return
  }
  func.func @transform_0(%arg0: i32) -> (i32, i32) {
    %c0_i32 = arith.constant 0 : i32
    %c0_i32_0 = arith.constant 0 : i32
    return %arg0, %c0_i32 : i32, i32
  }
  func.func @transform_1(%arg0: i32) -> (i32, i32, i32) {
    %c0_i32 = arith.constant 0 : i32
    %c0_i32_0 = arith.constant 0 : i32
    %c0_i32_1 = arith.constant 0 : i32
    return %arg0, %c0_i32, %c0_i32_0 : i32, i32, i32
  }
  func.func @transform_2(%arg0: i32) -> (i32, i32, i32) {
    %c0_i32 = arith.constant 0 : i32
    %c0_i32_0 = arith.constant 0 : i32
    %c0_i32_1 = arith.constant 0 : i32
    return %arg0, %c0_i32, %c0_i32_0 : i32, i32, i32
  }
  func.func @transform_3(%arg0: i32) -> (i32, i32) {
    %c0_i32 = arith.constant 0 : i32
    %c0_i32_0 = arith.constant 0 : i32
    return %arg0, %c0_i32 : i32, i32
  }
  func.func @transform_4(%arg0: i32) -> (i32, i32) {
    %c0_i32 = arith.constant 0 : i32
    %c0_i32_0 = arith.constant 0 : i32
    return %arg0, %c0_i32 : i32, i32
  }
  func.func @transform_5(%arg0: i32) -> (i32, i32) {
    %c0_i32 = arith.constant 0 : i32
    %c0_i32_0 = arith.constant 0 : i32
    return %arg0, %c0_i32 : i32, i32
  }
  func.func @transform_6(%arg0: i32) -> (i32, i32) {
    %c0_i32 = arith.constant 0 : i32
    %c0_i32_0 = arith.constant 0 : i32
    %c0_i32_1 = arith.constant 0 : i32
    return %c0_i32, %c0_i32_0 : i32, i32
  }
  func.func @transform_7(%arg0: i32) -> (i32, i32) {
    %c0_i32 = arith.constant 0 : i32
    %c0_i32_0 = arith.constant 0 : i32
    %c0_i32_1 = arith.constant 0 : i32
    return %c0_i32, %c0_i32_0 : i32, i32
  }
  func.func @transform_8(%arg0: i32) -> (i32, i32) {
    %c0_i32 = arith.constant 0 : i32
    %c0_i32_0 = arith.constant 0 : i32
    %c0_i32_1 = arith.constant 0 : i32
    return %c0_i32, %c0_i32_0 : i32, i32
  }
  func.func @transform_9(%arg0: i32) -> (i32, i32) {
    %c0_i32 = arith.constant 0 : i32
    %c0_i32_0 = arith.constant 0 : i32
    %c0_i32_1 = arith.constant 0 : i32
    return %c0_i32, %c0_i32_0 : i32, i32
  }
  func.func @transform_10(%arg0: i32) -> (i32, i32) {
    %c0_i32 = arith.constant 0 : i32
    %c0_i32_0 = arith.constant 0 : i32
    %c0_i32_1 = arith.constant 0 : i32
    return %c0_i32, %c0_i32_0 : i32, i32
  }
  func.func @transform_11(%arg0: i32) -> (i32, i32) {
    %c0_i32 = arith.constant 0 : i32
    %c0_i32_0 = arith.constant 0 : i32
    return %arg0, %c0_i32 : i32, i32
  }
  func.func @transform_12(%arg0: i32) -> (i32, i32) {
    %c0_i32 = arith.constant 0 : i32
    %c0_i32_0 = arith.constant 0 : i32
    return %arg0, %c0_i32 : i32, i32
  }
}

</mosaic_0001>

<sc_bundles>
// kernel: kernel.5.cloned.1.call-start
scs
__scs_entry_jumppad:
0x0: {  	(pc) =	sbr.rel $0x88, $3  }
0x1: {  	(tag) =	ssettag $0x0;
	lr =	simm.s32 $0x1  }
0x2: {  	[smem:$0x3F93] =	sst lr;
	_ =	strace $0xD0000000  }
0x3: {  	_ = 	snop  }
0x4: {  	_ = 	snop  }
0x5: {  	_ = 	snop  }
0x6: {  	_ = 	snop  }
0x7: {  	_ = 	snop  }
__scs_overlays_trampoline_lowered:
0x8: {  	[smem:$0x3FA2] =	sst s0  }
0x9: {  	[smem:$0x3FA3] =	sst s1  }
0xa: {  	[smem:$0x3FA4] =	sst s2  }
0xb: {  	[smem:$0x3FA5] =	sst s3  }
0xc: {  	[smem:$0x3FA6] =	sst s4  }
0xd: {  	[smem:$0x3FA7] =	sst s5  }
0xe: {  	[smem:$0x3FA8] =	sst s6  }
0xf: {  	[smem:$0x3FA9] =	sst s7  }
0x10: {  	[smem:$0x3FAA] =	sst s8  }
0x11: {  	[smem:$0x3FAB] =	sst s9;
	s0 =	simm.s32 @!p0 $0x0  }
0x12: {  	s1 =	sld [smem:$0x3F91];
	s0 =	simm.s32 @p0 $0x1  }
0x13: {  	[smem:$0x3FAC] =	sst s0;
	s0 =	simm.s32 @!p1 $0x0  }
0x14: {  	s2 =	sld [smem:$0x3F90];
	s0 =	simm.s32 @p1 $0x1  }
0x15: {  	[smem:$0x3FAD] =	sst s0;
	s0 =	simm.s32 @!p2 $0x0  }
0x16: {  	s3 =	sld [smem:$0x3FDB];
	s0 =	simm.s32 @p2 $0x1  }
0x17: {  	s4 =	simm.s32 $0x1BF5;
	[smem:$0x3FAF] =	sst s0  }
0x18: {  	s0 =	sld [smem:$0x3F92];
	_ =	swait.ge [sflag:s4], $0x0  }
0x19: {  	s7 =	sld [smem:$0x3F93]  }
0x1a: {  	s8 =	sadd.s32 $0xFFFFE003, lr  }
0x1b: {  	s9 =	sadd.s32 $0xFFFFFEF7, lr;
	s5 =	simm.s32 $0xFFFFFFFF;
	p2 =	slt.u32 s8, $0xFFFFF086  }
0x1c: {  	p1 =	slt.u32 s9, $0xF7A;
	s5 =	simm.s32 @!p2 $0x0  }
0x1d: {  	s5 =	simm.s32 @p1 $0x1;
	p0 =	seq.s32 s7, s2  }
0x1e: {  	s7 =	smul.u32 @!p0 $0xF7A, s2;
	p2 =	seq.s32 @!p0 s5, $0x0  }
0x1f: {  	s9 =	smul.u32 $0xF7A, s1;
	s8 =	simm.s32 @!p0 $0x1BF5;
	p2 =	por !p2, p0  }
0x20: {  	[sflag:s8] =	ssyncset.s32 @!p0 $0xFFFFF086;
	s6 =	sadd.s32 @!p0 s3, s7;
	s7 =	simm.s32 @!p0 $0x108  }
0x21: {  	s3 =	sadd.s32 s3, s9;
	s6 =	sadd.s32 @!p0 $0x88, s6;
	s7 =	simm.s32 @p2 $0x1082  }
0x22: {  	[simem:s7], [sflag:s8] =	dma.local @!p0 [hbm:s6], $0xF7A  }
0x23: {  	s9 =	sor.u32 $0xD0000000, s2;
	s6 =	simm.s32 $0x108;
	_ =	swait.ge @!p0 [sflag:s8], $0x0  }
0x24: {  	s3 =	sadd.s32 $0x88, s3;
	s6 =	simm.s32 @!p1 $0x1082;
	[sflag:s4] =	ssyncset.s32 $0xFFFFF086  }
0x25: {  	[simem:s6], [sflag:s4] =	dma.local [hbm:s3], $0xF7A  }
0x26: {  	[smem:$0x3F93] =	sst s1;
	(tag) =	ssettag s2;
	_ =	strace s9  }
0x27: {  	s1 =	sld [smem:$0x3FA3]  }
0x28: {  	s2 =	sld [smem:$0x3FA4]  }
0x29: {  	s4 =	sld [smem:$0x3FA6]  }
0x2a: {  	p0 =	seq.s32 s5, $0x0;
	s5 =	sld [smem:$0x3FA7]  }
0x2b: {  	s6 =	sld [smem:$0x3FA8]  }
0x2c: {  	s7 =	sld [smem:$0x3FA9]  }
0x2d: {  	s3 =	simm.s32 $0x108;
	s8 =	sld [smem:$0x3FAA]  }
0x2e: {  	s3 =	simm.s32 @!p0 $0x1082;
	s9 =	sld [smem:$0x3FAB]  }
0x2f: {  	lr =	sadd.s32 s0, s3;
	s0 =	sld [smem:$0x3FA2]  }
0x30: {  	s3 =	sld [smem:$0x3FA5]  }
0x31: {  	[smem:$0x3FAE] =	sst s10  }
0x32: {  	s10 =	sld [smem:$0x3FAC];
	_ =	sdelay $0x3  }
0x33: {  	p0 =	seq.s32 s10, $0x1;
	s10 =	sld [smem:$0x3FAE];
	_ =	sdelay $0x3  }
0x34: {  	[smem:$0x3FAE] =	sst s10  }
0x35: {  	s10 =	sld [smem:$0x3FAD];
	_ =	sdelay $0x3  }
0x36: {  	p1 =	seq.s32 s10, $0x1;
	s10 =	sld [smem:$0x3FAE];
	_ =	sdelay $0x3  }
0x37: {  	[smem:$0x3FAE] =	sst s10  }
0x38: {  	s10 =	sld [smem:$0x3FAF]  }
0x39: {  	_ = 	snop;
	(pc) =	sbr.ind lr, $3  }
0x3a: {  	_ = 	snop  }
0x3b: {  	_ = 	snop  }
0x3c: {  	p2 =	seq.s32 s10, $0x1;
	s10 =	sld [smem:$0x3FAE]  }
0x3d: {  	_ =	shalt  }
0x3e: {  	_ =	shalt  }
0x3f: {  	_ =	shalt  }
0x40: {  	_ =	shalt  }
0x41: {  	_ =	shalt  }
0x42: {  	_ =	shalt  }
0x43: {  	_ =	shalt  }
0x44: {  	_ =	shalt  }
0x45: {  	_ =	shalt  }
0x46: {  	_ =	shalt  }
0x47: {  	_ =	shalt  }
0x48: {  	_ =	shalt  }
0x49: {  	_ =	shalt  }
0x4a: {  	_ =	shalt  }
0x4b: {  	_ =	shalt  }
0x4c: {  	_ =	shalt  }
0x4d: {  	_ =	shalt  }
0x4e: {  	_ =	shalt  }
0x4f: {  	_ =	shalt  }
0x50: {  	_ =	shalt  }
0x51: {  	_ =	shalt  }
0x52: {  	_ =	shalt  }
0x53: {  	_ =	shalt  }
0x54: {  	_ =	shalt  }
0x55: {  	_ =	shalt  }
0x56: {  	_ =	shalt  }
0x57: {  	_ =	shalt  }
0x58: {  	_ =	shalt  }
0x59: {  	_ =	shalt  }
0x5a: {  	_ =	shalt  }
0x5b: {  	_ =	shalt  }
0x5c: {  	_ =	shalt  }
0x5d: {  	_ =	shalt  }
0x5e: {  	_ =	shalt  }
0x5f: {  	_ =	shalt  }
0x60: {  	_ =	shalt  }
0x61: {  	_ =	shalt  }
0x62: {  	_ =	shalt  }
0x63: {  	_ =	shalt  }
0x64: {  	_ =	shalt  }
0x65: {  	_ =	shalt  }
0x66: {  	_ =	shalt  }
0x67: {  	_ =	shalt  }
0x68: {  	_ =	shalt  }
0x69: {  	_ =	shalt  }
0x6a: {  	_ =	shalt  }
0x6b: {  	_ =	shalt  }
0x6c: {  	_ =	shalt  }
0x6d: {  	_ =	shalt  }
0x6e: {  	_ =	shalt  }
0x6f: {  	_ =	shalt  }
0x70: {  	_ =	shalt  }
0x71: {  	_ =	shalt  }
0x72: {  	_ =	shalt  }
0x73: {  	_ =	shalt  }
0x74: {  	_ =	shalt  }
0x75: {  	_ =	shalt  }
0x76: {  	_ =	shalt  }
0x77: {  	_ =	shalt  }
0x78: {  	_ =	shalt  }
0x79: {  	_ =	shalt  }
0x7a: {  	_ =	shalt  }
0x7b: {  	_ =	shalt  }
0x7c: {  	_ =	shalt  }
0x7d: {  	_ =	shalt  }
0x7e: {  	_ =	shalt  }
0x7f: {  	_ =	shalt  }
0x80: {  	_ =	shalt  }
0x81: {  	_ =	shalt  }
0x82: {  	_ =	shalt  }
0x83: {  	_ =	shalt  }
0x84: {  	_ =	shalt  }
0x85: {  	_ =	shalt  }
0x86: {  	_ =	shalt  }
0x87: {  	_ =	shalt  }
.Lfunc_end0:
.L_simem_size_0:
called_computation_lowered:
.L_overlay_start_0:
0x88: {  	s2 =	sld [smem:$0x3FD9]  }
0x89: {  	s3 =	sld [smem:$0x3FFE];
	_ =	sdelay $0x1  }
0x8a: {  	s1 =	srdreg.scid  }
0x8b: {  	s0 =	sand.u32 $0x1, s1  }
0x8c: {  	s14 =	sshll.u32 s0, $0xA;
	s2 =	sadd.s32 s3, s2  }
0x8d: {  	s2 =	sadd.s32 s2, s14  }
0x8e: {  	[smem:$0x3FBA] =	sst s2  }
0x8f: {  	_ = 	snop  }
0x90: {  	s2 =	sld [smem:$0x3FD0];
	_ =	sdelay $0x2  }
0x91: {  	s15 =	simm.s32 $0xA;
	s4 =	simm.s32 $0x10  }
0x92: {  	[smem:s4], [sflag:s15] =	dma.local [hbm:s2], $0x1  }
0x93: {  	_ =	swait.eq [sflag:s15], $0x1  }
0x94: {  	[sflag:s15] =	ssyncset.done $0x0  }
0x95: {  	s16 =	sld [smem:$0x10];
	[sflag:s15] =	ssyncadd.s32 $0xFFFFFFFF  }
0x96: {  	s17 =	sld [smem:$0x11];
	(tm) =	ssettm $0x1  }
0x97: {  	s18 =	sld [smem:$0x3FFB];
	_ =	sdelay $0x3  }
0x98: {  	_ =	strace s18  }
0x99: {  	s4 =	sld [smem:$0x3FFC];
	_ =	sdelay $0x3  }
0x9a: {  	_ =	strace s4  }
0x9b: {  	s4 =	sld [smem:$0x3FFD];
	_ =	sdelay $0x3  }
0x9c: {  	_ =	strace s4  }
0x9d: {  	_ =	strace $0x8FFFFFFF  }
0x9e: {  	s19 =	sld [smem:$0x3FDB];
	_ =	sdelay $0x1  }
0x9f: {  	s5 =	simm.s32 $_scs_section_size  }
0xa0: {  	s6 =	simm.s32 $_size__tile_overlayer_lowered;
	s7 =	simm.s32 $_tile_overlayer_lowered  }
0xa1: {  	s22 =	simm.s32 $0x1BFF;
	s21 =	sshll.u32 s7, $0x1;
	s4 =	sadd.s32 s5, s19  }
0xa2: {  	s8 =	simm.s32 $0x0;
	s20 =	sshll.u32 s6, $0x1;
	s6 =	sadd.s32 s21, s4  }
0xa3: {  	[timem:s8], [sflag:s22] =	dma.local [hbm:s6], s20  }
0xa4: {  	_ =	swait.ge [sflag:s22], s20  }
0xa5: {  	s5 =	ssub.s32 $0x0, s20;
	[sflag:s22] =	ssyncset.done $0x0  }
0xa6: {  	[sflag:s22] =	ssyncadd.s32 s5;
	_ =	sdelay $0x1  }
0xa7: {  	s23 =	simm.s32 $0x1B8B  }
0xa8: {  	_ =	swait.ge [sflag:s23], $0x1  }
0xa9: {  	[sflag:s23] =	ssyncset.done $0x0  }
0xaa: {  	s25 =	simm.s32 $0x1B8E;
	s24 =	sld [smem:$0x3FFE];
	[sflag:s23] =	ssyncadd.s32 $0xFFFFFFFF  }
0xab: {  	s26 =	simm.s32 $execute0_lowered;
	[smem:$0x3FD2] =	sst s25  }
0xac: {  	s6 =	sshll.u32 s26, $0x1;
	_ =	strace $0x80000046;
	[dreg:$0x1] =	wrdreg $0xFFFFFFFF  }
0xad: {  	s28 =	simm.s32 $_size_execute0_lowered;
	s4 =	sadd.s32 s4, s6;
	[dreg:$0x0] =	wrdreg $0x0  }
0xae: {  	s6 =	sshll.u32 s28, $0x1;
	[dreg:$0x2] =	wrdreg s4  }
0xaf: {  	[dreg:$0x3] =	wrdreg s6  }
0xb0: {  	[dreg:$0x4] =	wrdreg $0xC0  }
0xb1: {  	_ =	task [dreg:s8], $0x5FFFF  }
0xb2: {  	[dreg:$0x1] =	wrdreg $0xFFFFFFFF  }
0xb3: {  	[dreg:$0x0] =	wrdreg $0x60  }
0xb4: {  	[dreg:$0x2] =	wrdreg s16  }
0xb5: {  	[dreg:$0x3] =	wrdreg s24  }
0xb6: {  	[dreg:$0x4] =	wrdreg s17  }
0xb7: {  	[dreg:$0x5] =	wrdreg $0x9  }
0xb8: {  	_ =	task.clear_ibuf [dreg:s8], $0x6FFFF;
	_ =	strace $0x90000046  }
0xb9: {  	s29 =	simm.s32 $0x9;
	_ =	strace $0x80000048  }
0xba: {  	_ =	swait.ge [sflag:s29], $0x1  }
0xbb: {  	[sflag:s29] =	ssyncadd.s32 $0xFFFFFFFF  }
0xbc: {  	_ =	strace $0x90000048  }
0xbd: {  	_ =	sfence  }
0xbe: {  	s30 =	sld [smem:$0x0];
	_ =	sdelay $0x2  }
0xbf: {  	s31 =	sshll.u32 s1, $0xD;
	s1 =	sshrl.u32 s1, $0x2  }
0xc0: {  	s3 =	sand.u32 $0x4000, s31;
	s1 =	sadd.s32 s1, s30  }
0xc1: {  	s0 =	sor.u32 s3, s0;
	s1 =	sshll.u32 s1, $0x11  }
0xc2: {  	s0 =	sor.u32 s1, s0  }
0xc3: {  	s0 =	sadd.s32 $0x8F2B, s0  }
0xc4: {  	[sflag:s0] =	ssyncadd.remote.s32 $0x1  }
0xc5: {  	_ =	sfence.sel $0xFFFF  }
0xc6: {  	[dreg:$0x0] =	wrdreg $0xFFFFFFFF;
	(pc) =	sbr.abs _section_cstart, $3  }
0xc7: {  	[dreg:$0x1] =	wrdreg $0xFFFFFFFF  }
0xc8: {  	_ =	task.clear_ibuf [dreg:s8], $0x2FFFF;
	_ =	strace $0x9FFFFFFF  }
0xc9: {  	(tm) =	ssettm $0x7FFFFFFF  }
tec
execute0_lowered:
.L_overlay_start_1:
0x0: {  	(tag) =	ssettag $0x1  }
0x1: {  	s3 =	rddreg [dreg:$0x0]  }
0x2: {  	s1 =	srdreg.scid;
	s0 =	stileid.u32  }
0x3: {  	s12 =	rddreg [dreg:$0x1];
	s11 =	sand.u32 $0x1, s1;
	s30 =	sshll.u32 s0, $0x1  }
0x4: {  	s10 =	rddreg [dreg:$0x2];
	s13 =	sor.u32 s11, s30  }
0x5: {  	s2 =	simm.s32 $0x0;
	s1 =	rddreg [dreg:$0x3];
	s4 =	smul.u32 $0x50, s13  }
0x6: {  	[smem:$0x7FF] =	sst s2  }
0x7: {  	_ =	strace $0x80000047;
	s4 =	sadd.s32 s3, s4;
	s3 =	simm.s32 $0x3  }
0x8: {  	[tilespmem:s2], [sflag:$0x3] =	stream.linear.gather [hbm4b:s4+s2], $0x280, $0x38;
	[tilespmem:$0x5280] =	vst v63  }
0x9: {  	_ =	swait.ge [sflag:s3], $0x280  }
0xa: {  	[sflag:s3] =	ssyncset.done $0x0  }
0xb: {  	s6 =	simm.s32 $0x280;
	s5 =	sadd.s32 $0x36000, s12;
	[sflag:s3] =	ssyncadd.s32 $0xFFFFFD80  }
0xc: {  	[tilespmem:s6], [sflag:$0x1] =	stream.indirect.gather [hbm4b:s5+s6], $0x10, s2, s6, $0xb8;
	[tilespmem:$0x5280] =	vst v63  }
0xd: {  	s8 =	simm.s32 $0x2A80;
	s9 =	simm.s32 $0x1;
	s7 =	sadd.s32 $0x5200, s12  }
0xe: {  	[tilespmem:s8], [sflag:$0x2] =	stream.indirect.gather [hbm4b:s7+s6], $0x10, s2, s6, $0xb8;
	[tilespmem:$0x5280] =	vst v63  }
0xf: {  	s13 =	smul.u32 $0x500, s13;
	_ =	swait.ge [sflag:s9], $0x2800  }
0x10: {  	[sflag:s9] =	ssyncset.done $0x0  }
0x11: {  	s14 =	ssub.s32 $0x2, s11;
	s10 =	sadd.s32 s10, s13;
	[sflag:s9] =	ssyncadd.s32 $0xFFFFD800  }
0x12: {  	[hbm4b:s10+s2] =	stream.linear.scatter [tilespmem:s6], [sflag:$0x3], $0x2800, $0x38;
	[tilespmem:$0x5280] =	vst v63  }
0x13: {  	s15 =	sshrl.u32 s14, $0x1;
	_ =	swait.ge [sflag:s3], $0x2800  }
0x14: {  	s11 =	simm.s32 $0x2;
	s31 =	ssub.s32 s14, s15;
	[sflag:s3] =	ssyncset.done $0x0  }
0x15: {  	s12 =	sadd.s32 s13, s12;
	s13 =	smax.u32 s31, $0x1;
	[sflag:s3] =	ssyncadd.s32 $0xFFFFD800  }
0x16: {  	p0 =	sne.s32 s13, $0x1;
	_ =	swait.ge [sflag:s11], $0x2800  }
.Ltmp0:
0x17: {  	[sflag:s11] =	ssyncset.done $0x0;
	(pc) =	sbr.rel @!p0 .LBB2_2-.Ltmp0, $4  }
0x18: {  	s12 =	sadd.s32 $0x66E00, s12;
	[sflag:s11] =	ssyncadd.s32 $0xFFFFD800  }
0x19: {  	[hbm4b:s12+s2] =	stream.linear.scatter [tilespmem:s8], [sflag:$0x3], $0x2800, $0x38;
	[tilespmem:$0x5280] =	vst v63  }
0x1a: {  	_ =	swait.ge [sflag:s3], $0x2800  }
0x1b: {  	s13 =	sadd.s32 $0xFFFFFFFF, s13;
	[sflag:s3] =	ssyncset.done $0x0  }
.LBB2_1:
0x1c: {  	p0 =	sne.s32 s13, $0x1;
	s13 =	sadd.s32 $0xFFFFFFFF, s13;
	[sflag:s3] =	ssyncadd.s32 $0xFFFFD800  }
0x1d: {  	[tilespmem:s2], [sflag:$0x3] =	stream.linear.gather [hbm4b:s4+s2], $0x280, $0x38;
	[tilespmem:$0x5280] =	vst v63  }
0x1e: {  	_ =	swait.ge [sflag:s3], $0x280  }
0x1f: {  	[sflag:s3] =	ssyncset.done $0x0  }
0x20: {  	[sflag:s3] =	ssyncadd.s32 $0xFFFFFD80  }
0x21: {  	[tilespmem:s6], [sflag:$0x1] =	stream.indirect.gather [hbm4b:s5+s6], $0x10, s2, s6, $0xb8;
	[tilespmem:$0x5280] =	vst v63  }
0x22: {  	_ = 	snop  }
0x23: {  	[tilespmem:s8], [sflag:$0x2] =	stream.indirect.gather [hbm4b:s7+s6], $0x10, s2, s6, $0xb8;
	[tilespmem:$0x5280] =	vst v63  }
0x24: {  	_ =	swait.ge [sflag:s9], $0x2800  }
0x25: {  	[sflag:s9] =	ssyncset.done $0x0  }
0x26: {  	[sflag:s9] =	ssyncadd.s32 $0xFFFFD800  }
0x27: {  	[hbm4b:s10+s2] =	stream.linear.scatter [tilespmem:s6], [sflag:$0x3], $0x2800, $0x38;
	[tilespmem:$0x5280] =	vst v63  }
0x28: {  	_ =	swait.ge [sflag:s3], $0x2800  }
0x29: {  	[sflag:s3] =	ssyncset.done $0x0  }
0x2a: {  	[sflag:s3] =	ssyncadd.s32 $0xFFFFD800  }
0x2b: {  	_ =	swait.ge [sflag:s11], $0x2800  }
.Ltmp1:
0x2c: {  	[sflag:s11] =	ssyncset.done $0x0;
	(pc) =	sbr.rel @p0 .LBB2_1-.Ltmp1, $4  }
0x2d: {  	[sflag:s11] =	ssyncadd.s32 $0xFFFFD800  }
0x2e: {  	[hbm4b:s12+s2] =	stream.linear.scatter [tilespmem:s8], [sflag:$0x3], $0x2800, $0x38;
	[tilespmem:$0x5280] =	vst v63  }
0x2f: {  	_ =	swait.ge [sflag:s3], $0x2800  }
0x30: {  	[sflag:s3] =	ssyncset.done $0x0  }
.LBB2_2:
0x31: {  	[sflag:s3] =	ssyncadd.s32 $0xFFFFD800  }
0x32: {  	_ =	sfence.sel $0x180000  }
0x33: {  	[bflag:$0x0] =	sbarrier.arrive $0xFFFF  }
0x34: {  	p0 =	sne.s32 s0, $0x0;
	_ =	strace $0x90000047  }
0x35: {  	s0 =	sadd.s32 @!p0 $0x100000, s1;
	[bflag:$0x2] =	sbarrier.arrive $0xFFFF  }
0x36: {  	[sflag:s0] =	ssyncadd.tile.s32 @!p0 $0x1;
	_ =	shalt  }
.Lfunc_end2:
_tile_overlayer_lowered:
.L_overlay_start_2:
0x37: {  	(tag) =	ssettag $0x2  }
0x38: {  	s0 =	rddreg [dreg:$0x0];
	s2 =	stileid.u32  }
0x39: {  	s1 =	rddreg [dreg:$0x1];
	p0 =	sne.s32 s2, $0x0  }
0x3a: {  	s3 =	rddreg [dreg:$0x2];
	[bflag:$0x3] =	sbarrier.arrive $0xFFFF;
	s2 =	simm.s32 @!p0 $0x1C03  }
0x3b: {  	[timem:s3], [sflag:s2] =	dma.local @!p0 [hbm:s0], s1  }
0x3c: {  	s0 =	simm.s32 @!p0 $0x3  }
0x3d: {  	_ =	swait.ge @!p0 [sflag:s0], s1  }
0x3e: {  	s1 =	ssub.s32 @!p0 $0x0, s1;
	[sflag:s0] =	ssyncset.done @!p0 $0x0  }
0x3f: {  	[sflag:s0] =	ssyncadd.s32 @!p0 s1  }
0x40: {  	[bflag:$0x3] =	sbarrier.arrive $0xFFFF  }
0x41: {  	_ =	shalt  }

// kernel: kernel.8.cloned.1.call-start
scs
__scs_entry_jumppad:
0x0: {  	(pc) =	sbr.rel $0x88, $3  }
0x1: {  	(tag) =	ssettag $0x0;
	lr =	simm.s32 $0x1  }
0x2: {  	[smem:$0x3F93] =	sst lr;
	_ =	strace $0xD0000000  }
0x3: {  	_ = 	snop  }
0x4: {  	_ = 	snop  }
0x5: {  	_ = 	snop  }
0x6: {  	_ = 	snop  }
0x7: {  	_ = 	snop  }
__scs_overlays_trampoline_lowered:
0x8: {  	[smem:$0x3FA2] =	sst s0  }
0x9: {  	[smem:$0x3FA3] =	sst s1  }
0xa: {  	[smem:$0x3FA4] =	sst s2  }
0xb: {  	[smem:$0x3FA5] =	sst s3  }
0xc: {  	[smem:$0x3FA6] =	sst s4  }
0xd: {  	[smem:$0x3FA7] =	sst s5  }
0xe: {  	[smem:$0x3FA8] =	sst s6  }
0xf: {  	[smem:$0x3FA9] =	sst s7  }
0x10: {  	[smem:$0x3FAA] =	sst s8  }
0x11: {  	[smem:$0x3FAB] =	sst s9;
	s0 =	simm.s32 @!p0 $0x0  }
0x12: {  	s1 =	sld [smem:$0x3F91];
	s0 =	simm.s32 @p0 $0x1  }
0x13: {  	[smem:$0x3FAC] =	sst s0;
	s0 =	simm.s32 @!p1 $0x0  }
0x14: {  	s2 =	sld [smem:$0x3F90];
	s0 =	simm.s32 @p1 $0x1  }
0x15: {  	[smem:$0x3FAD] =	sst s0;
	s0 =	simm.s32 @!p2 $0x0  }
0x16: {  	s3 =	sld [smem:$0x3FDB];
	s0 =	simm.s32 @p2 $0x1  }
0x17: {  	s4 =	simm.s32 $0x1BF5;
	[smem:$0x3FAF] =	sst s0  }
0x18: {  	s0 =	sld [smem:$0x3F92];
	_ =	swait.ge [sflag:s4], $0x0  }
0x19: {  	s7 =	sld [smem:$0x3F93]  }
0x1a: {  	s8 =	sadd.s32 $0xFFFFE003, lr  }
0x1b: {  	s9 =	sadd.s32 $0xFFFFFEF7, lr;
	s5 =	simm.s32 $0xFFFFFFFF;
	p2 =	slt.u32 s8, $0xFFFFF086  }
0x1c: {  	p1 =	slt.u32 s9, $0xF7A;
	s5 =	simm.s32 @!p2 $0x0  }
0x1d: {  	s5 =	simm.s32 @p1 $0x1;
	p0 =	seq.s32 s7, s2  }
0x1e: {  	s7 =	smul.u32 @!p0 $0xF7A, s2;
	p2 =	seq.s32 @!p0 s5, $0x0  }
0x1f: {  	s9 =	smul.u32 $0xF7A, s1;
	s8 =	simm.s32 @!p0 $0x1BF5;
	p2 =	por !p2, p0  }
0x20: {  	[sflag:s8] =	ssyncset.s32 @!p0 $0xFFFFF086;
	s6 =	sadd.s32 @!p0 s3, s7;
	s7 =	simm.s32 @!p0 $0x108  }
0x21: {  	s3 =	sadd.s32 s3, s9;
	s6 =	sadd.s32 @!p0 $0x88, s6;
	s7 =	simm.s32 @p2 $0x1082  }
0x22: {  	[simem:s7], [sflag:s8] =	dma.local @!p0 [hbm:s6], $0xF7A  }
0x23: {  	s9 =	sor.u32 $0xD0000000, s2;
	s6 =	simm.s32 $0x108;
	_ =	swait.ge @!p0 [sflag:s8], $0x0  }
0x24: {  	s3 =	sadd.s32 $0x88, s3;
	s6 =	simm.s32 @!p1 $0x1082;
	[sflag:s4] =	ssyncset.s32 $0xFFFFF086  }
0x25: {  	[simem:s6], [sflag:s4] =	dma.local [hbm:s3], $0xF7A  }
0x26: {  	[smem:$0x3F93] =	sst s1;
	(tag) =	ssettag s2;
	_ =	strace s9  }
0x27: {  	s1 =	sld [smem:$0x3FA3]  }
0x28: {  	s2 =	sld [smem:$0x3FA4]  }
0x29: {  	s4 =	sld [smem:$0x3FA6]  }
0x2a: {  	p0 =	seq.s32 s5, $0x0;
	s5 =	sld [smem:$0x3FA7]  }
0x2b: {  	s6 =	sld [smem:$0x3FA8]  }
0x2c: {  	s7 =	sld [smem:$0x3FA9]  }
0x2d: {  	s3 =	simm.s32 $0x108;
	s8 =	sld [smem:$0x3FAA]  }
0x2e: {  	s3 =	simm.s32 @!p0 $0x1082;
	s9 =	sld [smem:$0x3FAB]  }
0x2f: {  	lr =	sadd.s32 s0, s3;
	s0 =	sld [smem:$0x3FA2]  }
0x30: {  	s3 =	sld [smem:$0x3FA5]  }
0x31: {  	[smem:$0x3FAE] =	sst s10  }
0x32: {  	s10 =	sld [smem:$0x3FAC];
	_ =	sdelay $0x3  }
0x33: {  	p0 =	seq.s32 s10, $0x1;
	s10 =	sld [smem:$0x3FAE];
	_ =	sdelay $0x3  }
0x34: {  	[smem:$0x3FAE] =	sst s10  }
0x35: {  	s10 =	sld [smem:$0x3FAD];
	_ =	sdelay $0x3  }
0x36: {  	p1 =	seq.s32 s10, $0x1;
	s10 =	sld [smem:$0x3FAE];
	_ =	sdelay $0x3  }
0x37: {  	[smem:$0x3FAE] =	sst s10  }
0x38: {  	s10 =	sld [smem:$0x3FAF]  }
0x39: {  	_ = 	snop;
	(pc) =	sbr.ind lr, $3  }
0x3a: {  	_ = 	snop  }
0x3b: {  	_ = 	snop  }
0x3c: {  	p2 =	seq.s32 s10, $0x1;
	s10 =	sld [smem:$0x3FAE]  }
0x3d: {  	_ =	shalt  }
0x3e: {  	_ =	shalt  }
0x3f: {  	_ =	shalt  }
0x40: {  	_ =	shalt  }
0x41: {  	_ =	shalt  }
0x42: {  	_ =	shalt  }
0x43: {  	_ =	shalt  }
0x44: {  	_ =	shalt  }
0x45: {  	_ =	shalt  }
0x46: {  	_ =	shalt  }
0x47: {  	_ =	shalt  }
0x48: {  	_ =	shalt  }
0x49: {  	_ =	shalt  }
0x4a: {  	_ =	shalt  }
0x4b: {  	_ =	shalt  }
0x4c: {  	_ =	shalt  }
0x4d: {  	_ =	shalt  }
0x4e: {  	_ =	shalt  }
0x4f: {  	_ =	shalt  }
0x50: {  	_ =	shalt  }
0x51: {  	_ =	shalt  }
0x52: {  	_ =	shalt  }
0x53: {  	_ =	shalt  }
0x54: {  	_ =	shalt  }
0x55: {  	_ =	shalt  }
0x56: {  	_ =	shalt  }
0x57: {  	_ =	shalt  }
0x58: {  	_ =	shalt  }
0x59: {  	_ =	shalt  }
0x5a: {  	_ =	shalt  }
0x5b: {  	_ =	shalt  }
0x5c: {  	_ =	shalt  }
0x5d: {  	_ =	shalt  }
0x5e: {  	_ =	shalt  }
0x5f: {  	_ =	shalt  }
0x60: {  	_ =	shalt  }
0x61: {  	_ =	shalt  }
0x62: {  	_ =	shalt  }
0x63: {  	_ =	shalt  }
0x64: {  	_ =	shalt  }
0x65: {  	_ =	shalt  }
0x66: {  	_ =	shalt  }
0x67: {  	_ =	shalt  }
0x68: {  	_ =	shalt  }
0x69: {  	_ =	shalt  }
0x6a: {  	_ =	shalt  }
0x6b: {  	_ =	shalt  }
0x6c: {  	_ =	shalt  }
0x6d: {  	_ =	shalt  }
0x6e: {  	_ =	shalt  }
0x6f: {  	_ =	shalt  }
0x70: {  	_ =	shalt  }
0x71: {  	_ =	shalt  }
0x72: {  	_ =	shalt  }
0x73: {  	_ =	shalt  }
0x74: {  	_ =	shalt  }
0x75: {  	_ =	shalt  }
0x76: {  	_ =	shalt  }
0x77: {  	_ =	shalt  }
0x78: {  	_ =	shalt  }
0x79: {  	_ =	shalt  }
0x7a: {  	_ =	shalt  }
0x7b: {  	_ =	shalt  }
0x7c: {  	_ =	shalt  }
0x7d: {  	_ =	shalt  }
0x7e: {  	_ =	shalt  }
0x7f: {  	_ =	shalt  }
0x80: {  	_ =	shalt  }
0x81: {  	_ =	shalt  }
0x82: {  	_ =	shalt  }
0x83: {  	_ =	shalt  }
0x84: {  	_ =	shalt  }
0x85: {  	_ =	shalt  }
0x86: {  	_ =	shalt  }
0x87: {  	_ =	shalt  }
.Lfunc_end0:
.L_simem_size_0:
called_computation.1_lowered:
.L_overlay_start_0:
0x88: {  	s2 =	sld [smem:$0x3FD9]  }
0x89: {  	s3 =	sld [smem:$0x3FFE];
	_ =	sdelay $0x1  }
0x8a: {  	s1 =	srdreg.scid  }
0x8b: {  	s0 =	sand.u32 $0x1, s1  }
0x8c: {  	s16 =	sshll.u32 s0, $0xA;
	s2 =	sadd.s32 s3, s2  }
0x8d: {  	s2 =	sadd.s32 s2, s16  }
0x8e: {  	[smem:$0x3FBA] =	sst s2  }
0x8f: {  	_ = 	snop  }
0x90: {  	(tm) =	ssettm $0x1  }
0x91: {  	s17 =	sld [smem:$0x3FFB];
	_ =	sdelay $0x3  }
0x92: {  	_ =	strace s17  }
0x93: {  	s2 =	sld [smem:$0x3FFC];
	_ =	sdelay $0x3  }
0x94: {  	_ =	strace s2  }
0x95: {  	s2 =	sld [smem:$0x3FFD];
	_ =	sdelay $0x3  }
0x96: {  	_ =	strace s2  }
0x97: {  	_ =	strace $0x8FFFFFFF  }
0x98: {  	s18 =	sld [smem:$0x3FDB];
	_ =	sdelay $0x1  }
0x99: {  	s19 =	simm.s32 $_scs_section_size  }
0x9a: {  	s4 =	simm.s32 $_size__tile_overlayer_lowered;
	s5 =	simm.s32 $_tile_overlayer_lowered  }
0x9b: {  	s22 =	simm.s32 $0x1BFF;
	s21 =	sshll.u32 s5, $0x1;
	s2 =	sadd.s32 s19, s18  }
0x9c: {  	s6 =	simm.s32 $0x0;
	s20 =	sshll.u32 s4, $0x1;
	s4 =	sadd.s32 s21, s2  }
0x9d: {  	[timem:s6], [sflag:s22] =	dma.local [hbm:s4], s20  }
0x9e: {  	_ =	swait.ge [sflag:s22], s20  }
0x9f: {  	s3 =	ssub.s32 $0x0, s20;
	[sflag:s22] =	ssyncset.done $0x0  }
0xa0: {  	[sflag:s22] =	ssyncadd.s32 s3;
	_ =	sdelay $0x1  }
0xa1: {  	s23 =	simm.s32 $0x1B8B  }
0xa2: {  	_ =	swait.ge [sflag:s23], $0x1  }
0xa3: {  	[sflag:s23] =	ssyncset.done $0x0  }
0xa4: {  	s25 =	simm.s32 $0x1B8E;
	s24 =	sld [smem:$0x3FFE];
	[sflag:s23] =	ssyncadd.s32 $0xFFFFFFFF  }
0xa5: {  	s26 =	simm.s32 $execute0_lowered;
	[smem:$0x3FD2] =	sst s25  }
0xa6: {  	s4 =	sshll.u32 s26, $0x1;
	_ =	strace $0x80000049;
	[dreg:$0x1] =	wrdreg $0xFFFFFFFF  }
0xa7: {  	s28 =	simm.s32 $_size_execute0_lowered;
	s2 =	sadd.s32 s2, s4;
	[dreg:$0x0] =	wrdreg $0x0  }
0xa8: {  	s4 =	sshll.u32 s28, $0x1;
	[dreg:$0x2] =	wrdreg s2  }
0xa9: {  	[dreg:$0x3] =	wrdreg s4  }
0xaa: {  	[dreg:$0x4] =	wrdreg $0xC0  }
0xab: {  	_ =	task [dreg:s6], $0x5FFFF  }
0xac: {  	[dreg:$0x1] =	wrdreg $0xFFFFFFFF  }
0xad: {  	[dreg:$0x0] =	wrdreg $0x60  }
0xae: {  	[dreg:$0x2] =	wrdreg s24  }
0xaf: {  	[dreg:$0x3] =	wrdreg $0x9  }
0xb0: {  	_ =	task.clear_ibuf [dreg:s6], $0x4FFFF;
	_ =	strace $0x90000049  }
0xb1: {  	s29 =	simm.s32 $0x9;
	_ =	strace $0x8000004B  }
0xb2: {  	_ =	swait.ge [sflag:s29], $0x1  }
0xb3: {  	[sflag:s29] =	ssyncadd.s32 $0xFFFFFFFF  }
0xb4: {  	_ =	strace $0x9000004B  }
0xb5: {  	_ =	sfence  }
0xb6: {  	s30 =	sld [smem:$0x0];
	_ =	sdelay $0x2  }
0xb7: {  	s31 =	sshll.u32 s1, $0xD;
	s1 =	sshrl.u32 s1, $0x2  }
0xb8: {  	s3 =	sand.u32 $0x4000, s31;
	s1 =	sadd.s32 s1, s30  }
0xb9: {  	s0 =	sor.u32 s3, s0;
	s1 =	sshll.u32 s1, $0x11  }
0xba: {  	s0 =	sor.u32 s1, s0  }
0xbb: {  	s0 =	sadd.s32 $0x8F2B, s0  }
0xbc: {  	[sflag:s0] =	ssyncadd.remote.s32 $0x1  }
0xbd: {  	_ =	sfence.sel $0xFFFF  }
0xbe: {  	[dreg:$0x0] =	wrdreg $0xFFFFFFFF;
	(pc) =	sbr.abs _section_cstart, $3  }
0xbf: {  	[dreg:$0x1] =	wrdreg $0xFFFFFFFF  }
0xc0: {  	_ =	task.clear_ibuf [dreg:s6], $0x2FFFF;
	_ =	strace $0x9FFFFFFF  }
0xc1: {  	(tm) =	ssettm $0x7FFFFFFF  }
tec
execute0_lowered:
.L_overlay_start_1:
0x0: {  	(tag) =	ssettag $0x1  }
0x1: {  	s0 =	srdreg.scid;
	s17 =	stileid.u32  }
0x2: {  	s1 =	sand.u32 $0x1, s0;
	s23 =	sshll.u32 s17, $0x1  }
0x3: {  	s0 =	sor.u32 s1, s23  }
0x4: {  	s3 =	rddreg [dreg:$0x0];
	s2 =	simm.s32 $0x0;
	s4 =	smul.u32 $0x5A0, s0  }
0x5: {  	[smem:$0x7FF] =	sst s2;
	s5 =	smul.u32 $0xB4000, s0  }
0x6: {  	s6 =	sadd.s32 $0x2BAE00, s3;
	s0 =	smul.u32 $0x16800, s0;
	s4 =	sadd.s32 s4, s3  }
0x7: {  	_ =	strace $0x8000004A;
	s5 =	sshrl.u32 s5, $0x3;
	s4 =	sadd.s32 $0x5200, s4  }
0x8: {  	s0 =	sadd.s32 s6, s0;
	[dreg:$0x2] =	wrdreg s4;
	s4 =	sadd.s32 s6, s5  }
0x9: {  	[dreg:$0x3] =	wrdreg s0;
	s24 =	sadd.s32 $0xC00, s4  }
0xa: {  	s25 =	sadd.s32 $0x1800, s4;
	[dreg:$0x4] =	wrdreg s24  }
0xb: {  	s26 =	sadd.s32 $0x2400, s4;
	[dreg:$0x5] =	wrdreg s25  }
0xc: {  	s5 =	sadd.s32 $0x3000, s4;
	[dreg:$0x6] =	wrdreg s26  }
0xd: {  	s6 =	sadd.s32 $0x3C00, s4;
	[dreg:$0x7] =	wrdreg s5  }
0xe: {  	s7 =	sadd.s32 $0x4800, s4;
	[dreg:$0x8] =	wrdreg s6  }
0xf: {  	s8 =	sadd.s32 $0x5400, s4;
	[dreg:$0x9] =	wrdreg s7  }
0x10: {  	s9 =	sadd.s32 $0x6000, s4;
	[dreg:$0xa] =	wrdreg s8  }
0x11: {  	s10 =	sadd.s32 $0x6C00, s4;
	[dreg:$0xb] =	wrdreg s9  }
0x12: {  	s11 =	sadd.s32 $0x7800, s4;
	[dreg:$0xc] =	wrdreg s10  }
0x13: {  	s12 =	sadd.s32 $0x8400, s4;
	[dreg:$0xd] =	wrdreg s11  }
0x14: {  	s13 =	sadd.s32 $0x9000, s4;
	[dreg:$0xe] =	wrdreg s12  }
0x15: {  	s14 =	sadd.s32 $0x9C00, s4;
	[dreg:$0xf] =	wrdreg s13  }
0x16: {  	s15 =	sadd.s32 $0xA800, s4;
	[dreg:$0x10] =	wrdreg s14  }
0x17: {  	s16 =	sadd.s32 $0xB400, s4;
	[dreg:$0x11] =	wrdreg s15  }
0x18: {  	s18 =	sadd.s32 $0xC000, s4;
	[dreg:$0x12] =	wrdreg s16  }
0x19: {  	s19 =	sadd.s32 $0xCC00, s4;
	[dreg:$0x13] =	wrdreg s18  }
0x1a: {  	s20 =	sadd.s32 $0xD800, s4;
	[dreg:$0x14] =	wrdreg s19  }
0x1b: {  	s21 =	sadd.s32 $0xE400, s4;
	[dreg:$0x15] =	wrdreg s20  }
0x1c: {  	s22 =	sadd.s32 $0xF000, s4;
	[dreg:$0x16] =	wrdreg s21  }
0x1d: {  	s23 =	sadd.s32 $0xFC00, s4;
	[dreg:$0x17] =	wrdreg s22  }
0x1e: {  	[dreg:$0x18] =	wrdreg s23;
	s24 =	sadd.s32 $0x10800, s4  }
0x1f: {  	s31 =	simm.s32 $0x9;
	s25 =	sadd.s32 $0x11400, s4;
	[dreg:$0x19] =	wrdreg s24  }
0x20: {  	s30 =	simm.s32 $0x1B00;
	s26 =	sadd.s32 $0x12000, s4;
	[dreg:$0x1a] =	wrdreg s25  }
0x21: {  	s29 =	simm.s32 $0x1C80;
	s5 =	sadd.s32 $0x12C00, s4;
	[dreg:$0x1b] =	wrdreg s26  }
0x22: {  	s28 =	simm.s32 $0x1E00;
	s6 =	sadd.s32 $0x13800, s4;
	[dreg:$0x1c] =	wrdreg s5  }
0x23: {  	p0 =	por $0x0, $0x0;
	s7 =	sadd.s32 $0x14400, s4;
	[dreg:$0x1d] =	wrdreg s6  }
0x24: {  	s1 =	ssub.s32 $0x2, s1;
	s9 =	sadd.s32 $0x15000, s4;
	[dreg:$0x1e] =	wrdreg s7  }
0x25: {  	s3 =	sadd.s32 $0x1F7800, s3;
	s10 =	sadd.s32 $0x15C00, s4;
	[dreg:$0x1f] =	wrdreg s9  }
0x26: {  	s8 =	sshrl.u32 s1, $0x1;
	s11 =	simm.s32 $0x300;
	[smem:$0x7EE] =	sst s10  }
0x27: {  	s12 =	simm.s32 $0x480;
	s13 =	simm.s32 $0x600;
	[smem:$0x7EF] =	sst s11  }
0x28: {  	s14 =	simm.s32 $0x780;
	s4 =	simm.s32 $0x8D00;
	[smem:$0x7F0] =	sst s12  }
0x29: {  	s15 =	simm.s32 $0x900;
	s16 =	simm.s32 $0xA80;
	[smem:$0x7F1] =	sst s13  }
0x2a: {  	s18 =	simm.s32 $0xC00;
	s19 =	simm.s32 $0xD80;
	[smem:$0x7F2] =	sst s14  }
0x2b: {  	s20 =	simm.s32 $0xF00;
	s21 =	simm.s32 $0x1080;
	[smem:$0x7F3] =	sst s15  }
0x2c: {  	s22 =	simm.s32 $0x1200;
	s23 =	simm.s32 $0x1380;
	[smem:$0x7F4] =	sst s16  }
0x2d: {  	s1 =	ssub.s32 s1, s8;
	s6 =	simm.s32 $0x180;
	[smem:$0x7F5] =	sst s18  }
0x2e: {  	s5 =	simm.s32 $0x2D00;
	s7 =	simm.s32 $0x1;
	[smem:$0x7F6] =	sst s19  }
0x2f: {  	s14 =	simm.s32 $0xED00;
	s9 =	simm.s32 $0x2;
	[smem:$0x7F7] =	sst s20  }
0x30: {  	s13 =	simm.s32 $0x14D00;
	s16 =	simm.s32 $0x3;
	[smem:$0x7F8] =	sst s21  }
0x31: {  	s8 =	simm.s32 $0x5;
	s15 =	simm.s32 $0x4;
	[smem:$0x7F9] =	sst s22  }
0x32: {  	s10 =	simm.s32 $0x6;
	[smem:$0x7FA] =	sst s23;
	s24 =	simm.s32 $0x1500  }
0x33: {  	s11 =	simm.s32 $0x7;
	s25 =	simm.s32 $0x1680;
	s0 =	smax.u32 s1, $0x1  }
0x34: {  	s12 =	simm.s32 $0x8;
	s26 =	simm.s32 $0x1800;
	p1 =	sne.s32 s0, $0x1  }
.Ltmp0:
0x35: {  	s23 =	simm.s32 $0x2400;
	s22 =	simm.s32 $0x2580;
	(pc) =	sbr.rel @!p1 .LBB2_1-.Ltmp0, $4  }
0x36: {  	s21 =	simm.s32 $0x2700;
	s20 =	simm.s32 $0x2880;
	[smem:$0x7FB] =	sst s24  }
0x37: {  	s19 =	simm.s32 $0x2A00;
	s18 =	simm.s32 $0x2B80;
	[smem:$0x7FC] =	sst s25  }
0x38: {  	[smem:$0x7FD] =	sst s26;
	s26 =	simm.s32 $0x1F80;
	s25 =	simm.s32 $0x2100  }
0x39: {  	s24 =	simm.s32 $0x2280;
	s1 =	sadd.s32 $0xFFFFFFFF, s0;
	s0 =	rddreg [dreg:$0x2]  }
0x3a: {  	[tilespmem:s2], [sflag:$0x9] =	stream.linear.gather [hbm4b:s0+s2], $0x2D00, $0x38;
	[tilespmem:$0x1AD00] =	vst v63  }
0x3b: {  	_ =	swait.ge [sflag:s31], $0x2D00  }
0x3c: {  	[sflag:s31] =	ssyncset.done $0x0  }
0x3d: {  	[sflag:s31] =	ssyncadd.s32 $0xFFFFD300  }
0x3e: {  	[tilespmem:s5], [sflag:$0x1] =	stream.indirect.gather [hbm4b:s3+s6], $0x40, s2, s6, $0xb8;
	[tilespmem:$0x1AD00] =	vst v63  }
0x3f: {  	_ = 	snop  }
0x40: {  	[tilespmem:s4], [sflag:$0x2] =	stream.indirect.gather [hbm4b:s3+s6], $0x40, s6, s6, $0xb8;
	[tilespmem:$0x1AD00] =	vst v63  }
0x41: {  	_ =	swait.ge [sflag:s7], $0x6000  }
0x42: {  	s0 =	rddreg [dreg:$0x3];
	[sflag:s7] =	ssyncset.done $0x0  }
0x43: {  	s17 =	smov.u32 s1;
	s1 =	sld [smem:$0x7EF];
	[sflag:s7] =	ssyncadd.s32 $0xFFFFA000  }
0x44: {  	[hbm4b:s0+s2] =	stream.linear.scatter [tilespmem:s5], [sflag:$0x5], $0x6000, $0x38;
	[tilespmem:$0x1AD00] =	vst v63  }
0x45: {  	_ = 	snop  }
0x46: {  	[tilespmem:s14], [sflag:$0x3] =	stream.indirect.gather [hbm4b:s3+s6], $0x40, s1, s6, $0xb8;
	[tilespmem:$0x1AD00] =	vst v63  }
0x47: {  	_ =	swait.ge [sflag:s9], $0x6000  }
0x48: {  	s0 =	rddreg [dreg:$0x4];
	[sflag:s9] =	ssyncset.done $0x0  }
0x49: {  	s1 =	sld [smem:$0x7F0];
	[sflag:s9] =	ssyncadd.s32 $0xFFFFA000  }
0x4a: {  	[hbm4b:s0+s2] =	stream.linear.scatter [tilespmem:s4], [sflag:$0x6], $0x6000, $0x38;
	[tilespmem:$0x1AD00] =	vst v63  }
0x4b: {  	_ = 	snop  }
0x4c: {  	[tilespmem:s13], [sflag:$0x4] =	stream.indirect.gather [hbm4b:s3+s6], $0x40, s1, s6, $0xb8;
	[tilespmem:$0x1AD00] =	vst v63  }
0x4d: {  	_ =	swait.ge [sflag:s16], $0x6000  }
0x4e: {  	[sflag:s16] =	ssyncset.done $0x0  }
0x4f: {  	s1 =	rddreg [dreg:$0x5];
	[sflag:s16] =	ssyncadd.s32 $0xFFFFA000  }
0x50: {  	[hbm4b:s1+s2] =	stream.linear.scatter [tilespmem:s14], [sflag:$0x7], $0x6000, $0x38;
	[tilespmem:$0x1AD00] =	vst v63  }
0x51: {  	_ =	swait.ge [sflag:s8], $0x6000  }
0x52: {  	s1 =	sld [smem:$0x7F1]  }
0x53: {  	[sflag:s8] =	ssyncset.done $0x0  }
0x54: {  	[sflag:s8] =	ssyncadd.s32 $0xFFFFA000  }
0x55: {  	[tilespmem:s5], [sflag:$0x1] =	stream.indirect.gather [hbm4b:s3+s6], $0x40, s1, s6, $0xb8;
	[tilespmem:$0x1AD00] =	vst v63  }
0x56: {  	_ =	swait.ge [sflag:s15], $0x6000  }
0x57: {  	[sflag:s15] =	ssyncset.done $0x0  }
0x58: {  	s1 =	rddreg [dreg:$0x6];
	[sflag:s15] =	ssyncadd.s32 $0xFFFFA000  }
0x59: {  	[hbm4b:s1+s2] =	stream.linear.scatter [tilespmem:s13], [sflag:$0x8], $0x6000, $0x38;
	[tilespmem:$0x1AD00] =	vst v63  }
0x5a: {  	_ =	swait.ge [sflag:s10], $0x6000  }
0x5b: {  	s1 =	sld [smem:$0x7F2]  }
0x5c: {  	[sflag:s10] =	ssyncset.done $0x0  }
0x5d: {  	[sflag:s10] =	ssyncadd.s32 $0xFFFFA000  }
0x5e: {  	[tilespmem:s4], [sflag:$0x2] =	stream.indirect.gather [hbm4b:s3+s6], $0x40, s1, s6, $0xb8;
	[tilespmem:$0x1AD00] =	vst v63  }
0x5f: {  	_ =	swait.ge [sflag:s7], $0x6000  }
0x60: {  	[sflag:s7] =	ssyncset.done $0x0  }
0x61: {  	s1 =	rddreg [dreg:$0x7];
	[sflag:s7] =	ssyncadd.s32 $0xFFFFA000  }
0x62: {  	[hbm4b:s1+s2] =	stream.linear.scatter [tilespmem:s5], [sflag:$0x5], $0x6000, $0x38;
	[tilespmem:$0x1AD00] =	vst v63  }
0x63: {  	_ =	swait.ge [sflag:s11], $0x6000  }
0x64: {  	s1 =	sld [smem:$0x7F3]  }
0x65: {  	[sflag:s11] =	ssyncset.done $0x0  }
0x66: {  	[sflag:s11] =	ssyncadd.s32 $0xFFFFA000  }
0x67: {  	[tilespmem:s14], [sflag:$0x3] =	stream.indirect.gather [hbm4b:s3+s6], $0x40, s1, s6, $0xb8;
	[tilespmem:$0x1AD00] =	vst v63  }
0x68: {  	_ =	swait.ge [sflag:s9], $0x6000  }
0x69: {  	[sflag:s9] =	ssyncset.done $0x0  }
0x6a: {  	s1 =	rddreg [dreg:$0x8];
	[sflag:s9] =	ssyncadd.s32 $0xFFFFA000  }
0x6b: {  	[hbm4b:s1+s2] =	stream.linear.scatter [tilespmem:s4], [sflag:$0x6], $0x6000, $0x38;
	[tilespmem:$0x1AD00] =	vst v63  }
0x6c: {  	_ =	swait.ge [sflag:s12], $0x6000  }
0x6d: {  	s1 =	sld [smem:$0x7F4]  }
0x6e: {  	[sflag:s12] =	ssyncset.done $0x0  }
0x6f: {  	[sflag:s12] =	ssyncadd.s32 $0xFFFFA000  }
0x70: {  	[tilespmem:s13], [sflag:$0x4] =	stream.indirect.gather [hbm4b:s3+s6], $0x40, s1, s6, $0xb8;
	[tilespmem:$0x1AD00] =	vst v63  }
0x71: {  	_ =	swait.ge [sflag:s16], $0x6000  }
0x72: {  	[sflag:s16] =	ssyncset.done $0x0  }
0x73: {  	s1 =	rddreg [dreg:$0x9];
	[sflag:s16] =	ssyncadd.s32 $0xFFFFA000  }
0x74: {  	[hbm4b:s1+s2] =	stream.linear.scatter [tilespmem:s14], [sflag:$0x7], $0x6000, $0x38;
	[tilespmem:$0x1AD00] =	vst v63  }
0x75: {  	_ =	swait.ge [sflag:s8], $0x6000  }
0x76: {  	s1 =	sld [smem:$0x7F5]  }
0x77: {  	[sflag:s8] =	ssyncset.done $0x0  }
0x78: {  	[sflag:s8] =	ssyncadd.s32 $0xFFFFA000  }
0x79: {  	[tilespmem:s5], [sflag:$0x1] =	stream.indirect.gather [hbm4b:s3+s6], $0x40, s1, s6, $0xb8;
	[tilespmem:$0x1AD00] =	vst v63  }
0x7a: {  	_ =	swait.ge [sflag:s15], $0x6000  }
0x7b: {  	[sflag:s15] =	ssyncset.done $0x0  }
0x7c: {  	s1 =	rddreg [dreg:$0xa];
	[sflag:s15] =	ssyncadd.s32 $0xFFFFA000  }
0x7d: {  	[hbm4b:s1+s2] =	stream.linear.scatter [tilespmem:s13], [sflag:$0x8], $0x6000, $0x38;
	[tilespmem:$0x1AD00] =	vst v63  }
0x7e: {  	_ =	swait.ge [sflag:s10], $0x6000  }
0x7f: {  	s1 =	sld [smem:$0x7F6]  }
0x80: {  	[sflag:s10] =	ssyncset.done $0x0  }
0x81: {  	[sflag:s10] =	ssyncadd.s32 $0xFFFFA000  }
0x82: {  	[tilespmem:s4], [sflag:$0x2] =	stream.indirect.gather [hbm4b:s3+s6], $0x40, s1, s6, $0xb8;
	[tilespmem:$0x1AD00] =	vst v63  }
0x83: {  	_ =	swait.ge [sflag:s7], $0x6000  }
0x84: {  	[sflag:s7] =	ssyncset.done $0x0  }
0x85: {  	s1 =	rddreg [dreg:$0xb];
	[sflag:s7] =	ssyncadd.s32 $0xFFFFA000  }
0x86: {  	[hbm4b:s1+s2] =	stream.linear.scatter [tilespmem:s5], [sflag:$0x5], $0x6000, $0x38;
	[tilespmem:$0x1AD00] =	vst v63  }
0x87: {  	_ =	swait.ge [sflag:s11], $0x6000  }
0x88: {  	s1 =	sld [smem:$0x7F7]  }
0x89: {  	[sflag:s11] =	ssyncset.done $0x0  }
0x8a: {  	[sflag:s11] =	ssyncadd.s32 $0xFFFFA000  }
0x8b: {  	[tilespmem:s14], [sflag:$0x3] =	stream.indirect.gather [hbm4b:s3+s6], $0x40, s1, s6, $0xb8;
	[tilespmem:$0x1AD00] =	vst v63  }
0x8c: {  	_ =	swait.ge [sflag:s9], $0x6000  }
0x8d: {  	[sflag:s9] =	ssyncset.done $0x0  }
0x8e: {  	s1 =	rddreg [dreg:$0xc];
	[sflag:s9] =	ssyncadd.s32 $0xFFFFA000  }
0x8f: {  	[hbm4b:s1+s2] =	stream.linear.scatter [tilespmem:s4], [sflag:$0x6], $0x6000, $0x38;
	[tilespmem:$0x1AD00] =	vst v63  }
0x90: {  	_ =	swait.ge [sflag:s12], $0x6000  }
0x91: {  	s1 =	sld [smem:$0x7F8]  }
0x92: {  	[sflag:s12] =	ssyncset.done $0x0  }
0x93: {  	[sflag:s12] =	ssyncadd.s32 $0xFFFFA000  }
0x94: {  	[tilespmem:s13], [sflag:$0x4] =	stream.indirect.gather [hbm4b:s3+s6], $0x40, s1, s6, $0xb8;
	[tilespmem:$0x1AD00] =	vst v63  }
0x95: {  	_ =	swait.ge [sflag:s16], $0x6000  }
0x96: {  	[sflag:s16] =	ssyncset.done $0x0  }
0x97: {  	s1 =	rddreg [dreg:$0xd];
	[sflag:s16] =	ssyncadd.s32 $0xFFFFA000  }
0x98: {  	[hbm4b:s1+s2] =	stream.linear.scatter [tilespmem:s14], [sflag:$0x7], $0x6000, $0x38;
	[tilespmem:$0x1AD00] =	vst v63  }
0x99: {  	_ =	swait.ge [sflag:s8], $0x6000  }
0x9a: {  	s1 =	sld [smem:$0x7F9]  }
0x9b: {  	[sflag:s8] =	ssyncset.done $0x0  }
0x9c: {  	[sflag:s8] =	ssyncadd.s32 $0xFFFFA000  }
0x9d: {  	[tilespmem:s5], [sflag:$0x1] =	stream.indirect.gather [hbm4b:s3+s6], $0x40, s1, s6, $0xb8;
	[tilespmem:$0x1AD00] =	vst v63  }
0x9e: {  	_ =	swait.ge [sflag:s15], $0x6000  }
0x9f: {  	[sflag:s15] =	ssyncset.done $0x0  }
0xa0: {  	s1 =	rddreg [dreg:$0xe];
	[sflag:s15] =	ssyncadd.s32 $0xFFFFA000  }
0xa1: {  	[hbm4b:s1+s2] =	stream.linear.scatter [tilespmem:s13], [sflag:$0x8], $0x6000, $0x38;
	[tilespmem:$0x1AD00] =	vst v63  }
0xa2: {  	_ =	swait.ge [sflag:s10], $0x6000  }
0xa3: {  	s1 =	sld [smem:$0x7FA]  }
0xa4: {  	[sflag:s10] =	ssyncset.done $0x0  }
0xa5: {  	[sflag:s10] =	ssyncadd.s32 $0xFFFFA000  }
0xa6: {  	[tilespmem:s4], [sflag:$0x2] =	stream.indirect.gather [hbm4b:s3+s6], $0x40, s1, s6, $0xb8;
	[tilespmem:$0x1AD00] =	vst v63  }
0xa7: {  	_ =	swait.ge [sflag:s7], $0x6000  }
0xa8: {  	[sflag:s7] =	ssyncset.done $0x0  }
0xa9: {  	s1 =	rddreg [dreg:$0xf];
	[sflag:s7] =	ssyncadd.s32 $0xFFFFA000  }
0xaa: {  	[hbm4b:s1+s2] =	stream.linear.scatter [tilespmem:s5], [sflag:$0x5], $0x6000, $0x38;
	[tilespmem:$0x1AD00] =	vst v63  }
0xab: {  	_ =	swait.ge [sflag:s11], $0x6000  }
0xac: {  	s1 =	sld [smem:$0x7FB]  }
0xad: {  	[sflag:s11] =	ssyncset.done $0x0  }
0xae: {  	[sflag:s11] =	ssyncadd.s32 $0xFFFFA000  }
0xaf: {  	[tilespmem:s14], [sflag:$0x3] =	stream.indirect.gather [hbm4b:s3+s6], $0x40, s1, s6, $0xb8;
	[tilespmem:$0x1AD00] =	vst v63  }
0xb0: {  	_ =	swait.ge [sflag:s9], $0x6000  }
0xb1: {  	[sflag:s9] =	ssyncset.done $0x0  }
0xb2: {  	s1 =	rddreg [dreg:$0x10];
	[sflag:s9] =	ssyncadd.s32 $0xFFFFA000  }
0xb3: {  	[hbm4b:s1+s2] =	stream.linear.scatter [tilespmem:s4], [sflag:$0x6], $0x6000, $0x38;
	[tilespmem:$0x1AD00] =	vst v63  }
0xb4: {  	_ =	swait.ge [sflag:s12], $0x6000  }
0xb5: {  	s1 =	sld [smem:$0x7FC]  }
0xb6: {  	[sflag:s12] =	ssyncset.done $0x0  }
0xb7: {  	[sflag:s12] =	ssyncadd.s32 $0xFFFFA000  }
0xb8: {  	[tilespmem:s13], [sflag:$0x4] =	stream.indirect.gather [hbm4b:s3+s6], $0x40, s1, s6, $0xb8;
	[tilespmem:$0x1AD00] =	vst v63  }
0xb9: {  	_ =	swait.ge [sflag:s16], $0x6000  }
0xba: {  	[sflag:s16] =	ssyncset.done $0x0  }
0xbb: {  	s1 =	rddreg [dreg:$0x11];
	[sflag:s16] =	ssyncadd.s32 $0xFFFFA000  }
0xbc: {  	[hbm4b:s1+s2] =	stream.linear.scatter [tilespmem:s14], [sflag:$0x7], $0x6000, $0x38;
	[tilespmem:$0x1AD00] =	vst v63  }
0xbd: {  	_ =	swait.ge [sflag:s8], $0x6000  }
0xbe: {  	s1 =	sld [smem:$0x7FD]  }
0xbf: {  	[sflag:s8] =	ssyncset.done $0x0  }
0xc0: {  	[sflag:s8] =	ssyncadd.s32 $0xFFFFA000  }
0xc1: {  	[tilespmem:s5], [sflag:$0x1] =	stream.indirect.gather [hbm4b:s3+s6], $0x40, s1, s6, $0xb8;
	[tilespmem:$0x1AD00] =	vst v63  }
0xc2: {  	_ =	swait.ge [sflag:s15], $0x6000  }
0xc3: {  	[sflag:s15] =	ssyncset.done $0x0  }
0xc4: {  	s1 =	rddreg [dreg:$0x12];
	[sflag:s15] =	ssyncadd.s32 $0xFFFFA000  }
0xc5: {  	[hbm4b:s1+s2] =	stream.linear.scatter [tilespmem:s13], [sflag:$0x8], $0x6000, $0x38;
	[tilespmem:$0x1AD00] =	vst v63  }
0xc6: {  	_ =	swait.ge [sflag:s10], $0x6000  }
0xc7: {  	[sflag:s10] =	ssyncset.done $0x0  }
0xc8: {  	s1 =	simm.s32 $0x1980;
	[sflag:s10] =	ssyncadd.s32 $0xFFFFA000  }
0xc9: {  	[tilespmem:s4], [sflag:$0x2] =	stream.indirect.gather [hbm4b:s3+s6], $0x40, s1, s6, $0xb8;
	[tilespmem:$0x1AD00] =	vst v63  }
0xca: {  	_ =	swait.ge [sflag:s7], $0x6000  }
0xcb: {  	[sflag:s7] =	ssyncset.done $0x0  }
0xcc: {  	s1 =	rddreg [dreg:$0x13];
	[sflag:s7] =	ssyncadd.s32 $0xFFFFA000  }
0xcd: {  	[hbm4b:s1+s2] =	stream.linear.scatter [tilespmem:s5], [sflag:$0x5], $0x6000, $0x38;
	[tilespmem:$0x1AD00] =	vst v63  }
0xce: {  	_ =	swait.ge [sflag:s11], $0x6000  }
0xcf: {  	[sflag:s11] =	ssyncset.done $0x0  }
0xd0: {  	[sflag:s11] =	ssyncadd.s32 $0xFFFFA000  }
0xd1: {  	[tilespmem:s14], [sflag:$0x3] =	stream.indirect.gather [hbm4b:s3+s6], $0x40, s30, s6, $0xb8;
	[tilespmem:$0x1AD00] =	vst v63  }
0xd2: {  	_ =	swait.ge [sflag:s9], $0x6000  }
0xd3: {  	[sflag:s9] =	ssyncset.done $0x0  }
0xd4: {  	s1 =	rddreg [dreg:$0x14];
	[sflag:s9] =	ssyncadd.s32 $0xFFFFA000  }
0xd5: {  	[hbm4b:s1+s2] =	stream.linear.scatter [tilespmem:s4], [sflag:$0x6], $0x6000, $0x38;
	[tilespmem:$0x1AD00] =	vst v63  }
0xd6: {  	_ =	swait.ge [sflag:s12], $0x6000  }
0xd7: {  	[sflag:s12] =	ssyncset.done $0x0  }
0xd8: {  	[sflag:s12] =	ssyncadd.s32 $0xFFFFA000  }
0xd9: {  	[tilespmem:s13], [sflag:$0x4] =	stream.indirect.gather [hbm4b:s3+s6], $0x40, s29, s6, $0xb8;
	[tilespmem:$0x1AD00] =	vst v63  }
0xda: {  	_ =	swait.ge [sflag:s16], $0x6000  }
0xdb: {  	[sflag:s16] =	ssyncset.done $0x0  }
0xdc: {  	s1 =	rddreg [dreg:$0x15];
	[sflag:s16] =	ssyncadd.s32 $0xFFFFA000  }
0xdd: {  	[hbm4b:s1+s2] =	stream.linear.scatter [tilespmem:s14], [sflag:$0x7], $0x6000, $0x38;
	[tilespmem:$0x1AD00] =	vst v63  }
0xde: {  	_ =	swait.ge [sflag:s8], $0x6000  }
0xdf: {  	[sflag:s8] =	ssyncset.done $0x0  }
0xe0: {  	[sflag:s8] =	ssyncadd.s32 $0xFFFFA000  }
0xe1: {  	[tilespmem:s5], [sflag:$0x1] =	stream.indirect.gather [hbm4b:s3+s6], $0x40, s28, s6, $0xb8;
	[tilespmem:$0x1AD00] =	vst v63  }
0xe2: {  	_ =	swait.ge [sflag:s15], $0x6000  }
0xe3: {  	[sflag:s15] =	ssyncset.done $0x0  }
0xe4: {  	s1 =	rddreg [dreg:$0x16];
	[sflag:s15] =	ssyncadd.s32 $0xFFFFA000  }
0xe5: {  	[hbm4b:s1+s2] =	stream.linear.scatter [tilespmem:s13], [sflag:$0x8], $0x6000, $0x38;
	[tilespmem:$0x1AD00] =	vst v63  }
0xe6: {  	_ =	swait.ge [sflag:s10], $0x6000  }
0xe7: {  	[sflag:s10] =	ssyncset.done $0x0  }
0xe8: {  	[sflag:s10] =	ssyncadd.s32 $0xFFFFA000  }
0xe9: {  	[tilespmem:s4], [sflag:$0x2] =	stream.indirect.gather [hbm4b:s3+s6], $0x40, s26, s6, $0xb8;
	[tilespmem:$0x1AD00] =	vst v63  }
0xea: {  	_ =	swait.ge [sflag:s7], $0x6000  }
0xeb: {  	[sflag:s7] =	ssyncset.done $0x0  }
0xec: {  	s1 =	rddreg [dreg:$0x17];
	[sflag:s7] =	ssyncadd.s32 $0xFFFFA000  }
0xed: {  	[hbm4b:s1+s2] =	stream.linear.scatter [tilespmem:s5], [sflag:$0x5], $0x6000, $0x38;
	[tilespmem:$0x1AD00] =	vst v63  }
0xee: {  	_ =	swait.ge [sflag:s11], $0x6000  }
0xef: {  	[sflag:s11] =	ssyncset.done $0x0  }
0xf0: {  	[sflag:s11] =	ssyncadd.s32 $0xFFFFA000  }
0xf1: {  	[tilespmem:s14], [sflag:$0x3] =	stream.indirect.gather [hbm4b:s3+s6], $0x40, s25, s6, $0xb8;
	[tilespmem:$0x1AD00] =	vst v63  }
0xf2: {  	_ =	swait.ge [sflag:s9], $0x6000  }
0xf3: {  	[sflag:s9] =	ssyncset.done $0x0  }
0xf4: {  	s1 =	rddreg [dreg:$0x18];
	[sflag:s9] =	ssyncadd.s32 $0xFFFFA000  }
0xf5: {  	[hbm4b:s1+s2] =	stream.linear.scatter [tilespmem:s4], [sflag:$0x6], $0x6000, $0x38;
	[tilespmem:$0x1AD00] =	vst v63  }
0xf6: {  	_ =	swait.ge [sflag:s12], $0x6000  }
0xf7: {  	[sflag:s12] =	ssyncset.done $0x0  }
0xf8: {  	[sflag:s12] =	ssyncadd.s32 $0xFFFFA000  }
0xf9: {  	[tilespmem:s13], [sflag:$0x4] =	stream.indirect.gather [hbm4b:s3+s6], $0x40, s24, s6, $0xb8;
	[tilespmem:$0x1AD00] =	vst v63  }
0xfa: {  	_ =	swait.ge [sflag:s16], $0x6000  }
0xfb: {  	[sflag:s16] =	ssyncset.done $0x0  }
0xfc: {  	s1 =	rddreg [dreg:$0x19];
	[sflag:s16] =	ssyncadd.s32 $0xFFFFA000  }
0xfd: {  	[hbm4b:s1+s2] =	stream.linear.scatter [tilespmem:s14], [sflag:$0x7], $0x6000, $0x38;
	[tilespmem:$0x1AD00] =	vst v63  }
0xfe: {  	_ =	swait.ge [sflag:s8], $0x6000  }
0xff: {  	[sflag:s8] =	ssyncset.done $0x0  }
0x100: {  	[sflag:s8] =	ssyncadd.s32 $0xFFFFA000  }
0x101: {  	[tilespmem:s5], [sflag:$0x1] =	stream.indirect.gather [hbm4b:s3+s6], $0x40, s23, s6, $0xb8;
	[tilespmem:$0x1AD00] =	vst v63  }
0x102: {  	_ =	swait.ge [sflag:s15], $0x6000  }
0x103: {  	[sflag:s15] =	ssyncset.done $0x0  }
0x104: {  	s1 =	rddreg [dreg:$0x1a];
	[sflag:s15] =	ssyncadd.s32 $0xFFFFA000  }
0x105: {  	[hbm4b:s1+s2] =	stream.linear.scatter [tilespmem:s13], [sflag:$0x8], $0x6000, $0x38;
	[tilespmem:$0x1AD00] =	vst v63  }
0x106: {  	_ =	swait.ge [sflag:s10], $0x6000  }
0x107: {  	[sflag:s10] =	ssyncset.done $0x0  }
0x108: {  	[sflag:s10] =	ssyncadd.s32 $0xFFFFA000  }
0x109: {  	[tilespmem:s4], [sflag:$0x2] =	stream.indirect.gather [hbm4b:s3+s6], $0x40, s22, s6, $0xb8;
	[tilespmem:$0x1AD00] =	vst v63  }
0x10a: {  	_ =	swait.ge [sflag:s7], $0x6000  }
0x10b: {  	[sflag:s7] =	ssyncset.done $0x0  }
0x10c: {  	s1 =	rddreg [dreg:$0x1b];
	[sflag:s7] =	ssyncadd.s32 $0xFFFFA000  }
0x10d: {  	[hbm4b:s1+s2] =	stream.linear.scatter [tilespmem:s5], [sflag:$0x5], $0x6000, $0x38;
	[tilespmem:$0x1AD00] =	vst v63  }
0x10e: {  	_ =	swait.ge [sflag:s11], $0x6000  }
0x10f: {  	[sflag:s11] =	ssyncset.done $0x0  }
0x110: {  	[sflag:s11] =	ssyncadd.s32 $0xFFFFA000  }
0x111: {  	[tilespmem:s14], [sflag:$0x3] =	stream.indirect.gather [hbm4b:s3+s6], $0x40, s21, s6, $0xb8;
	[tilespmem:$0x1AD00] =	vst v63  }
0x112: {  	_ =	swait.ge [sflag:s9], $0x6000  }
0x113: {  	[sflag:s9] =	ssyncset.done $0x0  }
0x114: {  	s1 =	rddreg [dreg:$0x1c];
	[sflag:s9] =	ssyncadd.s32 $0xFFFFA000  }
0x115: {  	[hbm4b:s1+s2] =	stream.linear.scatter [tilespmem:s4], [sflag:$0x6], $0x6000, $0x38;
	[tilespmem:$0x1AD00] =	vst v63  }
0x116: {  	_ =	swait.ge [sflag:s12], $0x6000  }
0x117: {  	[sflag:s12] =	ssyncset.done $0x0  }
0x118: {  	[sflag:s12] =	ssyncadd.s32 $0xFFFFA000  }
0x119: {  	[tilespmem:s13], [sflag:$0x4] =	stream.indirect.gather [hbm4b:s3+s6], $0x40, s20, s6, $0xb8;
	[tilespmem:$0x1AD00] =	vst v63  }
0x11a: {  	_ =	swait.ge [sflag:s16], $0x6000  }
0x11b: {  	[sflag:s16] =	ssyncset.done $0x0  }
0x11c: {  	s1 =	rddreg [dreg:$0x1d];
	[sflag:s16] =	ssyncadd.s32 $0xFFFFA000  }
0x11d: {  	[hbm4b:s1+s2] =	stream.linear.scatter [tilespmem:s14], [sflag:$0x7], $0x6000, $0x38;
	[tilespmem:$0x1AD00] =	vst v63  }
0x11e: {  	_ =	swait.ge [sflag:s8], $0x6000  }
0x11f: {  	[sflag:s8] =	ssyncset.done $0x0  }
0x120: {  	[sflag:s8] =	ssyncadd.s32 $0xFFFFA000  }
0x121: {  	[tilespmem:s5], [sflag:$0x1] =	stream.indirect.gather [hbm4b:s3+s6], $0x40, s19, s6, $0xb8;
	[tilespmem:$0x1AD00] =	vst v63  }
0x122: {  	_ =	swait.ge [sflag:s15], $0x6000  }
0x123: {  	[sflag:s15] =	ssyncset.done $0x0  }
0x124: {  	s1 =	rddreg [dreg:$0x1e];
	[sflag:s15] =	ssyncadd.s32 $0xFFFFA000  }
0x125: {  	[hbm4b:s1+s2] =	stream.linear.scatter [tilespmem:s13], [sflag:$0x8], $0x6000, $0x38;
	[tilespmem:$0x1AD00] =	vst v63  }
0x126: {  	_ =	swait.ge [sflag:s10], $0x6000  }
0x127: {  	[sflag:s10] =	ssyncset.done $0x0  }
0x128: {  	[sflag:s10] =	ssyncadd.s32 $0xFFFFA000  }
0x129: {  	[tilespmem:s4], [sflag:$0x2] =	stream.indirect.gather [hbm4b:s3+s6], $0x40, s18, s6, $0xb8;
	[tilespmem:$0x1AD00] =	vst v63  }
0x12a: {  	_ =	swait.ge [sflag:s7], $0x6000  }
0x12b: {  	[sflag:s7] =	ssyncset.done $0x0  }
0x12c: {  	s1 =	rddreg [dreg:$0x1f];
	[sflag:s7] =	ssyncadd.s32 $0xFFFFA000  }
0x12d: {  	[hbm4b:s1+s2] =	stream.linear.scatter [tilespmem:s5], [sflag:$0x5], $0x6000, $0x38;
	[tilespmem:$0x1AD00] =	vst v63  }
0x12e: {  	_ =	swait.ge [sflag:s9], $0x6000  }
0x12f: {  	s1 =	sld [smem:$0x7EE]  }
0x130: {  	[sflag:s9] =	ssyncset.done $0x0  }
0x131: {  	[sflag:s9] =	ssyncadd.s32 $0xFFFFA000  }
0x132: {  	[hbm4b:s1+s2] =	stream.linear.scatter [tilespmem:s4], [sflag:$0x6], $0x6000, $0x38;
	[tilespmem:$0x1AD00] =	vst v63  }
0x133: {  	_ =	swait.ge [sflag:s11], $0x6000  }
0x134: {  	[sflag:s11] =	ssyncset.done $0x0  }
0x135: {  	[sflag:s11] =	ssyncadd.s32 $0xFFFFA000  }
0x136: {  	_ =	swait.ge [sflag:s12], $0x6000  }
0x137: {  	[sflag:s12] =	ssyncset.done $0x0  }
0x138: {  	p1 =	sne.s32 s17, $0x1;
	[sflag:s12] =	ssyncadd.s32 $0xFFFFA000  }
.Ltmp1:
0x139: {  	_ =	swait.ge [sflag:s8], $0x6000;
	(pc) =	sbr.rel @!p1 .LBB2_3-.Ltmp1, $4  }
0x13a: {  	[sflag:s8] =	ssyncset.done $0x0  }
0x13b: {  	[sflag:s8] =	ssyncadd.s32 $0xFFFFA000  }
0x13c: {  	p0 =	por $0x1, $0x1;
	_ =	swait.ge [sflag:s10], $0x6000  }
0x13d: {  	s1 =	sadd.s32 $0xFFFFFFFF, s17;
	s0 =	rddreg [dreg:$0x2];
	[sflag:s10] =	ssyncset.done $0x0  }
.LBB2_4:
0x13e: {  	[sflag:s10] =	ssyncadd.s32 $0xFFFFA000  }
0x13f: {  	[tilespmem:s2], [sflag:$0x9] =	stream.linear.gather [hbm4b:s0+s2], $0x2D00, $0x38;
	[tilespmem:$0x1AD00] =	vst v63  }
0x140: {  	_ =	swait.ge [sflag:s31], $0x2D00  }
0x141: {  	[sflag:s31] =	ssyncset.done $0x0  }
0x142: {  	[sflag:s31] =	ssyncadd.s32 $0xFFFFD300  }
0x143: {  	[tilespmem:s5], [sflag:$0x1] =	stream.indirect.gather [hbm4b:s3+s6], $0x40, s2, s6, $0xb8;
	[tilespmem:$0x1AD00] =	vst v63  }
0x144: {  	_ = 	snop  }
0x145: {  	[tilespmem:s4], [sflag:$0x2] =	stream.indirect.gather [hbm4b:s3+s6], $0x40, s6, s6, $0xb8;
	[tilespmem:$0x1AD00] =	vst v63  }
0x146: {  	_ =	swait.ge [sflag:s7], $0x6000  }
0x147: {  	s0 =	rddreg [dreg:$0x3];
	[sflag:s7] =	ssyncset.done $0x0  }
0x148: {  	s17 =	sld [smem:$0x7EF];
	[sflag:s7] =	ssyncadd.s32 $0xFFFFA000  }
0x149: {  	[hbm4b:s0+s2] =	stream.linear.scatter [tilespmem:s5], [sflag:$0x5], $0x6000, $0x38;
	[tilespmem:$0x1AD00] =	vst v63  }
0x14a: {  	_ = 	snop  }
0x14b: {  	[tilespmem:s14], [sflag:$0x3] =	stream.indirect.gather [hbm4b:s3+s6], $0x40, s17, s6, $0xb8;
	[tilespmem:$0x1AD00] =	vst v63  }
0x14c: {  	_ =	swait.ge [sflag:s9], $0x6000  }
0x14d: {  	s0 =	rddreg [dreg:$0x4];
	[sflag:s9] =	ssyncset.done $0x0  }
0x14e: {  	s17 =	sld [smem:$0x7F0];
	[sflag:s9] =	ssyncadd.s32 $0xFFFFA000  }
0x14f: {  	[hbm4b:s0+s2] =	stream.linear.scatter [tilespmem:s4], [sflag:$0x6], $0x6000, $0x38;
	[tilespmem:$0x1AD00] =	vst v63  }
0x150: {  	_ = 	snop  }
0x151: {  	[tilespmem:s13], [sflag:$0x4] =	stream.indirect.gather [hbm4b:s3+s6], $0x40, s17, s6, $0xb8;
	[tilespmem:$0x1AD00] =	vst v63  }
0x152: {  	_ =	swait.ge [sflag:s16], $0x6000  }
0x153: {  	[sflag:s16] =	ssyncset.done $0x0  }
0x154: {  	s17 =	rddreg [dreg:$0x5];
	[sflag:s16] =	ssyncadd.s32 $0xFFFFA000  }
0x155: {  	[hbm4b:s17+s2] =	stream.linear.scatter [tilespmem:s14], [sflag:$0x7], $0x6000, $0x38;
	[tilespmem:$0x1AD00] =	vst v63  }
0x156: {  	_ =	swait.ge [sflag:s8], $0x6000  }
0x157: {  	s17 =	sld [smem:$0x7F1]  }
0x158: {  	[sflag:s8] =	ssyncset.done $0x0  }
0x159: {  	[sflag:s8] =	ssyncadd.s32 $0xFFFFA000  }
0x15a: {  	[tilespmem:s5], [sflag:$0x1] =	stream.indirect.gather [hbm4b:s3+s6], $0x40, s17, s6, $0xb8;
	[tilespmem:$0x1AD00] =	vst v63  }
0x15b: {  	_ =	swait.ge [sflag:s15], $0x6000  }
0x15c: {  	[sflag:s15] =	ssyncset.done $0x0  }
0x15d: {  	s17 =	rddreg [dreg:$0x6];
	[sflag:s15] =	ssyncadd.s32 $0xFFFFA000  }
0x15e: {  	[hbm4b:s17+s2] =	stream.linear.scatter [tilespmem:s13], [sflag:$0x8], $0x6000, $0x38;
	[tilespmem:$0x1AD00] =	vst v63  }
0x15f: {  	_ =	swait.ge [sflag:s10], $0x6000  }
0x160: {  	s17 =	sld [smem:$0x7F2]  }
0x161: {  	[sflag:s10] =	ssyncset.done $0x0  }
0x162: {  	[sflag:s10] =	ssyncadd.s32 $0xFFFFA000  }
0x163: {  	[tilespmem:s4], [sflag:$0x2] =	stream.indirect.gather [hbm4b:s3+s6], $0x40, s17, s6, $0xb8;
	[tilespmem:$0x1AD00] =	vst v63  }
0x164: {  	_ =	swait.ge [sflag:s7], $0x6000  }
0x165: {  	[sflag:s7] =	ssyncset.done $0x0  }
0x166: {  	s17 =	rddreg [dreg:$0x7];
	[sflag:s7] =	ssyncadd.s32 $0xFFFFA000  }
0x167: {  	[hbm4b:s17+s2] =	stream.linear.scatter [tilespmem:s5], [sflag:$0x5], $0x6000, $0x38;
	[tilespmem:$0x1AD00] =	vst v63  }
0x168: {  	_ =	swait.ge [sflag:s11], $0x6000  }
0x169: {  	s17 =	sld [smem:$0x7F3]  }
0x16a: {  	[sflag:s11] =	ssyncset.done $0x0  }
0x16b: {  	[sflag:s11] =	ssyncadd.s32 $0xFFFFA000  }
0x16c: {  	[tilespmem:s14], [sflag:$0x3] =	stream.indirect.gather [hbm4b:s3+s6], $0x40, s17, s6, $0xb8;
	[tilespmem:$0x1AD00] =	vst v63  }
0x16d: {  	_ =	swait.ge [sflag:s9], $0x6000  }
0x16e: {  	[sflag:s9] =	ssyncset.done $0x0  }
0x16f: {  	s17 =	rddreg [dreg:$0x8];
	[sflag:s9] =	ssyncadd.s32 $0xFFFFA000  }
0x170: {  	[hbm4b:s17+s2] =	stream.linear.scatter [tilespmem:s4], [sflag:$0x6], $0x6000, $0x38;
	[tilespmem:$0x1AD00] =	vst v63  }
0x171: {  	_ =	swait.ge [sflag:s12], $0x6000  }
0x172: {  	s17 =	sld [smem:$0x7F4]  }
0x173: {  	[sflag:s12] =	ssyncset.done $0x0  }
0x174: {  	[sflag:s12] =	ssyncadd.s32 $0xFFFFA000  }
0x175: {  	[tilespmem:s13], [sflag:$0x4] =	stream.indirect.gather [hbm4b:s3+s6], $0x40, s17, s6, $0xb8;
	[tilespmem:$0x1AD00] =	vst v63  }
0x176: {  	_ =	swait.ge [sflag:s16], $0x6000  }
0x177: {  	[sflag:s16] =	ssyncset.done $0x0  }
0x178: {  	s17 =	rddreg [dreg:$0x9];
	[sflag:s16] =	ssyncadd.s32 $0xFFFFA000  }
0x179: {  	[hbm4b:s17+s2] =	stream.linear.scatter [tilespmem:s14], [sflag:$0x7], $0x6000, $0x38;
	[tilespmem:$0x1AD00] =	vst v63  }
0x17a: {  	_ =	swait.ge [sflag:s8], $0x6000  }
0x17b: {  	s17 =	sld [smem:$0x7F5]  }
0x17c: {  	[sflag:s8] =	ssyncset.done $0x0  }
0x17d: {  	[sflag:s8] =	ssyncadd.s32 $0xFFFFA000  }
0x17e: {  	[tilespmem:s5], [sflag:$0x1] =	stream.indirect.gather [hbm4b:s3+s6], $0x40, s17, s6, $0xb8;
	[tilespmem:$0x1AD00] =	vst v63  }
0x17f: {  	_ =	swait.ge [sflag:s15], $0x6000  }
0x180: {  	[sflag:s15] =	ssyncset.done $0x0  }
0x181: {  	s17 =	rddreg [dreg:$0xa];
	[sflag:s15] =	ssyncadd.s32 $0xFFFFA000  }
0x182: {  	[hbm4b:s17+s2] =	stream.linear.scatter [tilespmem:s13], [sflag:$0x8], $0x6000, $0x38;
	[tilespmem:$0x1AD00] =	vst v63  }
0x183: {  	_ =	swait.ge [sflag:s10], $0x6000  }
0x184: {  	s17 =	sld [smem:$0x7F6]  }
0x185: {  	[sflag:s10] =	ssyncset.done $0x0  }
0x186: {  	[sflag:s10] =	ssyncadd.s32 $0xFFFFA000  }
0x187: {  	[tilespmem:s4], [sflag:$0x2] =	stream.indirect.gather [hbm4b:s3+s6], $0x40, s17, s6, $0xb8;
	[tilespmem:$0x1AD00] =	vst v63  }
0x188: {  	_ =	swait.ge [sflag:s7], $0x6000  }
0x189: {  	[sflag:s7] =	ssyncset.done $0x0  }
0x18a: {  	s17 =	rddreg [dreg:$0xb];
	[sflag:s7] =	ssyncadd.s32 $0xFFFFA000  }
0x18b: {  	[hbm4b:s17+s2] =	stream.linear.scatter [tilespmem:s5], [sflag:$0x5], $0x6000, $0x38;
	[tilespmem:$0x1AD00] =	vst v63  }
0x18c: {  	_ =	swait.ge [sflag:s11], $0x6000  }
0x18d: {  	s17 =	sld [smem:$0x7F7]  }
0x18e: {  	[sflag:s11] =	ssyncset.done $0x0  }
0x18f: {  	[sflag:s11] =	ssyncadd.s32 $0xFFFFA000  }
0x190: {  	[tilespmem:s14], [sflag:$0x3] =	stream.indirect.gather [hbm4b:s3+s6], $0x40, s17, s6, $0xb8;
	[tilespmem:$0x1AD00] =	vst v63  }
0x191: {  	_ =	swait.ge [sflag:s9], $0x6000  }
0x192: {  	[sflag:s9] =	ssyncset.done $0x0  }
0x193: {  	s17 =	rddreg [dreg:$0xc];
	[sflag:s9] =	ssyncadd.s32 $0xFFFFA000  }
0x194: {  	[hbm4b:s17+s2] =	stream.linear.scatter [tilespmem:s4], [sflag:$0x6], $0x6000, $0x38;
	[tilespmem:$0x1AD00] =	vst v63  }
0x195: {  	_ =	swait.ge [sflag:s12], $0x6000  }
0x196: {  	s17 =	sld [smem:$0x7F8]  }
0x197: {  	[sflag:s12] =	ssyncset.done $0x0  }
0x198: {  	[sflag:s12] =	ssyncadd.s32 $0xFFFFA000  }
0x199: {  	[tilespmem:s13], [sflag:$0x4] =	stream.indirect.gather [hbm4b:s3+s6], $0x40, s17, s6, $0xb8;
	[tilespmem:$0x1AD00] =	vst v63  }
0x19a: {  	_ =	swait.ge [sflag:s16], $0x6000  }
0x19b: {  	[sflag:s16] =	ssyncset.done $0x0  }
0x19c: {  	s17 =	rddreg [dreg:$0xd];
	[sflag:s16] =	ssyncadd.s32 $0xFFFFA000  }
0x19d: {  	[hbm4b:s17+s2] =	stream.linear.scatter [tilespmem:s14], [sflag:$0x7], $0x6000, $0x38;
	[tilespmem:$0x1AD00] =	vst v63  }
0x19e: {  	_ =	swait.ge [sflag:s8], $0x6000  }
0x19f: {  	s17 =	sld [smem:$0x7F9]  }
0x1a0: {  	[sflag:s8] =	ssyncset.done $0x0  }
0x1a1: {  	[sflag:s8] =	ssyncadd.s32 $0xFFFFA000  }
0x1a2: {  	[tilespmem:s5], [sflag:$0x1] =	stream.indirect.gather [hbm4b:s3+s6], $0x40, s17, s6, $0xb8;
	[tilespmem:$0x1AD00] =	vst v63  }
0x1a3: {  	_ =	swait.ge [sflag:s15], $0x6000  }
0x1a4: {  	[sflag:s15] =	ssyncset.done $0x0  }
0x1a5: {  	s17 =	rddreg [dreg:$0xe];
	[sflag:s15] =	ssyncadd.s32 $0xFFFFA000  }
0x1a6: {  	[hbm4b:s17+s2] =	stream.linear.scatter [tilespmem:s13], [sflag:$0x8], $0x6000, $0x38;
	[tilespmem:$0x1AD00] =	vst v63  }
0x1a7: {  	_ =	swait.ge [sflag:s10], $0x6000  }
0x1a8: {  	s17 =	sld [smem:$0x7FA]  }
0x1a9: {  	[sflag:s10] =	ssyncset.done $0x0  }
0x1aa: {  	[sflag:s10] =	ssyncadd.s32 $0xFFFFA000  }
0x1ab: {  	[tilespmem:s4], [sflag:$0x2] =	stream.indirect.gather [hbm4b:s3+s6], $0x40, s17, s6, $0xb8;
	[tilespmem:$0x1AD00] =	vst v63  }
0x1ac: {  	_ =	swait.ge [sflag:s7], $0x6000  }
0x1ad: {  	[sflag:s7] =	ssyncset.done $0x0  }
0x1ae: {  	s17 =	rddreg [dreg:$0xf];
	[sflag:s7] =	ssyncadd.s32 $0xFFFFA000  }
0x1af: {  	[hbm4b:s17+s2] =	stream.linear.scatter [tilespmem:s5], [sflag:$0x5], $0x6000, $0x38;
	[tilespmem:$0x1AD00] =	vst v63  }
0x1b0: {  	_ =	swait.ge [sflag:s11], $0x6000  }
0x1b1: {  	s17 =	sld [smem:$0x7FB]  }
0x1b2: {  	[sflag:s11] =	ssyncset.done $0x0  }
0x1b3: {  	[sflag:s11] =	ssyncadd.s32 $0xFFFFA000  }
0x1b4: {  	[tilespmem:s14], [sflag:$0x3] =	stream.indirect.gather [hbm4b:s3+s6], $0x40, s17, s6, $0xb8;
	[tilespmem:$0x1AD00] =	vst v63  }
0x1b5: {  	_ =	swait.ge [sflag:s9], $0x6000  }
0x1b6: {  	[sflag:s9] =	ssyncset.done $0x0  }
0x1b7: {  	s17 =	rddreg [dreg:$0x10];
	[sflag:s9] =	ssyncadd.s32 $0xFFFFA000  }
0x1b8: {  	[hbm4b:s17+s2] =	stream.linear.scatter [tilespmem:s4], [sflag:$0x6], $0x6000, $0x38;
	[tilespmem:$0x1AD00] =	vst v63  }
0x1b9: {  	_ =	swait.ge [sflag:s12], $0x6000  }
0x1ba: {  	s17 =	sld [smem:$0x7FC]  }
0x1bb: {  	[sflag:s12] =	ssyncset.done $0x0  }
0x1bc: {  	[sflag:s12] =	ssyncadd.s32 $0xFFFFA000  }
0x1bd: {  	[tilespmem:s13], [sflag:$0x4] =	stream.indirect.gather [hbm4b:s3+s6], $0x40, s17, s6, $0xb8;
	[tilespmem:$0x1AD00] =	vst v63  }
0x1be: {  	_ =	swait.ge [sflag:s16], $0x6000  }
0x1bf: {  	[sflag:s16] =	ssyncset.done $0x0  }
0x1c0: {  	s17 =	rddreg [dreg:$0x11];
	[sflag:s16] =	ssyncadd.s32 $0xFFFFA000  }
0x1c1: {  	[hbm4b:s17+s2] =	stream.linear.scatter [tilespmem:s14], [sflag:$0x7], $0x6000, $0x38;
	[tilespmem:$0x1AD00] =	vst v63  }
0x1c2: {  	_ =	swait.ge [sflag:s8], $0x6000  }
0x1c3: {  	s17 =	sld [smem:$0x7FD]  }
0x1c4: {  	[sflag:s8] =	ssyncset.done $0x0  }
0x1c5: {  	[sflag:s8] =	ssyncadd.s32 $0xFFFFA000  }
0x1c6: {  	[tilespmem:s5], [sflag:$0x1] =	stream.indirect.gather [hbm4b:s3+s6], $0x40, s17, s6, $0xb8;
	[tilespmem:$0x1AD00] =	vst v63  }
0x1c7: {  	_ =	swait.ge [sflag:s15], $0x6000  }
0x1c8: {  	[sflag:s15] =	ssyncset.done $0x0  }
0x1c9: {  	s17 =	rddreg [dreg:$0x12];
	[sflag:s15] =	ssyncadd.s32 $0xFFFFA000  }
0x1ca: {  	[hbm4b:s17+s2] =	stream.linear.scatter [tilespmem:s13], [sflag:$0x8], $0x6000, $0x38;
	[tilespmem:$0x1AD00] =	vst v63  }
0x1cb: {  	_ =	swait.ge [sflag:s10], $0x6000  }
0x1cc: {  	[sflag:s10] =	ssyncset.done $0x0  }
0x1cd: {  	s17 =	simm.s32 $0x1980;
	[sflag:s10] =	ssyncadd.s32 $0xFFFFA000  }
0x1ce: {  	[tilespmem:s4], [sflag:$0x2] =	stream.indirect.gather [hbm4b:s3+s6], $0x40, s17, s6, $0xb8;
	[tilespmem:$0x1AD00] =	vst v63  }
0x1cf: {  	_ =	swait.ge [sflag:s7], $0x6000  }
0x1d0: {  	[sflag:s7] =	ssyncset.done $0x0  }
0x1d1: {  	s17 =	rddreg [dreg:$0x13];
	[sflag:s7] =	ssyncadd.s32 $0xFFFFA000  }
0x1d2: {  	[hbm4b:s17+s2] =	stream.linear.scatter [tilespmem:s5], [sflag:$0x5], $0x6000, $0x38;
	[tilespmem:$0x1AD00] =	vst v63  }
0x1d3: {  	_ =	swait.ge [sflag:s11], $0x6000  }
0x1d4: {  	[sflag:s11] =	ssyncset.done $0x0  }
0x1d5: {  	[sflag:s11] =	ssyncadd.s32 $0xFFFFA000  }
0x1d6: {  	[tilespmem:s14], [sflag:$0x3] =	stream.indirect.gather [hbm4b:s3+s6], $0x40, s30, s6, $0xb8;
	[tilespmem:$0x1AD00] =	vst v63  }
0x1d7: {  	_ =	swait.ge [sflag:s9], $0x6000  }
0x1d8: {  	[sflag:s9] =	ssyncset.done $0x0  }
0x1d9: {  	s17 =	rddreg [dreg:$0x14];
	[sflag:s9] =	ssyncadd.s32 $0xFFFFA000  }
0x1da: {  	[hbm4b:s17+s2] =	stream.linear.scatter [tilespmem:s4], [sflag:$0x6], $0x6000, $0x38;
	[tilespmem:$0x1AD00] =	vst v63  }
0x1db: {  	_ =	swait.ge [sflag:s12], $0x6000  }
0x1dc: {  	[sflag:s12] =	ssyncset.done $0x0  }
0x1dd: {  	[sflag:s12] =	ssyncadd.s32 $0xFFFFA000  }
0x1de: {  	[tilespmem:s13], [sflag:$0x4] =	stream.indirect.gather [hbm4b:s3+s6], $0x40, s29, s6, $0xb8;
	[tilespmem:$0x1AD00] =	vst v63  }
0x1df: {  	_ =	swait.ge [sflag:s16], $0x6000  }
0x1e0: {  	[sflag:s16] =	ssyncset.done $0x0  }
0x1e1: {  	s17 =	rddreg [dreg:$0x15];
	[sflag:s16] =	ssyncadd.s32 $0xFFFFA000  }
0x1e2: {  	[hbm4b:s17+s2] =	stream.linear.scatter [tilespmem:s14], [sflag:$0x7], $0x6000, $0x38;
	[tilespmem:$0x1AD00] =	vst v63  }
0x1e3: {  	_ =	swait.ge [sflag:s8], $0x6000  }
0x1e4: {  	[sflag:s8] =	ssyncset.done $0x0  }
0x1e5: {  	[sflag:s8] =	ssyncadd.s32 $0xFFFFA000  }
0x1e6: {  	[tilespmem:s5], [sflag:$0x1] =	stream.indirect.gather [hbm4b:s3+s6], $0x40, s28, s6, $0xb8;
	[tilespmem:$0x1AD00] =	vst v63  }
0x1e7: {  	_ =	swait.ge [sflag:s15], $0x6000  }
0x1e8: {  	[sflag:s15] =	ssyncset.done $0x0  }
0x1e9: {  	s17 =	rddreg [dreg:$0x16];
	[sflag:s15] =	ssyncadd.s32 $0xFFFFA000  }
0x1ea: {  	[hbm4b:s17+s2] =	stream.linear.scatter [tilespmem:s13], [sflag:$0x8], $0x6000, $0x38;
	[tilespmem:$0x1AD00] =	vst v63  }
0x1eb: {  	_ =	swait.ge [sflag:s10], $0x6000  }
0x1ec: {  	[sflag:s10] =	ssyncset.done $0x0  }
0x1ed: {  	[sflag:s10] =	ssyncadd.s32 $0xFFFFA000  }
0x1ee: {  	[tilespmem:s4], [sflag:$0x2] =	stream.indirect.gather [hbm4b:s3+s6], $0x40, s26, s6, $0xb8;
	[tilespmem:$0x1AD00] =	vst v63  }
0x1ef: {  	_ =	swait.ge [sflag:s7], $0x6000  }
0x1f0: {  	[sflag:s7] =	ssyncset.done $0x0  }
0x1f1: {  	s17 =	rddreg [dreg:$0x17];
	[sflag:s7] =	ssyncadd.s32 $0xFFFFA000  }
0x1f2: {  	[hbm4b:s17+s2] =	stream.linear.scatter [tilespmem:s5], [sflag:$0x5], $0x6000, $0x38;
	[tilespmem:$0x1AD00] =	vst v63  }
0x1f3: {  	_ =	swait.ge [sflag:s11], $0x6000  }
0x1f4: {  	[sflag:s11] =	ssyncset.done $0x0  }
0x1f5: {  	[sflag:s11] =	ssyncadd.s32 $0xFFFFA000  }
0x1f6: {  	[tilespmem:s14], [sflag:$0x3] =	stream.indirect.gather [hbm4b:s3+s6], $0x40, s25, s6, $0xb8;
	[tilespmem:$0x1AD00] =	vst v63  }
0x1f7: {  	_ =	swait.ge [sflag:s9], $0x6000  }
0x1f8: {  	[sflag:s9] =	ssyncset.done $0x0  }
0x1f9: {  	s17 =	rddreg [dreg:$0x18];
	[sflag:s9] =	ssyncadd.s32 $0xFFFFA000  }
0x1fa: {  	[hbm4b:s17+s2] =	stream.linear.scatter [tilespmem:s4], [sflag:$0x6], $0x6000, $0x38;
	[tilespmem:$0x1AD00] =	vst v63  }
0x1fb: {  	_ =	swait.ge [sflag:s12], $0x6000  }
0x1fc: {  	[sflag:s12] =	ssyncset.done $0x0  }
0x1fd: {  	[sflag:s12] =	ssyncadd.s32 $0xFFFFA000  }
0x1fe: {  	[tilespmem:s13], [sflag:$0x4] =	stream.indirect.gather [hbm4b:s3+s6], $0x40, s24, s6, $0xb8;
	[tilespmem:$0x1AD00] =	vst v63  }
0x1ff: {  	_ =	swait.ge [sflag:s16], $0x6000  }
0x200: {  	[sflag:s16] =	ssyncset.done $0x0  }
0x201: {  	s17 =	rddreg [dreg:$0x19];
	[sflag:s16] =	ssyncadd.s32 $0xFFFFA000  }
0x202: {  	[hbm4b:s17+s2] =	stream.linear.scatter [tilespmem:s14], [sflag:$0x7], $0x6000, $0x38;
	[tilespmem:$0x1AD00] =	vst v63  }
0x203: {  	_ =	swait.ge [sflag:s8], $0x6000  }
0x204: {  	[sflag:s8] =	ssyncset.done $0x0  }
0x205: {  	[sflag:s8] =	ssyncadd.s32 $0xFFFFA000  }
0x206: {  	[tilespmem:s5], [sflag:$0x1] =	stream.indirect.gather [hbm4b:s3+s6], $0x40, s23, s6, $0xb8;
	[tilespmem:$0x1AD00] =	vst v63  }
0x207: {  	_ =	swait.ge [sflag:s15], $0x6000  }
0x208: {  	[sflag:s15] =	ssyncset.done $0x0  }
0x209: {  	s17 =	rddreg [dreg:$0x1a];
	[sflag:s15] =	ssyncadd.s32 $0xFFFFA000  }
0x20a: {  	[hbm4b:s17+s2] =	stream.linear.scatter [tilespmem:s13], [sflag:$0x8], $0x6000, $0x38;
	[tilespmem:$0x1AD00] =	vst v63  }
0x20b: {  	_ =	swait.ge [sflag:s10], $0x6000  }
0x20c: {  	[sflag:s10] =	ssyncset.done $0x0  }
0x20d: {  	[sflag:s10] =	ssyncadd.s32 $0xFFFFA000  }
0x20e: {  	[tilespmem:s4], [sflag:$0x2] =	stream.indirect.gather [hbm4b:s3+s6], $0x40, s22, s6, $0xb8;
	[tilespmem:$0x1AD00] =	vst v63  }
0x20f: {  	_ =	swait.ge [sflag:s7], $0x6000  }
0x210: {  	[sflag:s7] =	ssyncset.done $0x0  }
0x211: {  	s17 =	rddreg [dreg:$0x1b];
	[sflag:s7] =	ssyncadd.s32 $0xFFFFA000  }
0x212: {  	[hbm4b:s17+s2] =	stream.linear.scatter [tilespmem:s5], [sflag:$0x5], $0x6000, $0x38;
	[tilespmem:$0x1AD00] =	vst v63  }
0x213: {  	_ =	swait.ge [sflag:s11], $0x6000  }
0x214: {  	[sflag:s11] =	ssyncset.done $0x0  }
0x215: {  	[sflag:s11] =	ssyncadd.s32 $0xFFFFA000  }
0x216: {  	[tilespmem:s14], [sflag:$0x3] =	stream.indirect.gather [hbm4b:s3+s6], $0x40, s21, s6, $0xb8;
	[tilespmem:$0x1AD00] =	vst v63  }
0x217: {  	_ =	swait.ge [sflag:s9], $0x6000  }
0x218: {  	[sflag:s9] =	ssyncset.done $0x0  }
0x219: {  	s17 =	rddreg [dreg:$0x1c];
	[sflag:s9] =	ssyncadd.s32 $0xFFFFA000  }
0x21a: {  	[hbm4b:s17+s2] =	stream.linear.scatter [tilespmem:s4], [sflag:$0x6], $0x6000, $0x38;
	[tilespmem:$0x1AD00] =	vst v63  }
0x21b: {  	_ =	swait.ge [sflag:s12], $0x6000  }
0x21c: {  	[sflag:s12] =	ssyncset.done $0x0  }
0x21d: {  	[sflag:s12] =	ssyncadd.s32 $0xFFFFA000  }
0x21e: {  	[tilespmem:s13], [sflag:$0x4] =	stream.indirect.gather [hbm4b:s3+s6], $0x40, s20, s6, $0xb8;
	[tilespmem:$0x1AD00] =	vst v63  }
0x21f: {  	_ =	swait.ge [sflag:s16], $0x6000  }
0x220: {  	[sflag:s16] =	ssyncset.done $0x0  }
0x221: {  	s17 =	rddreg [dreg:$0x1d];
	[sflag:s16] =	ssyncadd.s32 $0xFFFFA000  }
0x222: {  	[hbm4b:s17+s2] =	stream.linear.scatter [tilespmem:s14], [sflag:$0x7], $0x6000, $0x38;
	[tilespmem:$0x1AD00] =	vst v63  }
0x223: {  	_ =	swait.ge [sflag:s8], $0x6000  }
0x224: {  	[sflag:s8] =	ssyncset.done $0x0  }
0x225: {  	[sflag:s8] =	ssyncadd.s32 $0xFFFFA000  }
0x226: {  	[tilespmem:s5], [sflag:$0x1] =	stream.indirect.gather [hbm4b:s3+s6], $0x40, s19, s6, $0xb8;
	[tilespmem:$0x1AD00] =	vst v63  }
0x227: {  	_ =	swait.ge [sflag:s15], $0x6000  }
0x228: {  	[sflag:s15] =	ssyncset.done $0x0  }
0x229: {  	s17 =	rddreg [dreg:$0x1e];
	[sflag:s15] =	ssyncadd.s32 $0xFFFFA000  }
0x22a: {  	[hbm4b:s17+s2] =	stream.linear.scatter [tilespmem:s13], [sflag:$0x8], $0x6000, $0x38;
	[tilespmem:$0x1AD00] =	vst v63  }
0x22b: {  	_ =	swait.ge [sflag:s10], $0x6000  }
0x22c: {  	[sflag:s10] =	ssyncset.done $0x0  }
0x22d: {  	[sflag:s10] =	ssyncadd.s32 $0xFFFFA000  }
0x22e: {  	[tilespmem:s4], [sflag:$0x2] =	stream.indirect.gather [hbm4b:s3+s6], $0x40, s18, s6, $0xb8;
	[tilespmem:$0x1AD00] =	vst v63  }
0x22f: {  	_ =	swait.ge [sflag:s7], $0x6000  }
0x230: {  	[sflag:s7] =	ssyncset.done $0x0  }
0x231: {  	s17 =	rddreg [dreg:$0x1f];
	[sflag:s7] =	ssyncadd.s32 $0xFFFFA000  }
0x232: {  	[hbm4b:s17+s2] =	stream.linear.scatter [tilespmem:s5], [sflag:$0x5], $0x6000, $0x38;
	[tilespmem:$0x1AD00] =	vst v63  }
0x233: {  	_ =	swait.ge [sflag:s9], $0x6000  }
0x234: {  	s17 =	sld [smem:$0x7EE]  }
0x235: {  	[sflag:s9] =	ssyncset.done $0x0  }
0x236: {  	[sflag:s9] =	ssyncadd.s32 $0xFFFFA000  }
0x237: {  	[hbm4b:s17+s2] =	stream.linear.scatter [tilespmem:s4], [sflag:$0x6], $0x6000, $0x38;
	[tilespmem:$0x1AD00] =	vst v63  }
0x238: {  	_ =	swait.ge [sflag:s11], $0x6000  }
0x239: {  	[sflag:s11] =	ssyncset.done $0x0  }
0x23a: {  	[sflag:s11] =	ssyncadd.s32 $0xFFFFA000  }
0x23b: {  	_ =	swait.ge [sflag:s12], $0x6000  }
0x23c: {  	[sflag:s12] =	ssyncset.done $0x0  }
0x23d: {  	p1 =	sne.s32 s1, $0x1;
	[sflag:s12] =	ssyncadd.s32 $0xFFFFA000  }
.Ltmp2:
0x23e: {  	_ =	swait.ge [sflag:s8], $0x6000;
	(pc) =	sbr.rel @p1 .LBB2_4-.Ltmp2, $4  }
0x23f: {  	[sflag:s8] =	ssyncset.done $0x0  }
0x240: {  	[sflag:s8] =	ssyncadd.s32 $0xFFFFA000  }
0x241: {  	_ =	swait.ge [sflag:s10], $0x6000  }
0x242: {  	s1 =	sadd.s32 $0xFFFFFFFF, s1;
	s0 =	rddreg [dreg:$0x2];
	[sflag:s10] =	ssyncset.done $0x0  }
0x243: {  	s18 =	simm.s32 $0x1980  }
0x244: {  	s30 =	simm.s32 $0x1B00;
	s29 =	simm.s32 $0x1C80;
	s28 =	simm.s32 $0x1E00  }
0x245: {  	s26 =	simm.s32 $0x1F80;
	s25 =	simm.s32 $0x2100;
	s24 =	simm.s32 $0x2280  }
0x246: {  	s23 =	simm.s32 $0x2400;
	s22 =	simm.s32 $0x2580;
	s21 =	simm.s32 $0x2700  }
0x247: {  	s20 =	simm.s32 $0x2880;
	s19 =	simm.s32 $0x2A00;
	s17 =	stileid.u32  }
.LBB2_6:
0x248: {  	[sflag:s10] =	ssyncadd.s32 @p0 $0xFFFFA000  }
0x249: {  	[tilespmem:s2], [sflag:$0x9] =	stream.linear.gather [hbm4b:s0+s2], $0x2D00, $0x38;
	[tilespmem:$0x1AD00] =	vst v63  }
0x24a: {  	_ =	swait.ge [sflag:s31], $0x2D00  }
0x24b: {  	[sflag:s31] =	ssyncset.done $0x0  }
0x24c: {  	[sflag:s31] =	ssyncadd.s32 $0xFFFFD300  }
0x24d: {  	[tilespmem:s5], [sflag:$0x1] =	stream.indirect.gather [hbm4b:s3+s6], $0x40, s2, s6, $0xb8;
	[tilespmem:$0x1AD00] =	vst v63  }
0x24e: {  	_ = 	snop  }
0x24f: {  	[tilespmem:s4], [sflag:$0x2] =	stream.indirect.gather [hbm4b:s3+s6], $0x40, s6, s6, $0xb8;
	[tilespmem:$0x1AD00] =	vst v63  }
0x250: {  	_ =	swait.ge [sflag:s7], $0x6000  }
0x251: {  	s31 =	rddreg [dreg:$0x3];
	[sflag:s7] =	ssyncset.done $0x0  }
0x252: {  	s1 =	sld [smem:$0x7EF];
	[sflag:s7] =	ssyncadd.s32 $0xFFFFA000  }
0x253: {  	[hbm4b:s31+s2] =	stream.linear.scatter [tilespmem:s5], [sflag:$0x5], $0x6000, $0x38;
	[tilespmem:$0x1AD00] =	vst v63  }
0x254: {  	_ = 	snop  }
0x255: {  	[tilespmem:s14], [sflag:$0x3] =	stream.indirect.gather [hbm4b:s3+s6], $0x40, s1, s6, $0xb8;
	[tilespmem:$0x1AD00] =	vst v63  }
0x256: {  	_ =	swait.ge [sflag:s9], $0x6000  }
0x257: {  	s1 =	rddreg [dreg:$0x4];
	[sflag:s9] =	ssyncset.done $0x0  }
0x258: {  	s31 =	sld [smem:$0x7F0];
	[sflag:s9] =	ssyncadd.s32 $0xFFFFA000  }
0x259: {  	[hbm4b:s1+s2] =	stream.linear.scatter [tilespmem:s4], [sflag:$0x6], $0x6000, $0x38;
	[tilespmem:$0x1AD00] =	vst v63  }
0x25a: {  	_ = 	snop  }
0x25b: {  	[tilespmem:s13], [sflag:$0x4] =	stream.indirect.gather [hbm4b:s3+s6], $0x40, s31, s6, $0xb8;
	[tilespmem:$0x1AD00] =	vst v63  }
0x25c: {  	_ =	swait.ge [sflag:s16], $0x6000  }
0x25d: {  	[sflag:s16] =	ssyncset.done $0x0  }
0x25e: {  	s31 =	rddreg [dreg:$0x5];
	[sflag:s16] =	ssyncadd.s32 $0xFFFFA000  }
0x25f: {  	[hbm4b:s31+s2] =	stream.linear.scatter [tilespmem:s14], [sflag:$0x7], $0x6000, $0x38;
	[tilespmem:$0x1AD00] =	vst v63  }
0x260: {  	_ =	swait.ge [sflag:s8], $0x6000  }
0x261: {  	s1 =	sld [smem:$0x7F1]  }
0x262: {  	[sflag:s8] =	ssyncset.done $0x0  }
0x263: {  	[sflag:s8] =	ssyncadd.s32 $0xFFFFA000  }
0x264: {  	[tilespmem:s5], [sflag:$0x1] =	stream.indirect.gather [hbm4b:s3+s6], $0x40, s1, s6, $0xb8;
	[tilespmem:$0x1AD00] =	vst v63  }
0x265: {  	_ =	swait.ge [sflag:s15], $0x6000  }
0x266: {  	[sflag:s15] =	ssyncset.done $0x0  }
0x267: {  	s31 =	rddreg [dreg:$0x6];
	[sflag:s15] =	ssyncadd.s32 $0xFFFFA000  }
0x268: {  	[hbm4b:s31+s2] =	stream.linear.scatter [tilespmem:s13], [sflag:$0x8], $0x6000, $0x38;
	[tilespmem:$0x1AD00] =	vst v63  }
0x269: {  	_ =	swait.ge [sflag:s10], $0x6000  }
0x26a: {  	s1 =	sld [smem:$0x7F2]  }
0x26b: {  	[sflag:s10] =	ssyncset.done $0x0  }
0x26c: {  	[sflag:s10] =	ssyncadd.s32 $0xFFFFA000  }
0x26d: {  	[tilespmem:s4], [sflag:$0x2] =	stream.indirect.gather [hbm4b:s3+s6], $0x40, s1, s6, $0xb8;
	[tilespmem:$0x1AD00] =	vst v63  }
0x26e: {  	_ =	swait.ge [sflag:s7], $0x6000  }
0x26f: {  	[sflag:s7] =	ssyncset.done $0x0  }
0x270: {  	s31 =	rddreg [dreg:$0x7];
	[sflag:s7] =	ssyncadd.s32 $0xFFFFA000  }
0x271: {  	[hbm4b:s31+s2] =	stream.linear.scatter [tilespmem:s5], [sflag:$0x5], $0x6000, $0x38;
	[tilespmem:$0x1AD00] =	vst v63  }
0x272: {  	_ =	swait.ge [sflag:s11], $0x6000  }
0x273: {  	s1 =	sld [smem:$0x7F3]  }
0x274: {  	[sflag:s11] =	ssyncset.done $0x0  }
0x275: {  	[sflag:s11] =	ssyncadd.s32 $0xFFFFA000  }
0x276: {  	[tilespmem:s14], [sflag:$0x3] =	stream.indirect.gather [hbm4b:s3+s6], $0x40, s1, s6, $0xb8;
	[tilespmem:$0x1AD00] =	vst v63  }
0x277: {  	_ =	swait.ge [sflag:s9], $0x6000  }
0x278: {  	[sflag:s9] =	ssyncset.done $0x0  }
0x279: {  	s31 =	rddreg [dreg:$0x8];
	[sflag:s9] =	ssyncadd.s32 $0xFFFFA000  }
0x27a: {  	[hbm4b:s31+s2] =	stream.linear.scatter [tilespmem:s4], [sflag:$0x6], $0x6000, $0x38;
	[tilespmem:$0x1AD00] =	vst v63  }
0x27b: {  	_ =	swait.ge [sflag:s12], $0x6000  }
0x27c: {  	s1 =	sld [smem:$0x7F4]  }
0x27d: {  	[sflag:s12] =	ssyncset.done $0x0  }
0x27e: {  	[sflag:s12] =	ssyncadd.s32 $0xFFFFA000  }
0x27f: {  	[tilespmem:s13], [sflag:$0x4] =	stream.indirect.gather [hbm4b:s3+s6], $0x40, s1, s6, $0xb8;
	[tilespmem:$0x1AD00] =	vst v63  }
0x280: {  	_ =	swait.ge [sflag:s16], $0x6000  }
0x281: {  	[sflag:s16] =	ssyncset.done $0x0  }
0x282: {  	s31 =	rddreg [dreg:$0x9];
	[sflag:s16] =	ssyncadd.s32 $0xFFFFA000  }
0x283: {  	[hbm4b:s31+s2] =	stream.linear.scatter [tilespmem:s14], [sflag:$0x7], $0x6000, $0x38;
	[tilespmem:$0x1AD00] =	vst v63  }
0x284: {  	_ =	swait.ge [sflag:s8], $0x6000  }
0x285: {  	s1 =	sld [smem:$0x7F5]  }
0x286: {  	[sflag:s8] =	ssyncset.done $0x0  }
0x287: {  	[sflag:s8] =	ssyncadd.s32 $0xFFFFA000  }
0x288: {  	[tilespmem:s5], [sflag:$0x1] =	stream.indirect.gather [hbm4b:s3+s6], $0x40, s1, s6, $0xb8;
	[tilespmem:$0x1AD00] =	vst v63  }
0x289: {  	_ =	swait.ge [sflag:s15], $0x6000  }
0x28a: {  	[sflag:s15] =	ssyncset.done $0x0  }
0x28b: {  	s31 =	rddreg [dreg:$0xa];
	[sflag:s15] =	ssyncadd.s32 $0xFFFFA000  }
0x28c: {  	[hbm4b:s31+s2] =	stream.linear.scatter [tilespmem:s13], [sflag:$0x8], $0x6000, $0x38;
	[tilespmem:$0x1AD00] =	vst v63  }
0x28d: {  	_ =	swait.ge [sflag:s10], $0x6000  }
0x28e: {  	s1 =	sld [smem:$0x7F6]  }
0x28f: {  	[sflag:s10] =	ssyncset.done $0x0  }
0x290: {  	[sflag:s10] =	ssyncadd.s32 $0xFFFFA000  }
0x291: {  	[tilespmem:s4], [sflag:$0x2] =	stream.indirect.gather [hbm4b:s3+s6], $0x40, s1, s6, $0xb8;
	[tilespmem:$0x1AD00] =	vst v63  }
0x292: {  	_ =	swait.ge [sflag:s7], $0x6000  }
0x293: {  	[sflag:s7] =	ssyncset.done $0x0  }
0x294: {  	s31 =	rddreg [dreg:$0xb];
	[sflag:s7] =	ssyncadd.s32 $0xFFFFA000  }
0x295: {  	[hbm4b:s31+s2] =	stream.linear.scatter [tilespmem:s5], [sflag:$0x5], $0x6000, $0x38;
	[tilespmem:$0x1AD00] =	vst v63  }
0x296: {  	_ =	swait.ge [sflag:s11], $0x6000  }
0x297: {  	s1 =	sld [smem:$0x7F7]  }
0x298: {  	[sflag:s11] =	ssyncset.done $0x0  }
0x299: {  	[sflag:s11] =	ssyncadd.s32 $0xFFFFA000  }
0x29a: {  	[tilespmem:s14], [sflag:$0x3] =	stream.indirect.gather [hbm4b:s3+s6], $0x40, s1, s6, $0xb8;
	[tilespmem:$0x1AD00] =	vst v63  }
0x29b: {  	_ =	swait.ge [sflag:s9], $0x6000  }
0x29c: {  	[sflag:s9] =	ssyncset.done $0x0  }
0x29d: {  	s31 =	rddreg [dreg:$0xc];
	[sflag:s9] =	ssyncadd.s32 $0xFFFFA000  }
0x29e: {  	[hbm4b:s31+s2] =	stream.linear.scatter [tilespmem:s4], [sflag:$0x6], $0x6000, $0x38;
	[tilespmem:$0x1AD00] =	vst v63  }
0x29f: {  	_ =	swait.ge [sflag:s12], $0x6000  }
0x2a0: {  	s1 =	sld [smem:$0x7F8]  }
0x2a1: {  	[sflag:s12] =	ssyncset.done $0x0  }
0x2a2: {  	[sflag:s12] =	ssyncadd.s32 $0xFFFFA000  }
0x2a3: {  	[tilespmem:s13], [sflag:$0x4] =	stream.indirect.gather [hbm4b:s3+s6], $0x40, s1, s6, $0xb8;
	[tilespmem:$0x1AD00] =	vst v63  }
0x2a4: {  	_ =	swait.ge [sflag:s16], $0x6000  }
0x2a5: {  	[sflag:s16] =	ssyncset.done $0x0  }
0x2a6: {  	s31 =	rddreg [dreg:$0xd];
	[sflag:s16] =	ssyncadd.s32 $0xFFFFA000  }
0x2a7: {  	[hbm4b:s31+s2] =	stream.linear.scatter [tilespmem:s14], [sflag:$0x7], $0x6000, $0x38;
	[tilespmem:$0x1AD00] =	vst v63  }
0x2a8: {  	_ =	swait.ge [sflag:s8], $0x6000  }
0x2a9: {  	s1 =	sld [smem:$0x7F9]  }
0x2aa: {  	[sflag:s8] =	ssyncset.done $0x0  }
0x2ab: {  	[sflag:s8] =	ssyncadd.s32 $0xFFFFA000  }
0x2ac: {  	[tilespmem:s5], [sflag:$0x1] =	stream.indirect.gather [hbm4b:s3+s6], $0x40, s1, s6, $0xb8;
	[tilespmem:$0x1AD00] =	vst v63  }
0x2ad: {  	_ =	swait.ge [sflag:s15], $0x6000  }
0x2ae: {  	[sflag:s15] =	ssyncset.done $0x0  }
0x2af: {  	s31 =	rddreg [dreg:$0xe];
	[sflag:s15] =	ssyncadd.s32 $0xFFFFA000  }
0x2b0: {  	[hbm4b:s31+s2] =	stream.linear.scatter [tilespmem:s13], [sflag:$0x8], $0x6000, $0x38;
	[tilespmem:$0x1AD00] =	vst v63  }
0x2b1: {  	_ =	swait.ge [sflag:s10], $0x6000  }
0x2b2: {  	s1 =	sld [smem:$0x7FA]  }
0x2b3: {  	[sflag:s10] =	ssyncset.done $0x0  }
0x2b4: {  	[sflag:s10] =	ssyncadd.s32 $0xFFFFA000  }
0x2b5: {  	[tilespmem:s4], [sflag:$0x2] =	stream.indirect.gather [hbm4b:s3+s6], $0x40, s1, s6, $0xb8;
	[tilespmem:$0x1AD00] =	vst v63  }
0x2b6: {  	_ =	swait.ge [sflag:s7], $0x6000  }
0x2b7: {  	[sflag:s7] =	ssyncset.done $0x0  }
0x2b8: {  	s31 =	rddreg [dreg:$0xf];
	[sflag:s7] =	ssyncadd.s32 $0xFFFFA000  }
0x2b9: {  	[hbm4b:s31+s2] =	stream.linear.scatter [tilespmem:s5], [sflag:$0x5], $0x6000, $0x38;
	[tilespmem:$0x1AD00] =	vst v63  }
0x2ba: {  	_ =	swait.ge [sflag:s11], $0x6000  }
0x2bb: {  	s1 =	sld [smem:$0x7FB]  }
0x2bc: {  	[sflag:s11] =	ssyncset.done $0x0  }
0x2bd: {  	[sflag:s11] =	ssyncadd.s32 $0xFFFFA000  }
0x2be: {  	[tilespmem:s14], [sflag:$0x3] =	stream.indirect.gather [hbm4b:s3+s6], $0x40, s1, s6, $0xb8;
	[tilespmem:$0x1AD00] =	vst v63  }
0x2bf: {  	_ =	swait.ge [sflag:s9], $0x6000  }
0x2c0: {  	[sflag:s9] =	ssyncset.done $0x0  }
0x2c1: {  	s31 =	rddreg [dreg:$0x10];
	[sflag:s9] =	ssyncadd.s32 $0xFFFFA000  }
0x2c2: {  	[hbm4b:s31+s2] =	stream.linear.scatter [tilespmem:s4], [sflag:$0x6], $0x6000, $0x38;
	[tilespmem:$0x1AD00] =	vst v63  }
0x2c3: {  	_ =	swait.ge [sflag:s12], $0x6000  }
0x2c4: {  	s1 =	sld [smem:$0x7FC]  }
0x2c5: {  	[sflag:s12] =	ssyncset.done $0x0  }
0x2c6: {  	[sflag:s12] =	ssyncadd.s32 $0xFFFFA000  }
0x2c7: {  	[tilespmem:s13], [sflag:$0x4] =	stream.indirect.gather [hbm4b:s3+s6], $0x40, s1, s6, $0xb8;
	[tilespmem:$0x1AD00] =	vst v63  }
0x2c8: {  	_ =	swait.ge [sflag:s16], $0x6000  }
0x2c9: {  	[sflag:s16] =	ssyncset.done $0x0  }
0x2ca: {  	s31 =	rddreg [dreg:$0x11];
	[sflag:s16] =	ssyncadd.s32 $0xFFFFA000  }
0x2cb: {  	[hbm4b:s31+s2] =	stream.linear.scatter [tilespmem:s14], [sflag:$0x7], $0x6000, $0x38;
	[tilespmem:$0x1AD00] =	vst v63  }
0x2cc: {  	_ =	swait.ge [sflag:s8], $0x6000  }
0x2cd: {  	s1 =	sld [smem:$0x7FD]  }
0x2ce: {  	[sflag:s8] =	ssyncset.done $0x0  }
0x2cf: {  	[sflag:s8] =	ssyncadd.s32 $0xFFFFA000  }
0x2d0: {  	[tilespmem:s5], [sflag:$0x1] =	stream.indirect.gather [hbm4b:s3+s6], $0x40, s1, s6, $0xb8;
	[tilespmem:$0x1AD00] =	vst v63  }
0x2d1: {  	_ =	swait.ge [sflag:s15], $0x6000  }
0x2d2: {  	[sflag:s15] =	ssyncset.done $0x0  }
0x2d3: {  	s31 =	rddreg [dreg:$0x12];
	[sflag:s15] =	ssyncadd.s32 $0xFFFFA000  }
0x2d4: {  	[hbm4b:s31+s2] =	stream.linear.scatter [tilespmem:s13], [sflag:$0x8], $0x6000, $0x38;
	[tilespmem:$0x1AD00] =	vst v63  }
0x2d5: {  	_ =	swait.ge [sflag:s10], $0x6000  }
0x2d6: {  	[sflag:s10] =	ssyncset.done $0x0  }
0x2d7: {  	[sflag:s10] =	ssyncadd.s32 $0xFFFFA000  }
0x2d8: {  	[tilespmem:s4], [sflag:$0x2] =	stream.indirect.gather [hbm4b:s3+s6], $0x40, s18, s6, $0xb8;
	[tilespmem:$0x1AD00] =	vst v63  }
0x2d9: {  	_ =	swait.ge [sflag:s7], $0x6000  }
0x2da: {  	[sflag:s7] =	ssyncset.done $0x0  }
0x2db: {  	s1 =	rddreg [dreg:$0x13];
	[sflag:s7] =	ssyncadd.s32 $0xFFFFA000  }
0x2dc: {  	[hbm4b:s1+s2] =	stream.linear.scatter [tilespmem:s5], [sflag:$0x5], $0x6000, $0x38;
	[tilespmem:$0x1AD00] =	vst v63  }
0x2dd: {  	_ =	swait.ge [sflag:s11], $0x6000  }
0x2de: {  	[sflag:s11] =	ssyncset.done $0x0  }
0x2df: {  	[sflag:s11] =	ssyncadd.s32 $0xFFFFA000  }
0x2e0: {  	[tilespmem:s14], [sflag:$0x3] =	stream.indirect.gather [hbm4b:s3+s6], $0x40, s30, s6, $0xb8;
	[tilespmem:$0x1AD00] =	vst v63  }
0x2e1: {  	_ =	swait.ge [sflag:s9], $0x6000  }
0x2e2: {  	[sflag:s9] =	ssyncset.done $0x0  }
0x2e3: {  	s18 =	rddreg [dreg:$0x14];
	[sflag:s9] =	ssyncadd.s32 $0xFFFFA000  }
0x2e4: {  	[hbm4b:s18+s2] =	stream.linear.scatter [tilespmem:s4], [sflag:$0x6], $0x6000, $0x38;
	[tilespmem:$0x1AD00] =	vst v63  }
0x2e5: {  	_ =	swait.ge [sflag:s12], $0x6000  }
0x2e6: {  	[sflag:s12] =	ssyncset.done $0x0  }
0x2e7: {  	[sflag:s12] =	ssyncadd.s32 $0xFFFFA000  }
0x2e8: {  	[tilespmem:s13], [sflag:$0x4] =	stream.indirect.gather [hbm4b:s3+s6], $0x40, s29, s6, $0xb8;
	[tilespmem:$0x1AD00] =	vst v63  }
0x2e9: {  	_ =	swait.ge [sflag:s16], $0x6000  }
0x2ea: {  	[sflag:s16] =	ssyncset.done $0x0  }
0x2eb: {  	s29 =	rddreg [dreg:$0x15];
	[sflag:s16] =	ssyncadd.s32 $0xFFFFA000  }
0x2ec: {  	[hbm4b:s29+s2] =	stream.linear.scatter [tilespmem:s14], [sflag:$0x7], $0x6000, $0x38;
	[tilespmem:$0x1AD00] =	vst v63  }
0x2ed: {  	_ =	swait.ge [sflag:s8], $0x6000  }
0x2ee: {  	[sflag:s8] =	ssyncset.done $0x0  }
0x2ef: {  	[sflag:s8] =	ssyncadd.s32 $0xFFFFA000  }
0x2f0: {  	[tilespmem:s5], [sflag:$0x1] =	stream.indirect.gather [hbm4b:s3+s6], $0x40, s28, s6, $0xb8;
	[tilespmem:$0x1AD00] =	vst v63  }
0x2f1: {  	_ =	swait.ge [sflag:s15], $0x6000  }
0x2f2: {  	[sflag:s15] =	ssyncset.done $0x0  }
0x2f3: {  	s30 =	rddreg [dreg:$0x16];
	[sflag:s15] =	ssyncadd.s32 $0xFFFFA000  }
0x2f4: {  	[hbm4b:s30+s2] =	stream.linear.scatter [tilespmem:s13], [sflag:$0x8], $0x6000, $0x38;
	[tilespmem:$0x1AD00] =	vst v63  }
0x2f5: {  	_ =	swait.ge [sflag:s10], $0x6000  }
0x2f6: {  	[sflag:s10] =	ssyncset.done $0x0  }
0x2f7: {  	[sflag:s10] =	ssyncadd.s32 $0xFFFFA000  }
0x2f8: {  	[tilespmem:s4], [sflag:$0x2] =	stream.indirect.gather [hbm4b:s3+s6], $0x40, s26, s6, $0xb8;
	[tilespmem:$0x1AD00] =	vst v63  }
0x2f9: {  	_ =	swait.ge [sflag:s7], $0x6000  }
0x2fa: {  	[sflag:s7] =	ssyncset.done $0x0  }
0x2fb: {  	s31 =	rddreg [dreg:$0x17];
	[sflag:s7] =	ssyncadd.s32 $0xFFFFA000  }
0x2fc: {  	[hbm4b:s31+s2] =	stream.linear.scatter [tilespmem:s5], [sflag:$0x5], $0x6000, $0x38;
	[tilespmem:$0x1AD00] =	vst v63  }
0x2fd: {  	_ =	swait.ge [sflag:s11], $0x6000  }
0x2fe: {  	[sflag:s11] =	ssyncset.done $0x0  }
0x2ff: {  	[sflag:s11] =	ssyncadd.s32 $0xFFFFA000  }
0x300: {  	[tilespmem:s14], [sflag:$0x3] =	stream.indirect.gather [hbm4b:s3+s6], $0x40, s25, s6, $0xb8;
	[tilespmem:$0x1AD00] =	vst v63  }
0x301: {  	_ =	swait.ge [sflag:s9], $0x6000  }
0x302: {  	[sflag:s9] =	ssyncset.done $0x0  }
0x303: {  	s1 =	rddreg [dreg:$0x18];
	[sflag:s9] =	ssyncadd.s32 $0xFFFFA000  }
0x304: {  	[hbm4b:s1+s2] =	stream.linear.scatter [tilespmem:s4], [sflag:$0x6], $0x6000, $0x38;
	[tilespmem:$0x1AD00] =	vst v63  }
0x305: {  	_ =	swait.ge [sflag:s12], $0x6000  }
0x306: {  	[sflag:s12] =	ssyncset.done $0x0  }
0x307: {  	[sflag:s12] =	ssyncadd.s32 $0xFFFFA000  }
0x308: {  	[tilespmem:s13], [sflag:$0x4] =	stream.indirect.gather [hbm4b:s3+s6], $0x40, s24, s6, $0xb8;
	[tilespmem:$0x1AD00] =	vst v63  }
0x309: {  	_ =	swait.ge [sflag:s16], $0x6000  }
0x30a: {  	[sflag:s16] =	ssyncset.done $0x0  }
0x30b: {  	s18 =	rddreg [dreg:$0x19];
	[sflag:s16] =	ssyncadd.s32 $0xFFFFA000  }
0x30c: {  	[hbm4b:s18+s2] =	stream.linear.scatter [tilespmem:s14], [sflag:$0x7], $0x6000, $0x38;
	[tilespmem:$0x1AD00] =	vst v63  }
0x30d: {  	_ =	swait.ge [sflag:s8], $0x6000  }
0x30e: {  	[sflag:s8] =	ssyncset.done $0x0  }
0x30f: {  	[sflag:s8] =	ssyncadd.s32 $0xFFFFA000  }
0x310: {  	[tilespmem:s5], [sflag:$0x1] =	stream.indirect.gather [hbm4b:s3+s6], $0x40, s23, s6, $0xb8;
	[tilespmem:$0x1AD00] =	vst v63  }
0x311: {  	_ =	swait.ge [sflag:s15], $0x6000  }
0x312: {  	[sflag:s15] =	ssyncset.done $0x0  }
0x313: {  	s23 =	rddreg [dreg:$0x1a];
	[sflag:s15] =	ssyncadd.s32 $0xFFFFA000  }
0x314: {  	[hbm4b:s23+s2] =	stream.linear.scatter [tilespmem:s13], [sflag:$0x8], $0x6000, $0x38;
	[tilespmem:$0x1AD00] =	vst v63  }
0x315: {  	_ =	swait.ge [sflag:s10], $0x6000  }
0x316: {  	[sflag:s10] =	ssyncset.done $0x0  }
0x317: {  	[sflag:s10] =	ssyncadd.s32 $0xFFFFA000  }
0x318: {  	[tilespmem:s4], [sflag:$0x2] =	stream.indirect.gather [hbm4b:s3+s6], $0x40, s22, s6, $0xb8;
	[tilespmem:$0x1AD00] =	vst v63  }
0x319: {  	_ =	swait.ge [sflag:s7], $0x6000  }
0x31a: {  	[sflag:s7] =	ssyncset.done $0x0  }
0x31b: {  	s24 =	rddreg [dreg:$0x1b];
	[sflag:s7] =	ssyncadd.s32 $0xFFFFA000  }
0x31c: {  	[hbm4b:s24+s2] =	stream.linear.scatter [tilespmem:s5], [sflag:$0x5], $0x6000, $0x38;
	[tilespmem:$0x1AD00] =	vst v63  }
0x31d: {  	_ =	swait.ge [sflag:s11], $0x6000  }
0x31e: {  	[sflag:s11] =	ssyncset.done $0x0  }
0x31f: {  	[sflag:s11] =	ssyncadd.s32 $0xFFFFA000  }
0x320: {  	[tilespmem:s14], [sflag:$0x3] =	stream.indirect.gather [hbm4b:s3+s6], $0x40, s21, s6, $0xb8;
	[tilespmem:$0x1AD00] =	vst v63  }
0x321: {  	_ =	swait.ge [sflag:s9], $0x6000  }
0x322: {  	[sflag:s9] =	ssyncset.done $0x0  }
0x323: {  	s25 =	rddreg [dreg:$0x1c];
	[sflag:s9] =	ssyncadd.s32 $0xFFFFA000  }
0x324: {  	[hbm4b:s25+s2] =	stream.linear.scatter [tilespmem:s4], [sflag:$0x6], $0x6000, $0x38;
	[tilespmem:$0x1AD00] =	vst v63  }
0x325: {  	_ =	swait.ge [sflag:s12], $0x6000  }
0x326: {  	[sflag:s12] =	ssyncset.done $0x0  }
0x327: {  	[sflag:s12] =	ssyncadd.s32 $0xFFFFA000  }
0x328: {  	[tilespmem:s13], [sflag:$0x4] =	stream.indirect.gather [hbm4b:s3+s6], $0x40, s20, s6, $0xb8;
	[tilespmem:$0x1AD00] =	vst v63  }
0x329: {  	_ =	swait.ge [sflag:s16], $0x6000  }
0x32a: {  	[sflag:s16] =	ssyncset.done $0x0  }
0x32b: {  	s26 =	rddreg [dreg:$0x1d];
	[sflag:s16] =	ssyncadd.s32 $0xFFFFA000  }
0x32c: {  	[hbm4b:s26+s2] =	stream.linear.scatter [tilespmem:s14], [sflag:$0x7], $0x6000, $0x38;
	[tilespmem:$0x1AD00] =	vst v63  }
0x32d: {  	_ =	swait.ge [sflag:s8], $0x6000  }
0x32e: {  	[sflag:s8] =	ssyncset.done $0x0  }
0x32f: {  	[sflag:s8] =	ssyncadd.s32 $0xFFFFA000  }
0x330: {  	[tilespmem:s5], [sflag:$0x1] =	stream.indirect.gather [hbm4b:s3+s6], $0x40, s19, s6, $0xb8;
	[tilespmem:$0x1AD00] =	vst v63  }
0x331: {  	_ =	swait.ge [sflag:s15], $0x6000  }
0x332: {  	[sflag:s15] =	ssyncset.done $0x0  }
0x333: {  	s28 =	rddreg [dreg:$0x1e];
	[sflag:s15] =	ssyncadd.s32 $0xFFFFA000  }
0x334: {  	[hbm4b:s28+s2] =	stream.linear.scatter [tilespmem:s13], [sflag:$0x8], $0x6000, $0x38;
	[tilespmem:$0x1AD00] =	vst v63  }
0x335: {  	_ =	swait.ge [sflag:s10], $0x6000  }
0x336: {  	[sflag:s10] =	ssyncset.done $0x0  }
0x337: {  	s29 =	simm.s32 $0x2B80;
	[sflag:s10] =	ssyncadd.s32 $0xFFFFA000  }
0x338: {  	[tilespmem:s4], [sflag:$0x2] =	stream.indirect.gather [hbm4b:s3+s6], $0x40, s29, s6, $0xb8;
	[tilespmem:$0x1AD00] =	vst v63  }
0x339: {  	_ =	swait.ge [sflag:s7], $0x6000  }
0x33a: {  	[sflag:s7] =	ssyncset.done $0x0  }
0x33b: {  	s30 =	rddreg [dreg:$0x1f];
	[sflag:s7] =	ssyncadd.s32 $0xFFFFA000  }
0x33c: {  	[hbm4b:s30+s2] =	stream.linear.scatter [tilespmem:s5], [sflag:$0x5], $0x6000, $0x38;
	[tilespmem:$0x1AD00] =	vst v63  }
0x33d: {  	_ =	swait.ge [sflag:s9], $0x6000  }
0x33e: {  	s31 =	sld [smem:$0x7EE]  }
0x33f: {  	[sflag:s9] =	ssyncset.done $0x0  }
0x340: {  	[sflag:s9] =	ssyncadd.s32 $0xFFFFA000  }
0x341: {  	[hbm4b:s31+s2] =	stream.linear.scatter [tilespmem:s4], [sflag:$0x6], $0x6000, $0x38;
	[tilespmem:$0x1AD00] =	vst v63  }
0x342: {  	_ =	swait.ge [sflag:s11], $0x6000  }
0x343: {  	[sflag:s11] =	ssyncset.done $0x0  }
0x344: {  	[sflag:s11] =	ssyncadd.s32 $0xFFFFA000  }
0x345: {  	_ =	swait.ge [sflag:s12], $0x6000  }
0x346: {  	[sflag:s12] =	ssyncset.done $0x0  }
0x347: {  	[sflag:s12] =	ssyncadd.s32 $0xFFFFA000  }
0x348: {  	_ =	swait.ge [sflag:s8], $0x6000  }
0x349: {  	[sflag:s8] =	ssyncset.done $0x0  }
0x34a: {  	[sflag:s8] =	ssyncadd.s32 $0xFFFFA000  }
0x34b: {  	_ =	swait.ge [sflag:s10], $0x6000  }
0x34c: {  	[sflag:s10] =	ssyncset.done $0x0  }
0x34d: {  	[sflag:s10] =	ssyncadd.s32 $0xFFFFA000  }
0x34e: {  	_ =	sfence.sel $0x180000  }
0x34f: {  	[bflag:$0x0] =	sbarrier.arrive $0xFFFF  }
0x350: {  	_ =	strace $0x9000004A  }
0x351: {  	[bflag:$0x2] =	sbarrier.arrive $0xFFFF  }
0x352: {  	p0 =	sne.s32 s17, $0x0;
	s0 =	rddreg [dreg:$0x1]  }
0x353: {  	s0 =	sadd.s32 @!p0 $0x100000, s0  }
0x354: {  	[sflag:s0] =	ssyncadd.tile.s32 @!p0 $0x1;
	_ =	shalt  }
.LBB2_1:
.Ltmp3:
0x355: {  	(pc) =	sbr.rel .LBB2_6-.Ltmp3, $4  }
0x356: {  	s18 =	simm.s32 $0x1980;
	s30 =	simm.s32 $0x1B00;
	s29 =	simm.s32 $0x1C80  }
0x357: {  	s28 =	simm.s32 $0x1E00;
	s26 =	simm.s32 $0x1F80;
	s25 =	simm.s32 $0x2100  }
0x358: {  	s24 =	simm.s32 $0x2280;
	s23 =	simm.s32 $0x2400;
	s22 =	simm.s32 $0x2580  }
0x359: {  	s21 =	simm.s32 $0x2700;
	s20 =	simm.s32 $0x2880;
	s19 =	simm.s32 $0x2A00  }
.LBB2_3:
.Ltmp4:
0x35a: {  	s18 =	simm.s32 $0x1980;
	(pc) =	sbr.rel .LBB2_6-.Ltmp4, $4  }
0x35b: {  	s30 =	simm.s32 $0x1B00;
	s29 =	simm.s32 $0x1C80;
	s28 =	simm.s32 $0x1E00  }
0x35c: {  	s26 =	simm.s32 $0x1F80;
	s25 =	simm.s32 $0x2100;
	s24 =	simm.s32 $0x2280  }
0x35d: {  	s23 =	simm.s32 $0x2400;
	s22 =	simm.s32 $0x2580;
	s21 =	simm.s32 $0x2700  }
0x35e: {  	s20 =	simm.s32 $0x2880;
	s19 =	simm.s32 $0x2A00;
	s17 =	stileid.u32  }
.Lfunc_end2:
_tile_overlayer_lowered:
.L_overlay_start_2:
0x35f: {  	(tag) =	ssettag $0x2  }
0x360: {  	s0 =	rddreg [dreg:$0x0];
	s2 =	stileid.u32  }
0x361: {  	s1 =	rddreg [dreg:$0x1];
	p0 =	sne.s32 s2, $0x0  }
0x362: {  	s3 =	rddreg [dreg:$0x2];
	[bflag:$0x3] =	sbarrier.arrive $0xFFFF;
	s2 =	simm.s32 @!p0 $0x1C09  }
0x363: {  	[timem:s3], [sflag:s2] =	dma.local @!p0 [hbm:s0], s1  }
0x364: {  	s0 =	simm.s32 @!p0 $0x9  }
0x365: {  	_ =	swait.ge @!p0 [sflag:s0], s1  }
0x366: {  	s1 =	ssub.s32 @!p0 $0x0, s1;
	[sflag:s0] =	ssyncset.done @!p0 $0x0  }
0x367: {  	[sflag:s0] =	ssyncadd.s32 @!p0 s1  }
0x368: {  	[bflag:$0x3] =	sbarrier.arrive $0xFFFF  }
0x369: {  	_ =	shalt  }

</sc_bundles>
